<compile_context>
chip_gen: v7x
topology: tpu7x:2x2x1
jax: 0.10.2.dev20260603
libtpu: 0.0.44.dev20260713+nightly
codegen_flags: <defaults>
</compile_context>

<pallas_src>
import functools

import jax
import jax.numpy as jnp
from jax import lax
from jax.experimental import pallas as pl
from jax.experimental.pallas import tpu as pltpu
from jax.experimental.pallas import tpu_sc as plsc

N = 10000
NP = 10240
D = 128
NR = NP // D
E_TOTAL = 320000 + N
EW = 10368
WORKERS = 32
EP = WORKERS * EW
NSUB = 16
ROWS_PER_SUB = NP // NSUB


def _proj_body(x_ref, w_ref, as_ref, ad_ref, h_ref, asum_ref, adsum_ref):
    h = jnp.dot(x_ref[...], w_ref[...], preferred_element_type=jnp.float32)
    h_ref[...] = h
    asum_ref[...] = jnp.sum(h * as_ref[...], axis=-1, keepdims=True)
    adsum_ref[...] = jnp.sum(h * ad_ref[...], axis=-1, keepdims=True)


def _project(x_pad, W, att_src, att_dst):
    blk = 1024
    grid = (NP // blk,)
    h, a_s, a_d = pl.pallas_call(
        _proj_body,
        grid=grid,
        in_specs=[
            pl.BlockSpec((blk, D), lambda i: (i, 0)),
            pl.BlockSpec((D, D), lambda i: (0, 0)),
            pl.BlockSpec((1, D), lambda i: (0, 0)),
            pl.BlockSpec((1, D), lambda i: (0, 0)),
        ],
        out_specs=[
            pl.BlockSpec((blk, D), lambda i: (i, 0)),
            pl.BlockSpec((blk, 1), lambda i: (i, 0)),
            pl.BlockSpec((blk, 1), lambda i: (i, 0)),
        ],
        out_shape=[
            jax.ShapeDtypeStruct((NP, D), jnp.float32),
            jax.ShapeDtypeStruct((NP, 1), jnp.float32),
            jax.ShapeDtypeStruct((NP, 1), jnp.float32),
        ],
    )(x_pad, W, att_src.reshape(1, -1), att_dst.reshape(1, -1))
    return h, a_s.reshape(NP), a_d.reshape(NP)


def _zero_2d(ref, rows):
    z = jnp.zeros((16,), jnp.float32)

    def body(i, _):
        r = i // 8
        c = (i % 8) * 16
        ref[r, pl.ds(c, 16)] = z
        return 0

    lax.fori_loop(0, rows * 8, body, 0)


def _sc1_body(as_hbm, ad_hbm, src_hbm, dst_hbm, ex_hbm, den_hbm,
              asv, adv, srcv, dstv, exv, denm, idrows, outbuf, den_sh, sem):
    cid = lax.axis_index("c")
    sid = lax.axis_index("s")
    wid = cid * NSUB + sid
    base = wid * EW

    pltpu.sync_copy(as_hbm, asv)
    pltpu.sync_copy(ad_hbm, adv)
    pltpu.sync_copy(src_hbm.at[pl.ds(base, EW)], srcv)
    pltpu.sync_copy(dst_hbm.at[pl.ds(base, EW)], dstv)

    _zero_2d(denm, NR)

    @pl.when(sid == 0)
    def _():
        pltpu.sync_copy(denm, den_sh)

    def idbody(i, _):
        idrows[0, pl.ds(i * 16, 16)] = (
            lax.iota(jnp.int32, 16) + i * 16)
        return 0
    lax.fori_loop(0, NR // 16, idbody, 0)

    plsc.subcore_barrier()

    def body(i, _):
        off = i * 16
        s_idx = srcv[pl.ds(off, 16)]
        d_idx = dstv[pl.ds(off, 16)]
        s_hi = lax.shift_right_logical(s_idx, 7)
        s_lo = lax.bitwise_and(s_idx, 127)
        d_hi = lax.shift_right_logical(d_idx, 7)
        d_lo = lax.bitwise_and(d_idx, 127)
        e = (plsc.load_gather(asv, [s_hi, s_lo])
             + plsc.load_gather(adv, [d_hi, d_lo]))
        e = jnp.where(e >= 0.0, e, 0.2 * e)
        ex = jnp.exp(e)
        exv[pl.ds(off, 16)] = ex
        plsc.addupdate_scatter(denm, [d_hi, d_lo], ex)
        return 0

    lax.fori_loop(0, EW // 16, body, 0)

    pltpu.sync_copy(exv, ex_hbm.at[pl.ds(base, EW)])
    pltpu.sync_copy(denm, den_sh.at[idrows.at[0]], add=True)
    plsc.subcore_barrier()
    @pl.when(sid < NR // 8)
    def _():
        pltpu.sync_copy(den_sh.at[pl.ds(sid * 8, 8)], outbuf)
        pltpu.sync_copy(outbuf, den_hbm.at[cid, pl.ds(sid * 8, 8)])


def _sc1(a_s, a_d, srcp, dstp):
    mesh = plsc.VectorSubcoreMesh(core_axis_name="c", subcore_axis_name="s")
    f = pl.kernel(
        _sc1_body,
        out_type=[
            jax.ShapeDtypeStruct((EP,), jnp.float32),
            jax.ShapeDtypeStruct((2, NR, D), jnp.float32),
        ],
        mesh=mesh,
        compiler_params=pltpu.CompilerParams(needs_layout_passes=False),
        scratch_types=[
            pltpu.VMEM((NR, D), jnp.float32),
            pltpu.VMEM((NR, D), jnp.float32),
            pltpu.VMEM((EW,), jnp.int32),
            pltpu.VMEM((EW,), jnp.int32),
            pltpu.VMEM((EW,), jnp.float32),
            pltpu.VMEM((NR, D), jnp.float32),
            pltpu.VMEM((1, NR), jnp.int32),
            pltpu.VMEM((8, D), jnp.float32),
            pltpu.VMEM_SHARED((NR, D), jnp.float32),
            pltpu.SemaphoreType.DMA,
        ],
    )
    return f(a_s.reshape(NR, D), a_d.reshape(NR, D), srcp, dstp)


_GDN = lax.GatherDimensionNumbers(
    offset_dims=(), collapsed_slice_dims=(0,), start_index_map=(0,))


def _bcast_lane(vec, k):
    idx = jnp.full((16, 1), k, jnp.int32)
    return lax.gather(vec, idx, _GDN, slice_sizes=(1,),
                      mode=lax.GatherScatterMode.PROMISE_IN_BOUNDS)


G = 16
CH = 2592
NG = CH // G


def _sc2_body(h_hbm, ex_hbm, invd_hbm, src_hbm, dst_hbm, out_hbm,
              srcv, dstv, exv, invd, rows, ala, alb, out_sh, sem):
    cid = lax.axis_index("c")
    sid = lax.axis_index("s")
    wid = cid * NSUB + sid
    base = wid * EW

    _zero_2d(invd, NR)
    for t in range(ROWS_PER_SUB // NR):
        pltpu.sync_copy(invd, out_sh.at[pl.ds(sid * ROWS_PER_SUB + t * NR, NR)])
    plsc.subcore_barrier()
    pltpu.sync_copy(invd_hbm, invd)

    def chunk_body(ci, _):
        cbase = base + ci * CH
        pltpu.sync_copy(src_hbm.at[pl.ds(cbase, CH)], srcv)
        pltpu.sync_copy(dst_hbm.at[pl.ds(cbase, CH)], dstv)
        pltpu.sync_copy(ex_hbm.at[pl.ds(cbase, CH)], exv)

        def compute_alpha(g):
            off = g * G
            d_idx = dstv[pl.ds(off, G)]
            ex = exv[pl.ds(off, G)]
            d_hi = lax.shift_right_logical(d_idx, 7)
            d_lo = lax.bitwise_and(d_idx, 127)
            return ex * plsc.load_gather(invd, [d_hi, d_lo])

        ala[0, :] = compute_alpha(0)

        def body2(i2, _):
            for rd, wr, half in ((ala, alb, 0), (alb, ala, 1)):
                g = i2 * 2 + half
                off = g * G
                s_idx = srcv[pl.ds(off, G)]
                d_idx = dstv[pl.ds(off, G)]
                zz = d_idx * 0
                pltpu.async_copy(h_hbm.at[s_idx], rows, sem).wait()
                wr[0, :] = compute_alpha(jnp.minimum(g + 1, NG - 1))
                alpha = rd[0, :]
                for k in range(G):
                    ab = lax.gather(alpha, (zz + k).reshape(G, 1), _GDN,
                                    slice_sizes=(1,),
                                    mode=lax.GatherScatterMode.PROMISE_IN_BOUNDS)
                    for j in range(8):
                        c = j * 16
                        rows[k, pl.ds(c, 16)] = rows[k, pl.ds(c, 16)] * ab
                pltpu.sync_copy(rows, out_sh.at[d_idx], add=True)
            return 0

        lax.fori_loop(0, NG // 2, body2, 0)
        return 0

    lax.fori_loop(0, EW // CH, chunk_body, 0)
    plsc.subcore_barrier()
    pltpu.sync_copy(out_sh.at[pl.ds(sid * ROWS_PER_SUB, ROWS_PER_SUB)],
                    out_hbm.at[cid, pl.ds(sid * ROWS_PER_SUB, ROWS_PER_SUB)])


def _sc2(h, ex_all, invd, srcp, dstp):
    mesh = plsc.VectorSubcoreMesh(core_axis_name="c", subcore_axis_name="s")
    f = pl.kernel(
        _sc2_body,
        out_type=[
            jax.ShapeDtypeStruct((2, NP, D), jnp.float32),
        ],
        mesh=mesh,
        compiler_params=pltpu.CompilerParams(needs_layout_passes=False),
        scratch_types=[
            pltpu.VMEM((CH,), jnp.int32),
            pltpu.VMEM((CH,), jnp.int32),
            pltpu.VMEM((CH,), jnp.float32),
            pltpu.VMEM((NR, D), jnp.float32),
            pltpu.VMEM((G, D), jnp.float32),
            pltpu.VMEM((1, G), jnp.float32),
            pltpu.VMEM((1, G), jnp.float32),
            pltpu.VMEM_SHARED((NP, D), jnp.float32),
            pltpu.SemaphoreType.DMA,
        ],
    )
    return f(h, ex_all, invd, srcp, dstp)


def _invd_body(den_ref, invd_ref):
    invd_ref[...] = 1.0 / (den_ref[0] + den_ref[1] + 1e-16)


def _invd(den2):
    return pl.pallas_call(
        _invd_body,
        out_shape=jax.ShapeDtypeStruct((NR, D), jnp.float32),
    )(den2)


def _combine_body(p0_ref, p1_ref, b_ref, o_ref):
    o_ref[...] = jax.nn.relu(p0_ref[...] + p1_ref[...] + b_ref[...])


def _combine(p0, p1, bias):
    blk = 1000
    return pl.pallas_call(
        _combine_body,
        grid=(N // blk,),
        in_specs=[
            pl.BlockSpec((blk, D), lambda i: (i, 0)),
            pl.BlockSpec((blk, D), lambda i: (i, 0)),
            pl.BlockSpec((1, D), lambda i: (0, 0)),
        ],
        out_specs=pl.BlockSpec((blk, D), lambda i: (i, 0)),
        out_shape=jax.ShapeDtypeStruct((N, D), jnp.float32),
    )(p0, p1, bias.reshape(1, D))


def kernel(x, edge_index, W, att_src, att_dst, bias):
    src = edge_index[0]
    dst = edge_index[1]
    loop = jnp.arange(N, dtype=jnp.int32)
    pad = EP - E_TOTAL
    srcp = jnp.concatenate([src, loop, jnp.zeros((pad,), jnp.int32)])
    dstp = jnp.concatenate([dst, loop, jnp.full((pad,), NP - 1, jnp.int32)])

    x_pad = jnp.pad(x, ((0, NP - N), (0, 0)))
    h, a_s, a_d = _project(x_pad, W, att_src, att_dst)

    ex_all, den2 = _sc1(a_s, a_d, srcp, dstp)
    invd = _invd(den2)
    (out2,) = _sc2(h, ex_all, invd, srcp, dstp)
    return _combine(out2[0, :N], out2[1, :N], bias)


def _sc2g_body(h_hbm, src_hbm, dst_hbm, ex_hbm, invd_hbm, msg_hbm, al_hbm,
               srcv, dstv, exv, invd, rows, alphav, sem):
    cid = lax.axis_index("c")
    sid = lax.axis_index("s")
    wid = cid * NSUB + sid
    base = wid * EW
    pltpu.sync_copy(src_hbm.at[pl.ds(base, EW)], srcv)
    pltpu.sync_copy(dst_hbm.at[pl.ds(base, EW)], dstv)
    pltpu.sync_copy(ex_hbm.at[pl.ds(base, EW)], exv)
    pltpu.sync_copy(invd_hbm, invd)

    def body(i, _):
        off = i * G
        s_idx = srcv[pl.ds(off, G)]
        d_idx = dstv[pl.ds(off, G)]
        ex = exv[pl.ds(off, G)]
        d_hi = lax.shift_right_logical(d_idx, 7)
        d_lo = lax.bitwise_and(d_idx, 127)
        alpha = ex * plsc.load_gather(invd, [d_hi, d_lo])
        alphav[pl.ds(off, G)] = alpha
        pltpu.async_copy(h_hbm.at[s_idx], rows, sem).wait()
        pltpu.sync_copy(rows, msg_hbm.at[pl.ds(base + off, G)])
        return 0

    lax.fori_loop(0, EW // G, body, 0)
    pltpu.sync_copy(alphav, al_hbm.at[pl.ds(base, EW)])


def _sc2g(h, srcp, dstp, ex_all, invd):
    mesh = plsc.VectorSubcoreMesh(core_axis_name="c", subcore_axis_name="s")
    f = pl.kernel(
        _sc2g_body,
        out_type=[jax.ShapeDtypeStruct((EP, D), jnp.float32),
                  jax.ShapeDtypeStruct((EP,), jnp.float32)],
        mesh=mesh,
        compiler_params=pltpu.CompilerParams(needs_layout_passes=False),
        scratch_types=[
            pltpu.VMEM((EW,), jnp.int32),
            pltpu.VMEM((EW,), jnp.int32),
            pltpu.VMEM((EW,), jnp.float32),
            pltpu.VMEM((NR, D), jnp.float32),
            pltpu.VMEM((G, D), jnp.float32),
            pltpu.VMEM((EW,), jnp.float32),
            pltpu.SemaphoreType.DMA,
        ],
    )
    return f(h, srcp, dstp, ex_all, invd)

# --- scband reference (transcript-rebuilt; emitter-appended) ---
"""Pipeline reference for scband-gatlayer-30339648979520 (READ-ONLY COPY).

The authoritative reference and input builder live on the scoring server;
editing this copy changes nothing except your own understanding.
"""

import jax, jax.numpy as jnp
import numpy as np

N = 10000
E = 320000
IN = 128
OUT = 128
H = 1


def setup_inputs(seed: int = 0) -> dict:
    key = jax.random.key(seed)
    k1, k2, k3, k4, k5 = jax.random.split(key, 5)
    x = jax.random.normal(k1, (N, IN), dtype=jnp.float32)
    edge_index = jax.random.randint(k2, (2, E), 0, N, dtype=jnp.int32)
    W = jax.random.normal(k3, (IN, H * OUT), dtype=jnp.float32) * (1.0 / np.sqrt(IN))
    att_src = jax.random.normal(k4, (H, OUT), dtype=jnp.float32) * 0.1
    att_dst = jax.random.normal(k5, (H, OUT), dtype=jnp.float32) * 0.1
    bias = jnp.zeros((OUT,), dtype=jnp.float32)
    return {"x": x, "edge_index": edge_index, "W": W, "att_src": att_src, "att_dst": att_dst, "bias": bias}


def reference(x, edge_index, W, att_src, att_dst, bias):
    n = x.shape[0]
    src = edge_index[0]
    dst = edge_index[1]
    # GATConv default add_self_loops=True
    loop = jnp.arange(n, dtype=edge_index.dtype)
    src = jnp.concatenate([src, loop])
    dst = jnp.concatenate([dst, loop])
    # linear projection per head
    h = (x @ W).reshape(n, H, OUT)
    # per-node attention logits
    a_s = jnp.sum(h * att_src[None, :, :], axis=-1)  # [N, H]
    a_d = jnp.sum(h * att_dst[None, :, :], axis=-1)  # [N, H]
    e = a_s[src] + a_d[dst]                          # [E', H]
    e = jax.nn.leaky_relu(e, 0.2)
    # softmax over incoming edges of each dst node
    m = jax.ops.segment_max(e, dst, num_segments=n)
    m = jnp.where(jnp.isfinite(m), m, 0.0)
    ex = jnp.exp(e - m[dst])
    denom = jax.ops.segment_sum(ex, dst, num_segments=n)
    alpha = ex / (denom[dst] + 1e-16)                # [E', H]
    # message passing: weighted sum of source features at dst (dropout is eval no-op)
    msg = h[src] * alpha[..., None]                  # [E', H, OUT]
    out = jax.ops.segment_sum(msg, dst, num_segments=n)  # [N, H, OUT]
    out = out.mean(axis=1)                           # concat=False -> average heads
    out = out + bias
    return jax.nn.relu(out)

if __name__ == "__main__":
    import jax
    _d = setup_inputs()
    print(jax.jit(kernel)(*tuple(_d.values())))

</pallas_src>

<mosaic_0001>
#map = affine_map<(d0, d1) -> (0, 0)>
#map1 = affine_map<(d0, d1) -> (0)>
#map2 = affine_map<(d0, d1) -> (0, 0, 0)>
module attributes {stable_mosaic.version = 14 : i64} {
  func.func @_sc1_body(%arg0: i32, %arg1: i32, %arg2: memref<80x128xf32, #tpu.memory_space<hbm>>, %arg3: memref<80x128xf32, #tpu.memory_space<hbm>>, %arg4: memref<331776xi32, #tpu.memory_space<hbm>>, %arg5: memref<331776xi32, #tpu.memory_space<hbm>>, %arg6: memref<331776xf32, #tpu.memory_space<hbm>>, %arg7: memref<2x80x128xf32, #tpu.memory_space<hbm>>, %arg8: memref<80x128xf32, #tpu.memory_space<vmem>>, %arg9: memref<80x128xf32, #tpu.memory_space<vmem>>, %arg10: memref<10368xi32, #tpu.memory_space<vmem>>, %arg11: memref<10368xi32, #tpu.memory_space<vmem>>, %arg12: memref<10368xf32, #tpu.memory_space<vmem>>, %arg13: memref<80x128xf32, #tpu.memory_space<vmem>>, %arg14: memref<1x80xi32, #tpu.memory_space<vmem>>, %arg15: memref<8x128xf32, #tpu.memory_space<vmem>>, %arg16: memref<80x128xf32, #tpu.memory_space<vmem_shared>>, %arg17: memref<!tpu.dma_semaphore, #tpu.memory_space<semaphore_mem>>) attributes {dimension_semantics = [#tpu.dimension_semantics<core_parallel>, #tpu.dimension_semantics<subcore_parallel>], iteration_bounds = array<i64: 2, 16>, scalar_prefetch = 0 : i64, scratch_operands = 10 : i64, tpu.core_type = #tpu.core_type<sc_vector_subcore>, window_params = [{transform_indices = #map}, {transform_indices = #map}, {transform_indices = #map1}, {transform_indices = #map1}, {transform_indices = #map1}, {transform_indices = #map2}]} {
    %mul3A = arith.constant 16 : i32
    %mul3A_0 = arith.muli %arg0, %mul3A : i32
    %add3A = arith.addi %mul3A_0, %arg1 : i32
    %mul3A_1 = arith.constant 10368 : i32
    %mul3A_2 = arith.muli %add3A, %mul3A_1 : i32
    "tpu.region"() ({
      %run_scoped3A_31 = tpu.sem_alloc : memref<!tpu.dma_semaphore, #tpu.memory_space<semaphore_mem>>
      tpu.enqueue_dma source(%arg2 : memref<80x128xf32, #tpu.memory_space<hbm>>) target(%arg8 : memref<80x128xf32, #tpu.memory_space<vmem>>) target_semaphore(%run_scoped3A_31 : memref<!tpu.dma_semaphore, #tpu.memory_space<semaphore_mem>>)
      tpu.wait_dma2 semaphore(%run_scoped3A_31 : memref<!tpu.dma_semaphore, #tpu.memory_space<semaphore_mem>>) src(%arg2 : memref<80x128xf32, #tpu.memory_space<hbm>>) dst(%arg8 : memref<80x128xf32, #tpu.memory_space<vmem>>)
      tpu.yield
    }) : () -> ()
    "tpu.region"() ({
      %run_scoped3A_31 = tpu.sem_alloc : memref<!tpu.dma_semaphore, #tpu.memory_space<semaphore_mem>>
      tpu.enqueue_dma source(%arg3 : memref<80x128xf32, #tpu.memory_space<hbm>>) target(%arg9 : memref<80x128xf32, #tpu.memory_space<vmem>>) target_semaphore(%run_scoped3A_31 : memref<!tpu.dma_semaphore, #tpu.memory_space<semaphore_mem>>)
      tpu.wait_dma2 semaphore(%run_scoped3A_31 : memref<!tpu.dma_semaphore, #tpu.memory_space<semaphore_mem>>) src(%arg3 : memref<80x128xf32, #tpu.memory_space<hbm>>) dst(%arg9 : memref<80x128xf32, #tpu.memory_space<vmem>>)
      tpu.yield
    }) : () -> ()
    "tpu.region"() ({
      %run_scoped3A_31 = tpu.sem_alloc : memref<!tpu.dma_semaphore, #tpu.memory_space<semaphore_mem>>
      %dma_start3A = tpu.memref_slice %arg4[%mul3A_2] : memref<331776xi32, #tpu.memory_space<hbm>> -> memref<10368xi32, #tpu.memory_space<hbm>>
      %dma_start3A_32 = tpu.memref_slice %arg4[%mul3A_2] : memref<331776xi32, #tpu.memory_space<hbm>> -> memref<10368xi32, #tpu.memory_space<hbm>>
      tpu.enqueue_dma source(%dma_start3A_32 : memref<10368xi32, #tpu.memory_space<hbm>>) target(%arg10 : memref<10368xi32, #tpu.memory_space<vmem>>) target_semaphore(%run_scoped3A_31 : memref<!tpu.dma_semaphore, #tpu.memory_space<semaphore_mem>>)
      %dma_wait3A = tpu.memref_slice %arg4[%mul3A_2] : memref<331776xi32, #tpu.memory_space<hbm>> -> memref<10368xi32, #tpu.memory_space<hbm>>
      %dma_wait3A_33 = tpu.memref_slice %arg4[%mul3A_2] : memref<331776xi32, #tpu.memory_space<hbm>> -> memref<10368xi32, #tpu.memory_space<hbm>>
      tpu.wait_dma2 semaphore(%run_scoped3A_31 : memref<!tpu.dma_semaphore, #tpu.memory_space<semaphore_mem>>) src(%dma_wait3A_33 : memref<10368xi32, #tpu.memory_space<hbm>>) dst(%arg10 : memref<10368xi32, #tpu.memory_space<vmem>>)
      tpu.yield
    }) : () -> ()
    "tpu.region"() ({
      %run_scoped3A_31 = tpu.sem_alloc : memref<!tpu.dma_semaphore, #tpu.memory_space<semaphore_mem>>
      %dma_start3A = tpu.memref_slice %arg5[%mul3A_2] : memref<331776xi32, #tpu.memory_space<hbm>> -> memref<10368xi32, #tpu.memory_space<hbm>>
      %dma_start3A_32 = tpu.memref_slice %arg5[%mul3A_2] : memref<331776xi32, #tpu.memory_space<hbm>> -> memref<10368xi32, #tpu.memory_space<hbm>>
      tpu.enqueue_dma source(%dma_start3A_32 : memref<10368xi32, #tpu.memory_space<hbm>>) target(%arg11 : memref<10368xi32, #tpu.memory_space<vmem>>) target_semaphore(%run_scoped3A_31 : memref<!tpu.dma_semaphore, #tpu.memory_space<semaphore_mem>>)
      %dma_wait3A = tpu.memref_slice %arg5[%mul3A_2] : memref<331776xi32, #tpu.memory_space<hbm>> -> memref<10368xi32, #tpu.memory_space<hbm>>
      %dma_wait3A_33 = tpu.memref_slice %arg5[%mul3A_2] : memref<331776xi32, #tpu.memory_space<hbm>> -> memref<10368xi32, #tpu.memory_space<hbm>>
      tpu.wait_dma2 semaphore(%run_scoped3A_31 : memref<!tpu.dma_semaphore, #tpu.memory_space<semaphore_mem>>) src(%dma_wait3A_33 : memref<10368xi32, #tpu.memory_space<hbm>>) dst(%arg11 : memref<10368xi32, #tpu.memory_space<vmem>>)
      tpu.yield
    }) : () -> ()
    %broadcast_in_dim3A = arith.constant 0.000000e+00 : f32
    %broadcast_in_dim3A_3 = vector.broadcast %broadcast_in_dim3A : f32 to vector<16xf32>
    %scan3A = arith.constant 0 : i32
    %scan3A_4 = arith.constant 0 : i32
    %scan3A_5 = arith.constant 640 : i32
    %scan3A_6 = arith.addi %scan3A_4, %scan3A_5 : i32
    %scan3A_7 = arith.constant 1 : i32
    %scan3A_8 = scf.for %scan3A_31 = %scan3A_4 to %scan3A_6 step %scan3A_7 iter_args(%scan3A_32 = %scan3A) -> (i32)  : i32 {
      %jit3A = arith.constant 8 : i32
      %div3A = arith.divsi %scan3A_31, %jit3A : i32
      %sign3A = arith.constant 0 : i32
      %sign3A_33 = arith.cmpi sgt, %scan3A_31, %sign3A : i32
      %sign3A_34 = arith.extui %sign3A_33 : i1 to i32
      %sign3A_35 = arith.constant 0 : i32
      %sign3A_36 = arith.cmpi slt, %scan3A_31, %sign3A_35 : i32
      %sign3A_37 = arith.extui %sign3A_36 : i1 to i32
      %sign3A_38 = arith.subi %sign3A_34, %sign3A_37 : i32
      %sign3A_39 = arith.constant 0 : i32
      %sign3A_40 = arith.cmpi sgt, %jit3A, %sign3A_39 : i32
      %sign3A_41 = arith.extui %sign3A_40 : i1 to i32
      %sign3A_42 = arith.constant 0 : i32
      %sign3A_43 = arith.cmpi slt, %jit3A, %sign3A_42 : i32
      %sign3A_44 = arith.extui %sign3A_43 : i1 to i32
      %sign3A_45 = arith.subi %sign3A_41, %sign3A_44 : i32
      %ne3A = arith.cmpi ne, %sign3A_38, %sign3A_45 : i32
      %rem3A = arith.remsi %scan3A_31, %jit3A : i32
      %ne3A_46 = arith.constant 0 : i32
      %ne3A_47 = arith.cmpi ne, %rem3A, %ne3A_46 : i32
      %and3A = arith.andi %ne3A, %ne3A_47 : i1
      %sub3A = arith.constant 1 : i32
      %sub3A_48 = arith.subi %div3A, %sub3A : i32
      %select_n3A = arith.select %and3A, %sub3A_48, %div3A : i32
      %jit3A_49 = arith.constant 8 : i32
      %eq3A_50 = arith.constant 0 : i32
      %eq3A_51 = arith.cmpi eq, %jit3A_49, %eq3A_50 : i32
      %jit3A_52 = arith.constant 1 : i32
      %select_n3A_53 = arith.select %eq3A_51, %jit3A_52, %jit3A_49 : i32
      %rem3A_54 = arith.remsi %scan3A_31, %select_n3A_53 : i32
      %ne3A_55 = arith.constant 0 : i32
      %ne3A_56 = arith.cmpi ne, %rem3A_54, %ne3A_55 : i32
      %lt3A_57 = arith.constant 0 : i32
      %lt3A_58 = arith.cmpi slt, %rem3A_54, %lt3A_57 : i32
      %lt3A_59 = arith.constant 0 : i32
      %lt3A_60 = arith.cmpi slt, %select_n3A_53, %lt3A_59 : i32
      %ne3A_61 = arith.xori %lt3A_58, %lt3A_60 : i1
      %and3A_62 = arith.andi %ne3A_61, %ne3A_56 : i1
      %add3A_63 = arith.addi %rem3A_54, %select_n3A_53 : i32
      %select_n3A_64 = arith.select %and3A_62, %add3A_63, %rem3A_54 : i32
      %mul3A_65 = arith.constant 16 : i32
      %mul3A_66 = arith.muli %select_n3A_64, %mul3A_65 : i32
      %swap3A = arith.index_cast %select_n3A : i32 to index
      %swap3A_67 = arith.index_cast %mul3A_66 : i32 to index
      %swap3A_68 = tpu.vector_load %arg13[%swap3A, %swap3A_67] {strides = array<i32>} : memref<80x128xf32, #tpu.memory_space<vmem>>, vector<16xf32>,
      tpu.vector_store %arg13[%swap3A, %swap3A_67], %broadcast_in_dim3A_3 {strides = array<i32>} : memref<80x128xf32, #tpu.memory_space<vmem>>, vector<16xf32>,
      %scan3A_69 = arith.constant 0 : i32
      scf.yield %scan3A_69 : i32
    }
    %scan3A_9 = arith.constant 640 : i32
    %eq3A = arith.constant 0 : i32
    %eq3A_10 = arith.cmpi eq, %arg1, %eq3A : i32
    %convert_element_type3A = arith.extui %eq3A_10 : i1 to i32
    %cond3A = arith.constant 0 : i32
    %cond3A_11 = arith.cmpi ne, %convert_element_type3A, %cond3A : i32
    scf.if %cond3A_11 {
      "tpu.region"() ({
        %run_scoped3A_31 = tpu.sem_alloc : memref<!tpu.dma_semaphore, #tpu.memory_space<semaphore_mem>>
        tpu.enqueue_dma source(%arg13 : memref<80x128xf32, #tpu.memory_space<vmem>>) target(%arg16 : memref<80x128xf32, #tpu.memory_space<vmem_shared>>) target_semaphore(%run_scoped3A_31 : memref<!tpu.dma_semaphore, #tpu.memory_space<semaphore_mem>>)
        tpu.wait_dma2 semaphore(%run_scoped3A_31 : memref<!tpu.dma_semaphore, #tpu.memory_space<semaphore_mem>>) src(%arg13 : memref<80x128xf32, #tpu.memory_space<vmem>>) dst(%arg16 : memref<80x128xf32, #tpu.memory_space<vmem_shared>>)
        tpu.yield
      }) : () -> ()
    } else {
    }
    %scan3A_12 = arith.constant 0 : i32
    %scan3A_13 = arith.constant 0 : i32
    %scan3A_14 = arith.constant 5 : i32
    %scan3A_15 = arith.addi %scan3A_13, %scan3A_14 : i32
    %scan3A_16 = arith.constant 1 : i32
    %scan3A_17 = scf.for %scan3A_31 = %scan3A_13 to %scan3A_15 step %scan3A_16 iter_args(%scan3A_32 = %scan3A_12) -> (i32)  : i32 {
      %iota3A = tpu.iota {dimensions = array<i32: 0>} : vector<16xi32>
      %mul3A_33 = arith.constant 16 : i32
      %mul3A_34 = arith.muli %scan3A_31, %mul3A_33 : i32
      %add3A_35 = vector.broadcast %mul3A_34 : i32 to vector<16xi32>
      %add3A_36 = arith.addi %iota3A, %add3A_35 : vector<16xi32>
      %mul3A_37 = arith.constant 16 : i32
      %mul3A_38 = arith.muli %scan3A_31, %mul3A_37 : i32
      %swap3A = arith.constant 0 : i32
      %swap3A_39 = arith.index_cast %swap3A : i32 to index
      %swap3A_40 = arith.index_cast %mul3A_38 : i32 to index
      %swap3A_41 = tpu.vector_load %arg14[%swap3A_39, %swap3A_40] {strides = array<i32>} : memref<1x80xi32, #tpu.memory_space<vmem>>, vector<16xi32>,
      tpu.vector_store %arg14[%swap3A_39, %swap3A_40], %add3A_36 {strides = array<i32>} : memref<1x80xi32, #tpu.memory_space<vmem>>, vector<16xi32>,
      %scan3A_42 = arith.constant 0 : i32
      scf.yield %scan3A_42 : i32
    }
    %scan3A_18 = arith.constant 5 : i32
    %barrier3A = arith.constant 0 : index
    tpu.barrier barrier_id(%barrier3A)
    %scan3A_19 = arith.constant 0 : i32
    %scan3A_20 = arith.constant 0 : i32
    %scan3A_21 = arith.constant 648 : i32
    %scan3A_22 = arith.addi %scan3A_20, %scan3A_21 : i32
    %scan3A_23 = arith.constant 1 : i32
    %scan3A_24 = scf.for %scan3A_31 = %scan3A_20 to %scan3A_22 step %scan3A_23 iter_args(%scan3A_32 = %scan3A_19) -> (i32)  : i32 {
      %mul3A_33 = arith.constant 16 : i32
      %mul3A_34 = arith.muli %scan3A_31, %mul3A_33 : i32
      %get3A = arith.index_cast %mul3A_34 : i32 to index
      %get3A_35 = tpu.vector_load %arg10[%get3A] {strides = array<i32>} : memref<10368xi32, #tpu.memory_space<vmem>>, vector<16xi32>,
      %get3A_36 = arith.index_cast %mul3A_34 : i32 to index
      %get3A_37 = tpu.vector_load %arg11[%get3A_36] {strides = array<i32>} : memref<10368xi32, #tpu.memory_space<vmem>>, vector<16xi32>,
      %shift_right_logical3A = arith.constant 7 : i32
      %shift_right_logical3A_38 = vector.broadcast %shift_right_logical3A : i32 to vector<16xi32>
      %shift_right_logical3A_39 = arith.shrui %get3A_35, %shift_right_logical3A_38 : vector<16xi32>
      %and3A = arith.constant 127 : i32
      %and3A_40 = vector.broadcast %and3A : i32 to vector<16xi32>
      %and3A_41 = arith.andi %get3A_35, %and3A_40 : vector<16xi32>
      %shift_right_logical3A_42 = arith.constant 7 : i32
      %shift_right_logical3A_43 = vector.broadcast %shift_right_logical3A_42 : i32 to vector<16xi32>
      %shift_right_logical3A_44 = arith.shrui %get3A_37, %shift_right_logical3A_43 : vector<16xi32>
      %and3A_45 = arith.constant 127 : i32
      %and3A_46 = vector.broadcast %and3A_45 : i32 to vector<16xi32>
      %and3A_47 = arith.andi %get3A_37, %and3A_46 : vector<16xi32>
      %gather3A = tpu.vector_load_idx %arg8[%shift_right_logical3A_39, %and3A_41] : memref<80x128xf32, #tpu.memory_space<vmem>>[vector<16xi32>, vector<16xi32>], vector<16xf32>,
      %gather3A_48 = tpu.vector_load_idx %arg9[%shift_right_logical3A_44, %and3A_47] : memref<80x128xf32, #tpu.memory_space<vmem>>[vector<16xi32>, vector<16xi32>], vector<16xf32>,
      %add3A_49 = arith.addf %gather3A, %gather3A_48 : vector<16xf32>
      %ge3A = arith.constant 0.000000e+00 : f32
      %ge3A_50 = vector.broadcast %ge3A : f32 to vector<16xf32>
      %ge3A_51 = arith.cmpf oge, %add3A_49, %ge3A_50 : vector<16xf32>
      %mul3A_52 = arith.constant 2.000000e-01 : f32
      %mul3A_53 = vector.broadcast %mul3A_52 : f32 to vector<16xf32>
      %mul3A_54 = arith.mulf %mul3A_53, %add3A_49 : vector<16xf32>
      %select_n3A = arith.select %ge3A_51, %add3A_49, %mul3A_54 : vector<16xi1>, vector<16xf32>
      %exp3A = math.exp %select_n3A : vector<16xf32>
      %swap3A = arith.index_cast %mul3A_34 : i32 to index
      %swap3A_55 = tpu.vector_load %arg12[%swap3A] {strides = array<i32>} : memref<10368xf32, #tpu.memory_space<vmem>>, vector<16xf32>,
      tpu.vector_store %arg12[%swap3A], %exp3A {strides = array<i32>} : memref<10368xf32, #tpu.memory_space<vmem>>, vector<16xf32>,
      tpu.vector_store_idx %arg13[%shift_right_logical3A_44, %and3A_47], %exp3A {add = true} : memref<80x128xf32, #tpu.memory_space<vmem>>[vector<16xi32>, vector<16xi32>], vector<16xf32>,
      %scan3A_56 = arith.constant 0 : i32
      scf.yield %scan3A_56 : i32
    }
    %scan3A_25 = arith.constant 648 : i32
    "tpu.region"() ({
      %run_scoped3A_31 = tpu.sem_alloc : memref<!tpu.dma_semaphore, #tpu.memory_space<semaphore_mem>>
      %dma_start3A = tpu.memref_slice %arg6[%mul3A_2] : memref<331776xf32, #tpu.memory_space<hbm>> -> memref<10368xf32, #tpu.memory_space<hbm>>
      %dma_start3A_32 = tpu.memref_slice %arg6[%mul3A_2] : memref<331776xf32, #tpu.memory_space<hbm>> -> memref<10368xf32, #tpu.memory_space<hbm>>
      tpu.enqueue_dma source(%arg12 : memref<10368xf32, #tpu.memory_space<vmem>>) target(%dma_start3A_32 : memref<10368xf32, #tpu.memory_space<hbm>>) target_semaphore(%run_scoped3A_31 : memref<!tpu.dma_semaphore, #tpu.memory_space<semaphore_mem>>)
      %dma_wait3A = tpu.memref_slice %arg6[%mul3A_2] : memref<331776xf32, #tpu.memory_space<hbm>> -> memref<10368xf32, #tpu.memory_space<hbm>>
      %dma_wait3A_33 = tpu.memref_slice %arg6[%mul3A_2] : memref<331776xf32, #tpu.memory_space<hbm>> -> memref<10368xf32, #tpu.memory_space<hbm>>
      tpu.wait_dma2 semaphore(%run_scoped3A_31 : memref<!tpu.dma_semaphore, #tpu.memory_space<semaphore_mem>>) src(%arg12 : memref<10368xf32, #tpu.memory_space<vmem>>) dst(%dma_wait3A_33 : memref<10368xf32, #tpu.memory_space<hbm>>)
      tpu.yield
    }) : () -> ()
    %run_scoped3A = arith.constant 0 : i32
    "tpu.region"() ({
      %run_scoped3A_31 = tpu.sem_alloc : memref<!tpu.dma_semaphore, #tpu.memory_space<semaphore_mem>>
      %dma_start3A = arith.constant 0 : i32
      %dma_start3A_32 = tpu.memref_slice %arg14[%run_scoped3A, %dma_start3A] : memref<1x80xi32, #tpu.memory_space<vmem>> -> memref<1x80xi32, #tpu.memory_space<vmem>>
      %dma_start3A_33 = tpu.memref_squeeze %dma_start3A_32 : memref<1x80xi32, #tpu.memory_space<vmem>> -> memref<80xi32, #tpu.memory_space<vmem>>
      %dma_start3A_34 = arith.constant 0 : i32
      %dma_start3A_35 = arith.constant 0 : i32
      %dma_start3A_36 = tpu.memref_slice %arg16[%dma_start3A_34, %dma_start3A_35] : memref<80x128xf32, #tpu.memory_space<vmem_shared>> -> memref<80x128xf32, #tpu.memory_space<vmem_shared>>
      tpu.enqueue_indirect_dma source(%arg13 : memref<80x128xf32, #tpu.memory_space<vmem>>) target(%dma_start3A_36 : memref<80x128xf32, #tpu.memory_space<vmem_shared>>) offsets(%dma_start3A_33 : memref<80xi32, #tpu.memory_space<vmem>>) semaphore(%run_scoped3A_31 : memref<!tpu.dma_semaphore, #tpu.memory_space<semaphore_mem>>) {add = true}
      %dma_wait3A = arith.constant 0 : i32
      %dma_wait3A_37 = tpu.memref_slice %arg14[%run_scoped3A, %dma_wait3A] : memref<1x80xi32, #tpu.memory_space<vmem>> -> memref<1x80xi32, #tpu.memory_space<vmem>>
      %dma_wait3A_38 = tpu.memref_squeeze %dma_wait3A_37 : memref<1x80xi32, #tpu.memory_space<vmem>> -> memref<80xi32, #tpu.memory_space<vmem>>
      %dma_wait3A_39 = arith.constant 0 : i32
      %dma_wait3A_40 = arith.constant 0 : i32
      %dma_wait3A_41 = tpu.memref_slice %arg16[%dma_wait3A_39, %dma_wait3A_40] : memref<80x128xf32, #tpu.memory_space<vmem_shared>> -> memref<80x128xf32, #tpu.memory_space<vmem_shared>>
      tpu.wait_indirect_dma semaphore(%run_scoped3A_31 : memref<!tpu.dma_semaphore, #tpu.memory_space<semaphore_mem>>) src(%arg13 : memref<80x128xf32, #tpu.memory_space<vmem>>) dst(%dma_wait3A_41 : memref<80x128xf32, #tpu.memory_space<vmem_shared>>)
      tpu.yield
    }) : () -> ()
    %barrier3A_26 = arith.constant 0 : index
    tpu.barrier barrier_id(%barrier3A_26)
    %lt3A = arith.constant 10 : i32
    %lt3A_27 = arith.cmpi slt, %arg1, %lt3A : i32
    %convert_element_type3A_28 = arith.extui %lt3A_27 : i1 to i32
    %cond3A_29 = arith.constant 0 : i32
    %cond3A_30 = arith.cmpi ne, %convert_element_type3A_28, %cond3A_29 : i32
    scf.if %cond3A_30 {
      %mul3A_31 = arith.constant 8 : i32
      %mul3A_32 = arith.muli %arg1, %mul3A_31 : i32
      "tpu.region"() ({
        %run_scoped3A_35 = tpu.sem_alloc : memref<!tpu.dma_semaphore, #tpu.memory_space<semaphore_mem>>
        %dma_start3A = arith.constant 0 : i32
        %dma_start3A_36 = tpu.memref_slice %arg16[%mul3A_32, %dma_start3A] : memref<80x128xf32, #tpu.memory_space<vmem_shared>> -> memref<8x128xf32, #tpu.memory_space<vmem_shared>>
        %dma_start3A_37 = arith.constant 0 : i32
        %dma_start3A_38 = tpu.memref_slice %arg16[%mul3A_32, %dma_start3A_37] : memref<80x128xf32, #tpu.memory_space<vmem_shared>> -> memref<8x128xf32, #tpu.memory_space<vmem_shared>>
        tpu.enqueue_dma source(%dma_start3A_38 : memref<8x128xf32, #tpu.memory_space<vmem_shared>>) target(%arg15 : memref<8x128xf32, #tpu.memory_space<vmem>>) target_semaphore(%run_scoped3A_35 : memref<!tpu.dma_semaphore, #tpu.memory_space<semaphore_mem>>)
        %dma_wait3A = arith.constant 0 : i32
        %dma_wait3A_39 = tpu.memref_slice %arg16[%mul3A_32, %dma_wait3A] : memref<80x128xf32, #tpu.memory_space<vmem_shared>> -> memref<8x128xf32, #tpu.memory_space<vmem_shared>>
        %dma_wait3A_40 = arith.constant 0 : i32
        %dma_wait3A_41 = tpu.memref_slice %arg16[%mul3A_32, %dma_wait3A_40] : memref<80x128xf32, #tpu.memory_space<vmem_shared>> -> memref<8x128xf32, #tpu.memory_space<vmem_shared>>
        tpu.wait_dma2 semaphore(%run_scoped3A_35 : memref<!tpu.dma_semaphore, #tpu.memory_space<semaphore_mem>>) src(%dma_wait3A_41 : memref<8x128xf32, #tpu.memory_space<vmem_shared>>) dst(%arg15 : memref<8x128xf32, #tpu.memory_space<vmem>>)
        tpu.yield
      }) : () -> ()
      %mul3A_33 = arith.constant 8 : i32
      %mul3A_34 = arith.muli %arg1, %mul3A_33 : i32
      "tpu.region"() ({
        %run_scoped3A_35 = tpu.sem_alloc : memref<!tpu.dma_semaphore, #tpu.memory_space<semaphore_mem>>
        %dma_start3A = arith.constant 0 : i32
        %dma_start3A_36 = tpu.memref_slice %arg7[%arg0, %mul3A_34, %dma_start3A] : memref<2x80x128xf32, #tpu.memory_space<hbm>> -> memref<1x8x128xf32, #tpu.memory_space<hbm>>
        %dma_start3A_37 = tpu.memref_squeeze %dma_start3A_36 : memref<1x8x128xf32, #tpu.memory_space<hbm>> -> memref<8x128xf32, #tpu.memory_space<hbm>>
        %dma_start3A_38 = arith.constant 0 : i32
        %dma_start3A_39 = tpu.memref_slice %arg7[%arg0, %mul3A_34, %dma_start3A_38] : memref<2x80x128xf32, #tpu.memory_space<hbm>> -> memref<1x8x128xf32, #tpu.memory_space<hbm>>
        %dma_start3A_40 = tpu.memref_squeeze %dma_start3A_39 : memref<1x8x128xf32, #tpu.memory_space<hbm>> -> memref<8x128xf32, #tpu.memory_space<hbm>>
        tpu.enqueue_dma source(%arg15 : memref<8x128xf32, #tpu.memory_space<vmem>>) target(%dma_start3A_40 : memref<8x128xf32, #tpu.memory_space<hbm>>) target_semaphore(%run_scoped3A_35 : memref<!tpu.dma_semaphore, #tpu.memory_space<semaphore_mem>>)
        %dma_wait3A = arith.constant 0 : i32
        %dma_wait3A_41 = tpu.memref_slice %arg7[%arg0, %mul3A_34, %dma_wait3A] : memref<2x80x128xf32, #tpu.memory_space<hbm>> -> memref<1x8x128xf32, #tpu.memory_space<hbm>>
        %dma_wait3A_42 = tpu.memref_squeeze %dma_wait3A_41 : memref<1x8x128xf32, #tpu.memory_space<hbm>> -> memref<8x128xf32, #tpu.memory_space<hbm>>
        %dma_wait3A_43 = arith.constant 0 : i32
        %dma_wait3A_44 = tpu.memref_slice %arg7[%arg0, %mul3A_34, %dma_wait3A_43] : memref<2x80x128xf32, #tpu.memory_space<hbm>> -> memref<1x8x128xf32, #tpu.memory_space<hbm>>
        %dma_wait3A_45 = tpu.memref_squeeze %dma_wait3A_44 : memref<1x8x128xf32, #tpu.memory_space<hbm>> -> memref<8x128xf32, #tpu.memory_space<hbm>>
        tpu.wait_dma2 semaphore(%run_scoped3A_35 : memref<!tpu.dma_semaphore, #tpu.memory_space<semaphore_mem>>) src(%arg15 : memref<8x128xf32, #tpu.memory_space<vmem>>) dst(%dma_wait3A_45 : memref<8x128xf32, #tpu.memory_space<hbm>>)
        tpu.yield
      }) : () -> ()
    } else {
    }
    return
  }
}

#map = affine_map<(d0, d1) -> (0, 0)>
#map1 = affine_map<(d0, d1) -> (0)>
#map2 = affine_map<(d0, d1) -> (0, 0, 0)>
module attributes {stable_mosaic.version = 14 : i64} {
  func.func @_sc2_body(%arg0: i32, %arg1: i32, %arg2: memref<10240x128xf32, #tpu.memory_space<hbm>>, %arg3: memref<331776xf32, #tpu.memory_space<hbm>>, %arg4: memref<80x128xf32, #tpu.memory_space<hbm>>, %arg5: memref<331776xi32, #tpu.memory_space<hbm>>, %arg6: memref<331776xi32, #tpu.memory_space<hbm>>, %arg7: memref<2x10240x128xf32, #tpu.memory_space<hbm>>, %arg8: memref<2592xi32, #tpu.memory_space<vmem>>, %arg9: memref<2592xi32, #tpu.memory_space<vmem>>, %arg10: memref<2592xf32, #tpu.memory_space<vmem>>, %arg11: memref<80x128xf32, #tpu.memory_space<vmem>>, %arg12: memref<16x128xf32, #tpu.memory_space<vmem>>, %arg13: memref<1x16xf32, #tpu.memory_space<vmem>>, %arg14: memref<1x16xf32, #tpu.memory_space<vmem>>, %arg15: memref<10240x128xf32, #tpu.memory_space<vmem_shared>>, %arg16: memref<!tpu.dma_semaphore, #tpu.memory_space<semaphore_mem>>) attributes {dimension_semantics = [#tpu.dimension_semantics<core_parallel>, #tpu.dimension_semantics<subcore_parallel>], iteration_bounds = array<i64: 2, 16>, scalar_prefetch = 0 : i64, scratch_operands = 9 : i64, tpu.core_type = #tpu.core_type<sc_vector_subcore>, window_params = [{transform_indices = #map}, {transform_indices = #map1}, {transform_indices = #map}, {transform_indices = #map1}, {transform_indices = #map1}, {transform_indices = #map2}]} {
    %mul3A = arith.constant 16 : i32
    %mul3A_0 = arith.muli %arg0, %mul3A : i32
    %add3A = arith.addi %mul3A_0, %arg1 : i32
    %mul3A_1 = arith.constant 10368 : i32
    %mul3A_2 = arith.muli %add3A, %mul3A_1 : i32
    %broadcast_in_dim3A = arith.constant 0.000000e+00 : f32
    %broadcast_in_dim3A_3 = vector.broadcast %broadcast_in_dim3A : f32 to vector<16xf32>
    %scan3A = arith.constant 0 : i32
    %scan3A_4 = arith.constant 0 : i32
    %scan3A_5 = arith.constant 640 : i32
    %scan3A_6 = arith.addi %scan3A_4, %scan3A_5 : i32
    %scan3A_7 = arith.constant 1 : i32
    %scan3A_8 = scf.for %scan3A_54 = %scan3A_4 to %scan3A_6 step %scan3A_7 iter_args(%scan3A_55 = %scan3A) -> (i32)  : i32 {
      %jit3A = arith.constant 8 : i32
      %div3A = arith.divsi %scan3A_54, %jit3A : i32
      %sign3A = arith.constant 0 : i32
      %sign3A_56 = arith.cmpi sgt, %scan3A_54, %sign3A : i32
      %sign3A_57 = arith.extui %sign3A_56 : i1 to i32
      %sign3A_58 = arith.constant 0 : i32
      %sign3A_59 = arith.cmpi slt, %scan3A_54, %sign3A_58 : i32
      %sign3A_60 = arith.extui %sign3A_59 : i1 to i32
      %sign3A_61 = arith.subi %sign3A_57, %sign3A_60 : i32
      %sign3A_62 = arith.constant 0 : i32
      %sign3A_63 = arith.cmpi sgt, %jit3A, %sign3A_62 : i32
      %sign3A_64 = arith.extui %sign3A_63 : i1 to i32
      %sign3A_65 = arith.constant 0 : i32
      %sign3A_66 = arith.cmpi slt, %jit3A, %sign3A_65 : i32
      %sign3A_67 = arith.extui %sign3A_66 : i1 to i32
      %sign3A_68 = arith.subi %sign3A_64, %sign3A_67 : i32
      %ne3A = arith.cmpi ne, %sign3A_61, %sign3A_68 : i32
      %rem3A = arith.remsi %scan3A_54, %jit3A : i32
      %ne3A_69 = arith.constant 0 : i32
      %ne3A_70 = arith.cmpi ne, %rem3A, %ne3A_69 : i32
      %and3A = arith.andi %ne3A, %ne3A_70 : i1
      %sub3A = arith.constant 1 : i32
      %sub3A_71 = arith.subi %div3A, %sub3A : i32
      %select_n3A = arith.select %and3A, %sub3A_71, %div3A : i32
      %jit3A_72 = arith.constant 8 : i32
      %eq3A = arith.constant 0 : i32
      %eq3A_73 = arith.cmpi eq, %jit3A_72, %eq3A : i32
      %jit3A_74 = arith.constant 1 : i32
      %select_n3A_75 = arith.select %eq3A_73, %jit3A_74, %jit3A_72 : i32
      %rem3A_76 = arith.remsi %scan3A_54, %select_n3A_75 : i32
      %ne3A_77 = arith.constant 0 : i32
      %ne3A_78 = arith.cmpi ne, %rem3A_76, %ne3A_77 : i32
      %lt3A = arith.constant 0 : i32
      %lt3A_79 = arith.cmpi slt, %rem3A_76, %lt3A : i32
      %lt3A_80 = arith.constant 0 : i32
      %lt3A_81 = arith.cmpi slt, %select_n3A_75, %lt3A_80 : i32
      %ne3A_82 = arith.xori %lt3A_79, %lt3A_81 : i1
      %and3A_83 = arith.andi %ne3A_82, %ne3A_78 : i1
      %add3A_84 = arith.addi %rem3A_76, %select_n3A_75 : i32
      %select_n3A_85 = arith.select %and3A_83, %add3A_84, %rem3A_76 : i32
      %mul3A_86 = arith.constant 16 : i32
      %mul3A_87 = arith.muli %select_n3A_85, %mul3A_86 : i32
      %swap3A = arith.index_cast %select_n3A : i32 to index
      %swap3A_88 = arith.index_cast %mul3A_87 : i32 to index
      %swap3A_89 = tpu.vector_load %arg11[%swap3A, %swap3A_88] {strides = array<i32>} : memref<80x128xf32, #tpu.memory_space<vmem>>, vector<16xf32>,
      tpu.vector_store %arg11[%swap3A, %swap3A_88], %broadcast_in_dim3A_3 {strides = array<i32>} : memref<80x128xf32, #tpu.memory_space<vmem>>, vector<16xf32>,
      %scan3A_90 = arith.constant 0 : i32
      scf.yield %scan3A_90 : i32
    }
    %scan3A_9 = arith.constant 640 : i32
    %mul3A_10 = arith.constant 640 : i32
    %mul3A_11 = arith.muli %arg1, %mul3A_10 : i32
    %add3A_12 = arith.constant 0 : i32
    %add3A_13 = arith.addi %mul3A_11, %add3A_12 : i32
    "tpu.region"() ({
      %run_scoped3A = tpu.sem_alloc : memref<!tpu.dma_semaphore, #tpu.memory_space<semaphore_mem>>
      %dma_start3A = arith.constant 0 : i32
      %dma_start3A_54 = tpu.memref_slice %arg15[%add3A_13, %dma_start3A] : memref<10240x128xf32, #tpu.memory_space<vmem_shared>> -> memref<80x128xf32, #tpu.memory_space<vmem_shared>>
      %dma_start3A_55 = arith.constant 0 : i32
      %dma_start3A_56 = tpu.memref_slice %arg15[%add3A_13, %dma_start3A_55] : memref<10240x128xf32, #tpu.memory_space<vmem_shared>> -> memref<80x128xf32, #tpu.memory_space<vmem_shared>>
      tpu.enqueue_dma source(%arg11 : memref<80x128xf32, #tpu.memory_space<vmem>>) target(%dma_start3A_56 : memref<80x128xf32, #tpu.memory_space<vmem_shared>>) target_semaphore(%run_scoped3A : memref<!tpu.dma_semaphore, #tpu.memory_space<semaphore_mem>>)
      %dma_wait3A = arith.constant 0 : i32
      %dma_wait3A_57 = tpu.memref_slice %arg15[%add3A_13, %dma_wait3A] : memref<10240x128xf32, #tpu.memory_space<vmem_shared>> -> memref<80x128xf32, #tpu.memory_space<vmem_shared>>
      %dma_wait3A_58 = arith.constant 0 : i32
      %dma_wait3A_59 = tpu.memref_slice %arg15[%add3A_13, %dma_wait3A_58] : memref<10240x128xf32, #tpu.memory_space<vmem_shared>> -> memref<80x128xf32, #tpu.memory_space<vmem_shared>>
      tpu.wait_dma2 semaphore(%run_scoped3A : memref<!tpu.dma_semaphore, #tpu.memory_space<semaphore_mem>>) src(%arg11 : memref<80x128xf32, #tpu.memory_space<vmem>>) dst(%dma_wait3A_59 : memref<80x128xf32, #tpu.memory_space<vmem_shared>>)
      tpu.yield
    }) : () -> ()
    %mul3A_14 = arith.constant 640 : i32
    %mul3A_15 = arith.muli %arg1, %mul3A_14 : i32
    %add3A_16 = arith.constant 80 : i32
    %add3A_17 = arith.addi %mul3A_15, %add3A_16 : i32
    "tpu.region"() ({
      %run_scoped3A = tpu.sem_alloc : memref<!tpu.dma_semaphore, #tpu.memory_space<semaphore_mem>>
      %dma_start3A = arith.constant 0 : i32
      %dma_start3A_54 = tpu.memref_slice %arg15[%add3A_17, %dma_start3A] : memref<10240x128xf32, #tpu.memory_space<vmem_shared>> -> memref<80x128xf32, #tpu.memory_space<vmem_shared>>
      %dma_start3A_55 = arith.constant 0 : i32
      %dma_start3A_56 = tpu.memref_slice %arg15[%add3A_17, %dma_start3A_55] : memref<10240x128xf32, #tpu.memory_space<vmem_shared>> -> memref<80x128xf32, #tpu.memory_space<vmem_shared>>
      tpu.enqueue_dma source(%arg11 : memref<80x128xf32, #tpu.memory_space<vmem>>) target(%dma_start3A_56 : memref<80x128xf32, #tpu.memory_space<vmem_shared>>) target_semaphore(%run_scoped3A : memref<!tpu.dma_semaphore, #tpu.memory_space<semaphore_mem>>)
      %dma_wait3A = arith.constant 0 : i32
      %dma_wait3A_57 = tpu.memref_slice %arg15[%add3A_17, %dma_wait3A] : memref<10240x128xf32, #tpu.memory_space<vmem_shared>> -> memref<80x128xf32, #tpu.memory_space<vmem_shared>>
      %dma_wait3A_58 = arith.constant 0 : i32
      %dma_wait3A_59 = tpu.memref_slice %arg15[%add3A_17, %dma_wait3A_58] : memref<10240x128xf32, #tpu.memory_space<vmem_shared>> -> memref<80x128xf32, #tpu.memory_space<vmem_shared>>
      tpu.wait_dma2 semaphore(%run_scoped3A : memref<!tpu.dma_semaphore, #tpu.memory_space<semaphore_mem>>) src(%arg11 : memref<80x128xf32, #tpu.memory_space<vmem>>) dst(%dma_wait3A_59 : memref<80x128xf32, #tpu.memory_space<vmem_shared>>)
      tpu.yield
    }) : () -> ()
    %mul3A_18 = arith.constant 640 : i32
    %mul3A_19 = arith.muli %arg1, %mul3A_18 : i32
    %add3A_20 = arith.constant 160 : i32
    %add3A_21 = arith.addi %mul3A_19, %add3A_20 : i32
    "tpu.region"() ({
      %run_scoped3A = tpu.sem_alloc : memref<!tpu.dma_semaphore, #tpu.memory_space<semaphore_mem>>
      %dma_start3A = arith.constant 0 : i32
      %dma_start3A_54 = tpu.memref_slice %arg15[%add3A_21, %dma_start3A] : memref<10240x128xf32, #tpu.memory_space<vmem_shared>> -> memref<80x128xf32, #tpu.memory_space<vmem_shared>>
      %dma_start3A_55 = arith.constant 0 : i32
      %dma_start3A_56 = tpu.memref_slice %arg15[%add3A_21, %dma_start3A_55] : memref<10240x128xf32, #tpu.memory_space<vmem_shared>> -> memref<80x128xf32, #tpu.memory_space<vmem_shared>>
      tpu.enqueue_dma source(%arg11 : memref<80x128xf32, #tpu.memory_space<vmem>>) target(%dma_start3A_56 : memref<80x128xf32, #tpu.memory_space<vmem_shared>>) target_semaphore(%run_scoped3A : memref<!tpu.dma_semaphore, #tpu.memory_space<semaphore_mem>>)
      %dma_wait3A = arith.constant 0 : i32
      %dma_wait3A_57 = tpu.memref_slice %arg15[%add3A_21, %dma_wait3A] : memref<10240x128xf32, #tpu.memory_space<vmem_shared>> -> memref<80x128xf32, #tpu.memory_space<vmem_shared>>
      %dma_wait3A_58 = arith.constant 0 : i32
      %dma_wait3A_59 = tpu.memref_slice %arg15[%add3A_21, %dma_wait3A_58] : memref<10240x128xf32, #tpu.memory_space<vmem_shared>> -> memref<80x128xf32, #tpu.memory_space<vmem_shared>>
      tpu.wait_dma2 semaphore(%run_scoped3A : memref<!tpu.dma_semaphore, #tpu.memory_space<semaphore_mem>>) src(%arg11 : memref<80x128xf32, #tpu.memory_space<vmem>>) dst(%dma_wait3A_59 : memref<80x128xf32, #tpu.memory_space<vmem_shared>>)
      tpu.yield
    }) : () -> ()
    %mul3A_22 = arith.constant 640 : i32
    %mul3A_23 = arith.muli %arg1, %mul3A_22 : i32
    %add3A_24 = arith.constant 240 : i32
    %add3A_25 = arith.addi %mul3A_23, %add3A_24 : i32
    "tpu.region"() ({
      %run_scoped3A = tpu.sem_alloc : memref<!tpu.dma_semaphore, #tpu.memory_space<semaphore_mem>>
      %dma_start3A = arith.constant 0 : i32
      %dma_start3A_54 = tpu.memref_slice %arg15[%add3A_25, %dma_start3A] : memref<10240x128xf32, #tpu.memory_space<vmem_shared>> -> memref<80x128xf32, #tpu.memory_space<vmem_shared>>
      %dma_start3A_55 = arith.constant 0 : i32
      %dma_start3A_56 = tpu.memref_slice %arg15[%add3A_25, %dma_start3A_55] : memref<10240x128xf32, #tpu.memory_space<vmem_shared>> -> memref<80x128xf32, #tpu.memory_space<vmem_shared>>
      tpu.enqueue_dma source(%arg11 : memref<80x128xf32, #tpu.memory_space<vmem>>) target(%dma_start3A_56 : memref<80x128xf32, #tpu.memory_space<vmem_shared>>) target_semaphore(%run_scoped3A : memref<!tpu.dma_semaphore, #tpu.memory_space<semaphore_mem>>)
      %dma_wait3A = arith.constant 0 : i32
      %dma_wait3A_57 = tpu.memref_slice %arg15[%add3A_25, %dma_wait3A] : memref<10240x128xf32, #tpu.memory_space<vmem_shared>> -> memref<80x128xf32, #tpu.memory_space<vmem_shared>>
      %dma_wait3A_58 = arith.constant 0 : i32
      %dma_wait3A_59 = tpu.memref_slice %arg15[%add3A_25, %dma_wait3A_58] : memref<10240x128xf32, #tpu.memory_space<vmem_shared>> -> memref<80x128xf32, #tpu.memory_space<vmem_shared>>
      tpu.wait_dma2 semaphore(%run_scoped3A : memref<!tpu.dma_semaphore, #tpu.memory_space<semaphore_mem>>) src(%arg11 : memref<80x128xf32, #tpu.memory_space<vmem>>) dst(%dma_wait3A_59 : memref<80x128xf32, #tpu.memory_space<vmem_shared>>)
      tpu.yield
    }) : () -> ()
    %mul3A_26 = arith.constant 640 : i32
    %mul3A_27 = arith.muli %arg1, %mul3A_26 : i32
    %add3A_28 = arith.constant 320 : i32
    %add3A_29 = arith.addi %mul3A_27, %add3A_28 : i32
    "tpu.region"() ({
      %run_scoped3A = tpu.sem_alloc : memref<!tpu.dma_semaphore, #tpu.memory_space<semaphore_mem>>
      %dma_start3A = arith.constant 0 : i32
      %dma_start3A_54 = tpu.memref_slice %arg15[%add3A_29, %dma_start3A] : memref<10240x128xf32, #tpu.memory_space<vmem_shared>> -> memref<80x128xf32, #tpu.memory_space<vmem_shared>>
      %dma_start3A_55 = arith.constant 0 : i32
      %dma_start3A_56 = tpu.memref_slice %arg15[%add3A_29, %dma_start3A_55] : memref<10240x128xf32, #tpu.memory_space<vmem_shared>> -> memref<80x128xf32, #tpu.memory_space<vmem_shared>>
      tpu.enqueue_dma source(%arg11 : memref<80x128xf32, #tpu.memory_space<vmem>>) target(%dma_start3A_56 : memref<80x128xf32, #tpu.memory_space<vmem_shared>>) target_semaphore(%run_scoped3A : memref<!tpu.dma_semaphore, #tpu.memory_space<semaphore_mem>>)
      %dma_wait3A = arith.constant 0 : i32
      %dma_wait3A_57 = tpu.memref_slice %arg15[%add3A_29, %dma_wait3A] : memref<10240x128xf32, #tpu.memory_space<vmem_shared>> -> memref<80x128xf32, #tpu.memory_space<vmem_shared>>
      %dma_wait3A_58 = arith.constant 0 : i32
      %dma_wait3A_59 = tpu.memref_slice %arg15[%add3A_29, %dma_wait3A_58] : memref<10240x128xf32, #tpu.memory_space<vmem_shared>> -> memref<80x128xf32, #tpu.memory_space<vmem_shared>>
      tpu.wait_dma2 semaphore(%run_scoped3A : memref<!tpu.dma_semaphore, #tpu.memory_space<semaphore_mem>>) src(%arg11 : memref<80x128xf32, #tpu.memory_space<vmem>>) dst(%dma_wait3A_59 : memref<80x128xf32, #tpu.memory_space<vmem_shared>>)
      tpu.yield
    }) : () -> ()
    %mul3A_30 = arith.constant 640 : i32
    %mul3A_31 = arith.muli %arg1, %mul3A_30 : i32
    %add3A_32 = arith.constant 400 : i32
    %add3A_33 = arith.addi %mul3A_31, %add3A_32 : i32
    "tpu.region"() ({
      %run_scoped3A = tpu.sem_alloc : memref<!tpu.dma_semaphore, #tpu.memory_space<semaphore_mem>>
      %dma_start3A = arith.constant 0 : i32
      %dma_start3A_54 = tpu.memref_slice %arg15[%add3A_33, %dma_start3A] : memref<10240x128xf32, #tpu.memory_space<vmem_shared>> -> memref<80x128xf32, #tpu.memory_space<vmem_shared>>
      %dma_start3A_55 = arith.constant 0 : i32
      %dma_start3A_56 = tpu.memref_slice %arg15[%add3A_33, %dma_start3A_55] : memref<10240x128xf32, #tpu.memory_space<vmem_shared>> -> memref<80x128xf32, #tpu.memory_space<vmem_shared>>
      tpu.enqueue_dma source(%arg11 : memref<80x128xf32, #tpu.memory_space<vmem>>) target(%dma_start3A_56 : memref<80x128xf32, #tpu.memory_space<vmem_shared>>) target_semaphore(%run_scoped3A : memref<!tpu.dma_semaphore, #tpu.memory_space<semaphore_mem>>)
      %dma_wait3A = arith.constant 0 : i32
      %dma_wait3A_57 = tpu.memref_slice %arg15[%add3A_33, %dma_wait3A] : memref<10240x128xf32, #tpu.memory_space<vmem_shared>> -> memref<80x128xf32, #tpu.memory_space<vmem_shared>>
      %dma_wait3A_58 = arith.constant 0 : i32
      %dma_wait3A_59 = tpu.memref_slice %arg15[%add3A_33, %dma_wait3A_58] : memref<10240x128xf32, #tpu.memory_space<vmem_shared>> -> memref<80x128xf32, #tpu.memory_space<vmem_shared>>
      tpu.wait_dma2 semaphore(%run_scoped3A : memref<!tpu.dma_semaphore, #tpu.memory_space<semaphore_mem>>) src(%arg11 : memref<80x128xf32, #tpu.memory_space<vmem>>) dst(%dma_wait3A_59 : memref<80x128xf32, #tpu.memory_space<vmem_shared>>)
      tpu.yield
    }) : () -> ()
    %mul3A_34 = arith.constant 640 : i32
    %mul3A_35 = arith.muli %arg1, %mul3A_34 : i32
    %add3A_36 = arith.constant 480 : i32
    %add3A_37 = arith.addi %mul3A_35, %add3A_36 : i32
    "tpu.region"() ({
      %run_scoped3A = tpu.sem_alloc : memref<!tpu.dma_semaphore, #tpu.memory_space<semaphore_mem>>
      %dma_start3A = arith.constant 0 : i32
      %dma_start3A_54 = tpu.memref_slice %arg15[%add3A_37, %dma_start3A] : memref<10240x128xf32, #tpu.memory_space<vmem_shared>> -> memref<80x128xf32, #tpu.memory_space<vmem_shared>>
      %dma_start3A_55 = arith.constant 0 : i32
      %dma_start3A_56 = tpu.memref_slice %arg15[%add3A_37, %dma_start3A_55] : memref<10240x128xf32, #tpu.memory_space<vmem_shared>> -> memref<80x128xf32, #tpu.memory_space<vmem_shared>>
      tpu.enqueue_dma source(%arg11 : memref<80x128xf32, #tpu.memory_space<vmem>>) target(%dma_start3A_56 : memref<80x128xf32, #tpu.memory_space<vmem_shared>>) target_semaphore(%run_scoped3A : memref<!tpu.dma_semaphore, #tpu.memory_space<semaphore_mem>>)
      %dma_wait3A = arith.constant 0 : i32
      %dma_wait3A_57 = tpu.memref_slice %arg15[%add3A_37, %dma_wait3A] : memref<10240x128xf32, #tpu.memory_space<vmem_shared>> -> memref<80x128xf32, #tpu.memory_space<vmem_shared>>
      %dma_wait3A_58 = arith.constant 0 : i32
      %dma_wait3A_59 = tpu.memref_slice %arg15[%add3A_37, %dma_wait3A_58] : memref<10240x128xf32, #tpu.memory_space<vmem_shared>> -> memref<80x128xf32, #tpu.memory_space<vmem_shared>>
      tpu.wait_dma2 semaphore(%run_scoped3A : memref<!tpu.dma_semaphore, #tpu.memory_space<semaphore_mem>>) src(%arg11 : memref<80x128xf32, #tpu.memory_space<vmem>>) dst(%dma_wait3A_59 : memref<80x128xf32, #tpu.memory_space<vmem_shared>>)
      tpu.yield
    }) : () -> ()
    %mul3A_38 = arith.constant 640 : i32
    %mul3A_39 = arith.muli %arg1, %mul3A_38 : i32
    %add3A_40 = arith.constant 560 : i32
    %add3A_41 = arith.addi %mul3A_39, %add3A_40 : i32
    "tpu.region"() ({
      %run_scoped3A = tpu.sem_alloc : memref<!tpu.dma_semaphore, #tpu.memory_space<semaphore_mem>>
      %dma_start3A = arith.constant 0 : i32
      %dma_start3A_54 = tpu.memref_slice %arg15[%add3A_41, %dma_start3A] : memref<10240x128xf32, #tpu.memory_space<vmem_shared>> -> memref<80x128xf32, #tpu.memory_space<vmem_shared>>
      %dma_start3A_55 = arith.constant 0 : i32
      %dma_start3A_56 = tpu.memref_slice %arg15[%add3A_41, %dma_start3A_55] : memref<10240x128xf32, #tpu.memory_space<vmem_shared>> -> memref<80x128xf32, #tpu.memory_space<vmem_shared>>
      tpu.enqueue_dma source(%arg11 : memref<80x128xf32, #tpu.memory_space<vmem>>) target(%dma_start3A_56 : memref<80x128xf32, #tpu.memory_space<vmem_shared>>) target_semaphore(%run_scoped3A : memref<!tpu.dma_semaphore, #tpu.memory_space<semaphore_mem>>)
      %dma_wait3A = arith.constant 0 : i32
      %dma_wait3A_57 = tpu.memref_slice %arg15[%add3A_41, %dma_wait3A] : memref<10240x128xf32, #tpu.memory_space<vmem_shared>> -> memref<80x128xf32, #tpu.memory_space<vmem_shared>>
      %dma_wait3A_58 = arith.constant 0 : i32
      %dma_wait3A_59 = tpu.memref_slice %arg15[%add3A_41, %dma_wait3A_58] : memref<10240x128xf32, #tpu.memory_space<vmem_shared>> -> memref<80x128xf32, #tpu.memory_space<vmem_shared>>
      tpu.wait_dma2 semaphore(%run_scoped3A : memref<!tpu.dma_semaphore, #tpu.memory_space<semaphore_mem>>) src(%arg11 : memref<80x128xf32, #tpu.memory_space<vmem>>) dst(%dma_wait3A_59 : memref<80x128xf32, #tpu.memory_space<vmem_shared>>)
      tpu.yield
    }) : () -> ()
    %barrier3A = arith.constant 0 : index
    tpu.barrier barrier_id(%barrier3A)
    "tpu.region"() ({
      %run_scoped3A = tpu.sem_alloc : memref<!tpu.dma_semaphore, #tpu.memory_space<semaphore_mem>>
      tpu.enqueue_dma source(%arg4 : memref<80x128xf32, #tpu.memory_space<hbm>>) target(%arg11 : memref<80x128xf32, #tpu.memory_space<vmem>>) target_semaphore(%run_scoped3A : memref<!tpu.dma_semaphore, #tpu.memory_space<semaphore_mem>>)
      tpu.wait_dma2 semaphore(%run_scoped3A : memref<!tpu.dma_semaphore, #tpu.memory_space<semaphore_mem>>) src(%arg4 : memref<80x128xf32, #tpu.memory_space<hbm>>) dst(%arg11 : memref<80x128xf32, #tpu.memory_space<vmem>>)
      tpu.yield
    }) : () -> ()
    %scan3A_42 = arith.constant 0 : i32
    %scan3A_43 = arith.constant 0 : i32
    %scan3A_44 = arith.constant 4 : i32
    %scan3A_45 = arith.addi %scan3A_43, %scan3A_44 : i32
    %scan3A_46 = arith.constant 1 : i32
    %scan3A_47 = scf.for %scan3A_54 = %scan3A_43 to %scan3A_45 step %scan3A_46 iter_args(%scan3A_55 = %scan3A_42) -> (i32)  : i32 {
      %mul3A_56 = arith.constant 2592 : i32
      %mul3A_57 = arith.muli %scan3A_54, %mul3A_56 : i32
      %add3A_58 = arith.addi %mul3A_2, %mul3A_57 : i32
      "tpu.region"() ({
        %run_scoped3A = tpu.sem_alloc : memref<!tpu.dma_semaphore, #tpu.memory_space<semaphore_mem>>
        %dma_start3A = tpu.memref_slice %arg5[%add3A_58] : memref<331776xi32, #tpu.memory_space<hbm>> -> memref<2592xi32, #tpu.memory_space<hbm>>
        %dma_start3A_78 = tpu.memref_slice %arg5[%add3A_58] : memref<331776xi32, #tpu.memory_space<hbm>> -> memref<2592xi32, #tpu.memory_space<hbm>>
        tpu.enqueue_dma source(%dma_start3A_78 : memref<2592xi32, #tpu.memory_space<hbm>>) target(%arg8 : memref<2592xi32, #tpu.memory_space<vmem>>) target_semaphore(%run_scoped3A : memref<!tpu.dma_semaphore, #tpu.memory_space<semaphore_mem>>)
        %dma_wait3A = tpu.memref_slice %arg5[%add3A_58] : memref<331776xi32, #tpu.memory_space<hbm>> -> memref<2592xi32, #tpu.memory_space<hbm>>
        %dma_wait3A_79 = tpu.memref_slice %arg5[%add3A_58] : memref<331776xi32, #tpu.memory_space<hbm>> -> memref<2592xi32, #tpu.memory_space<hbm>>
        tpu.wait_dma2 semaphore(%run_scoped3A : memref<!tpu.dma_semaphore, #tpu.memory_space<semaphore_mem>>) src(%dma_wait3A_79 : memref<2592xi32, #tpu.memory_space<hbm>>) dst(%arg8 : memref<2592xi32, #tpu.memory_space<vmem>>)
        tpu.yield
      }) : () -> ()
      "tpu.region"() ({
        %run_scoped3A = tpu.sem_alloc : memref<!tpu.dma_semaphore, #tpu.memory_space<semaphore_mem>>
        %dma_start3A = tpu.memref_slice %arg6[%add3A_58] : memref<331776xi32, #tpu.memory_space<hbm>> -> memref<2592xi32, #tpu.memory_space<hbm>>
        %dma_start3A_78 = tpu.memref_slice %arg6[%add3A_58] : memref<331776xi32, #tpu.memory_space<hbm>> -> memref<2592xi32, #tpu.memory_space<hbm>>
        tpu.enqueue_dma source(%dma_start3A_78 : memref<2592xi32, #tpu.memory_space<hbm>>) target(%arg9 : memref<2592xi32, #tpu.memory_space<vmem>>) target_semaphore(%run_scoped3A : memref<!tpu.dma_semaphore, #tpu.memory_space<semaphore_mem>>)
        %dma_wait3A = tpu.memref_slice %arg6[%add3A_58] : memref<331776xi32, #tpu.memory_space<hbm>> -> memref<2592xi32, #tpu.memory_space<hbm>>
        %dma_wait3A_79 = tpu.memref_slice %arg6[%add3A_58] : memref<331776xi32, #tpu.memory_space<hbm>> -> memref<2592xi32, #tpu.memory_space<hbm>>
        tpu.wait_dma2 semaphore(%run_scoped3A : memref<!tpu.dma_semaphore, #tpu.memory_space<semaphore_mem>>) src(%dma_wait3A_79 : memref<2592xi32, #tpu.memory_space<hbm>>) dst(%arg9 : memref<2592xi32, #tpu.memory_space<vmem>>)
        tpu.yield
      }) : () -> ()
      "tpu.region"() ({
        %run_scoped3A = tpu.sem_alloc : memref<!tpu.dma_semaphore, #tpu.memory_space<semaphore_mem>>
        %dma_start3A = tpu.memref_slice %arg3[%add3A_58] : memref<331776xf32, #tpu.memory_space<hbm>> -> memref<2592xf32, #tpu.memory_space<hbm>>
        %dma_start3A_78 = tpu.memref_slice %arg3[%add3A_58] : memref<331776xf32, #tpu.memory_space<hbm>> -> memref<2592xf32, #tpu.memory_space<hbm>>
        tpu.enqueue_dma source(%dma_start3A_78 : memref<2592xf32, #tpu.memory_space<hbm>>) target(%arg10 : memref<2592xf32, #tpu.memory_space<vmem>>) target_semaphore(%run_scoped3A : memref<!tpu.dma_semaphore, #tpu.memory_space<semaphore_mem>>)
        %dma_wait3A = tpu.memref_slice %arg3[%add3A_58] : memref<331776xf32, #tpu.memory_space<hbm>> -> memref<2592xf32, #tpu.memory_space<hbm>>
        %dma_wait3A_79 = tpu.memref_slice %arg3[%add3A_58] : memref<331776xf32, #tpu.memory_space<hbm>> -> memref<2592xf32, #tpu.memory_space<hbm>>
        tpu.wait_dma2 semaphore(%run_scoped3A : memref<!tpu.dma_semaphore, #tpu.memory_space<semaphore_mem>>) src(%dma_wait3A_79 : memref<2592xf32, #tpu.memory_space<hbm>>) dst(%arg10 : memref<2592xf32, #tpu.memory_space<vmem>>)
        tpu.yield
      }) : () -> ()
      %get3A = arith.constant 0 : index
      %get3A_59 = tpu.vector_load %arg9[%get3A] {strides = array<i32>} : memref<2592xi32, #tpu.memory_space<vmem>>, vector<16xi32>,
      %get3A_60 = arith.constant 0 : index
      %get3A_61 = tpu.vector_load %arg10[%get3A_60] {strides = array<i32>} : memref<2592xf32, #tpu.memory_space<vmem>>, vector<16xf32>,
      %shift_right_logical3A = arith.constant 7 : i32
      %shift_right_logical3A_62 = vector.broadcast %shift_right_logical3A : i32 to vector<16xi32>
      %shift_right_logical3A_63 = arith.shrui %get3A_59, %shift_right_logical3A_62 : vector<16xi32>
      %and3A = arith.constant 127 : i32
      %and3A_64 = vector.broadcast %and3A : i32 to vector<16xi32>
      %and3A_65 = arith.andi %get3A_59, %and3A_64 : vector<16xi32>
      %gather3A = tpu.vector_load_idx %arg11[%shift_right_logical3A_63, %and3A_65] : memref<80x128xf32, #tpu.memory_space<vmem>>[vector<16xi32>, vector<16xi32>], vector<16xf32>,
      %mul3A_66 = arith.mulf %get3A_61, %gather3A : vector<16xf32>
      %swap3A = arith.constant 0 : i32
      %swap3A_67 = arith.index_cast %swap3A : i32 to index
      %swap3A_68 = arith.constant 0 : index
      %swap3A_69 = tpu.vector_load %arg13[%swap3A_67, %swap3A_68] {strides = array<i32>} : memref<1x16xf32, #tpu.memory_space<vmem>>, vector<16xf32>,
      tpu.vector_store %arg13[%swap3A_67, %swap3A_68], %mul3A_66 {strides = array<i32>} : memref<1x16xf32, #tpu.memory_space<vmem>>, vector<16xf32>,
      %scan3A_70 = arith.constant 0 : i32
      %scan3A_71 = arith.constant 0 : i32
      %scan3A_72 = arith.constant 81 : i32
      %scan3A_73 = arith.addi %scan3A_71, %scan3A_72 : i32
      %scan3A_74 = arith.constant 1 : i32
      %scan3A_75 = scf.for %scan3A_78 = %scan3A_71 to %scan3A_73 step %scan3A_74 iter_args(%scan3A_79 = %scan3A_70) -> (i32)  : i32 {
        %mul3A_80 = arith.constant 2 : i32
        %mul3A_81 = arith.muli %scan3A_78, %mul3A_80 : i32
        %add3A_82 = arith.constant 0 : i32
        %add3A_83 = arith.addi %mul3A_81, %add3A_82 : i32
        %mul3A_84 = arith.constant 16 : i32
        %mul3A_85 = arith.muli %add3A_83, %mul3A_84 : i32
        %get3A_86 = arith.index_cast %mul3A_85 : i32 to index
        %get3A_87 = tpu.vector_load %arg8[%get3A_86] {strides = array<i32>} : memref<2592xi32, #tpu.memory_space<vmem>>, vector<16xi32>,
        %get3A_88 = arith.index_cast %mul3A_85 : i32 to index
        %get3A_89 = tpu.vector_load %arg9[%get3A_88] {strides = array<i32>} : memref<2592xi32, #tpu.memory_space<vmem>>, vector<16xi32>,
        %mul3A_90 = arith.constant 0 : i32
        %mul3A_91 = vector.broadcast %mul3A_90 : i32 to vector<16xi32>
        %mul3A_92 = arith.muli %get3A_89, %mul3A_91 : vector<16xi32>
        %dma_start3A = arith.constant 0 : i32
        %dma_start3A_93 = arith.constant 0 : i32
        %dma_start3A_94 = tpu.memref_slice %arg2[%dma_start3A, %dma_start3A_93] : memref<10240x128xf32, #tpu.memory_space<hbm>> -> memref<10240x128xf32, #tpu.memory_space<hbm>>
        tpu.enqueue_indirect_dma source(%dma_start3A_94 : memref<10240x128xf32, #tpu.memory_space<hbm>>) target(%arg12 : memref<16x128xf32, #tpu.memory_space<vmem>>) offsets(%get3A_87 : vector<16xi32>) semaphore(%arg16 : memref<!tpu.dma_semaphore, #tpu.memory_space<semaphore_mem>>)
        %dma_wait3A = arith.constant 0 : i32
        %dma_wait3A_95 = arith.constant 0 : i32
        %dma_wait3A_96 = tpu.memref_slice %arg2[%dma_wait3A, %dma_wait3A_95] : memref<10240x128xf32, #tpu.memory_space<hbm>> -> memref<10240x128xf32, #tpu.memory_space<hbm>>
        tpu.wait_indirect_dma semaphore(%arg16 : memref<!tpu.dma_semaphore, #tpu.memory_space<semaphore_mem>>) src(%dma_wait3A_96 : memref<10240x128xf32, #tpu.memory_space<hbm>>) dst(%arg12 : memref<16x128xf32, #tpu.memory_space<vmem>>)
        %add3A_97 = arith.constant 1 : i32
        %add3A_98 = arith.addi %add3A_83, %add3A_97 : i32
        %min3A = arith.constant 161 : i32
        %min3A_99 = arith.minsi %add3A_98, %min3A : i32
        %mul3A_100 = arith.constant 16 : i32
        %mul3A_101 = arith.muli %min3A_99, %mul3A_100 : i32
        %get3A_102 = arith.index_cast %mul3A_101 : i32 to index
        %get3A_103 = tpu.vector_load %arg9[%get3A_102] {strides = array<i32>} : memref<2592xi32, #tpu.memory_space<vmem>>, vector<16xi32>,
        %get3A_104 = arith.index_cast %mul3A_101 : i32 to index
        %get3A_105 = tpu.vector_load %arg10[%get3A_104] {strides = array<i32>} : memref<2592xf32, #tpu.memory_space<vmem>>, vector<16xf32>,
        %shift_right_logical3A_106 = arith.constant 7 : i32
        %shift_right_logical3A_107 = vector.broadcast %shift_right_logical3A_106 : i32 to vector<16xi32>
        %shift_right_logical3A_108 = arith.shrui %get3A_103, %shift_right_logical3A_107 : vector<16xi32>
        %and3A_109 = arith.constant 127 : i32
        %and3A_110 = vector.broadcast %and3A_109 : i32 to vector<16xi32>
        %and3A_111 = arith.andi %get3A_103, %and3A_110 : vector<16xi32>
        %gather3A_112 = tpu.vector_load_idx %arg11[%shift_right_logical3A_108, %and3A_111] : memref<80x128xf32, #tpu.memory_space<vmem>>[vector<16xi32>, vector<16xi32>], vector<16xf32>,
        %mul3A_113 = arith.mulf %get3A_105, %gather3A_112 : vector<16xf32>
        %swap3A_114 = arith.constant 0 : i32
        %swap3A_115 = arith.index_cast %swap3A_114 : i32 to index
        %swap3A_116 = arith.constant 0 : index
        %swap3A_117 = tpu.vector_load %arg14[%swap3A_115, %swap3A_116] {strides = array<i32>} : memref<1x16xf32, #tpu.memory_space<vmem>>, vector<16xf32>,
        tpu.vector_store %arg14[%swap3A_115, %swap3A_116], %mul3A_113 {strides = array<i32>} : memref<1x16xf32, #tpu.memory_space<vmem>>, vector<16xf32>,
        %get3A_118 = arith.constant 0 : i32
        %get3A_119 = arith.index_cast %get3A_118 : i32 to index
        %get3A_120 = arith.constant 0 : index
        %get3A_121 = tpu.vector_load %arg13[%get3A_119, %get3A_120] {strides = array<i32>} : memref<1x16xf32, #tpu.memory_space<vmem>>, vector<16xf32>,
        %add3A_122 = arith.constant 0 : i32
        %add3A_123 = vector.broadcast %add3A_122 : i32 to vector<16xi32>
        %add3A_124 = arith.addi %mul3A_92, %add3A_123 : vector<16xi32>
        %reshape3A = vector.shape_cast %add3A_124 : vector<16xi32> to vector<16x1xi32>
        %gather3A_125 = vector.shape_cast %reshape3A : vector<16x1xi32> to vector<16xi32>
        %gather3A_126 = tpu.dynamic_gather %get3A_121[%gather3A_125] in [0] : vector<16xf32>, vector<16xi32> -> vector<16xf32>
        %get3A_127 = arith.constant 0 : i32
        %get3A_128 = arith.index_cast %get3A_127 : i32 to index
        %get3A_129 = arith.constant 0 : index
        %get3A_130 = tpu.vector_load %arg12[%get3A_128, %get3A_129] {strides = array<i32>} : memref<16x128xf32, #tpu.memory_space<vmem>>, vector<16xf32>,
        %mul3A_131 = arith.mulf %get3A_130, %gather3A_126 : vector<16xf32>
        %swap3A_132 = arith.constant 0 : i32
        %swap3A_133 = arith.index_cast %swap3A_132 : i32 to index
        %swap3A_134 = arith.constant 0 : index
        %swap3A_135 = tpu.vector_load %arg12[%swap3A_133, %swap3A_134] {strides = array<i32>} : memref<16x128xf32, #tpu.memory_space<vmem>>, vector<16xf32>,
        tpu.vector_store %arg12[%swap3A_133, %swap3A_134], %mul3A_131 {strides = array<i32>} : memref<16x128xf32, #tpu.memory_space<vmem>>, vector<16xf32>,
        %get3A_136 = arith.constant 0 : i32
        %get3A_137 = arith.index_cast %get3A_136 : i32 to index
        %get3A_138 = arith.constant 16 : index
        %get3A_139 = tpu.vector_load %arg12[%get3A_137, %get3A_138] {strides = array<i32>} : memref<16x128xf32, #tpu.memory_space<vmem>>, vector<16xf32>,
        %mul3A_140 = arith.mulf %get3A_139, %gather3A_126 : vector<16xf32>
        %swap3A_141 = arith.constant 0 : i32
        %swap3A_142 = arith.index_cast %swap3A_141 : i32 to index
        %swap3A_143 = arith.constant 16 : index
        %swap3A_144 = tpu.vector_load %arg12[%swap3A_142, %swap3A_143] {strides = array<i32>} : memref<16x128xf32, #tpu.memory_space<vmem>>, vector<16xf32>,
        tpu.vector_store %arg12[%swap3A_142, %swap3A_143], %mul3A_140 {strides = array<i32>} : memref<16x128xf32, #tpu.memory_space<vmem>>, vector<16xf32>,
        %get3A_145 = arith.constant 0 : i32
        %get3A_146 = arith.index_cast %get3A_145 : i32 to index
        %get3A_147 = arith.constant 32 : index
        %get3A_148 = tpu.vector_load %arg12[%get3A_146, %get3A_147] {strides = array<i32>} : memref<16x128xf32, #tpu.memory_space<vmem>>, vector<16xf32>,
        %mul3A_149 = arith.mulf %get3A_148, %gather3A_126 : vector<16xf32>
        %swap3A_150 = arith.constant 0 : i32
        %swap3A_151 = arith.index_cast %swap3A_150 : i32 to index
        %swap3A_152 = arith.constant 32 : index
        %swap3A_153 = tpu.vector_load %arg12[%swap3A_151, %swap3A_152] {strides = array<i32>} : memref<16x128xf32, #tpu.memory_space<vmem>>, vector<16xf32>,
        tpu.vector_store %arg12[%swap3A_151, %swap3A_152], %mul3A_149 {strides = array<i32>} : memref<16x128xf32, #tpu.memory_space<vmem>>, vector<16xf32>,
        %get3A_154 = arith.constant 0 : i32
        %get3A_155 = arith.index_cast %get3A_154 : i32 to index
        %get3A_156 = arith.constant 48 : index
        %get3A_157 = tpu.vector_load %arg12[%get3A_155, %get3A_156] {strides = array<i32>} : memref<16x128xf32, #tpu.memory_space<vmem>>, vector<16xf32>,
        %mul3A_158 = arith.mulf %get3A_157, %gather3A_126 : vector<16xf32>
        %swap3A_159 = arith.constant 0 : i32
        %swap3A_160 = arith.index_cast %swap3A_159 : i32 to index
        %swap3A_161 = arith.constant 48 : index
        %swap3A_162 = tpu.vector_load %arg12[%swap3A_160, %swap3A_161] {strides = array<i32>} : memref<16x128xf32, #tpu.memory_space<vmem>>, vector<16xf32>,
        tpu.vector_store %arg12[%swap3A_160, %swap3A_161], %mul3A_158 {strides = array<i32>} : memref<16x128xf32, #tpu.memory_space<vmem>>, vector<16xf32>,
        %get3A_163 = arith.constant 0 : i32
        %get3A_164 = arith.index_cast %get3A_163 : i32 to index
        %get3A_165 = arith.constant 64 : index
        %get3A_166 = tpu.vector_load %arg12[%get3A_164, %get3A_165] {strides = array<i32>} : memref<16x128xf32, #tpu.memory_space<vmem>>, vector<16xf32>,
        %mul3A_167 = arith.mulf %get3A_166, %gather3A_126 : vector<16xf32>
        %swap3A_168 = arith.constant 0 : i32
        %swap3A_169 = arith.index_cast %swap3A_168 : i32 to index
        %swap3A_170 = arith.constant 64 : index
        %swap3A_171 = tpu.vector_load %arg12[%swap3A_169, %swap3A_170] {strides = array<i32>} : memref<16x128xf32, #tpu.memory_space<vmem>>, vector<16xf32>,
        tpu.vector_store %arg12[%swap3A_169, %swap3A_170], %mul3A_167 {strides = array<i32>} : memref<16x128xf32, #tpu.memory_space<vmem>>, vector<16xf32>,
        %get3A_172 = arith.constant 0 : i32
        %get3A_173 = arith.index_cast %get3A_172 : i32 to index
        %get3A_174 = arith.constant 80 : index
        %get3A_175 = tpu.vector_load %arg12[%get3A_173, %get3A_174] {strides = array<i32>} : memref<16x128xf32, #tpu.memory_space<vmem>>, vector<16xf32>,
        %mul3A_176 = arith.mulf %get3A_175, %gather3A_126 : vector<16xf32>
        %swap3A_177 = arith.constant 0 : i32
        %swap3A_178 = arith.index_cast %swap3A_177 : i32 to index
        %swap3A_179 = arith.constant 80 : index
        %swap3A_180 = tpu.vector_load %arg12[%swap3A_178, %swap3A_179] {strides = array<i32>} : memref<16x128xf32, #tpu.memory_space<vmem>>, vector<16xf32>,
        tpu.vector_store %arg12[%swap3A_178, %swap3A_179], %mul3A_176 {strides = array<i32>} : memref<16x128xf32, #tpu.memory_space<vmem>>, vector<16xf32>,
        %get3A_181 = arith.constant 0 : i32
        %get3A_182 = arith.index_cast %get3A_181 : i32 to index
        %get3A_183 = arith.constant 96 : index
        %get3A_184 = tpu.vector_load %arg12[%get3A_182, %get3A_183] {strides = array<i32>} : memref<16x128xf32, #tpu.memory_space<vmem>>, vector<16xf32>,
        %mul3A_185 = arith.mulf %get3A_184, %gather3A_126 : vector<16xf32>
        %swap3A_186 = arith.constant 0 : i32
        %swap3A_187 = arith.index_cast %swap3A_186 : i32 to index
        %swap3A_188 = arith.constant 96 : index
        %swap3A_189 = tpu.vector_load %arg12[%swap3A_187, %swap3A_188] {strides = array<i32>} : memref<16x128xf32, #tpu.memory_space<vmem>>, vector<16xf32>,
        tpu.vector_store %arg12[%swap3A_187, %swap3A_188], %mul3A_185 {strides = array<i32>} : memref<16x128xf32, #tpu.memory_space<vmem>>, vector<16xf32>,
        %get3A_190 = arith.constant 0 : i32
        %get3A_191 = arith.index_cast %get3A_190 : i32 to index
        %get3A_192 = arith.constant 112 : index
        %get3A_193 = tpu.vector_load %arg12[%get3A_191, %get3A_192] {strides = array<i32>} : memref<16x128xf32, #tpu.memory_space<vmem>>, vector<16xf32>,
        %mul3A_194 = arith.mulf %get3A_193, %gather3A_126 : vector<16xf32>
        %swap3A_195 = arith.constant 0 : i32
        %swap3A_196 = arith.index_cast %swap3A_195 : i32 to index
        %swap3A_197 = arith.constant 112 : index
        %swap3A_198 = tpu.vector_load %arg12[%swap3A_196, %swap3A_197] {strides = array<i32>} : memref<16x128xf32, #tpu.memory_space<vmem>>, vector<16xf32>,
        tpu.vector_store %arg12[%swap3A_196, %swap3A_197], %mul3A_194 {strides = array<i32>} : memref<16x128xf32, #tpu.memory_space<vmem>>, vector<16xf32>,
        %add3A_199 = arith.constant 1 : i32
        %add3A_200 = vector.broadcast %add3A_199 : i32 to vector<16xi32>
        %add3A_201 = arith.addi %mul3A_92, %add3A_200 : vector<16xi32>
        %reshape3A_202 = vector.shape_cast %add3A_201 : vector<16xi32> to vector<16x1xi32>
        %gather3A_203 = vector.shape_cast %reshape3A_202 : vector<16x1xi32> to vector<16xi32>
        %gather3A_204 = tpu.dynamic_gather %get3A_121[%gather3A_203] in [0] : vector<16xf32>, vector<16xi32> -> vector<16xf32>
        %get3A_205 = arith.constant 1 : i32
        %get3A_206 = arith.index_cast %get3A_205 : i32 to index
        %get3A_207 = arith.constant 0 : index
        %get3A_208 = tpu.vector_load %arg12[%get3A_206, %get3A_207] {strides = array<i32>} : memref<16x128xf32, #tpu.memory_space<vmem>>, vector<16xf32>,
        %mul3A_209 = arith.mulf %get3A_208, %gather3A_204 : vector<16xf32>
        %swap3A_210 = arith.constant 1 : i32
        %swap3A_211 = arith.index_cast %swap3A_210 : i32 to index
        %swap3A_212 = arith.constant 0 : index
        %swap3A_213 = tpu.vector_load %arg12[%swap3A_211, %swap3A_212] {strides = array<i32>} : memref<16x128xf32, #tpu.memory_space<vmem>>, vector<16xf32>,
        tpu.vector_store %arg12[%swap3A_211, %swap3A_212], %mul3A_209 {strides = array<i32>} : memref<16x128xf32, #tpu.memory_space<vmem>>, vector<16xf32>,
        %get3A_214 = arith.constant 1 : i32
        %get3A_215 = arith.index_cast %get3A_214 : i32 to index
        %get3A_216 = arith.constant 16 : index
        %get3A_217 = tpu.vector_load %arg12[%get3A_215, %get3A_216] {strides = array<i32>} : memref<16x128xf32, #tpu.memory_space<vmem>>, vector<16xf32>,
        %mul3A_218 = arith.mulf %get3A_217, %gather3A_204 : vector<16xf32>
        %swap3A_219 = arith.constant 1 : i32
        %swap3A_220 = arith.index_cast %swap3A_219 : i32 to index
        %swap3A_221 = arith.constant 16 : index
        %swap3A_222 = tpu.vector_load %arg12[%swap3A_220, %swap3A_221] {strides = array<i32>} : memref<16x128xf32, #tpu.memory_space<vmem>>, vector<16xf32>,
        tpu.vector_store %arg12[%swap3A_220, %swap3A_221], %mul3A_218 {strides = array<i32>} : memref<16x128xf32, #tpu.memory_space<vmem>>, vector<16xf32>,
        %get3A_223 = arith.constant 1 : i32
        %get3A_224 = arith.index_cast %get3A_223 : i32 to index
        %get3A_225 = arith.constant 32 : index
        %get3A_226 = tpu.vector_load %arg12[%get3A_224, %get3A_225] {strides = array<i32>} : memref<16x128xf32, #tpu.memory_space<vmem>>, vector<16xf32>,
        %mul3A_227 = arith.mulf %get3A_226, %gather3A_204 : vector<16xf32>
        %swap3A_228 = arith.constant 1 : i32
        %swap3A_229 = arith.index_cast %swap3A_228 : i32 to index
        %swap3A_230 = arith.constant 32 : index
        %swap3A_231 = tpu.vector_load %arg12[%swap3A_229, %swap3A_230] {strides = array<i32>} : memref<16x128xf32, #tpu.memory_space<vmem>>, vector<16xf32>,
        tpu.vector_store %arg12[%swap3A_229, %swap3A_230], %mul3A_227 {strides = array<i32>} : memref<16x128xf32, #tpu.memory_space<vmem>>, vector<16xf32>,
        %get3A_232 = arith.constant 1 : i32
        %get3A_233 = arith.index_cast %get3A_232 : i32 to index
        %get3A_234 = arith.constant 48 : index
        %get3A_235 = tpu.vector_load %arg12[%get3A_233, %get3A_234] {strides = array<i32>} : memref<16x128xf32, #tpu.memory_space<vmem>>, vector<16xf32>,
        %mul3A_236 = arith.mulf %get3A_235, %gather3A_204 : vector<16xf32>
        %swap3A_237 = arith.constant 1 : i32
        %swap3A_238 = arith.index_cast %swap3A_237 : i32 to index
        %swap3A_239 = arith.constant 48 : index
        %swap3A_240 = tpu.vector_load %arg12[%swap3A_238, %swap3A_239] {strides = array<i32>} : memref<16x128xf32, #tpu.memory_space<vmem>>, vector<16xf32>,
        tpu.vector_store %arg12[%swap3A_238, %swap3A_239], %mul3A_236 {strides = array<i32>} : memref<16x128xf32, #tpu.memory_space<vmem>>, vector<16xf32>,
        %get3A_241 = arith.constant 1 : i32
        %get3A_242 = arith.index_cast %get3A_241 : i32 to index
        %get3A_243 = arith.constant 64 : index
        %get3A_244 = tpu.vector_load %arg12[%get3A_242, %get3A_243] {strides = array<i32>} : memref<16x128xf32, #tpu.memory_space<vmem>>, vector<16xf32>,
        %mul3A_245 = arith.mulf %get3A_244, %gather3A_204 : vector<16xf32>
        %swap3A_246 = arith.constant 1 : i32
        %swap3A_247 = arith.index_cast %swap3A_246 : i32 to index
        %swap3A_248 = arith.constant 64 : index
        %swap3A_249 = tpu.vector_load %arg12[%swap3A_247, %swap3A_248] {strides = array<i32>} : memref<16x128xf32, #tpu.memory_space<vmem>>, vector<16xf32>,
        tpu.vector_store %arg12[%swap3A_247, %swap3A_248], %mul3A_245 {strides = array<i32>} : memref<16x128xf32, #tpu.memory_space<vmem>>, vector<16xf32>,
        %get3A_250 = arith.constant 1 : i32
        %get3A_251 = arith.index_cast %get3A_250 : i32 to index
        %get3A_252 = arith.constant 80 : index
        %get3A_253 = tpu.vector_load %arg12[%get3A_251, %get3A_252] {strides = array<i32>} : memref<16x128xf32, #tpu.memory_space<vmem>>, vector<16xf32>,
        %mul3A_254 = arith.mulf %get3A_253, %gather3A_204 : vector<16xf32>
        %swap3A_255 = arith.constant 1 : i32
        %swap3A_256 = arith.index_cast %swap3A_255 : i32 to index
        %swap3A_257 = arith.constant 80 : index
        %swap3A_258 = tpu.vector_load %arg12[%swap3A_256, %swap3A_257] {strides = array<i32>} : memref<16x128xf32, #tpu.memory_space<vmem>>, vector<16xf32>,
        tpu.vector_store %arg12[%swap3A_256, %swap3A_257], %mul3A_254 {strides = array<i32>} : memref<16x128xf32, #tpu.memory_space<vmem>>, vector<16xf32>,
        %get3A_259 = arith.constant 1 : i32
        %get3A_260 = arith.index_cast %get3A_259 : i32 to index
        %get3A_261 = arith.constant 96 : index
        %get3A_262 = tpu.vector_load %arg12[%get3A_260, %get3A_261] {strides = array<i32>} : memref<16x128xf32, #tpu.memory_space<vmem>>, vector<16xf32>,
        %mul3A_263 = arith.mulf %get3A_262, %gather3A_204 : vector<16xf32>
        %swap3A_264 = arith.constant 1 : i32
        %swap3A_265 = arith.index_cast %swap3A_264 : i32 to index
        %swap3A_266 = arith.constant 96 : index
        %swap3A_267 = tpu.vector_load %arg12[%swap3A_265, %swap3A_266] {strides = array<i32>} : memref<16x128xf32, #tpu.memory_space<vmem>>, vector<16xf32>,
        tpu.vector_store %arg12[%swap3A_265, %swap3A_266], %mul3A_263 {strides = array<i32>} : memref<16x128xf32, #tpu.memory_space<vmem>>, vector<16xf32>,
        %get3A_268 = arith.constant 1 : i32
        %get3A_269 = arith.index_cast %get3A_268 : i32 to index
        %get3A_270 = arith.constant 112 : index
        %get3A_271 = tpu.vector_load %arg12[%get3A_269, %get3A_270] {strides = array<i32>} : memref<16x128xf32, #tpu.memory_space<vmem>>, vector<16xf32>,
        %mul3A_272 = arith.mulf %get3A_271, %gather3A_204 : vector<16xf32>
        %swap3A_273 = arith.constant 1 : i32
        %swap3A_274 = arith.index_cast %swap3A_273 : i32 to index
        %swap3A_275 = arith.constant 112 : index
        %swap3A_276 = tpu.vector_load %arg12[%swap3A_274, %swap3A_275] {strides = array<i32>} : memref<16x128xf32, #tpu.memory_space<vmem>>, vector<16xf32>,
        tpu.vector_store %arg12[%swap3A_274, %swap3A_275], %mul3A_272 {strides = array<i32>} : memref<16x128xf32, #tpu.memory_space<vmem>>, vector<16xf32>,
        %add3A_277 = arith.constant 2 : i32
        %add3A_278 = vector.broadcast %add3A_277 : i32 to vector<16xi32>
        %add3A_279 = arith.addi %mul3A_92, %add3A_278 : vector<16xi32>
        %reshape3A_280 = vector.shape_cast %add3A_279 : vector<16xi32> to vector<16x1xi32>
        %gather3A_281 = vector.shape_cast %reshape3A_280 : vector<16x1xi32> to vector<16xi32>
        %gather3A_282 = tpu.dynamic_gather %get3A_121[%gather3A_281] in [0] : vector<16xf32>, vector<16xi32> -> vector<16xf32>
        %get3A_283 = arith.constant 2 : i32
        %get3A_284 = arith.index_cast %get3A_283 : i32 to index
        %get3A_285 = arith.constant 0 : index
        %get3A_286 = tpu.vector_load %arg12[%get3A_284, %get3A_285] {strides = array<i32>} : memref<16x128xf32, #tpu.memory_space<vmem>>, vector<16xf32>,
        %mul3A_287 = arith.mulf %get3A_286, %gather3A_282 : vector<16xf32>
        %swap3A_288 = arith.constant 2 : i32
        %swap3A_289 = arith.index_cast %swap3A_288 : i32 to index
        %swap3A_290 = arith.constant 0 : index
        %swap3A_291 = tpu.vector_load %arg12[%swap3A_289, %swap3A_290] {strides = array<i32>} : memref<16x128xf32, #tpu.memory_space<vmem>>, vector<16xf32>,
        tpu.vector_store %arg12[%swap3A_289, %swap3A_290], %mul3A_287 {strides = array<i32>} : memref<16x128xf32, #tpu.memory_space<vmem>>, vector<16xf32>,
        %get3A_292 = arith.constant 2 : i32
        %get3A_293 = arith.index_cast %get3A_292 : i32 to index
        %get3A_294 = arith.constant 16 : index
        %get3A_295 = tpu.vector_load %arg12[%get3A_293, %get3A_294] {strides = array<i32>} : memref<16x128xf32, #tpu.memory_space<vmem>>, vector<16xf32>,
        %mul3A_296 = arith.mulf %get3A_295, %gather3A_282 : vector<16xf32>
        %swap3A_297 = arith.constant 2 : i32
        %swap3A_298 = arith.index_cast %swap3A_297 : i32 to index
        %swap3A_299 = arith.constant 16 : index
        %swap3A_300 = tpu.vector_load %arg12[%swap3A_298, %swap3A_299] {strides = array<i32>} : memref<16x128xf32, #tpu.memory_space<vmem>>, vector<16xf32>,
        tpu.vector_store %arg12[%swap3A_298, %swap3A_299], %mul3A_296 {strides = array<i32>} : memref<16x128xf32, #tpu.memory_space<vmem>>, vector<16xf32>,
        %get3A_301 = arith.constant 2 : i32
        %get3A_302 = arith.index_cast %get3A_301 : i32 to index
        %get3A_303 = arith.constant 32 : index
        %get3A_304 = tpu.vector_load %arg12[%get3A_302, %get3A_303] {strides = array<i32>} : memref<16x128xf32, #tpu.memory_space<vmem>>, vector<16xf32>,
        %mul3A_305 = arith.mulf %get3A_304, %gather3A_282 : vector<16xf32>
        %swap3A_306 = arith.constant 2 : i32
        %swap3A_307 = arith.index_cast %swap3A_306 : i32 to index
        %swap3A_308 = arith.constant 32 : index
        %swap3A_309 = tpu.vector_load %arg12[%swap3A_307, %swap3A_308] {strides = array<i32>} : memref<16x128xf32, #tpu.memory_space<vmem>>, vector<16xf32>,
        tpu.vector_store %arg12[%swap3A_307, %swap3A_308], %mul3A_305 {strides = array<i32>} : memref<16x128xf32, #tpu.memory_space<vmem>>, vector<16xf32>,
        %get3A_310 = arith.constant 2 : i32
        %get3A_311 = arith.index_cast %get3A_310 : i32 to index
        %get3A_312 = arith.constant 48 : index
        %get3A_313 = tpu.vector_load %arg12[%get3A_311, %get3A_312] {strides = array<i32>} : memref<16x128xf32, #tpu.memory_space<vmem>>, vector<16xf32>,
        %mul3A_314 = arith.mulf %get3A_313, %gather3A_282 : vector<16xf32>
        %swap3A_315 = arith.constant 2 : i32
        %swap3A_316 = arith.index_cast %swap3A_315 : i32 to index
        %swap3A_317 = arith.constant 48 : index
        %swap3A_318 = tpu.vector_load %arg12[%swap3A_316, %swap3A_317] {strides = array<i32>} : memref<16x128xf32, #tpu.memory_space<vmem>>, vector<16xf32>,
        tpu.vector_store %arg12[%swap3A_316, %swap3A_317], %mul3A_314 {strides = array<i32>} : memref<16x128xf32, #tpu.memory_space<vmem>>, vector<16xf32>,
        %get3A_319 = arith.constant 2 : i32
        %get3A_320 = arith.index_cast %get3A_319 : i32 to index
        %get3A_321 = arith.constant 64 : index
        %get3A_322 = tpu.vector_load %arg12[%get3A_320, %get3A_321] {strides = array<i32>} : memref<16x128xf32, #tpu.memory_space<vmem>>, vector<16xf32>,
        %mul3A_323 = arith.mulf %get3A_322, %gather3A_282 : vector<16xf32>
        %swap3A_324 = arith.constant 2 : i32
        %swap3A_325 = arith.index_cast %swap3A_324 : i32 to index
        %swap3A_326 = arith.constant 64 : index
        %swap3A_327 = tpu.vector_load %arg12[%swap3A_325, %swap3A_326] {strides = array<i32>} : memref<16x128xf32, #tpu.memory_space<vmem>>, vector<16xf32>,
        tpu.vector_store %arg12[%swap3A_325, %swap3A_326], %mul3A_323 {strides = array<i32>} : memref<16x128xf32, #tpu.memory_space<vmem>>, vector<16xf32>,
        %get3A_328 = arith.constant 2 : i32
        %get3A_329 = arith.index_cast %get3A_328 : i32 to index
        %get3A_330 = arith.constant 80 : index
        %get3A_331 = tpu.vector_load %arg12[%get3A_329, %get3A_330] {strides = array<i32>} : memref<16x128xf32, #tpu.memory_space<vmem>>, vector<16xf32>,
        %mul3A_332 = arith.mulf %get3A_331, %gather3A_282 : vector<16xf32>
        %swap3A_333 = arith.constant 2 : i32
        %swap3A_334 = arith.index_cast %swap3A_333 : i32 to index
        %swap3A_335 = arith.constant 80 : index
        %swap3A_336 = tpu.vector_load %arg12[%swap3A_334, %swap3A_335] {strides = array<i32>} : memref<16x128xf32, #tpu.memory_space<vmem>>, vector<16xf32>,
        tpu.vector_store %arg12[%swap3A_334, %swap3A_335], %mul3A_332 {strides = array<i32>} : memref<16x128xf32, #tpu.memory_space<vmem>>, vector<16xf32>,
        %get3A_337 = arith.constant 2 : i32
        %get3A_338 = arith.index_cast %get3A_337 : i32 to index
        %get3A_339 = arith.constant 96 : index
        %get3A_340 = tpu.vector_load %arg12[%get3A_338, %get3A_339] {strides = array<i32>} : memref<16x128xf32, #tpu.memory_space<vmem>>, vector<16xf32>,
        %mul3A_341 = arith.mulf %get3A_340, %gather3A_282 : vector<16xf32>
        %swap3A_342 = arith.constant 2 : i32
        %swap3A_343 = arith.index_cast %swap3A_342 : i32 to index
        %swap3A_344 = arith.constant 96 : index
        %swap3A_345 = tpu.vector_load %arg12[%swap3A_343, %swap3A_344] {strides = array<i32>} : memref<16x128xf32, #tpu.memory_space<vmem>>, vector<16xf32>,
        tpu.vector_store %arg12[%swap3A_343, %swap3A_344], %mul3A_341 {strides = array<i32>} : memref<16x128xf32, #tpu.memory_space<vmem>>, vector<16xf32>,
        %get3A_346 = arith.constant 2 : i32
        %get3A_347 = arith.index_cast %get3A_346 : i32 to index
        %get3A_348 = arith.constant 112 : index
        %get3A_349 = tpu.vector_load %arg12[%get3A_347, %get3A_348] {strides = array<i32>} : memref<16x128xf32, #tpu.memory_space<vmem>>, vector<16xf32>,
        %mul3A_350 = arith.mulf %get3A_349, %gather3A_282 : vector<16xf32>
        %swap3A_351 = arith.constant 2 : i32
        %swap3A_352 = arith.index_cast %swap3A_351 : i32 to index
        %swap3A_353 = arith.constant 112 : index
        %swap3A_354 = tpu.vector_load %arg12[%swap3A_352, %swap3A_353] {strides = array<i32>} : memref<16x128xf32, #tpu.memory_space<vmem>>, vector<16xf32>,
        tpu.vector_store %arg12[%swap3A_352, %swap3A_353], %mul3A_350 {strides = array<i32>} : memref<16x128xf32, #tpu.memory_space<vmem>>, vector<16xf32>,
        %add3A_355 = arith.constant 3 : i32
        %add3A_356 = vector.broadcast %add3A_355 : i32 to vector<16xi32>
        %add3A_357 = arith.addi %mul3A_92, %add3A_356 : vector<16xi32>
        %reshape3A_358 = vector.shape_cast %add3A_357 : vector<16xi32> to vector<16x1xi32>
        %gather3A_359 = vector.shape_cast %reshape3A_358 : vector<16x1xi32> to vector<16xi32>
        %gather3A_360 = tpu.dynamic_gather %get3A_121[%gather3A_359] in [0] : vector<16xf32>, vector<16xi32> -> vector<16xf32>
        %get3A_361 = arith.constant 3 : i32
        %get3A_362 = arith.index_cast %get3A_361 : i32 to index
        %get3A_363 = arith.constant 0 : index
        %get3A_364 = tpu.vector_load %arg12[%get3A_362, %get3A_363] {strides = array<i32>} : memref<16x128xf32, #tpu.memory_space<vmem>>, vector<16xf32>,
        %mul3A_365 = arith.mulf %get3A_364, %gather3A_360 : vector<16xf32>
        %swap3A_366 = arith.constant 3 : i32
        %swap3A_367 = arith.index_cast %swap3A_366 : i32 to index
        %swap3A_368 = arith.constant 0 : index
        %swap3A_369 = tpu.vector_load %arg12[%swap3A_367, %swap3A_368] {strides = array<i32>} : memref<16x128xf32, #tpu.memory_space<vmem>>, vector<16xf32>,
        tpu.vector_store %arg12[%swap3A_367, %swap3A_368], %mul3A_365 {strides = array<i32>} : memref<16x128xf32, #tpu.memory_space<vmem>>, vector<16xf32>,
        %get3A_370 = arith.constant 3 : i32
        %get3A_371 = arith.index_cast %get3A_370 : i32 to index
        %get3A_372 = arith.constant 16 : index
        %get3A_373 = tpu.vector_load %arg12[%get3A_371, %get3A_372] {strides = array<i32>} : memref<16x128xf32, #tpu.memory_space<vmem>>, vector<16xf32>,
        %mul3A_374 = arith.mulf %get3A_373, %gather3A_360 : vector<16xf32>
        %swap3A_375 = arith.constant 3 : i32
        %swap3A_376 = arith.index_cast %swap3A_375 : i32 to index
        %swap3A_377 = arith.constant 16 : index
        %swap3A_378 = tpu.vector_load %arg12[%swap3A_376, %swap3A_377] {strides = array<i32>} : memref<16x128xf32, #tpu.memory_space<vmem>>, vector<16xf32>,
        tpu.vector_store %arg12[%swap3A_376, %swap3A_377], %mul3A_374 {strides = array<i32>} : memref<16x128xf32, #tpu.memory_space<vmem>>, vector<16xf32>,
        %get3A_379 = arith.constant 3 : i32
        %get3A_380 = arith.index_cast %get3A_379 : i32 to index
        %get3A_381 = arith.constant 32 : index
        %get3A_382 = tpu.vector_load %arg12[%get3A_380, %get3A_381] {strides = array<i32>} : memref<16x128xf32, #tpu.memory_space<vmem>>, vector<16xf32>,
        %mul3A_383 = arith.mulf %get3A_382, %gather3A_360 : vector<16xf32>
        %swap3A_384 = arith.constant 3 : i32
        %swap3A_385 = arith.index_cast %swap3A_384 : i32 to index
        %swap3A_386 = arith.constant 32 : index
        %swap3A_387 = tpu.vector_load %arg12[%swap3A_385, %swap3A_386] {strides = array<i32>} : memref<16x128xf32, #tpu.memory_space<vmem>>, vector<16xf32>,
        tpu.vector_store %arg12[%swap3A_385, %swap3A_386], %mul3A_383 {strides = array<i32>} : memref<16x128xf32, #tpu.memory_space<vmem>>, vector<16xf32>,
        %get3A_388 = arith.constant 3 : i32
        %get3A_389 = arith.index_cast %get3A_388 : i32 to index
        %get3A_390 = arith.constant 48 : index
        %get3A_391 = tpu.vector_load %arg12[%get3A_389, %get3A_390] {strides = array<i32>} : memref<16x128xf32, #tpu.memory_space<vmem>>, vector<16xf32>,
        %mul3A_392 = arith.mulf %get3A_391, %gather3A_360 : vector<16xf32>
        %swap3A_393 = arith.constant 3 : i32
        %swap3A_394 = arith.index_cast %swap3A_393 : i32 to index
        %swap3A_395 = arith.constant 48 : index
        %swap3A_396 = tpu.vector_load %arg12[%swap3A_394, %swap3A_395] {strides = array<i32>} : memref<16x128xf32, #tpu.memory_space<vmem>>, vector<16xf32>,
        tpu.vector_store %arg12[%swap3A_394, %swap3A_395], %mul3A_392 {strides = array<i32>} : memref<16x128xf32, #tpu.memory_space<vmem>>, vector<16xf32>,
        %get3A_397 = arith.constant 3 : i32
        %get3A_398 = arith.index_cast %get3A_397 : i32 to index
        %get3A_399 = arith.constant 64 : index
        %get3A_400 = tpu.vector_load %arg12[%get3A_398, %get3A_399] {strides = array<i32>} : memref<16x128xf32, #tpu.memory_space<vmem>>, vector<16xf32>,
        %mul3A_401 = arith.mulf %get3A_400, %gather3A_360 : vector<16xf32>
        %swap3A_402 = arith.constant 3 : i32
        %swap3A_403 = arith.index_cast %swap3A_402 : i32 to index
        %swap3A_404 = arith.constant 64 : index
        %swap3A_405 = tpu.vector_load %arg12[%swap3A_403, %swap3A_404] {strides = array<i32>} : memref<16x128xf32, #tpu.memory_space<vmem>>, vector<16xf32>,
        tpu.vector_store %arg12[%swap3A_403, %swap3A_404], %mul3A_401 {strides = array<i32>} : memref<16x128xf32, #tpu.memory_space<vmem>>, vector<16xf32>,
        %get3A_406 = arith.constant 3 : i32
        %get3A_407 = arith.index_cast %get3A_406 : i32 to index
        %get3A_408 = arith.constant 80 : index
        %get3A_409 = tpu.vector_load %arg12[%get3A_407, %get3A_408] {strides = array<i32>} : memref<16x128xf32, #tpu.memory_space<vmem>>, vector<16xf32>,
        %mul3A_410 = arith.mulf %get3A_409, %gather3A_360 : vector<16xf32>
        %swap3A_411 = arith.constant 3 : i32
        %swap3A_412 = arith.index_cast %swap3A_411 : i32 to index
        %swap3A_413 = arith.constant 80 : index
        %swap3A_414 = tpu.vector_load %arg12[%swap3A_412, %swap3A_413] {strides = array<i32>} : memref<16x128xf32, #tpu.memory_space<vmem>>, vector<16xf32>,
        tpu.vector_store %arg12[%swap3A_412, %swap3A_413], %mul3A_410 {strides = array<i32>} : memref<16x128xf32, #tpu.memory_space<vmem>>, vector<16xf32>,
        %get3A_415 = arith.constant 3 : i32
        %get3A_416 = arith.index_cast %get3A_415 : i32 to index
        %get3A_417 = arith.constant 96 : index
        %get3A_418 = tpu.vector_load %arg12[%get3A_416, %get3A_417] {strides = array<i32>} : memref<16x128xf32, #tpu.memory_space<vmem>>, vector<16xf32>,
        %mul3A_419 = arith.mulf %get3A_418, %gather3A_360 : vector<16xf32>
        %swap3A_420 = arith.constant 3 : i32
        %swap3A_421 = arith.index_cast %swap3A_420 : i32 to index
        %swap3A_422 = arith.constant 96 : index
        %swap3A_423 = tpu.vector_load %arg12[%swap3A_421, %swap3A_422] {strides = array<i32>} : memref<16x128xf32, #tpu.memory_space<vmem>>, vector<16xf32>,
        tpu.vector_store %arg12[%swap3A_421, %swap3A_422], %mul3A_419 {strides = array<i32>} : memref<16x128xf32, #tpu.memory_space<vmem>>, vector<16xf32>,
        %get3A_424 = arith.constant 3 : i32
        %get3A_425 = arith.index_cast %get3A_424 : i32 to index
        %get3A_426 = arith.constant 112 : index
        %get3A_427 = tpu.vector_load %arg12[%get3A_425, %get3A_426] {strides = array<i32>} : memref<16x128xf32, #tpu.memory_space<vmem>>, vector<16xf32>,
        %mul3A_428 = arith.mulf %get3A_427, %gather3A_360 : vector<16xf32>
        %swap3A_429 = arith.constant 3 : i32
        %swap3A_430 = arith.index_cast %swap3A_429 : i32 to index
        %swap3A_431 = arith.constant 112 : index
        %swap3A_432 = tpu.vector_load %arg12[%swap3A_430, %swap3A_431] {strides = array<i32>} : memref<16x128xf32, #tpu.memory_space<vmem>>, vector<16xf32>,
        tpu.vector_store %arg12[%swap3A_430, %swap3A_431], %mul3A_428 {strides = array<i32>} : memref<16x128xf32, #tpu.memory_space<vmem>>, vector<16xf32>,
        %add3A_433 = arith.constant 4 : i32
        %add3A_434 = vector.broadcast %add3A_433 : i32 to vector<16xi32>
        %add3A_435 = arith.addi %mul3A_92, %add3A_434 : vector<16xi32>
        %reshape3A_436 = vector.shape_cast %add3A_435 : vector<16xi32> to vector<16x1xi32>
        %gather3A_437 = vector.shape_cast %reshape3A_436 : vector<16x1xi32> to vector<16xi32>
        %gather3A_438 = tpu.dynamic_gather %get3A_121[%gather3A_437] in [0] : vector<16xf32>, vector<16xi32> -> vector<16xf32>
        %get3A_439 = arith.constant 4 : i32
        %get3A_440 = arith.index_cast %get3A_439 : i32 to index
        %get3A_441 = arith.constant 0 : index
        %get3A_442 = tpu.vector_load %arg12[%get3A_440, %get3A_441] {strides = array<i32>} : memref<16x128xf32, #tpu.memory_space<vmem>>, vector<16xf32>,
        %mul3A_443 = arith.mulf %get3A_442, %gather3A_438 : vector<16xf32>
        %swap3A_444 = arith.constant 4 : i32
        %swap3A_445 = arith.index_cast %swap3A_444 : i32 to index
        %swap3A_446 = arith.constant 0 : index
        %swap3A_447 = tpu.vector_load %arg12[%swap3A_445, %swap3A_446] {strides = array<i32>} : memref<16x128xf32, #tpu.memory_space<vmem>>, vector<16xf32>,
        tpu.vector_store %arg12[%swap3A_445, %swap3A_446], %mul3A_443 {strides = array<i32>} : memref<16x128xf32, #tpu.memory_space<vmem>>, vector<16xf32>,
        %get3A_448 = arith.constant 4 : i32
        %get3A_449 = arith.index_cast %get3A_448 : i32 to index
        %get3A_450 = arith.constant 16 : index
        %get3A_451 = tpu.vector_load %arg12[%get3A_449, %get3A_450] {strides = array<i32>} : memref<16x128xf32, #tpu.memory_space<vmem>>, vector<16xf32>,
        %mul3A_452 = arith.mulf %get3A_451, %gather3A_438 : vector<16xf32>
        %swap3A_453 = arith.constant 4 : i32
        %swap3A_454 = arith.index_cast %swap3A_453 : i32 to index
        %swap3A_455 = arith.constant 16 : index
        %swap3A_456 = tpu.vector_load %arg12[%swap3A_454, %swap3A_455] {strides = array<i32>} : memref<16x128xf32, #tpu.memory_space<vmem>>, vector<16xf32>,
        tpu.vector_store %arg12[%swap3A_454, %swap3A_455], %mul3A_452 {strides = array<i32>} : memref<16x128xf32, #tpu.memory_space<vmem>>, vector<16xf32>,
        %get3A_457 = arith.constant 4 : i32
        %get3A_458 = arith.index_cast %get3A_457 : i32 to index
        %get3A_459 = arith.constant 32 : index
        %get3A_460 = tpu.vector_load %arg12[%get3A_458, %get3A_459] {strides = array<i32>} : memref<16x128xf32, #tpu.memory_space<vmem>>, vector<16xf32>,
        %mul3A_461 = arith.mulf %get3A_460, %gather3A_438 : vector<16xf32>
        %swap3A_462 = arith.constant 4 : i32
        %swap3A_463 = arith.index_cast %swap3A_462 : i32 to index
        %swap3A_464 = arith.constant 32 : index
        %swap3A_465 = tpu.vector_load %arg12[%swap3A_463, %swap3A_464] {strides = array<i32>} : memref<16x128xf32, #tpu.memory_space<vmem>>, vector<16xf32>,
        tpu.vector_store %arg12[%swap3A_463, %swap3A_464], %mul3A_461 {strides = array<i32>} : memref<16x128xf32, #tpu.memory_space<vmem>>, vector<16xf32>,
        %get3A_466 = arith.constant 4 : i32
        %get3A_467 = arith.index_cast %get3A_466 : i32 to index
        %get3A_468 = arith.constant 48 : index
        %get3A_469 = tpu.vector_load %arg12[%get3A_467, %get3A_468] {strides = array<i32>} : memref<16x128xf32, #tpu.memory_space<vmem>>, vector<16xf32>,
        %mul3A_470 = arith.mulf %get3A_469, %gather3A_438 : vector<16xf32>
        %swap3A_471 = arith.constant 4 : i32
        %swap3A_472 = arith.index_cast %swap3A_471 : i32 to index
        %swap3A_473 = arith.constant 48 : index
        %swap3A_474 = tpu.vector_load %arg12[%swap3A_472, %swap3A_473] {strides = array<i32>} : memref<16x128xf32, #tpu.memory_space<vmem>>, vector<16xf32>,
        tpu.vector_store %arg12[%swap3A_472, %swap3A_473], %mul3A_470 {strides = array<i32>} : memref<16x128xf32, #tpu.memory_space<vmem>>, vector<16xf32>,
        %get3A_475 = arith.constant 4 : i32
        %get3A_476 = arith.index_cast %get3A_475 : i32 to index
        %get3A_477 = arith.constant 64 : index
        %get3A_478 = tpu.vector_load %arg12[%get3A_476, %get3A_477] {strides = array<i32>} : memref<16x128xf32, #tpu.memory_space<vmem>>, vector<16xf32>,
        %mul3A_479 = arith.mulf %get3A_478, %gather3A_438 : vector<16xf32>
        %swap3A_480 = arith.constant 4 : i32
        %swap3A_481 = arith.index_cast %swap3A_480 : i32 to index
        %swap3A_482 = arith.constant 64 : index
        %swap3A_483 = tpu.vector_load %arg12[%swap3A_481, %swap3A_482] {strides = array<i32>} : memref<16x128xf32, #tpu.memory_space<vmem>>, vector<16xf32>,
        tpu.vector_store %arg12[%swap3A_481, %swap3A_482], %mul3A_479 {strides = array<i32>} : memref<16x128xf32, #tpu.memory_space<vmem>>, vector<16xf32>,
        %get3A_484 = arith.constant 4 : i32
        %get3A_485 = arith.index_cast %get3A_484 : i32 to index
        %get3A_486 = arith.constant 80 : index
        %get3A_487 = tpu.vector_load %arg12[%get3A_485, %get3A_486] {strides = array<i32>} : memref<16x128xf32, #tpu.memory_space<vmem>>, vector<16xf32>,
        %mul3A_488 = arith.mulf %get3A_487, %gather3A_438 : vector<16xf32>
        %swap3A_489 = arith.constant 4 : i32
        %swap3A_490 = arith.index_cast %swap3A_489 : i32 to index
        %swap3A_491 = arith.constant 80 : index
        %swap3A_492 = tpu.vector_load %arg12[%swap3A_490, %swap3A_491] {strides = array<i32>} : memref<16x128xf32, #tpu.memory_space<vmem>>, vector<16xf32>,
        tpu.vector_store %arg12[%swap3A_490, %swap3A_491], %mul3A_488 {strides = array<i32>} : memref<16x128xf32, #tpu.memory_space<vmem>>, vector<16xf32>,
        %get3A_493 = arith.constant 4 : i32
        %get3A_494 = arith.index_cast %get3A_493 : i32 to index
        %get3A_495 = arith.constant 96 : index
        %get3A_496 = tpu.vector_load %arg12[%get3A_494, %get3A_495] {strides = array<i32>} : memref<16x128xf32, #tpu.memory_space<vmem>>, vector<16xf32>,
        %mul3A_497 = arith.mulf %get3A_496, %gather3A_438 : vector<16xf32>
        %swap3A_498 = arith.constant 4 : i32
        %swap3A_499 = arith.index_cast %swap3A_498 : i32 to index
        %swap3A_500 = arith.constant 96 : index
        %swap3A_501 = tpu.vector_load %arg12[%swap3A_499, %swap3A_500] {strides = array<i32>} : memref<16x128xf32, #tpu.memory_space<vmem>>, vector<16xf32>,
        tpu.vector_store %arg12[%swap3A_499, %swap3A_500], %mul3A_497 {strides = array<i32>} : memref<16x128xf32, #tpu.memory_space<vmem>>, vector<16xf32>,
        %get3A_502 = arith.constant 4 : i32
        %get3A_503 = arith.index_cast %get3A_502 : i32 to index
        %get3A_504 = arith.constant 112 : index
        %get3A_505 = tpu.vector_load %arg12[%get3A_503, %get3A_504] {strides = array<i32>} : memref<16x128xf32, #tpu.memory_space<vmem>>, vector<16xf32>,
        %mul3A_506 = arith.mulf %get3A_505, %gather3A_438 : vector<16xf32>
        %swap3A_507 = arith.constant 4 : i32
        %swap3A_508 = arith.index_cast %swap3A_507 : i32 to index
        %swap3A_509 = arith.constant 112 : index
        %swap3A_510 = tpu.vector_load %arg12[%swap3A_508, %swap3A_509] {strides = array<i32>} : memref<16x128xf32, #tpu.memory_space<vmem>>, vector<16xf32>,
        tpu.vector_store %arg12[%swap3A_508, %swap3A_509], %mul3A_506 {strides = array<i32>} : memref<16x128xf32, #tpu.memory_space<vmem>>, vector<16xf32>,
        %add3A_511 = arith.constant 5 : i32
        %add3A_512 = vector.broadcast %add3A_511 : i32 to vector<16xi32>
        %add3A_513 = arith.addi %mul3A_92, %add3A_512 : vector<16xi32>
        %reshape3A_514 = vector.shape_cast %add3A_513 : vector<16xi32> to vector<16x1xi32>
        %gather3A_515 = vector.shape_cast %reshape3A_514 : vector<16x1xi32> to vector<16xi32>
        %gather3A_516 = tpu.dynamic_gather %get3A_121[%gather3A_515] in [0] : vector<16xf32>, vector<16xi32> -> vector<16xf32>
        %get3A_517 = arith.constant 5 : i32
        %get3A_518 = arith.index_cast %get3A_517 : i32 to index
        %get3A_519 = arith.constant 0 : index
        %get3A_520 = tpu.vector_load %arg12[%get3A_518, %get3A_519] {strides = array<i32>} : memref<16x128xf32, #tpu.memory_space<vmem>>, vector<16xf32>,
        %mul3A_521 = arith.mulf %get3A_520, %gather3A_516 : vector<16xf32>
        %swap3A_522 = arith.constant 5 : i32
        %swap3A_523 = arith.index_cast %swap3A_522 : i32 to index
        %swap3A_524 = arith.constant 0 : index
        %swap3A_525 = tpu.vector_load %arg12[%swap3A_523, %swap3A_524] {strides = array<i32>} : memref<16x128xf32, #tpu.memory_space<vmem>>, vector<16xf32>,
        tpu.vector_store %arg12[%swap3A_523, %swap3A_524], %mul3A_521 {strides = array<i32>} : memref<16x128xf32, #tpu.memory_space<vmem>>, vector<16xf32>,
        %get3A_526 = arith.constant 5 : i32
        %get3A_527 = arith.index_cast %get3A_526 : i32 to index
        %get3A_528 = arith.constant 16 : index
        %get3A_529 = tpu.vector_load %arg12[%get3A_527, %get3A_528] {strides = array<i32>} : memref<16x128xf32, #tpu.memory_space<vmem>>, vector<16xf32>,
        %mul3A_530 = arith.mulf %get3A_529, %gather3A_516 : vector<16xf32>
        %swap3A_531 = arith.constant 5 : i32
        %swap3A_532 = arith.index_cast %swap3A_531 : i32 to index
        %swap3A_533 = arith.constant 16 : index
        %swap3A_534 = tpu.vector_load %arg12[%swap3A_532, %swap3A_533] {strides = array<i32>} : memref<16x128xf32, #tpu.memory_space<vmem>>, vector<16xf32>,
        tpu.vector_store %arg12[%swap3A_532, %swap3A_533], %mul3A_530 {strides = array<i32>} : memref<16x128xf32, #tpu.memory_space<vmem>>, vector<16xf32>,
        %get3A_535 = arith.constant 5 : i32
        %get3A_536 = arith.index_cast %get3A_535 : i32 to index
        %get3A_537 = arith.constant 32 : index
        %get3A_538 = tpu.vector_load %arg12[%get3A_536, %get3A_537] {strides = array<i32>} : memref<16x128xf32, #tpu.memory_space<vmem>>, vector<16xf32>,
        %mul3A_539 = arith.mulf %get3A_538, %gather3A_516 : vector<16xf32>
        %swap3A_540 = arith.constant 5 : i32
        %swap3A_541 = arith.index_cast %swap3A_540 : i32 to index
        %swap3A_542 = arith.constant 32 : index
        %swap3A_543 = tpu.vector_load %arg12[%swap3A_541, %swap3A_542] {strides = array<i32>} : memref<16x128xf32, #tpu.memory_space<vmem>>, vector<16xf32>,
        tpu.vector_store %arg12[%swap3A_541, %swap3A_542], %mul3A_539 {strides = array<i32>} : memref<16x128xf32, #tpu.memory_space<vmem>>, vector<16xf32>,
        %get3A_544 = arith.constant 5 : i32
        %get3A_545 = arith.index_cast %get3A_544 : i32 to index
        %get3A_546 = arith.constant 48 : index
        %get3A_547 = tpu.vector_load %arg12[%get3A_545, %get3A_546] {strides = array<i32>} : memref<16x128xf32, #tpu.memory_space<vmem>>, vector<16xf32>,
        %mul3A_548 = arith.mulf %get3A_547, %gather3A_516 : vector<16xf32>
        %swap3A_549 = arith.constant 5 : i32
        %swap3A_550 = arith.index_cast %swap3A_549 : i32 to index
        %swap3A_551 = arith.constant 48 : index
        %swap3A_552 = tpu.vector_load %arg12[%swap3A_550, %swap3A_551] {strides = array<i32>} : memref<16x128xf32, #tpu.memory_space<vmem>>, vector<16xf32>,
        tpu.vector_store %arg12[%swap3A_550, %swap3A_551], %mul3A_548 {strides = array<i32>} : memref<16x128xf32, #tpu.memory_space<vmem>>, vector<16xf32>,
        %get3A_553 = arith.constant 5 : i32
        %get3A_554 = arith.index_cast %get3A_553 : i32 to index
        %get3A_555 = arith.constant 64 : index
        %get3A_556 = tpu.vector_load %arg12[%get3A_554, %get3A_555] {strides = array<i32>} : memref<16x128xf32, #tpu.memory_space<vmem>>, vector<16xf32>,
        %mul3A_557 = arith.mulf %get3A_556, %gather3A_516 : vector<16xf32>
        %swap3A_558 = arith.constant 5 : i32
        %swap3A_559 = arith.index_cast %swap3A_558 : i32 to index
        %swap3A_560 = arith.constant 64 : index
        %swap3A_561 = tpu.vector_load %arg12[%swap3A_559, %swap3A_560] {strides = array<i32>} : memref<16x128xf32, #tpu.memory_space<vmem>>, vector<16xf32>,
        tpu.vector_store %arg12[%swap3A_559, %swap3A_560], %mul3A_557 {strides = array<i32>} : memref<16x128xf32, #tpu.memory_space<vmem>>, vector<16xf32>,
        %get3A_562 = arith.constant 5 : i32
        %get3A_563 = arith.index_cast %get3A_562 : i32 to index
        %get3A_564 = arith.constant 80 : index
        %get3A_565 = tpu.vector_load %arg12[%get3A_563, %get3A_564] {strides = array<i32>} : memref<16x128xf32, #tpu.memory_space<vmem>>, vector<16xf32>,
        %mul3A_566 = arith.mulf %get3A_565, %gather3A_516 : vector<16xf32>
        %swap3A_567 = arith.constant 5 : i32
        %swap3A_568 = arith.index_cast %swap3A_567 : i32 to index
        %swap3A_569 = arith.constant 80 : index
        %swap3A_570 = tpu.vector_load %arg12[%swap3A_568, %swap3A_569] {strides = array<i32>} : memref<16x128xf32, #tpu.memory_space<vmem>>, vector<16xf32>,
        tpu.vector_store %arg12[%swap3A_568, %swap3A_569], %mul3A_566 {strides = array<i32>} : memref<16x128xf32, #tpu.memory_space<vmem>>, vector<16xf32>,
        %get3A_571 = arith.constant 5 : i32
        %get3A_572 = arith.index_cast %get3A_571 : i32 to index
        %get3A_573 = arith.constant 96 : index
        %get3A_574 = tpu.vector_load %arg12[%get3A_572, %get3A_573] {strides = array<i32>} : memref<16x128xf32, #tpu.memory_space<vmem>>, vector<16xf32>,
        %mul3A_575 = arith.mulf %get3A_574, %gather3A_516 : vector<16xf32>
        %swap3A_576 = arith.constant 5 : i32
        %swap3A_577 = arith.index_cast %swap3A_576 : i32 to index
        %swap3A_578 = arith.constant 96 : index
        %swap3A_579 = tpu.vector_load %arg12[%swap3A_577, %swap3A_578] {strides = array<i32>} : memref<16x128xf32, #tpu.memory_space<vmem>>, vector<16xf32>,
        tpu.vector_store %arg12[%swap3A_577, %swap3A_578], %mul3A_575 {strides = array<i32>} : memref<16x128xf32, #tpu.memory_space<vmem>>, vector<16xf32>,
        %get3A_580 = arith.constant 5 : i32
        %get3A_581 = arith.index_cast %get3A_580 : i32 to index
        %get3A_582 = arith.constant 112 : index
        %get3A_583 = tpu.vector_load %arg12[%get3A_581, %get3A_582] {strides = array<i32>} : memref<16x128xf32, #tpu.memory_space<vmem>>, vector<16xf32>,
        %mul3A_584 = arith.mulf %get3A_583, %gather3A_516 : vector<16xf32>
        %swap3A_585 = arith.constant 5 : i32
        %swap3A_586 = arith.index_cast %swap3A_585 : i32 to index
        %swap3A_587 = arith.constant 112 : index
        %swap3A_588 = tpu.vector_load %arg12[%swap3A_586, %swap3A_587] {strides = array<i32>} : memref<16x128xf32, #tpu.memory_space<vmem>>, vector<16xf32>,
        tpu.vector_store %arg12[%swap3A_586, %swap3A_587], %mul3A_584 {strides = array<i32>} : memref<16x128xf32, #tpu.memory_space<vmem>>, vector<16xf32>,
        %add3A_589 = arith.constant 6 : i32
        %add3A_590 = vector.broadcast %add3A_589 : i32 to vector<16xi32>
        %add3A_591 = arith.addi %mul3A_92, %add3A_590 : vector<16xi32>
        %reshape3A_592 = vector.shape_cast %add3A_591 : vector<16xi32> to vector<16x1xi32>
        %gather3A_593 = vector.shape_cast %reshape3A_592 : vector<16x1xi32> to vector<16xi32>
        %gather3A_594 = tpu.dynamic_gather %get3A_121[%gather3A_593] in [0] : vector<16xf32>, vector<16xi32> -> vector<16xf32>
        %get3A_595 = arith.constant 6 : i32
        %get3A_596 = arith.index_cast %get3A_595 : i32 to index
        %get3A_597 = arith.constant 0 : index
        %get3A_598 = tpu.vector_load %arg12[%get3A_596, %get3A_597] {strides = array<i32>} : memref<16x128xf32, #tpu.memory_space<vmem>>, vector<16xf32>,
        %mul3A_599 = arith.mulf %get3A_598, %gather3A_594 : vector<16xf32>
        %swap3A_600 = arith.constant 6 : i32
        %swap3A_601 = arith.index_cast %swap3A_600 : i32 to index
        %swap3A_602 = arith.constant 0 : index
        %swap3A_603 = tpu.vector_load %arg12[%swap3A_601, %swap3A_602] {strides = array<i32>} : memref<16x128xf32, #tpu.memory_space<vmem>>, vector<16xf32>,
        tpu.vector_store %arg12[%swap3A_601, %swap3A_602], %mul3A_599 {strides = array<i32>} : memref<16x128xf32, #tpu.memory_space<vmem>>, vector<16xf32>,
        %get3A_604 = arith.constant 6 : i32
        %get3A_605 = arith.index_cast %get3A_604 : i32 to index
        %get3A_606 = arith.constant 16 : index
        %get3A_607 = tpu.vector_load %arg12[%get3A_605, %get3A_606] {strides = array<i32>} : memref<16x128xf32, #tpu.memory_space<vmem>>, vector<16xf32>,
        %mul3A_608 = arith.mulf %get3A_607, %gather3A_594 : vector<16xf32>
        %swap3A_609 = arith.constant 6 : i32
        %swap3A_610 = arith.index_cast %swap3A_609 : i32 to index
        %swap3A_611 = arith.constant 16 : index
        %swap3A_612 = tpu.vector_load %arg12[%swap3A_610, %swap3A_611] {strides = array<i32>} : memref<16x128xf32, #tpu.memory_space<vmem>>, vector<16xf32>,
        tpu.vector_store %arg12[%swap3A_610, %swap3A_611], %mul3A_608 {strides = array<i32>} : memref<16x128xf32, #tpu.memory_space<vmem>>, vector<16xf32>,
        %get3A_613 = arith.constant 6 : i32
        %get3A_614 = arith.index_cast %get3A_613 : i32 to index
        %get3A_615 = arith.constant 32 : index
        %get3A_616 = tpu.vector_load %arg12[%get3A_614, %get3A_615] {strides = array<i32>} : memref<16x128xf32, #tpu.memory_space<vmem>>, vector<16xf32>,
        %mul3A_617 = arith.mulf %get3A_616, %gather3A_594 : vector<16xf32>
        %swap3A_618 = arith.constant 6 : i32
        %swap3A_619 = arith.index_cast %swap3A_618 : i32 to index
        %swap3A_620 = arith.constant 32 : index
        %swap3A_621 = tpu.vector_load %arg12[%swap3A_619, %swap3A_620] {strides = array<i32>} : memref<16x128xf32, #tpu.memory_space<vmem>>, vector<16xf32>,
        tpu.vector_store %arg12[%swap3A_619, %swap3A_620], %mul3A_617 {strides = array<i32>} : memref<16x128xf32, #tpu.memory_space<vmem>>, vector<16xf32>,
        %get3A_622 = arith.constant 6 : i32
        %get3A_623 = arith.index_cast %get3A_622 : i32 to index
        %get3A_624 = arith.constant 48 : index
        %get3A_625 = tpu.vector_load %arg12[%get3A_623, %get3A_624] {strides = array<i32>} : memref<16x128xf32, #tpu.memory_space<vmem>>, vector<16xf32>,
        %mul3A_626 = arith.mulf %get3A_625, %gather3A_594 : vector<16xf32>
        %swap3A_627 = arith.constant 6 : i32
        %swap3A_628 = arith.index_cast %swap3A_627 : i32 to index
        %swap3A_629 = arith.constant 48 : index
        %swap3A_630 = tpu.vector_load %arg12[%swap3A_628, %swap3A_629] {strides = array<i32>} : memref<16x128xf32, #tpu.memory_space<vmem>>, vector<16xf32>,
        tpu.vector_store %arg12[%swap3A_628, %swap3A_629], %mul3A_626 {strides = array<i32>} : memref<16x128xf32, #tpu.memory_space<vmem>>, vector<16xf32>,
        %get3A_631 = arith.constant 6 : i32
        %get3A_632 = arith.index_cast %get3A_631 : i32 to index
        %get3A_633 = arith.constant 64 : index
        %get3A_634 = tpu.vector_load %arg12[%get3A_632, %get3A_633] {strides = array<i32>} : memref<16x128xf32, #tpu.memory_space<vmem>>, vector<16xf32>,
        %mul3A_635 = arith.mulf %get3A_634, %gather3A_594 : vector<16xf32>
        %swap3A_636 = arith.constant 6 : i32
        %swap3A_637 = arith.index_cast %swap3A_636 : i32 to index
        %swap3A_638 = arith.constant 64 : index
        %swap3A_639 = tpu.vector_load %arg12[%swap3A_637, %swap3A_638] {strides = array<i32>} : memref<16x128xf32, #tpu.memory_space<vmem>>, vector<16xf32>,
        tpu.vector_store %arg12[%swap3A_637, %swap3A_638], %mul3A_635 {strides = array<i32>} : memref<16x128xf32, #tpu.memory_space<vmem>>, vector<16xf32>,
        %get3A_640 = arith.constant 6 : i32
        %get3A_641 = arith.index_cast %get3A_640 : i32 to index
        %get3A_642 = arith.constant 80 : index
        %get3A_643 = tpu.vector_load %arg12[%get3A_641, %get3A_642] {strides = array<i32>} : memref<16x128xf32, #tpu.memory_space<vmem>>, vector<16xf32>,
        %mul3A_644 = arith.mulf %get3A_643, %gather3A_594 : vector<16xf32>
        %swap3A_645 = arith.constant 6 : i32
        %swap3A_646 = arith.index_cast %swap3A_645 : i32 to index
        %swap3A_647 = arith.constant 80 : index
        %swap3A_648 = tpu.vector_load %arg12[%swap3A_646, %swap3A_647] {strides = array<i32>} : memref<16x128xf32, #tpu.memory_space<vmem>>, vector<16xf32>,
        tpu.vector_store %arg12[%swap3A_646, %swap3A_647], %mul3A_644 {strides = array<i32>} : memref<16x128xf32, #tpu.memory_space<vmem>>, vector<16xf32>,
        %get3A_649 = arith.constant 6 : i32
        %get3A_650 = arith.index_cast %get3A_649 : i32 to index
        %get3A_651 = arith.constant 96 : index
        %get3A_652 = tpu.vector_load %arg12[%get3A_650, %get3A_651] {strides = array<i32>} : memref<16x128xf32, #tpu.memory_space<vmem>>, vector<16xf32>,
        %mul3A_653 = arith.mulf %get3A_652, %gather3A_594 : vector<16xf32>
        %swap3A_654 = arith.constant 6 : i32
        %swap3A_655 = arith.index_cast %swap3A_654 : i32 to index
        %swap3A_656 = arith.constant 96 : index
        %swap3A_657 = tpu.vector_load %arg12[%swap3A_655, %swap3A_656] {strides = array<i32>} : memref<16x128xf32, #tpu.memory_space<vmem>>, vector<16xf32>,
        tpu.vector_store %arg12[%swap3A_655, %swap3A_656], %mul3A_653 {strides = array<i32>} : memref<16x128xf32, #tpu.memory_space<vmem>>, vector<16xf32>,
        %get3A_658 = arith.constant 6 : i32
        %get3A_659 = arith.index_cast %get3A_658 : i32 to index
        %get3A_660 = arith.constant 112 : index
        %get3A_661 = tpu.vector_load %arg12[%get3A_659, %get3A_660] {strides = array<i32>} : memref<16x128xf32, #tpu.memory_space<vmem>>, vector<16xf32>,
        %mul3A_662 = arith.mulf %get3A_661, %gather3A_594 : vector<16xf32>
        %swap3A_663 = arith.constant 6 : i32
        %swap3A_664 = arith.index_cast %swap3A_663 : i32 to index
        %swap3A_665 = arith.constant 112 : index
        %swap3A_666 = tpu.vector_load %arg12[%swap3A_664, %swap3A_665] {strides = array<i32>} : memref<16x128xf32, #tpu.memory_space<vmem>>, vector<16xf32>,
        tpu.vector_store %arg12[%swap3A_664, %swap3A_665], %mul3A_662 {strides = array<i32>} : memref<16x128xf32, #tpu.memory_space<vmem>>, vector<16xf32>,
        %add3A_667 = arith.constant 7 : i32
        %add3A_668 = vector.broadcast %add3A_667 : i32 to vector<16xi32>
        %add3A_669 = arith.addi %mul3A_92, %add3A_668 : vector<16xi32>
        %reshape3A_670 = vector.shape_cast %add3A_669 : vector<16xi32> to vector<16x1xi32>
        %gather3A_671 = vector.shape_cast %reshape3A_670 : vector<16x1xi32> to vector<16xi32>
        %gather3A_672 = tpu.dynamic_gather %get3A_121[%gather3A_671] in [0] : vector<16xf32>, vector<16xi32> -> vector<16xf32>
        %get3A_673 = arith.constant 7 : i32
        %get3A_674 = arith.index_cast %get3A_673 : i32 to index
        %get3A_675 = arith.constant 0 : index
        %get3A_676 = tpu.vector_load %arg12[%get3A_674, %get3A_675] {strides = array<i32>} : memref<16x128xf32, #tpu.memory_space<vmem>>, vector<16xf32>,
        %mul3A_677 = arith.mulf %get3A_676, %gather3A_672 : vector<16xf32>
        %swap3A_678 = arith.constant 7 : i32
        %swap3A_679 = arith.index_cast %swap3A_678 : i32 to index
        %swap3A_680 = arith.constant 0 : index
        %swap3A_681 = tpu.vector_load %arg12[%swap3A_679, %swap3A_680] {strides = array<i32>} : memref<16x128xf32, #tpu.memory_space<vmem>>, vector<16xf32>,
        tpu.vector_store %arg12[%swap3A_679, %swap3A_680], %mul3A_677 {strides = array<i32>} : memref<16x128xf32, #tpu.memory_space<vmem>>, vector<16xf32>,
        %get3A_682 = arith.constant 7 : i32
        %get3A_683 = arith.index_cast %get3A_682 : i32 to index
        %get3A_684 = arith.constant 16 : index
        %get3A_685 = tpu.vector_load %arg12[%get3A_683, %get3A_684] {strides = array<i32>} : memref<16x128xf32, #tpu.memory_space<vmem>>, vector<16xf32>,
        %mul3A_686 = arith.mulf %get3A_685, %gather3A_672 : vector<16xf32>
        %swap3A_687 = arith.constant 7 : i32
        %swap3A_688 = arith.index_cast %swap3A_687 : i32 to index
        %swap3A_689 = arith.constant 16 : index
        %swap3A_690 = tpu.vector_load %arg12[%swap3A_688, %swap3A_689] {strides = array<i32>} : memref<16x128xf32, #tpu.memory_space<vmem>>, vector<16xf32>,
        tpu.vector_store %arg12[%swap3A_688, %swap3A_689], %mul3A_686 {strides = array<i32>} : memref<16x128xf32, #tpu.memory_space<vmem>>, vector<16xf32>,
        %get3A_691 = arith.constant 7 : i32
        %get3A_692 = arith.index_cast %get3A_691 : i32 to index
        %get3A_693 = arith.constant 32 : index
        %get3A_694 = tpu.vector_load %arg12[%get3A_692, %get3A_693] {strides = array<i32>} : memref<16x128xf32, #tpu.memory_space<vmem>>, vector<16xf32>,
        %mul3A_695 = arith.mulf %get3A_694, %gather3A_672 : vector<16xf32>
        %swap3A_696 = arith.constant 7 : i32
        %swap3A_697 = arith.index_cast %swap3A_696 : i32 to index
        %swap3A_698 = arith.constant 32 : index
        %swap3A_699 = tpu.vector_load %arg12[%swap3A_697, %swap3A_698] {strides = array<i32>} : memref<16x128xf32, #tpu.memory_space<vmem>>, vector<16xf32>,
        tpu.vector_store %arg12[%swap3A_697, %swap3A_698], %mul3A_695 {strides = array<i32>} : memref<16x128xf32, #tpu.memory_space<vmem>>, vector<16xf32>,
        %get3A_700 = arith.constant 7 : i32
        %get3A_701 = arith.index_cast %get3A_700 : i32 to index
        %get3A_702 = arith.constant 48 : index
        %get3A_703 = tpu.vector_load %arg12[%get3A_701, %get3A_702] {strides = array<i32>} : memref<16x128xf32, #tpu.memory_space<vmem>>, vector<16xf32>,
        %mul3A_704 = arith.mulf %get3A_703, %gather3A_672 : vector<16xf32>
        %swap3A_705 = arith.constant 7 : i32
        %swap3A_706 = arith.index_cast %swap3A_705 : i32 to index
        %swap3A_707 = arith.constant 48 : index
        %swap3A_708 = tpu.vector_load %arg12[%swap3A_706, %swap3A_707] {strides = array<i32>} : memref<16x128xf32, #tpu.memory_space<vmem>>, vector<16xf32>,
        tpu.vector_store %arg12[%swap3A_706, %swap3A_707], %mul3A_704 {strides = array<i32>} : memref<16x128xf32, #tpu.memory_space<vmem>>, vector<16xf32>,
        %get3A_709 = arith.constant 7 : i32
        %get3A_710 = arith.index_cast %get3A_709 : i32 to index
        %get3A_711 = arith.constant 64 : index
        %get3A_712 = tpu.vector_load %arg12[%get3A_710, %get3A_711] {strides = array<i32>} : memref<16x128xf32, #tpu.memory_space<vmem>>, vector<16xf32>,
        %mul3A_713 = arith.mulf %get3A_712, %gather3A_672 : vector<16xf32>
        %swap3A_714 = arith.constant 7 : i32
        %swap3A_715 = arith.index_cast %swap3A_714 : i32 to index
        %swap3A_716 = arith.constant 64 : index
        %swap3A_717 = tpu.vector_load %arg12[%swap3A_715, %swap3A_716] {strides = array<i32>} : memref<16x128xf32, #tpu.memory_space<vmem>>, vector<16xf32>,
        tpu.vector_store %arg12[%swap3A_715, %swap3A_716], %mul3A_713 {strides = array<i32>} : memref<16x128xf32, #tpu.memory_space<vmem>>, vector<16xf32>,
        %get3A_718 = arith.constant 7 : i32
        %get3A_719 = arith.index_cast %get3A_718 : i32 to index
        %get3A_720 = arith.constant 80 : index
        %get3A_721 = tpu.vector_load %arg12[%get3A_719, %get3A_720] {strides = array<i32>} : memref<16x128xf32, #tpu.memory_space<vmem>>, vector<16xf32>,
        %mul3A_722 = arith.mulf %get3A_721, %gather3A_672 : vector<16xf32>
        %swap3A_723 = arith.constant 7 : i32
        %swap3A_724 = arith.index_cast %swap3A_723 : i32 to index
        %swap3A_725 = arith.constant 80 : index
        %swap3A_726 = tpu.vector_load %arg12[%swap3A_724, %swap3A_725] {strides = array<i32>} : memref<16x128xf32, #tpu.memory_space<vmem>>, vector<16xf32>,
        tpu.vector_store %arg12[%swap3A_724, %swap3A_725], %mul3A_722 {strides = array<i32>} : memref<16x128xf32, #tpu.memory_space<vmem>>, vector<16xf32>,
        %get3A_727 = arith.constant 7 : i32
        %get3A_728 = arith.index_cast %get3A_727 : i32 to index
        %get3A_729 = arith.constant 96 : index
        %get3A_730 = tpu.vector_load %arg12[%get3A_728, %get3A_729] {strides = array<i32>} : memref<16x128xf32, #tpu.memory_space<vmem>>, vector<16xf32>,
        %mul3A_731 = arith.mulf %get3A_730, %gather3A_672 : vector<16xf32>
        %swap3A_732 = arith.constant 7 : i32
        %swap3A_733 = arith.index_cast %swap3A_732 : i32 to index
        %swap3A_734 = arith.constant 96 : index
        %swap3A_735 = tpu.vector_load %arg12[%swap3A_733, %swap3A_734] {strides = array<i32>} : memref<16x128xf32, #tpu.memory_space<vmem>>, vector<16xf32>,
        tpu.vector_store %arg12[%swap3A_733, %swap3A_734], %mul3A_731 {strides = array<i32>} : memref<16x128xf32, #tpu.memory_space<vmem>>, vector<16xf32>,
        %get3A_736 = arith.constant 7 : i32
        %get3A_737 = arith.index_cast %get3A_736 : i32 to index
        %get3A_738 = arith.constant 112 : index
        %get3A_739 = tpu.vector_load %arg12[%get3A_737, %get3A_738] {strides = array<i32>} : memref<16x128xf32, #tpu.memory_space<vmem>>, vector<16xf32>,
        %mul3A_740 = arith.mulf %get3A_739, %gather3A_672 : vector<16xf32>
        %swap3A_741 = arith.constant 7 : i32
        %swap3A_742 = arith.index_cast %swap3A_741 : i32 to index
        %swap3A_743 = arith.constant 112 : index
        %swap3A_744 = tpu.vector_load %arg12[%swap3A_742, %swap3A_743] {strides = array<i32>} : memref<16x128xf32, #tpu.memory_space<vmem>>, vector<16xf32>,
        tpu.vector_store %arg12[%swap3A_742, %swap3A_743], %mul3A_740 {strides = array<i32>} : memref<16x128xf32, #tpu.memory_space<vmem>>, vector<16xf32>,
        %add3A_745 = arith.constant 8 : i32
        %add3A_746 = vector.broadcast %add3A_745 : i32 to vector<16xi32>
        %add3A_747 = arith.addi %mul3A_92, %add3A_746 : vector<16xi32>
        %reshape3A_748 = vector.shape_cast %add3A_747 : vector<16xi32> to vector<16x1xi32>
        %gather3A_749 = vector.shape_cast %reshape3A_748 : vector<16x1xi32> to vector<16xi32>
        %gather3A_750 = tpu.dynamic_gather %get3A_121[%gather3A_749] in [0] : vector<16xf32>, vector<16xi32> -> vector<16xf32>
        %get3A_751 = arith.constant 8 : i32
        %get3A_752 = arith.index_cast %get3A_751 : i32 to index
        %get3A_753 = arith.constant 0 : index
        %get3A_754 = tpu.vector_load %arg12[%get3A_752, %get3A_753] {strides = array<i32>} : memref<16x128xf32, #tpu.memory_space<vmem>>, vector<16xf32>,
        %mul3A_755 = arith.mulf %get3A_754, %gather3A_750 : vector<16xf32>
        %swap3A_756 = arith.constant 8 : i32
        %swap3A_757 = arith.index_cast %swap3A_756 : i32 to index
        %swap3A_758 = arith.constant 0 : index
        %swap3A_759 = tpu.vector_load %arg12[%swap3A_757, %swap3A_758] {strides = array<i32>} : memref<16x128xf32, #tpu.memory_space<vmem>>, vector<16xf32>,
        tpu.vector_store %arg12[%swap3A_757, %swap3A_758], %mul3A_755 {strides = array<i32>} : memref<16x128xf32, #tpu.memory_space<vmem>>, vector<16xf32>,
        %get3A_760 = arith.constant 8 : i32
        %get3A_761 = arith.index_cast %get3A_760 : i32 to index
        %get3A_762 = arith.constant 16 : index
        %get3A_763 = tpu.vector_load %arg12[%get3A_761, %get3A_762] {strides = array<i32>} : memref<16x128xf32, #tpu.memory_space<vmem>>, vector<16xf32>,
        %mul3A_764 = arith.mulf %get3A_763, %gather3A_750 : vector<16xf32>
        %swap3A_765 = arith.constant 8 : i32
        %swap3A_766 = arith.index_cast %swap3A_765 : i32 to index
        %swap3A_767 = arith.constant 16 : index
        %swap3A_768 = tpu.vector_load %arg12[%swap3A_766, %swap3A_767] {strides = array<i32>} : memref<16x128xf32, #tpu.memory_space<vmem>>, vector<16xf32>,
        tpu.vector_store %arg12[%swap3A_766, %swap3A_767], %mul3A_764 {strides = array<i32>} : memref<16x128xf32, #tpu.memory_space<vmem>>, vector<16xf32>,
        %get3A_769 = arith.constant 8 : i32
        %get3A_770 = arith.index_cast %get3A_769 : i32 to index
        %get3A_771 = arith.constant 32 : index
        %get3A_772 = tpu.vector_load %arg12[%get3A_770, %get3A_771] {strides = array<i32>} : memref<16x128xf32, #tpu.memory_space<vmem>>, vector<16xf32>,
        %mul3A_773 = arith.mulf %get3A_772, %gather3A_750 : vector<16xf32>
        %swap3A_774 = arith.constant 8 : i32
        %swap3A_775 = arith.index_cast %swap3A_774 : i32 to index
        %swap3A_776 = arith.constant 32 : index
        %swap3A_777 = tpu.vector_load %arg12[%swap3A_775, %swap3A_776] {strides = array<i32>} : memref<16x128xf32, #tpu.memory_space<vmem>>, vector<16xf32>,
        tpu.vector_store %arg12[%swap3A_775, %swap3A_776], %mul3A_773 {strides = array<i32>} : memref<16x128xf32, #tpu.memory_space<vmem>>, vector<16xf32>,
        %get3A_778 = arith.constant 8 : i32
        %get3A_779 = arith.index_cast %get3A_778 : i32 to index
        %get3A_780 = arith.constant 48 : index
        %get3A_781 = tpu.vector_load %arg12[%get3A_779, %get3A_780] {strides = array<i32>} : memref<16x128xf32, #tpu.memory_space<vmem>>, vector<16xf32>,
        %mul3A_782 = arith.mulf %get3A_781, %gather3A_750 : vector<16xf32>
        %swap3A_783 = arith.constant 8 : i32
        %swap3A_784 = arith.index_cast %swap3A_783 : i32 to index
        %swap3A_785 = arith.constant 48 : index
        %swap3A_786 = tpu.vector_load %arg12[%swap3A_784, %swap3A_785] {strides = array<i32>} : memref<16x128xf32, #tpu.memory_space<vmem>>, vector<16xf32>,
        tpu.vector_store %arg12[%swap3A_784, %swap3A_785], %mul3A_782 {strides = array<i32>} : memref<16x128xf32, #tpu.memory_space<vmem>>, vector<16xf32>,
        %get3A_787 = arith.constant 8 : i32
        %get3A_788 = arith.index_cast %get3A_787 : i32 to index
        %get3A_789 = arith.constant 64 : index
        %get3A_790 = tpu.vector_load %arg12[%get3A_788, %get3A_789] {strides = array<i32>} : memref<16x128xf32, #tpu.memory_space<vmem>>, vector<16xf32>,
        %mul3A_791 = arith.mulf %get3A_790, %gather3A_750 : vector<16xf32>
        %swap3A_792 = arith.constant 8 : i32
        %swap3A_793 = arith.index_cast %swap3A_792 : i32 to index
        %swap3A_794 = arith.constant 64 : index
        %swap3A_795 = tpu.vector_load %arg12[%swap3A_793, %swap3A_794] {strides = array<i32>} : memref<16x128xf32, #tpu.memory_space<vmem>>, vector<16xf32>,
        tpu.vector_store %arg12[%swap3A_793, %swap3A_794], %mul3A_791 {strides = array<i32>} : memref<16x128xf32, #tpu.memory_space<vmem>>, vector<16xf32>,
        %get3A_796 = arith.constant 8 : i32
        %get3A_797 = arith.index_cast %get3A_796 : i32 to index
        %get3A_798 = arith.constant 80 : index
        %get3A_799 = tpu.vector_load %arg12[%get3A_797, %get3A_798] {strides = array<i32>} : memref<16x128xf32, #tpu.memory_space<vmem>>, vector<16xf32>,
        %mul3A_800 = arith.mulf %get3A_799, %gather3A_750 : vector<16xf32>
        %swap3A_801 = arith.constant 8 : i32
        %swap3A_802 = arith.index_cast %swap3A_801 : i32 to index
        %swap3A_803 = arith.constant 80 : index
        %swap3A_804 = tpu.vector_load %arg12[%swap3A_802, %swap3A_803] {strides = array<i32>} : memref<16x128xf32, #tpu.memory_space<vmem>>, vector<16xf32>,
        tpu.vector_store %arg12[%swap3A_802, %swap3A_803], %mul3A_800 {strides = array<i32>} : memref<16x128xf32, #tpu.memory_space<vmem>>, vector<16xf32>,
        %get3A_805 = arith.constant 8 : i32
        %get3A_806 = arith.index_cast %get3A_805 : i32 to index
        %get3A_807 = arith.constant 96 : index
        %get3A_808 = tpu.vector_load %arg12[%get3A_806, %get3A_807] {strides = array<i32>} : memref<16x128xf32, #tpu.memory_space<vmem>>, vector<16xf32>,
        %mul3A_809 = arith.mulf %get3A_808, %gather3A_750 : vector<16xf32>
        %swap3A_810 = arith.constant 8 : i32
        %swap3A_811 = arith.index_cast %swap3A_810 : i32 to index
        %swap3A_812 = arith.constant 96 : index
        %swap3A_813 = tpu.vector_load %arg12[%swap3A_811, %swap3A_812] {strides = array<i32>} : memref<16x128xf32, #tpu.memory_space<vmem>>, vector<16xf32>,
        tpu.vector_store %arg12[%swap3A_811, %swap3A_812], %mul3A_809 {strides = array<i32>} : memref<16x128xf32, #tpu.memory_space<vmem>>, vector<16xf32>,
        %get3A_814 = arith.constant 8 : i32
        %get3A_815 = arith.index_cast %get3A_814 : i32 to index
        %get3A_816 = arith.constant 112 : index
        %get3A_817 = tpu.vector_load %arg12[%get3A_815, %get3A_816] {strides = array<i32>} : memref<16x128xf32, #tpu.memory_space<vmem>>, vector<16xf32>,
        %mul3A_818 = arith.mulf %get3A_817, %gather3A_750 : vector<16xf32>
        %swap3A_819 = arith.constant 8 : i32
        %swap3A_820 = arith.index_cast %swap3A_819 : i32 to index
        %swap3A_821 = arith.constant 112 : index
        %swap3A_822 = tpu.vector_load %arg12[%swap3A_820, %swap3A_821] {strides = array<i32>} : memref<16x128xf32, #tpu.memory_space<vmem>>, vector<16xf32>,
        tpu.vector_store %arg12[%swap3A_820, %swap3A_821], %mul3A_818 {strides = array<i32>} : memref<16x128xf32, #tpu.memory_space<vmem>>, vector<16xf32>,
        %add3A_823 = arith.constant 9 : i32
        %add3A_824 = vector.broadcast %add3A_823 : i32 to vector<16xi32>
        %add3A_825 = arith.addi %mul3A_92, %add3A_824 : vector<16xi32>
        %reshape3A_826 = vector.shape_cast %add3A_825 : vector<16xi32> to vector<16x1xi32>
        %gather3A_827 = vector.shape_cast %reshape3A_826 : vector<16x1xi32> to vector<16xi32>
        %gather3A_828 = tpu.dynamic_gather %get3A_121[%gather3A_827] in [0] : vector<16xf32>, vector<16xi32> -> vector<16xf32>
        %get3A_829 = arith.constant 9 : i32
        %get3A_830 = arith.index_cast %get3A_829 : i32 to index
        %get3A_831 = arith.constant 0 : index
        %get3A_832 = tpu.vector_load %arg12[%get3A_830, %get3A_831] {strides = array<i32>} : memref<16x128xf32, #tpu.memory_space<vmem>>, vector<16xf32>,
        %mul3A_833 = arith.mulf %get3A_832, %gather3A_828 : vector<16xf32>
        %swap3A_834 = arith.constant 9 : i32
        %swap3A_835 = arith.index_cast %swap3A_834 : i32 to index
        %swap3A_836 = arith.constant 0 : index
        %swap3A_837 = tpu.vector_load %arg12[%swap3A_835, %swap3A_836] {strides = array<i32>} : memref<16x128xf32, #tpu.memory_space<vmem>>, vector<16xf32>,
        tpu.vector_store %arg12[%swap3A_835, %swap3A_836], %mul3A_833 {strides = array<i32>} : memref<16x128xf32, #tpu.memory_space<vmem>>, vector<16xf32>,
        %get3A_838 = arith.constant 9 : i32
        %get3A_839 = arith.index_cast %get3A_838 : i32 to index
        %get3A_840 = arith.constant 16 : index
        %get3A_841 = tpu.vector_load %arg12[%get3A_839, %get3A_840] {strides = array<i32>} : memref<16x128xf32, #tpu.memory_space<vmem>>, vector<16xf32>,
        %mul3A_842 = arith.mulf %get3A_841, %gather3A_828 : vector<16xf32>
        %swap3A_843 = arith.constant 9 : i32
        %swap3A_844 = arith.index_cast %swap3A_843 : i32 to index
        %swap3A_845 = arith.constant 16 : index
        %swap3A_846 = tpu.vector_load %arg12[%swap3A_844, %swap3A_845] {strides = array<i32>} : memref<16x128xf32, #tpu.memory_space<vmem>>, vector<16xf32>,
        tpu.vector_store %arg12[%swap3A_844, %swap3A_845], %mul3A_842 {strides = array<i32>} : memref<16x128xf32, #tpu.memory_space<vmem>>, vector<16xf32>,
        %get3A_847 = arith.constant 9 : i32
        %get3A_848 = arith.index_cast %get3A_847 : i32 to index
        %get3A_849 = arith.constant 32 : index
        %get3A_850 = tpu.vector_load %arg12[%get3A_848, %get3A_849] {strides = array<i32>} : memref<16x128xf32, #tpu.memory_space<vmem>>, vector<16xf32>,
        %mul3A_851 = arith.mulf %get3A_850, %gather3A_828 : vector<16xf32>
        %swap3A_852 = arith.constant 9 : i32
        %swap3A_853 = arith.index_cast %swap3A_852 : i32 to index
        %swap3A_854 = arith.constant 32 : index
        %swap3A_855 = tpu.vector_load %arg12[%swap3A_853, %swap3A_854] {strides = array<i32>} : memref<16x128xf32, #tpu.memory_space<vmem>>, vector<16xf32>,
        tpu.vector_store %arg12[%swap3A_853, %swap3A_854], %mul3A_851 {strides = array<i32>} : memref<16x128xf32, #tpu.memory_space<vmem>>, vector<16xf32>,
        %get3A_856 = arith.constant 9 : i32
        %get3A_857 = arith.index_cast %get3A_856 : i32 to index
        %get3A_858 = arith.constant 48 : index
        %get3A_859 = tpu.vector_load %arg12[%get3A_857, %get3A_858] {strides = array<i32>} : memref<16x128xf32, #tpu.memory_space<vmem>>, vector<16xf32>,
        %mul3A_860 = arith.mulf %get3A_859, %gather3A_828 : vector<16xf32>
        %swap3A_861 = arith.constant 9 : i32
        %swap3A_862 = arith.index_cast %swap3A_861 : i32 to index
        %swap3A_863 = arith.constant 48 : index
        %swap3A_864 = tpu.vector_load %arg12[%swap3A_862, %swap3A_863] {strides = array<i32>} : memref<16x128xf32, #tpu.memory_space<vmem>>, vector<16xf32>,
        tpu.vector_store %arg12[%swap3A_862, %swap3A_863], %mul3A_860 {strides = array<i32>} : memref<16x128xf32, #tpu.memory_space<vmem>>, vector<16xf32>,
        %get3A_865 = arith.constant 9 : i32
        %get3A_866 = arith.index_cast %get3A_865 : i32 to index
        %get3A_867 = arith.constant 64 : index
        %get3A_868 = tpu.vector_load %arg12[%get3A_866, %get3A_867] {strides = array<i32>} : memref<16x128xf32, #tpu.memory_space<vmem>>, vector<16xf32>,
        %mul3A_869 = arith.mulf %get3A_868, %gather3A_828 : vector<16xf32>
        %swap3A_870 = arith.constant 9 : i32
        %swap3A_871 = arith.index_cast %swap3A_870 : i32 to index
        %swap3A_872 = arith.constant 64 : index
        %swap3A_873 = tpu.vector_load %arg12[%swap3A_871, %swap3A_872] {strides = array<i32>} : memref<16x128xf32, #tpu.memory_space<vmem>>, vector<16xf32>,
        tpu.vector_store %arg12[%swap3A_871, %swap3A_872], %mul3A_869 {strides = array<i32>} : memref<16x128xf32, #tpu.memory_space<vmem>>, vector<16xf32>,
        %get3A_874 = arith.constant 9 : i32
        %get3A_875 = arith.index_cast %get3A_874 : i32 to index
        %get3A_876 = arith.constant 80 : index
        %get3A_877 = tpu.vector_load %arg12[%get3A_875, %get3A_876] {strides = array<i32>} : memref<16x128xf32, #tpu.memory_space<vmem>>, vector<16xf32>,
        %mul3A_878 = arith.mulf %get3A_877, %gather3A_828 : vector<16xf32>
        %swap3A_879 = arith.constant 9 : i32
        %swap3A_880 = arith.index_cast %swap3A_879 : i32 to index
        %swap3A_881 = arith.constant 80 : index
        %swap3A_882 = tpu.vector_load %arg12[%swap3A_880, %swap3A_881] {strides = array<i32>} : memref<16x128xf32, #tpu.memory_space<vmem>>, vector<16xf32>,
        tpu.vector_store %arg12[%swap3A_880, %swap3A_881], %mul3A_878 {strides = array<i32>} : memref<16x128xf32, #tpu.memory_space<vmem>>, vector<16xf32>,
        %get3A_883 = arith.constant 9 : i32
        %get3A_884 = arith.index_cast %get3A_883 : i32 to index
        %get3A_885 = arith.constant 96 : index
        %get3A_886 = tpu.vector_load %arg12[%get3A_884, %get3A_885] {strides = array<i32>} : memref<16x128xf32, #tpu.memory_space<vmem>>, vector<16xf32>,
        %mul3A_887 = arith.mulf %get3A_886, %gather3A_828 : vector<16xf32>
        %swap3A_888 = arith.constant 9 : i32
        %swap3A_889 = arith.index_cast %swap3A_888 : i32 to index
        %swap3A_890 = arith.constant 96 : index
        %swap3A_891 = tpu.vector_load %arg12[%swap3A_889, %swap3A_890] {strides = array<i32>} : memref<16x128xf32, #tpu.memory_space<vmem>>, vector<16xf32>,
        tpu.vector_store %arg12[%swap3A_889, %swap3A_890], %mul3A_887 {strides = array<i32>} : memref<16x128xf32, #tpu.memory_space<vmem>>, vector<16xf32>,
        %get3A_892 = arith.constant 9 : i32
        %get3A_893 = arith.index_cast %get3A_892 : i32 to index
        %get3A_894 = arith.constant 112 : index
        %get3A_895 = tpu.vector_load %arg12[%get3A_893, %get3A_894] {strides = array<i32>} : memref<16x128xf32, #tpu.memory_space<vmem>>, vector<16xf32>,
        %mul3A_896 = arith.mulf %get3A_895, %gather3A_828 : vector<16xf32>
        %swap3A_897 = arith.constant 9 : i32
        %swap3A_898 = arith.index_cast %swap3A_897 : i32 to index
        %swap3A_899 = arith.constant 112 : index
        %swap3A_900 = tpu.vector_load %arg12[%swap3A_898, %swap3A_899] {strides = array<i32>} : memref<16x128xf32, #tpu.memory_space<vmem>>, vector<16xf32>,
        tpu.vector_store %arg12[%swap3A_898, %swap3A_899], %mul3A_896 {strides = array<i32>} : memref<16x128xf32, #tpu.memory_space<vmem>>, vector<16xf32>,
        %add3A_901 = arith.constant 10 : i32
        %add3A_902 = vector.broadcast %add3A_901 : i32 to vector<16xi32>
        %add3A_903 = arith.addi %mul3A_92, %add3A_902 : vector<16xi32>
        %reshape3A_904 = vector.shape_cast %add3A_903 : vector<16xi32> to vector<16x1xi32>
        %gather3A_905 = vector.shape_cast %reshape3A_904 : vector<16x1xi32> to vector<16xi32>
        %gather3A_906 = tpu.dynamic_gather %get3A_121[%gather3A_905] in [0] : vector<16xf32>, vector<16xi32> -> vector<16xf32>
        %get3A_907 = arith.constant 10 : i32
        %get3A_908 = arith.index_cast %get3A_907 : i32 to index
        %get3A_909 = arith.constant 0 : index
        %get3A_910 = tpu.vector_load %arg12[%get3A_908, %get3A_909] {strides = array<i32>} : memref<16x128xf32, #tpu.memory_space<vmem>>, vector<16xf32>,
        %mul3A_911 = arith.mulf %get3A_910, %gather3A_906 : vector<16xf32>
        %swap3A_912 = arith.constant 10 : i32
        %swap3A_913 = arith.index_cast %swap3A_912 : i32 to index
        %swap3A_914 = arith.constant 0 : index
        %swap3A_915 = tpu.vector_load %arg12[%swap3A_913, %swap3A_914] {strides = array<i32>} : memref<16x128xf32, #tpu.memory_space<vmem>>, vector<16xf32>,
        tpu.vector_store %arg12[%swap3A_913, %swap3A_914], %mul3A_911 {strides = array<i32>} : memref<16x128xf32, #tpu.memory_space<vmem>>, vector<16xf32>,
        %get3A_916 = arith.constant 10 : i32
        %get3A_917 = arith.index_cast %get3A_916 : i32 to index
        %get3A_918 = arith.constant 16 : index
        %get3A_919 = tpu.vector_load %arg12[%get3A_917, %get3A_918] {strides = array<i32>} : memref<16x128xf32, #tpu.memory_space<vmem>>, vector<16xf32>,
        %mul3A_920 = arith.mulf %get3A_919, %gather3A_906 : vector<16xf32>
        %swap3A_921 = arith.constant 10 : i32
        %swap3A_922 = arith.index_cast %swap3A_921 : i32 to index
        %swap3A_923 = arith.constant 16 : index
        %swap3A_924 = tpu.vector_load %arg12[%swap3A_922, %swap3A_923] {strides = array<i32>} : memref<16x128xf32, #tpu.memory_space<vmem>>, vector<16xf32>,
        tpu.vector_store %arg12[%swap3A_922, %swap3A_923], %mul3A_920 {strides = array<i32>} : memref<16x128xf32, #tpu.memory_space<vmem>>, vector<16xf32>,
        %get3A_925 = arith.constant 10 : i32
        %get3A_926 = arith.index_cast %get3A_925 : i32 to index
        %get3A_927 = arith.constant 32 : index
        %get3A_928 = tpu.vector_load %arg12[%get3A_926, %get3A_927] {strides = array<i32>} : memref<16x128xf32, #tpu.memory_space<vmem>>, vector<16xf32>,
        %mul3A_929 = arith.mulf %get3A_928, %gather3A_906 : vector<16xf32>
        %swap3A_930 = arith.constant 10 : i32
        %swap3A_931 = arith.index_cast %swap3A_930 : i32 to index
        %swap3A_932 = arith.constant 32 : index
        %swap3A_933 = tpu.vector_load %arg12[%swap3A_931, %swap3A_932] {strides = array<i32>} : memref<16x128xf32, #tpu.memory_space<vmem>>, vector<16xf32>,
        tpu.vector_store %arg12[%swap3A_931, %swap3A_932], %mul3A_929 {strides = array<i32>} : memref<16x128xf32, #tpu.memory_space<vmem>>, vector<16xf32>,
        %get3A_934 = arith.constant 10 : i32
        %get3A_935 = arith.index_cast %get3A_934 : i32 to index
        %get3A_936 = arith.constant 48 : index
        %get3A_937 = tpu.vector_load %arg12[%get3A_935, %get3A_936] {strides = array<i32>} : memref<16x128xf32, #tpu.memory_space<vmem>>, vector<16xf32>,
        %mul3A_938 = arith.mulf %get3A_937, %gather3A_906 : vector<16xf32>
        %swap3A_939 = arith.constant 10 : i32
        %swap3A_940 = arith.index_cast %swap3A_939 : i32 to index
        %swap3A_941 = arith.constant 48 : index
        %swap3A_942 = tpu.vector_load %arg12[%swap3A_940, %swap3A_941] {strides = array<i32>} : memref<16x128xf32, #tpu.memory_space<vmem>>, vector<16xf32>,
        tpu.vector_store %arg12[%swap3A_940, %swap3A_941], %mul3A_938 {strides = array<i32>} : memref<16x128xf32, #tpu.memory_space<vmem>>, vector<16xf32>,
        %get3A_943 = arith.constant 10 : i32
        %get3A_944 = arith.index_cast %get3A_943 : i32 to index
        %get3A_945 = arith.constant 64 : index
        %get3A_946 = tpu.vector_load %arg12[%get3A_944, %get3A_945] {strides = array<i32>} : memref<16x128xf32, #tpu.memory_space<vmem>>, vector<16xf32>,
        %mul3A_947 = arith.mulf %get3A_946, %gather3A_906 : vector<16xf32>
        %swap3A_948 = arith.constant 10 : i32
        %swap3A_949 = arith.index_cast %swap3A_948 : i32 to index
        %swap3A_950 = arith.constant 64 : index
        %swap3A_951 = tpu.vector_load %arg12[%swap3A_949, %swap3A_950] {strides = array<i32>} : memref<16x128xf32, #tpu.memory_space<vmem>>, vector<16xf32>,
        tpu.vector_store %arg12[%swap3A_949, %swap3A_950], %mul3A_947 {strides = array<i32>} : memref<16x128xf32, #tpu.memory_space<vmem>>, vector<16xf32>,
        %get3A_952 = arith.constant 10 : i32
        %get3A_953 = arith.index_cast %get3A_952 : i32 to index
        %get3A_954 = arith.constant 80 : index
        %get3A_955 = tpu.vector_load %arg12[%get3A_953, %get3A_954] {strides = array<i32>} : memref<16x128xf32, #tpu.memory_space<vmem>>, vector<16xf32>,
        %mul3A_956 = arith.mulf %get3A_955, %gather3A_906 : vector<16xf32>
        %swap3A_957 = arith.constant 10 : i32
        %swap3A_958 = arith.index_cast %swap3A_957 : i32 to index
        %swap3A_959 = arith.constant 80 : index
        %swap3A_960 = tpu.vector_load %arg12[%swap3A_958, %swap3A_959] {strides = array<i32>} : memref<16x128xf32, #tpu.memory_space<vmem>>, vector<16xf32>,
        tpu.vector_store %arg12[%swap3A_958, %swap3A_959], %mul3A_956 {strides = array<i32>} : memref<16x128xf32, #tpu.memory_space<vmem>>, vector<16xf32>,
        %get3A_961 = arith.constant 10 : i32
        %get3A_962 = arith.index_cast %get3A_961 : i32 to index
        %get3A_963 = arith.constant 96 : index
        %get3A_964 = tpu.vector_load %arg12[%get3A_962, %get3A_963] {strides = array<i32>} : memref<16x128xf32, #tpu.memory_space<vmem>>, vector<16xf32>,
        %mul3A_965 = arith.mulf %get3A_964, %gather3A_906 : vector<16xf32>
        %swap3A_966 = arith.constant 10 : i32
        %swap3A_967 = arith.index_cast %swap3A_966 : i32 to index
        %swap3A_968 = arith.constant 96 : index
        %swap3A_969 = tpu.vector_load %arg12[%swap3A_967, %swap3A_968] {strides = array<i32>} : memref<16x128xf32, #tpu.memory_space<vmem>>, vector<16xf32>,
        tpu.vector_store %arg12[%swap3A_967, %swap3A_968], %mul3A_965 {strides = array<i32>} : memref<16x128xf32, #tpu.memory_space<vmem>>, vector<16xf32>,
        %get3A_970 = arith.constant 10 : i32
        %get3A_971 = arith.index_cast %get3A_970 : i32 to index
        %get3A_972 = arith.constant 112 : index
        %get3A_973 = tpu.vector_load %arg12[%get3A_971, %get3A_972] {strides = array<i32>} : memref<16x128xf32, #tpu.memory_space<vmem>>, vector<16xf32>,
        %mul3A_974 = arith.mulf %get3A_973, %gather3A_906 : vector<16xf32>
        %swap3A_975 = arith.constant 10 : i32
        %swap3A_976 = arith.index_cast %swap3A_975 : i32 to index
        %swap3A_977 = arith.constant 112 : index
        %swap3A_978 = tpu.vector_load %arg12[%swap3A_976, %swap3A_977] {strides = array<i32>} : memref<16x128xf32, #tpu.memory_space<vmem>>, vector<16xf32>,
        tpu.vector_store %arg12[%swap3A_976, %swap3A_977], %mul3A_974 {strides = array<i32>} : memref<16x128xf32, #tpu.memory_space<vmem>>, vector<16xf32>,
        %add3A_979 = arith.constant 11 : i32
        %add3A_980 = vector.broadcast %add3A_979 : i32 to vector<16xi32>
        %add3A_981 = arith.addi %mul3A_92, %add3A_980 : vector<16xi32>
        %reshape3A_982 = vector.shape_cast %add3A_981 : vector<16xi32> to vector<16x1xi32>
        %gather3A_983 = vector.shape_cast %reshape3A_982 : vector<16x1xi32> to vector<16xi32>
        %gather3A_984 = tpu.dynamic_gather %get3A_121[%gather3A_983] in [0] : vector<16xf32>, vector<16xi32> -> vector<16xf32>
        %get3A_985 = arith.constant 11 : i32
        %get3A_986 = arith.index_cast %get3A_985 : i32 to index
        %get3A_987 = arith.constant 0 : index
        %get3A_988 = tpu.vector_load %arg12[%get3A_986, %get3A_987] {strides = array<i32>} : memref<16x128xf32, #tpu.memory_space<vmem>>, vector<16xf32>,
        %mul3A_989 = arith.mulf %get3A_988, %gather3A_984 : vector<16xf32>
        %swap3A_990 = arith.constant 11 : i32
        %swap3A_991 = arith.index_cast %swap3A_990 : i32 to index
        %swap3A_992 = arith.constant 0 : index
        %swap3A_993 = tpu.vector_load %arg12[%swap3A_991, %swap3A_992] {strides = array<i32>} : memref<16x128xf32, #tpu.memory_space<vmem>>, vector<16xf32>,
        tpu.vector_store %arg12[%swap3A_991, %swap3A_992], %mul3A_989 {strides = array<i32>} : memref<16x128xf32, #tpu.memory_space<vmem>>, vector<16xf32>,
        %get3A_994 = arith.constant 11 : i32
        %get3A_995 = arith.index_cast %get3A_994 : i32 to index
        %get3A_996 = arith.constant 16 : index
        %get3A_997 = tpu.vector_load %arg12[%get3A_995, %get3A_996] {strides = array<i32>} : memref<16x128xf32, #tpu.memory_space<vmem>>, vector<16xf32>,
        %mul3A_998 = arith.mulf %get3A_997, %gather3A_984 : vector<16xf32>
        %swap3A_999 = arith.constant 11 : i32
        %swap3A_1000 = arith.index_cast %swap3A_999 : i32 to index
        %swap3A_1001 = arith.constant 16 : index
        %swap3A_1002 = tpu.vector_load %arg12[%swap3A_1000, %swap3A_1001] {strides = array<i32>} : memref<16x128xf32, #tpu.memory_space<vmem>>, vector<16xf32>,
        tpu.vector_store %arg12[%swap3A_1000, %swap3A_1001], %mul3A_998 {strides = array<i32>} : memref<16x128xf32, #tpu.memory_space<vmem>>, vector<16xf32>,
        %get3A_1003 = arith.constant 11 : i32
        %get3A_1004 = arith.index_cast %get3A_1003 : i32 to index
        %get3A_1005 = arith.constant 32 : index
        %get3A_1006 = tpu.vector_load %arg12[%get3A_1004, %get3A_1005] {strides = array<i32>} : memref<16x128xf32, #tpu.memory_space<vmem>>, vector<16xf32>,
        %mul3A_1007 = arith.mulf %get3A_1006, %gather3A_984 : vector<16xf32>
        %swap3A_1008 = arith.constant 11 : i32
        %swap3A_1009 = arith.index_cast %swap3A_1008 : i32 to index
        %swap3A_1010 = arith.constant 32 : index
        %swap3A_1011 = tpu.vector_load %arg12[%swap3A_1009, %swap3A_1010] {strides = array<i32>} : memref<16x128xf32, #tpu.memory_space<vmem>>, vector<16xf32>,
        tpu.vector_store %arg12[%swap3A_1009, %swap3A_1010], %mul3A_1007 {strides = array<i32>} : memref<16x128xf32, #tpu.memory_space<vmem>>, vector<16xf32>,
        %get3A_1012 = arith.constant 11 : i32
        %get3A_1013 = arith.index_cast %get3A_1012 : i32 to index
        %get3A_1014 = arith.constant 48 : index
        %get3A_1015 = tpu.vector_load %arg12[%get3A_1013, %get3A_1014] {strides = array<i32>} : memref<16x128xf32, #tpu.memory_space<vmem>>, vector<16xf32>,
        %mul3A_1016 = arith.mulf %get3A_1015, %gather3A_984 : vector<16xf32>
        %swap3A_1017 = arith.constant 11 : i32
        %swap3A_1018 = arith.index_cast %swap3A_1017 : i32 to index
        %swap3A_1019 = arith.constant 48 : index
        %swap3A_1020 = tpu.vector_load %arg12[%swap3A_1018, %swap3A_1019] {strides = array<i32>} : memref<16x128xf32, #tpu.memory_space<vmem>>, vector<16xf32>,
        tpu.vector_store %arg12[%swap3A_1018, %swap3A_1019], %mul3A_1016 {strides = array<i32>} : memref<16x128xf32, #tpu.memory_space<vmem>>, vector<16xf32>,
        %get3A_1021 = arith.constant 11 : i32
        %get3A_1022 = arith.index_cast %get3A_1021 : i32 to index
        %get3A_1023 = arith.constant 64 : index
        %get3A_1024 = tpu.vector_load %arg12[%get3A_1022, %get3A_1023] {strides = array<i32>} : memref<16x128xf32, #tpu.memory_space<vmem>>, vector<16xf32>,
        %mul3A_1025 = arith.mulf %get3A_1024, %gather3A_984 : vector<16xf32>
        %swap3A_1026 = arith.constant 11 : i32
        %swap3A_1027 = arith.index_cast %swap3A_1026 : i32 to index
        %swap3A_1028 = arith.constant 64 : index
        %swap3A_1029 = tpu.vector_load %arg12[%swap3A_1027, %swap3A_1028] {strides = array<i32>} : memref<16x128xf32, #tpu.memory_space<vmem>>, vector<16xf32>,
        tpu.vector_store %arg12[%swap3A_1027, %swap3A_1028], %mul3A_1025 {strides = array<i32>} : memref<16x128xf32, #tpu.memory_space<vmem>>, vector<16xf32>,
        %get3A_1030 = arith.constant 11 : i32
        %get3A_1031 = arith.index_cast %get3A_1030 : i32 to index
        %get3A_1032 = arith.constant 80 : index
        %get3A_1033 = tpu.vector_load %arg12[%get3A_1031, %get3A_1032] {strides = array<i32>} : memref<16x128xf32, #tpu.memory_space<vmem>>, vector<16xf32>,
        %mul3A_1034 = arith.mulf %get3A_1033, %gather3A_984 : vector<16xf32>
        %swap3A_1035 = arith.constant 11 : i32
        %swap3A_1036 = arith.index_cast %swap3A_1035 : i32 to index
        %swap3A_1037 = arith.constant 80 : index
        %swap3A_1038 = tpu.vector_load %arg12[%swap3A_1036, %swap3A_1037] {strides = array<i32>} : memref<16x128xf32, #tpu.memory_space<vmem>>, vector<16xf32>,
        tpu.vector_store %arg12[%swap3A_1036, %swap3A_1037], %mul3A_1034 {strides = array<i32>} : memref<16x128xf32, #tpu.memory_space<vmem>>, vector<16xf32>,
        %get3A_1039 = arith.constant 11 : i32
        %get3A_1040 = arith.index_cast %get3A_1039 : i32 to index
        %get3A_1041 = arith.constant 96 : index
        %get3A_1042 = tpu.vector_load %arg12[%get3A_1040, %get3A_1041] {strides = array<i32>} : memref<16x128xf32, #tpu.memory_space<vmem>>, vector<16xf32>,
        %mul3A_1043 = arith.mulf %get3A_1042, %gather3A_984 : vector<16xf32>
        %swap3A_1044 = arith.constant 11 : i32
        %swap3A_1045 = arith.index_cast %swap3A_1044 : i32 to index
        %swap3A_1046 = arith.constant 96 : index
        %swap3A_1047 = tpu.vector_load %arg12[%swap3A_1045, %swap3A_1046] {strides = array<i32>} : memref<16x128xf32, #tpu.memory_space<vmem>>, vector<16xf32>,
        tpu.vector_store %arg12[%swap3A_1045, %swap3A_1046], %mul3A_1043 {strides = array<i32>} : memref<16x128xf32, #tpu.memory_space<vmem>>, vector<16xf32>,
        %get3A_1048 = arith.constant 11 : i32
        %get3A_1049 = arith.index_cast %get3A_1048 : i32 to index
        %get3A_1050 = arith.constant 112 : index
        %get3A_1051 = tpu.vector_load %arg12[%get3A_1049, %get3A_1050] {strides = array<i32>} : memref<16x128xf32, #tpu.memory_space<vmem>>, vector<16xf32>,
        %mul3A_1052 = arith.mulf %get3A_1051, %gather3A_984 : vector<16xf32>
        %swap3A_1053 = arith.constant 11 : i32
        %swap3A_1054 = arith.index_cast %swap3A_1053 : i32 to index
        %swap3A_1055 = arith.constant 112 : index
        %swap3A_1056 = tpu.vector_load %arg12[%swap3A_1054, %swap3A_1055] {strides = array<i32>} : memref<16x128xf32, #tpu.memory_space<vmem>>, vector<16xf32>,
        tpu.vector_store %arg12[%swap3A_1054, %swap3A_1055], %mul3A_1052 {strides = array<i32>} : memref<16x128xf32, #tpu.memory_space<vmem>>, vector<16xf32>,
        %add3A_1057 = arith.constant 12 : i32
        %add3A_1058 = vector.broadcast %add3A_1057 : i32 to vector<16xi32>
        %add3A_1059 = arith.addi %mul3A_92, %add3A_1058 : vector<16xi32>
        %reshape3A_1060 = vector.shape_cast %add3A_1059 : vector<16xi32> to vector<16x1xi32>
        %gather3A_1061 = vector.shape_cast %reshape3A_1060 : vector<16x1xi32> to vector<16xi32>
        %gather3A_1062 = tpu.dynamic_gather %get3A_121[%gather3A_1061] in [0] : vector<16xf32>, vector<16xi32> -> vector<16xf32>
        %get3A_1063 = arith.constant 12 : i32
        %get3A_1064 = arith.index_cast %get3A_1063 : i32 to index
        %get3A_1065 = arith.constant 0 : index
        %get3A_1066 = tpu.vector_load %arg12[%get3A_1064, %get3A_1065] {strides = array<i32>} : memref<16x128xf32, #tpu.memory_space<vmem>>, vector<16xf32>,
        %mul3A_1067 = arith.mulf %get3A_1066, %gather3A_1062 : vector<16xf32>
        %swap3A_1068 = arith.constant 12 : i32
        %swap3A_1069 = arith.index_cast %swap3A_1068 : i32 to index
        %swap3A_1070 = arith.constant 0 : index
        %swap3A_1071 = tpu.vector_load %arg12[%swap3A_1069, %swap3A_1070] {strides = array<i32>} : memref<16x128xf32, #tpu.memory_space<vmem>>, vector<16xf32>,
        tpu.vector_store %arg12[%swap3A_1069, %swap3A_1070], %mul3A_1067 {strides = array<i32>} : memref<16x128xf32, #tpu.memory_space<vmem>>, vector<16xf32>,
        %get3A_1072 = arith.constant 12 : i32
        %get3A_1073 = arith.index_cast %get3A_1072 : i32 to index
        %get3A_1074 = arith.constant 16 : index
        %get3A_1075 = tpu.vector_load %arg12[%get3A_1073, %get3A_1074] {strides = array<i32>} : memref<16x128xf32, #tpu.memory_space<vmem>>, vector<16xf32>,
        %mul3A_1076 = arith.mulf %get3A_1075, %gather3A_1062 : vector<16xf32>
        %swap3A_1077 = arith.constant 12 : i32
        %swap3A_1078 = arith.index_cast %swap3A_1077 : i32 to index
        %swap3A_1079 = arith.constant 16 : index
        %swap3A_1080 = tpu.vector_load %arg12[%swap3A_1078, %swap3A_1079] {strides = array<i32>} : memref<16x128xf32, #tpu.memory_space<vmem>>, vector<16xf32>,
        tpu.vector_store %arg12[%swap3A_1078, %swap3A_1079], %mul3A_1076 {strides = array<i32>} : memref<16x128xf32, #tpu.memory_space<vmem>>, vector<16xf32>,
        %get3A_1081 = arith.constant 12 : i32
        %get3A_1082 = arith.index_cast %get3A_1081 : i32 to index
        %get3A_1083 = arith.constant 32 : index
        %get3A_1084 = tpu.vector_load %arg12[%get3A_1082, %get3A_1083] {strides = array<i32>} : memref<16x128xf32, #tpu.memory_space<vmem>>, vector<16xf32>,
        %mul3A_1085 = arith.mulf %get3A_1084, %gather3A_1062 : vector<16xf32>
        %swap3A_1086 = arith.constant 12 : i32
        %swap3A_1087 = arith.index_cast %swap3A_1086 : i32 to index
        %swap3A_1088 = arith.constant 32 : index
        %swap3A_1089 = tpu.vector_load %arg12[%swap3A_1087, %swap3A_1088] {strides = array<i32>} : memref<16x128xf32, #tpu.memory_space<vmem>>, vector<16xf32>,
        tpu.vector_store %arg12[%swap3A_1087, %swap3A_1088], %mul3A_1085 {strides = array<i32>} : memref<16x128xf32, #tpu.memory_space<vmem>>, vector<16xf32>,
        %get3A_1090 = arith.constant 12 : i32
        %get3A_1091 = arith.index_cast %get3A_1090 : i32 to index
        %get3A_1092 = arith.constant 48 : index
        %get3A_1093 = tpu.vector_load %arg12[%get3A_1091, %get3A_1092] {strides = array<i32>} : memref<16x128xf32, #tpu.memory_space<vmem>>, vector<16xf32>,
        %mul3A_1094 = arith.mulf %get3A_1093, %gather3A_1062 : vector<16xf32>
        %swap3A_1095 = arith.constant 12 : i32
        %swap3A_1096 = arith.index_cast %swap3A_1095 : i32 to index
        %swap3A_1097 = arith.constant 48 : index
        %swap3A_1098 = tpu.vector_load %arg12[%swap3A_1096, %swap3A_1097] {strides = array<i32>} : memref<16x128xf32, #tpu.memory_space<vmem>>, vector<16xf32>,
        tpu.vector_store %arg12[%swap3A_1096, %swap3A_1097], %mul3A_1094 {strides = array<i32>} : memref<16x128xf32, #tpu.memory_space<vmem>>, vector<16xf32>,
        %get3A_1099 = arith.constant 12 : i32
        %get3A_1100 = arith.index_cast %get3A_1099 : i32 to index
        %get3A_1101 = arith.constant 64 : index
        %get3A_1102 = tpu.vector_load %arg12[%get3A_1100, %get3A_1101] {strides = array<i32>} : memref<16x128xf32, #tpu.memory_space<vmem>>, vector<16xf32>,
        %mul3A_1103 = arith.mulf %get3A_1102, %gather3A_1062 : vector<16xf32>
        %swap3A_1104 = arith.constant 12 : i32
        %swap3A_1105 = arith.index_cast %swap3A_1104 : i32 to index
        %swap3A_1106 = arith.constant 64 : index
        %swap3A_1107 = tpu.vector_load %arg12[%swap3A_1105, %swap3A_1106] {strides = array<i32>} : memref<16x128xf32, #tpu.memory_space<vmem>>, vector<16xf32>,
        tpu.vector_store %arg12[%swap3A_1105, %swap3A_1106], %mul3A_1103 {strides = array<i32>} : memref<16x128xf32, #tpu.memory_space<vmem>>, vector<16xf32>,
        %get3A_1108 = arith.constant 12 : i32
        %get3A_1109 = arith.index_cast %get3A_1108 : i32 to index
        %get3A_1110 = arith.constant 80 : index
        %get3A_1111 = tpu.vector_load %arg12[%get3A_1109, %get3A_1110] {strides = array<i32>} : memref<16x128xf32, #tpu.memory_space<vmem>>, vector<16xf32>,
        %mul3A_1112 = arith.mulf %get3A_1111, %gather3A_1062 : vector<16xf32>
        %swap3A_1113 = arith.constant 12 : i32
        %swap3A_1114 = arith.index_cast %swap3A_1113 : i32 to index
        %swap3A_1115 = arith.constant 80 : index
        %swap3A_1116 = tpu.vector_load %arg12[%swap3A_1114, %swap3A_1115] {strides = array<i32>} : memref<16x128xf32, #tpu.memory_space<vmem>>, vector<16xf32>,
        tpu.vector_store %arg12[%swap3A_1114, %swap3A_1115], %mul3A_1112 {strides = array<i32>} : memref<16x128xf32, #tpu.memory_space<vmem>>, vector<16xf32>,
        %get3A_1117 = arith.constant 12 : i32
        %get3A_1118 = arith.index_cast %get3A_1117 : i32 to index
        %get3A_1119 = arith.constant 96 : index
        %get3A_1120 = tpu.vector_load %arg12[%get3A_1118, %get3A_1119] {strides = array<i32>} : memref<16x128xf32, #tpu.memory_space<vmem>>, vector<16xf32>,
        %mul3A_1121 = arith.mulf %get3A_1120, %gather3A_1062 : vector<16xf32>
        %swap3A_1122 = arith.constant 12 : i32
        %swap3A_1123 = arith.index_cast %swap3A_1122 : i32 to index
        %swap3A_1124 = arith.constant 96 : index
        %swap3A_1125 = tpu.vector_load %arg12[%swap3A_1123, %swap3A_1124] {strides = array<i32>} : memref<16x128xf32, #tpu.memory_space<vmem>>, vector<16xf32>,
        tpu.vector_store %arg12[%swap3A_1123, %swap3A_1124], %mul3A_1121 {strides = array<i32>} : memref<16x128xf32, #tpu.memory_space<vmem>>, vector<16xf32>,
        %get3A_1126 = arith.constant 12 : i32
        %get3A_1127 = arith.index_cast %get3A_1126 : i32 to index
        %get3A_1128 = arith.constant 112 : index
        %get3A_1129 = tpu.vector_load %arg12[%get3A_1127, %get3A_1128] {strides = array<i32>} : memref<16x128xf32, #tpu.memory_space<vmem>>, vector<16xf32>,
        %mul3A_1130 = arith.mulf %get3A_1129, %gather3A_1062 : vector<16xf32>
        %swap3A_1131 = arith.constant 12 : i32
        %swap3A_1132 = arith.index_cast %swap3A_1131 : i32 to index
        %swap3A_1133 = arith.constant 112 : index
        %swap3A_1134 = tpu.vector_load %arg12[%swap3A_1132, %swap3A_1133] {strides = array<i32>} : memref<16x128xf32, #tpu.memory_space<vmem>>, vector<16xf32>,
        tpu.vector_store %arg12[%swap3A_1132, %swap3A_1133], %mul3A_1130 {strides = array<i32>} : memref<16x128xf32, #tpu.memory_space<vmem>>, vector<16xf32>,
        %add3A_1135 = arith.constant 13 : i32
        %add3A_1136 = vector.broadcast %add3A_1135 : i32 to vector<16xi32>
        %add3A_1137 = arith.addi %mul3A_92, %add3A_1136 : vector<16xi32>
        %reshape3A_1138 = vector.shape_cast %add3A_1137 : vector<16xi32> to vector<16x1xi32>
        %gather3A_1139 = vector.shape_cast %reshape3A_1138 : vector<16x1xi32> to vector<16xi32>
        %gather3A_1140 = tpu.dynamic_gather %get3A_121[%gather3A_1139] in [0] : vector<16xf32>, vector<16xi32> -> vector<16xf32>
        %get3A_1141 = arith.constant 13 : i32
        %get3A_1142 = arith.index_cast %get3A_1141 : i32 to index
        %get3A_1143 = arith.constant 0 : index
        %get3A_1144 = tpu.vector_load %arg12[%get3A_1142, %get3A_1143] {strides = array<i32>} : memref<16x128xf32, #tpu.memory_space<vmem>>, vector<16xf32>,
        %mul3A_1145 = arith.mulf %get3A_1144, %gather3A_1140 : vector<16xf32>
        %swap3A_1146 = arith.constant 13 : i32
        %swap3A_1147 = arith.index_cast %swap3A_1146 : i32 to index
        %swap3A_1148 = arith.constant 0 : index
        %swap3A_1149 = tpu.vector_load %arg12[%swap3A_1147, %swap3A_1148] {strides = array<i32>} : memref<16x128xf32, #tpu.memory_space<vmem>>, vector<16xf32>,
        tpu.vector_store %arg12[%swap3A_1147, %swap3A_1148], %mul3A_1145 {strides = array<i32>} : memref<16x128xf32, #tpu.memory_space<vmem>>, vector<16xf32>,
        %get3A_1150 = arith.constant 13 : i32
        %get3A_1151 = arith.index_cast %get3A_1150 : i32 to index
        %get3A_1152 = arith.constant 16 : index
        %get3A_1153 = tpu.vector_load %arg12[%get3A_1151, %get3A_1152] {strides = array<i32>} : memref<16x128xf32, #tpu.memory_space<vmem>>, vector<16xf32>,
        %mul3A_1154 = arith.mulf %get3A_1153, %gather3A_1140 : vector<16xf32>
        %swap3A_1155 = arith.constant 13 : i32
        %swap3A_1156 = arith.index_cast %swap3A_1155 : i32 to index
        %swap3A_1157 = arith.constant 16 : index
        %swap3A_1158 = tpu.vector_load %arg12[%swap3A_1156, %swap3A_1157] {strides = array<i32>} : memref<16x128xf32, #tpu.memory_space<vmem>>, vector<16xf32>,
        tpu.vector_store %arg12[%swap3A_1156, %swap3A_1157], %mul3A_1154 {strides = array<i32>} : memref<16x128xf32, #tpu.memory_space<vmem>>, vector<16xf32>,
        %get3A_1159 = arith.constant 13 : i32
        %get3A_1160 = arith.index_cast %get3A_1159 : i32 to index
        %get3A_1161 = arith.constant 32 : index
        %get3A_1162 = tpu.vector_load %arg12[%get3A_1160, %get3A_1161] {strides = array<i32>} : memref<16x128xf32, #tpu.memory_space<vmem>>, vector<16xf32>,
        %mul3A_1163 = arith.mulf %get3A_1162, %gather3A_1140 : vector<16xf32>
        %swap3A_1164 = arith.constant 13 : i32
        %swap3A_1165 = arith.index_cast %swap3A_1164 : i32 to index
        %swap3A_1166 = arith.constant 32 : index
        %swap3A_1167 = tpu.vector_load %arg12[%swap3A_1165, %swap3A_1166] {strides = array<i32>} : memref<16x128xf32, #tpu.memory_space<vmem>>, vector<16xf32>,
        tpu.vector_store %arg12[%swap3A_1165, %swap3A_1166], %mul3A_1163 {strides = array<i32>} : memref<16x128xf32, #tpu.memory_space<vmem>>, vector<16xf32>,
        %get3A_1168 = arith.constant 13 : i32
        %get3A_1169 = arith.index_cast %get3A_1168 : i32 to index
        %get3A_1170 = arith.constant 48 : index
        %get3A_1171 = tpu.vector_load %arg12[%get3A_1169, %get3A_1170] {strides = array<i32>} : memref<16x128xf32, #tpu.memory_space<vmem>>, vector<16xf32>,
        %mul3A_1172 = arith.mulf %get3A_1171, %gather3A_1140 : vector<16xf32>
        %swap3A_1173 = arith.constant 13 : i32
        %swap3A_1174 = arith.index_cast %swap3A_1173 : i32 to index
        %swap3A_1175 = arith.constant 48 : index
        %swap3A_1176 = tpu.vector_load %arg12[%swap3A_1174, %swap3A_1175] {strides = array<i32>} : memref<16x128xf32, #tpu.memory_space<vmem>>, vector<16xf32>,
        tpu.vector_store %arg12[%swap3A_1174, %swap3A_1175], %mul3A_1172 {strides = array<i32>} : memref<16x128xf32, #tpu.memory_space<vmem>>, vector<16xf32>,
        %get3A_1177 = arith.constant 13 : i32
        %get3A_1178 = arith.index_cast %get3A_1177 : i32 to index
        %get3A_1179 = arith.constant 64 : index
        %get3A_1180 = tpu.vector_load %arg12[%get3A_1178, %get3A_1179] {strides = array<i32>} : memref<16x128xf32, #tpu.memory_space<vmem>>, vector<16xf32>,
        %mul3A_1181 = arith.mulf %get3A_1180, %gather3A_1140 : vector<16xf32>
        %swap3A_1182 = arith.constant 13 : i32
        %swap3A_1183 = arith.index_cast %swap3A_1182 : i32 to index
        %swap3A_1184 = arith.constant 64 : index
        %swap3A_1185 = tpu.vector_load %arg12[%swap3A_1183, %swap3A_1184] {strides = array<i32>} : memref<16x128xf32, #tpu.memory_space<vmem>>, vector<16xf32>,
        tpu.vector_store %arg12[%swap3A_1183, %swap3A_1184], %mul3A_1181 {strides = array<i32>} : memref<16x128xf32, #tpu.memory_space<vmem>>, vector<16xf32>,
        %get3A_1186 = arith.constant 13 : i32
        %get3A_1187 = arith.index_cast %get3A_1186 : i32 to index
        %get3A_1188 = arith.constant 80 : index
        %get3A_1189 = tpu.vector_load %arg12[%get3A_1187, %get3A_1188] {strides = array<i32>} : memref<16x128xf32, #tpu.memory_space<vmem>>, vector<16xf32>,
        %mul3A_1190 = arith.mulf %get3A_1189, %gather3A_1140 : vector<16xf32>
        %swap3A_1191 = arith.constant 13 : i32
        %swap3A_1192 = arith.index_cast %swap3A_1191 : i32 to index
        %swap3A_1193 = arith.constant 80 : index
        %swap3A_1194 = tpu.vector_load %arg12[%swap3A_1192, %swap3A_1193] {strides = array<i32>} : memref<16x128xf32, #tpu.memory_space<vmem>>, vector<16xf32>,
        tpu.vector_store %arg12[%swap3A_1192, %swap3A_1193], %mul3A_1190 {strides = array<i32>} : memref<16x128xf32, #tpu.memory_space<vmem>>, vector<16xf32>,
        %get3A_1195 = arith.constant 13 : i32
        %get3A_1196 = arith.index_cast %get3A_1195 : i32 to index
        %get3A_1197 = arith.constant 96 : index
        %get3A_1198 = tpu.vector_load %arg12[%get3A_1196, %get3A_1197] {strides = array<i32>} : memref<16x128xf32, #tpu.memory_space<vmem>>, vector<16xf32>,
        %mul3A_1199 = arith.mulf %get3A_1198, %gather3A_1140 : vector<16xf32>
        %swap3A_1200 = arith.constant 13 : i32
        %swap3A_1201 = arith.index_cast %swap3A_1200 : i32 to index
        %swap3A_1202 = arith.constant 96 : index
        %swap3A_1203 = tpu.vector_load %arg12[%swap3A_1201, %swap3A_1202] {strides = array<i32>} : memref<16x128xf32, #tpu.memory_space<vmem>>, vector<16xf32>,
        tpu.vector_store %arg12[%swap3A_1201, %swap3A_1202], %mul3A_1199 {strides = array<i32>} : memref<16x128xf32, #tpu.memory_space<vmem>>, vector<16xf32>,
        %get3A_1204 = arith.constant 13 : i32
        %get3A_1205 = arith.index_cast %get3A_1204 : i32 to index
        %get3A_1206 = arith.constant 112 : index
        %get3A_1207 = tpu.vector_load %arg12[%get3A_1205, %get3A_1206] {strides = array<i32>} : memref<16x128xf32, #tpu.memory_space<vmem>>, vector<16xf32>,
        %mul3A_1208 = arith.mulf %get3A_1207, %gather3A_1140 : vector<16xf32>
        %swap3A_1209 = arith.constant 13 : i32
        %swap3A_1210 = arith.index_cast %swap3A_1209 : i32 to index
        %swap3A_1211 = arith.constant 112 : index
        %swap3A_1212 = tpu.vector_load %arg12[%swap3A_1210, %swap3A_1211] {strides = array<i32>} : memref<16x128xf32, #tpu.memory_space<vmem>>, vector<16xf32>,
        tpu.vector_store %arg12[%swap3A_1210, %swap3A_1211], %mul3A_1208 {strides = array<i32>} : memref<16x128xf32, #tpu.memory_space<vmem>>, vector<16xf32>,
        %add3A_1213 = arith.constant 14 : i32
        %add3A_1214 = vector.broadcast %add3A_1213 : i32 to vector<16xi32>
        %add3A_1215 = arith.addi %mul3A_92, %add3A_1214 : vector<16xi32>
        %reshape3A_1216 = vector.shape_cast %add3A_1215 : vector<16xi32> to vector<16x1xi32>
        %gather3A_1217 = vector.shape_cast %reshape3A_1216 : vector<16x1xi32> to vector<16xi32>
        %gather3A_1218 = tpu.dynamic_gather %get3A_121[%gather3A_1217] in [0] : vector<16xf32>, vector<16xi32> -> vector<16xf32>
        %get3A_1219 = arith.constant 14 : i32
        %get3A_1220 = arith.index_cast %get3A_1219 : i32 to index
        %get3A_1221 = arith.constant 0 : index
        %get3A_1222 = tpu.vector_load %arg12[%get3A_1220, %get3A_1221] {strides = array<i32>} : memref<16x128xf32, #tpu.memory_space<vmem>>, vector<16xf32>,
        %mul3A_1223 = arith.mulf %get3A_1222, %gather3A_1218 : vector<16xf32>
        %swap3A_1224 = arith.constant 14 : i32
        %swap3A_1225 = arith.index_cast %swap3A_1224 : i32 to index
        %swap3A_1226 = arith.constant 0 : index
        %swap3A_1227 = tpu.vector_load %arg12[%swap3A_1225, %swap3A_1226] {strides = array<i32>} : memref<16x128xf32, #tpu.memory_space<vmem>>, vector<16xf32>,
        tpu.vector_store %arg12[%swap3A_1225, %swap3A_1226], %mul3A_1223 {strides = array<i32>} : memref<16x128xf32, #tpu.memory_space<vmem>>, vector<16xf32>,
        %get3A_1228 = arith.constant 14 : i32
        %get3A_1229 = arith.index_cast %get3A_1228 : i32 to index
        %get3A_1230 = arith.constant 16 : index
        %get3A_1231 = tpu.vector_load %arg12[%get3A_1229, %get3A_1230] {strides = array<i32>} : memref<16x128xf32, #tpu.memory_space<vmem>>, vector<16xf32>,
        %mul3A_1232 = arith.mulf %get3A_1231, %gather3A_1218 : vector<16xf32>
        %swap3A_1233 = arith.constant 14 : i32
        %swap3A_1234 = arith.index_cast %swap3A_1233 : i32 to index
        %swap3A_1235 = arith.constant 16 : index
        %swap3A_1236 = tpu.vector_load %arg12[%swap3A_1234, %swap3A_1235] {strides = array<i32>} : memref<16x128xf32, #tpu.memory_space<vmem>>, vector<16xf32>,
        tpu.vector_store %arg12[%swap3A_1234, %swap3A_1235], %mul3A_1232 {strides = array<i32>} : memref<16x128xf32, #tpu.memory_space<vmem>>, vector<16xf32>,
        %get3A_1237 = arith.constant 14 : i32
        %get3A_1238 = arith.index_cast %get3A_1237 : i32 to index
        %get3A_1239 = arith.constant 32 : index
        %get3A_1240 = tpu.vector_load %arg12[%get3A_1238, %get3A_1239] {strides = array<i32>} : memref<16x128xf32, #tpu.memory_space<vmem>>, vector<16xf32>,
        %mul3A_1241 = arith.mulf %get3A_1240, %gather3A_1218 : vector<16xf32>
        %swap3A_1242 = arith.constant 14 : i32
        %swap3A_1243 = arith.index_cast %swap3A_1242 : i32 to index
        %swap3A_1244 = arith.constant 32 : index
        %swap3A_1245 = tpu.vector_load %arg12[%swap3A_1243, %swap3A_1244] {strides = array<i32>} : memref<16x128xf32, #tpu.memory_space<vmem>>, vector<16xf32>,
        tpu.vector_store %arg12[%swap3A_1243, %swap3A_1244], %mul3A_1241 {strides = array<i32>} : memref<16x128xf32, #tpu.memory_space<vmem>>, vector<16xf32>,
        %get3A_1246 = arith.constant 14 : i32
        %get3A_1247 = arith.index_cast %get3A_1246 : i32 to index
        %get3A_1248 = arith.constant 48 : index
        %get3A_1249 = tpu.vector_load %arg12[%get3A_1247, %get3A_1248] {strides = array<i32>} : memref<16x128xf32, #tpu.memory_space<vmem>>, vector<16xf32>,
        %mul3A_1250 = arith.mulf %get3A_1249, %gather3A_1218 : vector<16xf32>
        %swap3A_1251 = arith.constant 14 : i32
        %swap3A_1252 = arith.index_cast %swap3A_1251 : i32 to index
        %swap3A_1253 = arith.constant 48 : index
        %swap3A_1254 = tpu.vector_load %arg12[%swap3A_1252, %swap3A_1253] {strides = array<i32>} : memref<16x128xf32, #tpu.memory_space<vmem>>, vector<16xf32>,
        tpu.vector_store %arg12[%swap3A_1252, %swap3A_1253], %mul3A_1250 {strides = array<i32>} : memref<16x128xf32, #tpu.memory_space<vmem>>, vector<16xf32>,
        %get3A_1255 = arith.constant 14 : i32
        %get3A_1256 = arith.index_cast %get3A_1255 : i32 to index
        %get3A_1257 = arith.constant 64 : index
        %get3A_1258 = tpu.vector_load %arg12[%get3A_1256, %get3A_1257] {strides = array<i32>} : memref<16x128xf32, #tpu.memory_space<vmem>>, vector<16xf32>,
        %mul3A_1259 = arith.mulf %get3A_1258, %gather3A_1218 : vector<16xf32>
        %swap3A_1260 = arith.constant 14 : i32
        %swap3A_1261 = arith.index_cast %swap3A_1260 : i32 to index
        %swap3A_1262 = arith.constant 64 : index
        %swap3A_1263 = tpu.vector_load %arg12[%swap3A_1261, %swap3A_1262] {strides = array<i32>} : memref<16x128xf32, #tpu.memory_space<vmem>>, vector<16xf32>,
        tpu.vector_store %arg12[%swap3A_1261, %swap3A_1262], %mul3A_1259 {strides = array<i32>} : memref<16x128xf32, #tpu.memory_space<vmem>>, vector<16xf32>,
        %get3A_1264 = arith.constant 14 : i32
        %get3A_1265 = arith.index_cast %get3A_1264 : i32 to index
        %get3A_1266 = arith.constant 80 : index
        %get3A_1267 = tpu.vector_load %arg12[%get3A_1265, %get3A_1266] {strides = array<i32>} : memref<16x128xf32, #tpu.memory_space<vmem>>, vector<16xf32>,
        %mul3A_1268 = arith.mulf %get3A_1267, %gather3A_1218 : vector<16xf32>
        %swap3A_1269 = arith.constant 14 : i32
        %swap3A_1270 = arith.index_cast %swap3A_1269 : i32 to index
        %swap3A_1271 = arith.constant 80 : index
        %swap3A_1272 = tpu.vector_load %arg12[%swap3A_1270, %swap3A_1271] {strides = array<i32>} : memref<16x128xf32, #tpu.memory_space<vmem>>, vector<16xf32>,
        tpu.vector_store %arg12[%swap3A_1270, %swap3A_1271], %mul3A_1268 {strides = array<i32>} : memref<16x128xf32, #tpu.memory_space<vmem>>, vector<16xf32>,
        %get3A_1273 = arith.constant 14 : i32
        %get3A_1274 = arith.index_cast %get3A_1273 : i32 to index
        %get3A_1275 = arith.constant 96 : index
        %get3A_1276 = tpu.vector_load %arg12[%get3A_1274, %get3A_1275] {strides = array<i32>} : memref<16x128xf32, #tpu.memory_space<vmem>>, vector<16xf32>,
        %mul3A_1277 = arith.mulf %get3A_1276, %gather3A_1218 : vector<16xf32>
        %swap3A_1278 = arith.constant 14 : i32
        %swap3A_1279 = arith.index_cast %swap3A_1278 : i32 to index
        %swap3A_1280 = arith.constant 96 : index
        %swap3A_1281 = tpu.vector_load %arg12[%swap3A_1279, %swap3A_1280] {strides = array<i32>} : memref<16x128xf32, #tpu.memory_space<vmem>>, vector<16xf32>,
        tpu.vector_store %arg12[%swap3A_1279, %swap3A_1280], %mul3A_1277 {strides = array<i32>} : memref<16x128xf32, #tpu.memory_space<vmem>>, vector<16xf32>,
        %get3A_1282 = arith.constant 14 : i32
        %get3A_1283 = arith.index_cast %get3A_1282 : i32 to index
        %get3A_1284 = arith.constant 112 : index
        %get3A_1285 = tpu.vector_load %arg12[%get3A_1283, %get3A_1284] {strides = array<i32>} : memref<16x128xf32, #tpu.memory_space<vmem>>, vector<16xf32>,
        %mul3A_1286 = arith.mulf %get3A_1285, %gather3A_1218 : vector<16xf32>
        %swap3A_1287 = arith.constant 14 : i32
        %swap3A_1288 = arith.index_cast %swap3A_1287 : i32 to index
        %swap3A_1289 = arith.constant 112 : index
        %swap3A_1290 = tpu.vector_load %arg12[%swap3A_1288, %swap3A_1289] {strides = array<i32>} : memref<16x128xf32, #tpu.memory_space<vmem>>, vector<16xf32>,
        tpu.vector_store %arg12[%swap3A_1288, %swap3A_1289], %mul3A_1286 {strides = array<i32>} : memref<16x128xf32, #tpu.memory_space<vmem>>, vector<16xf32>,
        %add3A_1291 = arith.constant 15 : i32
        %add3A_1292 = vector.broadcast %add3A_1291 : i32 to vector<16xi32>
        %add3A_1293 = arith.addi %mul3A_92, %add3A_1292 : vector<16xi32>
        %reshape3A_1294 = vector.shape_cast %add3A_1293 : vector<16xi32> to vector<16x1xi32>
        %gather3A_1295 = vector.shape_cast %reshape3A_1294 : vector<16x1xi32> to vector<16xi32>
        %gather3A_1296 = tpu.dynamic_gather %get3A_121[%gather3A_1295] in [0] : vector<16xf32>, vector<16xi32> -> vector<16xf32>
        %get3A_1297 = arith.constant 15 : i32
        %get3A_1298 = arith.index_cast %get3A_1297 : i32 to index
        %get3A_1299 = arith.constant 0 : index
        %get3A_1300 = tpu.vector_load %arg12[%get3A_1298, %get3A_1299] {strides = array<i32>} : memref<16x128xf32, #tpu.memory_space<vmem>>, vector<16xf32>,
        %mul3A_1301 = arith.mulf %get3A_1300, %gather3A_1296 : vector<16xf32>
        %swap3A_1302 = arith.constant 15 : i32
        %swap3A_1303 = arith.index_cast %swap3A_1302 : i32 to index
        %swap3A_1304 = arith.constant 0 : index
        %swap3A_1305 = tpu.vector_load %arg12[%swap3A_1303, %swap3A_1304] {strides = array<i32>} : memref<16x128xf32, #tpu.memory_space<vmem>>, vector<16xf32>,
        tpu.vector_store %arg12[%swap3A_1303, %swap3A_1304], %mul3A_1301 {strides = array<i32>} : memref<16x128xf32, #tpu.memory_space<vmem>>, vector<16xf32>,
        %get3A_1306 = arith.constant 15 : i32
        %get3A_1307 = arith.index_cast %get3A_1306 : i32 to index
        %get3A_1308 = arith.constant 16 : index
        %get3A_1309 = tpu.vector_load %arg12[%get3A_1307, %get3A_1308] {strides = array<i32>} : memref<16x128xf32, #tpu.memory_space<vmem>>, vector<16xf32>,
        %mul3A_1310 = arith.mulf %get3A_1309, %gather3A_1296 : vector<16xf32>
        %swap3A_1311 = arith.constant 15 : i32
        %swap3A_1312 = arith.index_cast %swap3A_1311 : i32 to index
        %swap3A_1313 = arith.constant 16 : index
        %swap3A_1314 = tpu.vector_load %arg12[%swap3A_1312, %swap3A_1313] {strides = array<i32>} : memref<16x128xf32, #tpu.memory_space<vmem>>, vector<16xf32>,
        tpu.vector_store %arg12[%swap3A_1312, %swap3A_1313], %mul3A_1310 {strides = array<i32>} : memref<16x128xf32, #tpu.memory_space<vmem>>, vector<16xf32>,
        %get3A_1315 = arith.constant 15 : i32
        %get3A_1316 = arith.index_cast %get3A_1315 : i32 to index
        %get3A_1317 = arith.constant 32 : index
        %get3A_1318 = tpu.vector_load %arg12[%get3A_1316, %get3A_1317] {strides = array<i32>} : memref<16x128xf32, #tpu.memory_space<vmem>>, vector<16xf32>,
        %mul3A_1319 = arith.mulf %get3A_1318, %gather3A_1296 : vector<16xf32>
        %swap3A_1320 = arith.constant 15 : i32
        %swap3A_1321 = arith.index_cast %swap3A_1320 : i32 to index
        %swap3A_1322 = arith.constant 32 : index
        %swap3A_1323 = tpu.vector_load %arg12[%swap3A_1321, %swap3A_1322] {strides = array<i32>} : memref<16x128xf32, #tpu.memory_space<vmem>>, vector<16xf32>,
        tpu.vector_store %arg12[%swap3A_1321, %swap3A_1322], %mul3A_1319 {strides = array<i32>} : memref<16x128xf32, #tpu.memory_space<vmem>>, vector<16xf32>,
        %get3A_1324 = arith.constant 15 : i32
        %get3A_1325 = arith.index_cast %get3A_1324 : i32 to index
        %get3A_1326 = arith.constant 48 : index
        %get3A_1327 = tpu.vector_load %arg12[%get3A_1325, %get3A_1326] {strides = array<i32>} : memref<16x128xf32, #tpu.memory_space<vmem>>, vector<16xf32>,
        %mul3A_1328 = arith.mulf %get3A_1327, %gather3A_1296 : vector<16xf32>
        %swap3A_1329 = arith.constant 15 : i32
        %swap3A_1330 = arith.index_cast %swap3A_1329 : i32 to index
        %swap3A_1331 = arith.constant 48 : index
        %swap3A_1332 = tpu.vector_load %arg12[%swap3A_1330, %swap3A_1331] {strides = array<i32>} : memref<16x128xf32, #tpu.memory_space<vmem>>, vector<16xf32>,
        tpu.vector_store %arg12[%swap3A_1330, %swap3A_1331], %mul3A_1328 {strides = array<i32>} : memref<16x128xf32, #tpu.memory_space<vmem>>, vector<16xf32>,
        %get3A_1333 = arith.constant 15 : i32
        %get3A_1334 = arith.index_cast %get3A_1333 : i32 to index
        %get3A_1335 = arith.constant 64 : index
        %get3A_1336 = tpu.vector_load %arg12[%get3A_1334, %get3A_1335] {strides = array<i32>} : memref<16x128xf32, #tpu.memory_space<vmem>>, vector<16xf32>,
        %mul3A_1337 = arith.mulf %get3A_1336, %gather3A_1296 : vector<16xf32>
        %swap3A_1338 = arith.constant 15 : i32
        %swap3A_1339 = arith.index_cast %swap3A_1338 : i32 to index
        %swap3A_1340 = arith.constant 64 : index
        %swap3A_1341 = tpu.vector_load %arg12[%swap3A_1339, %swap3A_1340] {strides = array<i32>} : memref<16x128xf32, #tpu.memory_space<vmem>>, vector<16xf32>,
        tpu.vector_store %arg12[%swap3A_1339, %swap3A_1340], %mul3A_1337 {strides = array<i32>} : memref<16x128xf32, #tpu.memory_space<vmem>>, vector<16xf32>,
        %get3A_1342 = arith.constant 15 : i32
        %get3A_1343 = arith.index_cast %get3A_1342 : i32 to index
        %get3A_1344 = arith.constant 80 : index
        %get3A_1345 = tpu.vector_load %arg12[%get3A_1343, %get3A_1344] {strides = array<i32>} : memref<16x128xf32, #tpu.memory_space<vmem>>, vector<16xf32>,
        %mul3A_1346 = arith.mulf %get3A_1345, %gather3A_1296 : vector<16xf32>
        %swap3A_1347 = arith.constant 15 : i32
        %swap3A_1348 = arith.index_cast %swap3A_1347 : i32 to index
        %swap3A_1349 = arith.constant 80 : index
        %swap3A_1350 = tpu.vector_load %arg12[%swap3A_1348, %swap3A_1349] {strides = array<i32>} : memref<16x128xf32, #tpu.memory_space<vmem>>, vector<16xf32>,
        tpu.vector_store %arg12[%swap3A_1348, %swap3A_1349], %mul3A_1346 {strides = array<i32>} : memref<16x128xf32, #tpu.memory_space<vmem>>, vector<16xf32>,
        %get3A_1351 = arith.constant 15 : i32
        %get3A_1352 = arith.index_cast %get3A_1351 : i32 to index
        %get3A_1353 = arith.constant 96 : index
        %get3A_1354 = tpu.vector_load %arg12[%get3A_1352, %get3A_1353] {strides = array<i32>} : memref<16x128xf32, #tpu.memory_space<vmem>>, vector<16xf32>,
        %mul3A_1355 = arith.mulf %get3A_1354, %gather3A_1296 : vector<16xf32>
        %swap3A_1356 = arith.constant 15 : i32
        %swap3A_1357 = arith.index_cast %swap3A_1356 : i32 to index
        %swap3A_1358 = arith.constant 96 : index
        %swap3A_1359 = tpu.vector_load %arg12[%swap3A_1357, %swap3A_1358] {strides = array<i32>} : memref<16x128xf32, #tpu.memory_space<vmem>>, vector<16xf32>,
        tpu.vector_store %arg12[%swap3A_1357, %swap3A_1358], %mul3A_1355 {strides = array<i32>} : memref<16x128xf32, #tpu.memory_space<vmem>>, vector<16xf32>,
        %get3A_1360 = arith.constant 15 : i32
        %get3A_1361 = arith.index_cast %get3A_1360 : i32 to index
        %get3A_1362 = arith.constant 112 : index
        %get3A_1363 = tpu.vector_load %arg12[%get3A_1361, %get3A_1362] {strides = array<i32>} : memref<16x128xf32, #tpu.memory_space<vmem>>, vector<16xf32>,
        %mul3A_1364 = arith.mulf %get3A_1363, %gather3A_1296 : vector<16xf32>
        %swap3A_1365 = arith.constant 15 : i32
        %swap3A_1366 = arith.index_cast %swap3A_1365 : i32 to index
        %swap3A_1367 = arith.constant 112 : index
        %swap3A_1368 = tpu.vector_load %arg12[%swap3A_1366, %swap3A_1367] {strides = array<i32>} : memref<16x128xf32, #tpu.memory_space<vmem>>, vector<16xf32>,
        tpu.vector_store %arg12[%swap3A_1366, %swap3A_1367], %mul3A_1364 {strides = array<i32>} : memref<16x128xf32, #tpu.memory_space<vmem>>, vector<16xf32>,
        "tpu.region"() ({
          %run_scoped3A = tpu.sem_alloc : memref<!tpu.dma_semaphore, #tpu.memory_space<semaphore_mem>>
          %dma_start3A_2663 = arith.constant 0 : i32
          %dma_start3A_2664 = arith.constant 0 : i32
          %dma_start3A_2665 = tpu.memref_slice %arg15[%dma_start3A_2663, %dma_start3A_2664] : memref<10240x128xf32, #tpu.memory_space<vmem_shared>> -> memref<10240x128xf32, #tpu.memory_space<vmem_shared>>
          tpu.enqueue_indirect_dma source(%arg12 : memref<16x128xf32, #tpu.memory_space<vmem>>) target(%dma_start3A_2665 : memref<10240x128xf32, #tpu.memory_space<vmem_shared>>) offsets(%get3A_89 : vector<16xi32>) semaphore(%run_scoped3A : memref<!tpu.dma_semaphore, #tpu.memory_space<semaphore_mem>>) {add = true}
          %dma_wait3A_2666 = arith.constant 0 : i32
          %dma_wait3A_2667 = arith.constant 0 : i32
          %dma_wait3A_2668 = tpu.memref_slice %arg15[%dma_wait3A_2666, %dma_wait3A_2667] : memref<10240x128xf32, #tpu.memory_space<vmem_shared>> -> memref<10240x128xf32, #tpu.memory_space<vmem_shared>>
          tpu.wait_indirect_dma semaphore(%run_scoped3A : memref<!tpu.dma_semaphore, #tpu.memory_space<semaphore_mem>>) src(%arg12 : memref<16x128xf32, #tpu.memory_space<vmem>>) dst(%dma_wait3A_2668 : memref<10240x128xf32, #tpu.memory_space<vmem_shared>>)
          tpu.yield
        }) : () -> ()
        %mul3A_1369 = arith.constant 2 : i32
        %mul3A_1370 = arith.muli %scan3A_78, %mul3A_1369 : i32
        %add3A_1371 = arith.constant 1 : i32
        %add3A_1372 = arith.addi %mul3A_1370, %add3A_1371 : i32
        %mul3A_1373 = arith.constant 16 : i32
        %mul3A_1374 = arith.muli %add3A_1372, %mul3A_1373 : i32
        %get3A_1375 = arith.index_cast %mul3A_1374 : i32 to index
        %get3A_1376 = tpu.vector_load %arg8[%get3A_1375] {strides = array<i32>} : memref<2592xi32, #tpu.memory_space<vmem>>, vector<16xi32>,
        %get3A_1377 = arith.index_cast %mul3A_1374 : i32 to index
        %get3A_1378 = tpu.vector_load %arg9[%get3A_1377] {strides = array<i32>} : memref<2592xi32, #tpu.memory_space<vmem>>, vector<16xi32>,
        %mul3A_1379 = arith.constant 0 : i32
        %mul3A_1380 = vector.broadcast %mul3A_1379 : i32 to vector<16xi32>
        %mul3A_1381 = arith.muli %get3A_1378, %mul3A_1380 : vector<16xi32>
        %dma_start3A_1382 = arith.constant 0 : i32
        %dma_start3A_1383 = arith.constant 0 : i32
        %dma_start3A_1384 = tpu.memref_slice %arg2[%dma_start3A_1382, %dma_start3A_1383] : memref<10240x128xf32, #tpu.memory_space<hbm>> -> memref<10240x128xf32, #tpu.memory_space<hbm>>
        tpu.enqueue_indirect_dma source(%dma_start3A_1384 : memref<10240x128xf32, #tpu.memory_space<hbm>>) target(%arg12 : memref<16x128xf32, #tpu.memory_space<vmem>>) offsets(%get3A_1376 : vector<16xi32>) semaphore(%arg16 : memref<!tpu.dma_semaphore, #tpu.memory_space<semaphore_mem>>)
        %dma_wait3A_1385 = arith.constant 0 : i32
        %dma_wait3A_1386 = arith.constant 0 : i32
        %dma_wait3A_1387 = tpu.memref_slice %arg2[%dma_wait3A_1385, %dma_wait3A_1386] : memref<10240x128xf32, #tpu.memory_space<hbm>> -> memref<10240x128xf32, #tpu.memory_space<hbm>>
        tpu.wait_indirect_dma semaphore(%arg16 : memref<!tpu.dma_semaphore, #tpu.memory_space<semaphore_mem>>) src(%dma_wait3A_1387 : memref<10240x128xf32, #tpu.memory_space<hbm>>) dst(%arg12 : memref<16x128xf32, #tpu.memory_space<vmem>>)
        %add3A_1388 = arith.constant 1 : i32
        %add3A_1389 = arith.addi %add3A_1372, %add3A_1388 : i32
        %min3A_1390 = arith.constant 161 : i32
        %min3A_1391 = arith.minsi %add3A_1389, %min3A_1390 : i32
        %mul3A_1392 = arith.constant 16 : i32
        %mul3A_1393 = arith.muli %min3A_1391, %mul3A_1392 : i32
        %get3A_1394 = arith.index_cast %mul3A_1393 : i32 to index
        %get3A_1395 = tpu.vector_load %arg9[%get3A_1394] {strides = array<i32>} : memref<2592xi32, #tpu.memory_space<vmem>>, vector<16xi32>,
        %get3A_1396 = arith.index_cast %mul3A_1393 : i32 to index
        %get3A_1397 = tpu.vector_load %arg10[%get3A_1396] {strides = array<i32>} : memref<2592xf32, #tpu.memory_space<vmem>>, vector<16xf32>,
        %shift_right_logical3A_1398 = arith.constant 7 : i32
        %shift_right_logical3A_1399 = vector.broadcast %shift_right_logical3A_1398 : i32 to vector<16xi32>
        %shift_right_logical3A_1400 = arith.shrui %get3A_1395, %shift_right_logical3A_1399 : vector<16xi32>
        %and3A_1401 = arith.constant 127 : i32
        %and3A_1402 = vector.broadcast %and3A_1401 : i32 to vector<16xi32>
        %and3A_1403 = arith.andi %get3A_1395, %and3A_1402 : vector<16xi32>
        %gather3A_1404 = tpu.vector_load_idx %arg11[%shift_right_logical3A_1400, %and3A_1403] : memref<80x128xf32, #tpu.memory_space<vmem>>[vector<16xi32>, vector<16xi32>], vector<16xf32>,
        %mul3A_1405 = arith.mulf %get3A_1397, %gather3A_1404 : vector<16xf32>
        %swap3A_1406 = arith.constant 0 : i32
        %swap3A_1407 = arith.index_cast %swap3A_1406 : i32 to index
        %swap3A_1408 = arith.constant 0 : index
        %swap3A_1409 = tpu.vector_load %arg13[%swap3A_1407, %swap3A_1408] {strides = array<i32>} : memref<1x16xf32, #tpu.memory_space<vmem>>, vector<16xf32>,
        tpu.vector_store %arg13[%swap3A_1407, %swap3A_1408], %mul3A_1405 {strides = array<i32>} : memref<1x16xf32, #tpu.memory_space<vmem>>, vector<16xf32>,
        %get3A_1410 = arith.constant 0 : i32
        %get3A_1411 = arith.index_cast %get3A_1410 : i32 to index
        %get3A_1412 = arith.constant 0 : index
        %get3A_1413 = tpu.vector_load %arg14[%get3A_1411, %get3A_1412] {strides = array<i32>} : memref<1x16xf32, #tpu.memory_space<vmem>>, vector<16xf32>,
        %add3A_1414 = arith.constant 0 : i32
        %add3A_1415 = vector.broadcast %add3A_1414 : i32 to vector<16xi32>
        %add3A_1416 = arith.addi %mul3A_1381, %add3A_1415 : vector<16xi32>
        %reshape3A_1417 = vector.shape_cast %add3A_1416 : vector<16xi32> to vector<16x1xi32>
        %gather3A_1418 = vector.shape_cast %reshape3A_1417 : vector<16x1xi32> to vector<16xi32>
        %gather3A_1419 = tpu.dynamic_gather %get3A_1413[%gather3A_1418] in [0] : vector<16xf32>, vector<16xi32> -> vector<16xf32>
        %get3A_1420 = arith.constant 0 : i32
        %get3A_1421 = arith.index_cast %get3A_1420 : i32 to index
        %get3A_1422 = arith.constant 0 : index
        %get3A_1423 = tpu.vector_load %arg12[%get3A_1421, %get3A_1422] {strides = array<i32>} : memref<16x128xf32, #tpu.memory_space<vmem>>, vector<16xf32>,
        %mul3A_1424 = arith.mulf %get3A_1423, %gather3A_1419 : vector<16xf32>
        %swap3A_1425 = arith.constant 0 : i32
        %swap3A_1426 = arith.index_cast %swap3A_1425 : i32 to index
        %swap3A_1427 = arith.constant 0 : index
        %swap3A_1428 = tpu.vector_load %arg12[%swap3A_1426, %swap3A_1427] {strides = array<i32>} : memref<16x128xf32, #tpu.memory_space<vmem>>, vector<16xf32>,
        tpu.vector_store %arg12[%swap3A_1426, %swap3A_1427], %mul3A_1424 {strides = array<i32>} : memref<16x128xf32, #tpu.memory_space<vmem>>, vector<16xf32>,
        %get3A_1429 = arith.constant 0 : i32
        %get3A_1430 = arith.index_cast %get3A_1429 : i32 to index
        %get3A_1431 = arith.constant 16 : index
        %get3A_1432 = tpu.vector_load %arg12[%get3A_1430, %get3A_1431] {strides = array<i32>} : memref<16x128xf32, #tpu.memory_space<vmem>>, vector<16xf32>,
        %mul3A_1433 = arith.mulf %get3A_1432, %gather3A_1419 : vector<16xf32>
        %swap3A_1434 = arith.constant 0 : i32
        %swap3A_1435 = arith.index_cast %swap3A_1434 : i32 to index
        %swap3A_1436 = arith.constant 16 : index
        %swap3A_1437 = tpu.vector_load %arg12[%swap3A_1435, %swap3A_1436] {strides = array<i32>} : memref<16x128xf32, #tpu.memory_space<vmem>>, vector<16xf32>,
        tpu.vector_store %arg12[%swap3A_1435, %swap3A_1436], %mul3A_1433 {strides = array<i32>} : memref<16x128xf32, #tpu.memory_space<vmem>>, vector<16xf32>,
        %get3A_1438 = arith.constant 0 : i32
        %get3A_1439 = arith.index_cast %get3A_1438 : i32 to index
        %get3A_1440 = arith.constant 32 : index
        %get3A_1441 = tpu.vector_load %arg12[%get3A_1439, %get3A_1440] {strides = array<i32>} : memref<16x128xf32, #tpu.memory_space<vmem>>, vector<16xf32>,
        %mul3A_1442 = arith.mulf %get3A_1441, %gather3A_1419 : vector<16xf32>
        %swap3A_1443 = arith.constant 0 : i32
        %swap3A_1444 = arith.index_cast %swap3A_1443 : i32 to index
        %swap3A_1445 = arith.constant 32 : index
        %swap3A_1446 = tpu.vector_load %arg12[%swap3A_1444, %swap3A_1445] {strides = array<i32>} : memref<16x128xf32, #tpu.memory_space<vmem>>, vector<16xf32>,
        tpu.vector_store %arg12[%swap3A_1444, %swap3A_1445], %mul3A_1442 {strides = array<i32>} : memref<16x128xf32, #tpu.memory_space<vmem>>, vector<16xf32>,
        %get3A_1447 = arith.constant 0 : i32
        %get3A_1448 = arith.index_cast %get3A_1447 : i32 to index
        %get3A_1449 = arith.constant 48 : index
        %get3A_1450 = tpu.vector_load %arg12[%get3A_1448, %get3A_1449] {strides = array<i32>} : memref<16x128xf32, #tpu.memory_space<vmem>>, vector<16xf32>,
        %mul3A_1451 = arith.mulf %get3A_1450, %gather3A_1419 : vector<16xf32>
        %swap3A_1452 = arith.constant 0 : i32
        %swap3A_1453 = arith.index_cast %swap3A_1452 : i32 to index
        %swap3A_1454 = arith.constant 48 : index
        %swap3A_1455 = tpu.vector_load %arg12[%swap3A_1453, %swap3A_1454] {strides = array<i32>} : memref<16x128xf32, #tpu.memory_space<vmem>>, vector<16xf32>,
        tpu.vector_store %arg12[%swap3A_1453, %swap3A_1454], %mul3A_1451 {strides = array<i32>} : memref<16x128xf32, #tpu.memory_space<vmem>>, vector<16xf32>,
        %get3A_1456 = arith.constant 0 : i32
        %get3A_1457 = arith.index_cast %get3A_1456 : i32 to index
        %get3A_1458 = arith.constant 64 : index
        %get3A_1459 = tpu.vector_load %arg12[%get3A_1457, %get3A_1458] {strides = array<i32>} : memref<16x128xf32, #tpu.memory_space<vmem>>, vector<16xf32>,
        %mul3A_1460 = arith.mulf %get3A_1459, %gather3A_1419 : vector<16xf32>
        %swap3A_1461 = arith.constant 0 : i32
        %swap3A_1462 = arith.index_cast %swap3A_1461 : i32 to index
        %swap3A_1463 = arith.constant 64 : index
        %swap3A_1464 = tpu.vector_load %arg12[%swap3A_1462, %swap3A_1463] {strides = array<i32>} : memref<16x128xf32, #tpu.memory_space<vmem>>, vector<16xf32>,
        tpu.vector_store %arg12[%swap3A_1462, %swap3A_1463], %mul3A_1460 {strides = array<i32>} : memref<16x128xf32, #tpu.memory_space<vmem>>, vector<16xf32>,
        %get3A_1465 = arith.constant 0 : i32
        %get3A_1466 = arith.index_cast %get3A_1465 : i32 to index
        %get3A_1467 = arith.constant 80 : index
        %get3A_1468 = tpu.vector_load %arg12[%get3A_1466, %get3A_1467] {strides = array<i32>} : memref<16x128xf32, #tpu.memory_space<vmem>>, vector<16xf32>,
        %mul3A_1469 = arith.mulf %get3A_1468, %gather3A_1419 : vector<16xf32>
        %swap3A_1470 = arith.constant 0 : i32
        %swap3A_1471 = arith.index_cast %swap3A_1470 : i32 to index
        %swap3A_1472 = arith.constant 80 : index
        %swap3A_1473 = tpu.vector_load %arg12[%swap3A_1471, %swap3A_1472] {strides = array<i32>} : memref<16x128xf32, #tpu.memory_space<vmem>>, vector<16xf32>,
        tpu.vector_store %arg12[%swap3A_1471, %swap3A_1472], %mul3A_1469 {strides = array<i32>} : memref<16x128xf32, #tpu.memory_space<vmem>>, vector<16xf32>,
        %get3A_1474 = arith.constant 0 : i32
        %get3A_1475 = arith.index_cast %get3A_1474 : i32 to index
        %get3A_1476 = arith.constant 96 : index
        %get3A_1477 = tpu.vector_load %arg12[%get3A_1475, %get3A_1476] {strides = array<i32>} : memref<16x128xf32, #tpu.memory_space<vmem>>, vector<16xf32>,
        %mul3A_1478 = arith.mulf %get3A_1477, %gather3A_1419 : vector<16xf32>
        %swap3A_1479 = arith.constant 0 : i32
        %swap3A_1480 = arith.index_cast %swap3A_1479 : i32 to index
        %swap3A_1481 = arith.constant 96 : index
        %swap3A_1482 = tpu.vector_load %arg12[%swap3A_1480, %swap3A_1481] {strides = array<i32>} : memref<16x128xf32, #tpu.memory_space<vmem>>, vector<16xf32>,
        tpu.vector_store %arg12[%swap3A_1480, %swap3A_1481], %mul3A_1478 {strides = array<i32>} : memref<16x128xf32, #tpu.memory_space<vmem>>, vector<16xf32>,
        %get3A_1483 = arith.constant 0 : i32
        %get3A_1484 = arith.index_cast %get3A_1483 : i32 to index
        %get3A_1485 = arith.constant 112 : index
        %get3A_1486 = tpu.vector_load %arg12[%get3A_1484, %get3A_1485] {strides = array<i32>} : memref<16x128xf32, #tpu.memory_space<vmem>>, vector<16xf32>,
        %mul3A_1487 = arith.mulf %get3A_1486, %gather3A_1419 : vector<16xf32>
        %swap3A_1488 = arith.constant 0 : i32
        %swap3A_1489 = arith.index_cast %swap3A_1488 : i32 to index
        %swap3A_1490 = arith.constant 112 : index
        %swap3A_1491 = tpu.vector_load %arg12[%swap3A_1489, %swap3A_1490] {strides = array<i32>} : memref<16x128xf32, #tpu.memory_space<vmem>>, vector<16xf32>,
        tpu.vector_store %arg12[%swap3A_1489, %swap3A_1490], %mul3A_1487 {strides = array<i32>} : memref<16x128xf32, #tpu.memory_space<vmem>>, vector<16xf32>,
        %add3A_1492 = arith.constant 1 : i32
        %add3A_1493 = vector.broadcast %add3A_1492 : i32 to vector<16xi32>
        %add3A_1494 = arith.addi %mul3A_1381, %add3A_1493 : vector<16xi32>
        %reshape3A_1495 = vector.shape_cast %add3A_1494 : vector<16xi32> to vector<16x1xi32>
        %gather3A_1496 = vector.shape_cast %reshape3A_1495 : vector<16x1xi32> to vector<16xi32>
        %gather3A_1497 = tpu.dynamic_gather %get3A_1413[%gather3A_1496] in [0] : vector<16xf32>, vector<16xi32> -> vector<16xf32>
        %get3A_1498 = arith.constant 1 : i32
        %get3A_1499 = arith.index_cast %get3A_1498 : i32 to index
        %get3A_1500 = arith.constant 0 : index
        %get3A_1501 = tpu.vector_load %arg12[%get3A_1499, %get3A_1500] {strides = array<i32>} : memref<16x128xf32, #tpu.memory_space<vmem>>, vector<16xf32>,
        %mul3A_1502 = arith.mulf %get3A_1501, %gather3A_1497 : vector<16xf32>
        %swap3A_1503 = arith.constant 1 : i32
        %swap3A_1504 = arith.index_cast %swap3A_1503 : i32 to index
        %swap3A_1505 = arith.constant 0 : index
        %swap3A_1506 = tpu.vector_load %arg12[%swap3A_1504, %swap3A_1505] {strides = array<i32>} : memref<16x128xf32, #tpu.memory_space<vmem>>, vector<16xf32>,
        tpu.vector_store %arg12[%swap3A_1504, %swap3A_1505], %mul3A_1502 {strides = array<i32>} : memref<16x128xf32, #tpu.memory_space<vmem>>, vector<16xf32>,
        %get3A_1507 = arith.constant 1 : i32
        %get3A_1508 = arith.index_cast %get3A_1507 : i32 to index
        %get3A_1509 = arith.constant 16 : index
        %get3A_1510 = tpu.vector_load %arg12[%get3A_1508, %get3A_1509] {strides = array<i32>} : memref<16x128xf32, #tpu.memory_space<vmem>>, vector<16xf32>,
        %mul3A_1511 = arith.mulf %get3A_1510, %gather3A_1497 : vector<16xf32>
        %swap3A_1512 = arith.constant 1 : i32
        %swap3A_1513 = arith.index_cast %swap3A_1512 : i32 to index
        %swap3A_1514 = arith.constant 16 : index
        %swap3A_1515 = tpu.vector_load %arg12[%swap3A_1513, %swap3A_1514] {strides = array<i32>} : memref<16x128xf32, #tpu.memory_space<vmem>>, vector<16xf32>,
        tpu.vector_store %arg12[%swap3A_1513, %swap3A_1514], %mul3A_1511 {strides = array<i32>} : memref<16x128xf32, #tpu.memory_space<vmem>>, vector<16xf32>,
        %get3A_1516 = arith.constant 1 : i32
        %get3A_1517 = arith.index_cast %get3A_1516 : i32 to index
        %get3A_1518 = arith.constant 32 : index
        %get3A_1519 = tpu.vector_load %arg12[%get3A_1517, %get3A_1518] {strides = array<i32>} : memref<16x128xf32, #tpu.memory_space<vmem>>, vector<16xf32>,
        %mul3A_1520 = arith.mulf %get3A_1519, %gather3A_1497 : vector<16xf32>
        %swap3A_1521 = arith.constant 1 : i32
        %swap3A_1522 = arith.index_cast %swap3A_1521 : i32 to index
        %swap3A_1523 = arith.constant 32 : index
        %swap3A_1524 = tpu.vector_load %arg12[%swap3A_1522, %swap3A_1523] {strides = array<i32>} : memref<16x128xf32, #tpu.memory_space<vmem>>, vector<16xf32>,
        tpu.vector_store %arg12[%swap3A_1522, %swap3A_1523], %mul3A_1520 {strides = array<i32>} : memref<16x128xf32, #tpu.memory_space<vmem>>, vector<16xf32>,
        %get3A_1525 = arith.constant 1 : i32
        %get3A_1526 = arith.index_cast %get3A_1525 : i32 to index
        %get3A_1527 = arith.constant 48 : index
        %get3A_1528 = tpu.vector_load %arg12[%get3A_1526, %get3A_1527] {strides = array<i32>} : memref<16x128xf32, #tpu.memory_space<vmem>>, vector<16xf32>,
        %mul3A_1529 = arith.mulf %get3A_1528, %gather3A_1497 : vector<16xf32>
        %swap3A_1530 = arith.constant 1 : i32
        %swap3A_1531 = arith.index_cast %swap3A_1530 : i32 to index
        %swap3A_1532 = arith.constant 48 : index
        %swap3A_1533 = tpu.vector_load %arg12[%swap3A_1531, %swap3A_1532] {strides = array<i32>} : memref<16x128xf32, #tpu.memory_space<vmem>>, vector<16xf32>,
        tpu.vector_store %arg12[%swap3A_1531, %swap3A_1532], %mul3A_1529 {strides = array<i32>} : memref<16x128xf32, #tpu.memory_space<vmem>>, vector<16xf32>,
        %get3A_1534 = arith.constant 1 : i32
        %get3A_1535 = arith.index_cast %get3A_1534 : i32 to index
        %get3A_1536 = arith.constant 64 : index
        %get3A_1537 = tpu.vector_load %arg12[%get3A_1535, %get3A_1536] {strides = array<i32>} : memref<16x128xf32, #tpu.memory_space<vmem>>, vector<16xf32>,
        %mul3A_1538 = arith.mulf %get3A_1537, %gather3A_1497 : vector<16xf32>
        %swap3A_1539 = arith.constant 1 : i32
        %swap3A_1540 = arith.index_cast %swap3A_1539 : i32 to index
        %swap3A_1541 = arith.constant 64 : index
        %swap3A_1542 = tpu.vector_load %arg12[%swap3A_1540, %swap3A_1541] {strides = array<i32>} : memref<16x128xf32, #tpu.memory_space<vmem>>, vector<16xf32>,
        tpu.vector_store %arg12[%swap3A_1540, %swap3A_1541], %mul3A_1538 {strides = array<i32>} : memref<16x128xf32, #tpu.memory_space<vmem>>, vector<16xf32>,
        %get3A_1543 = arith.constant 1 : i32
        %get3A_1544 = arith.index_cast %get3A_1543 : i32 to index
        %get3A_1545 = arith.constant 80 : index
        %get3A_1546 = tpu.vector_load %arg12[%get3A_1544, %get3A_1545] {strides = array<i32>} : memref<16x128xf32, #tpu.memory_space<vmem>>, vector<16xf32>,
        %mul3A_1547 = arith.mulf %get3A_1546, %gather3A_1497 : vector<16xf32>
        %swap3A_1548 = arith.constant 1 : i32
        %swap3A_1549 = arith.index_cast %swap3A_1548 : i32 to index
        %swap3A_1550 = arith.constant 80 : index
        %swap3A_1551 = tpu.vector_load %arg12[%swap3A_1549, %swap3A_1550] {strides = array<i32>} : memref<16x128xf32, #tpu.memory_space<vmem>>, vector<16xf32>,
        tpu.vector_store %arg12[%swap3A_1549, %swap3A_1550], %mul3A_1547 {strides = array<i32>} : memref<16x128xf32, #tpu.memory_space<vmem>>, vector<16xf32>,
        %get3A_1552 = arith.constant 1 : i32
        %get3A_1553 = arith.index_cast %get3A_1552 : i32 to index
        %get3A_1554 = arith.constant 96 : index
        %get3A_1555 = tpu.vector_load %arg12[%get3A_1553, %get3A_1554] {strides = array<i32>} : memref<16x128xf32, #tpu.memory_space<vmem>>, vector<16xf32>,
        %mul3A_1556 = arith.mulf %get3A_1555, %gather3A_1497 : vector<16xf32>
        %swap3A_1557 = arith.constant 1 : i32
        %swap3A_1558 = arith.index_cast %swap3A_1557 : i32 to index
        %swap3A_1559 = arith.constant 96 : index
        %swap3A_1560 = tpu.vector_load %arg12[%swap3A_1558, %swap3A_1559] {strides = array<i32>} : memref<16x128xf32, #tpu.memory_space<vmem>>, vector<16xf32>,
        tpu.vector_store %arg12[%swap3A_1558, %swap3A_1559], %mul3A_1556 {strides = array<i32>} : memref<16x128xf32, #tpu.memory_space<vmem>>, vector<16xf32>,
        %get3A_1561 = arith.constant 1 : i32
        %get3A_1562 = arith.index_cast %get3A_1561 : i32 to index
        %get3A_1563 = arith.constant 112 : index
        %get3A_1564 = tpu.vector_load %arg12[%get3A_1562, %get3A_1563] {strides = array<i32>} : memref<16x128xf32, #tpu.memory_space<vmem>>, vector<16xf32>,
        %mul3A_1565 = arith.mulf %get3A_1564, %gather3A_1497 : vector<16xf32>
        %swap3A_1566 = arith.constant 1 : i32
        %swap3A_1567 = arith.index_cast %swap3A_1566 : i32 to index
        %swap3A_1568 = arith.constant 112 : index
        %swap3A_1569 = tpu.vector_load %arg12[%swap3A_1567, %swap3A_1568] {strides = array<i32>} : memref<16x128xf32, #tpu.memory_space<vmem>>, vector<16xf32>,
        tpu.vector_store %arg12[%swap3A_1567, %swap3A_1568], %mul3A_1565 {strides = array<i32>} : memref<16x128xf32, #tpu.memory_space<vmem>>, vector<16xf32>,
        %add3A_1570 = arith.constant 2 : i32
        %add3A_1571 = vector.broadcast %add3A_1570 : i32 to vector<16xi32>
        %add3A_1572 = arith.addi %mul3A_1381, %add3A_1571 : vector<16xi32>
        %reshape3A_1573 = vector.shape_cast %add3A_1572 : vector<16xi32> to vector<16x1xi32>
        %gather3A_1574 = vector.shape_cast %reshape3A_1573 : vector<16x1xi32> to vector<16xi32>
        %gather3A_1575 = tpu.dynamic_gather %get3A_1413[%gather3A_1574] in [0] : vector<16xf32>, vector<16xi32> -> vector<16xf32>
        %get3A_1576 = arith.constant 2 : i32
        %get3A_1577 = arith.index_cast %get3A_1576 : i32 to index
        %get3A_1578 = arith.constant 0 : index
        %get3A_1579 = tpu.vector_load %arg12[%get3A_1577, %get3A_1578] {strides = array<i32>} : memref<16x128xf32, #tpu.memory_space<vmem>>, vector<16xf32>,
        %mul3A_1580 = arith.mulf %get3A_1579, %gather3A_1575 : vector<16xf32>
        %swap3A_1581 = arith.constant 2 : i32
        %swap3A_1582 = arith.index_cast %swap3A_1581 : i32 to index
        %swap3A_1583 = arith.constant 0 : index
        %swap3A_1584 = tpu.vector_load %arg12[%swap3A_1582, %swap3A_1583] {strides = array<i32>} : memref<16x128xf32, #tpu.memory_space<vmem>>, vector<16xf32>,
        tpu.vector_store %arg12[%swap3A_1582, %swap3A_1583], %mul3A_1580 {strides = array<i32>} : memref<16x128xf32, #tpu.memory_space<vmem>>, vector<16xf32>,
        %get3A_1585 = arith.constant 2 : i32
        %get3A_1586 = arith.index_cast %get3A_1585 : i32 to index
        %get3A_1587 = arith.constant 16 : index
        %get3A_1588 = tpu.vector_load %arg12[%get3A_1586, %get3A_1587] {strides = array<i32>} : memref<16x128xf32, #tpu.memory_space<vmem>>, vector<16xf32>,
        %mul3A_1589 = arith.mulf %get3A_1588, %gather3A_1575 : vector<16xf32>
        %swap3A_1590 = arith.constant 2 : i32
        %swap3A_1591 = arith.index_cast %swap3A_1590 : i32 to index
        %swap3A_1592 = arith.constant 16 : index
        %swap3A_1593 = tpu.vector_load %arg12[%swap3A_1591, %swap3A_1592] {strides = array<i32>} : memref<16x128xf32, #tpu.memory_space<vmem>>, vector<16xf32>,
        tpu.vector_store %arg12[%swap3A_1591, %swap3A_1592], %mul3A_1589 {strides = array<i32>} : memref<16x128xf32, #tpu.memory_space<vmem>>, vector<16xf32>,
        %get3A_1594 = arith.constant 2 : i32
        %get3A_1595 = arith.index_cast %get3A_1594 : i32 to index
        %get3A_1596 = arith.constant 32 : index
        %get3A_1597 = tpu.vector_load %arg12[%get3A_1595, %get3A_1596] {strides = array<i32>} : memref<16x128xf32, #tpu.memory_space<vmem>>, vector<16xf32>,
        %mul3A_1598 = arith.mulf %get3A_1597, %gather3A_1575 : vector<16xf32>
        %swap3A_1599 = arith.constant 2 : i32
        %swap3A_1600 = arith.index_cast %swap3A_1599 : i32 to index
        %swap3A_1601 = arith.constant 32 : index
        %swap3A_1602 = tpu.vector_load %arg12[%swap3A_1600, %swap3A_1601] {strides = array<i32>} : memref<16x128xf32, #tpu.memory_space<vmem>>, vector<16xf32>,
        tpu.vector_store %arg12[%swap3A_1600, %swap3A_1601], %mul3A_1598 {strides = array<i32>} : memref<16x128xf32, #tpu.memory_space<vmem>>, vector<16xf32>,
        %get3A_1603 = arith.constant 2 : i32
        %get3A_1604 = arith.index_cast %get3A_1603 : i32 to index
        %get3A_1605 = arith.constant 48 : index
        %get3A_1606 = tpu.vector_load %arg12[%get3A_1604, %get3A_1605] {strides = array<i32>} : memref<16x128xf32, #tpu.memory_space<vmem>>, vector<16xf32>,
        %mul3A_1607 = arith.mulf %get3A_1606, %gather3A_1575 : vector<16xf32>
        %swap3A_1608 = arith.constant 2 : i32
        %swap3A_1609 = arith.index_cast %swap3A_1608 : i32 to index
        %swap3A_1610 = arith.constant 48 : index
        %swap3A_1611 = tpu.vector_load %arg12[%swap3A_1609, %swap3A_1610] {strides = array<i32>} : memref<16x128xf32, #tpu.memory_space<vmem>>, vector<16xf32>,
        tpu.vector_store %arg12[%swap3A_1609, %swap3A_1610], %mul3A_1607 {strides = array<i32>} : memref<16x128xf32, #tpu.memory_space<vmem>>, vector<16xf32>,
        %get3A_1612 = arith.constant 2 : i32
        %get3A_1613 = arith.index_cast %get3A_1612 : i32 to index
        %get3A_1614 = arith.constant 64 : index
        %get3A_1615 = tpu.vector_load %arg12[%get3A_1613, %get3A_1614] {strides = array<i32>} : memref<16x128xf32, #tpu.memory_space<vmem>>, vector<16xf32>,
        %mul3A_1616 = arith.mulf %get3A_1615, %gather3A_1575 : vector<16xf32>
        %swap3A_1617 = arith.constant 2 : i32
        %swap3A_1618 = arith.index_cast %swap3A_1617 : i32 to index
        %swap3A_1619 = arith.constant 64 : index
        %swap3A_1620 = tpu.vector_load %arg12[%swap3A_1618, %swap3A_1619] {strides = array<i32>} : memref<16x128xf32, #tpu.memory_space<vmem>>, vector<16xf32>,
        tpu.vector_store %arg12[%swap3A_1618, %swap3A_1619], %mul3A_1616 {strides = array<i32>} : memref<16x128xf32, #tpu.memory_space<vmem>>, vector<16xf32>,
        %get3A_1621 = arith.constant 2 : i32
        %get3A_1622 = arith.index_cast %get3A_1621 : i32 to index
        %get3A_1623 = arith.constant 80 : index
        %get3A_1624 = tpu.vector_load %arg12[%get3A_1622, %get3A_1623] {strides = array<i32>} : memref<16x128xf32, #tpu.memory_space<vmem>>, vector<16xf32>,
        %mul3A_1625 = arith.mulf %get3A_1624, %gather3A_1575 : vector<16xf32>
        %swap3A_1626 = arith.constant 2 : i32
        %swap3A_1627 = arith.index_cast %swap3A_1626 : i32 to index
        %swap3A_1628 = arith.constant 80 : index
        %swap3A_1629 = tpu.vector_load %arg12[%swap3A_1627, %swap3A_1628] {strides = array<i32>} : memref<16x128xf32, #tpu.memory_space<vmem>>, vector<16xf32>,
        tpu.vector_store %arg12[%swap3A_1627, %swap3A_1628], %mul3A_1625 {strides = array<i32>} : memref<16x128xf32, #tpu.memory_space<vmem>>, vector<16xf32>,
        %get3A_1630 = arith.constant 2 : i32
        %get3A_1631 = arith.index_cast %get3A_1630 : i32 to index
        %get3A_1632 = arith.constant 96 : index
        %get3A_1633 = tpu.vector_load %arg12[%get3A_1631, %get3A_1632] {strides = array<i32>} : memref<16x128xf32, #tpu.memory_space<vmem>>, vector<16xf32>,
        %mul3A_1634 = arith.mulf %get3A_1633, %gather3A_1575 : vector<16xf32>
        %swap3A_1635 = arith.constant 2 : i32
        %swap3A_1636 = arith.index_cast %swap3A_1635 : i32 to index
        %swap3A_1637 = arith.constant 96 : index
        %swap3A_1638 = tpu.vector_load %arg12[%swap3A_1636, %swap3A_1637] {strides = array<i32>} : memref<16x128xf32, #tpu.memory_space<vmem>>, vector<16xf32>,
        tpu.vector_store %arg12[%swap3A_1636, %swap3A_1637], %mul3A_1634 {strides = array<i32>} : memref<16x128xf32, #tpu.memory_space<vmem>>, vector<16xf32>,
        %get3A_1639 = arith.constant 2 : i32
        %get3A_1640 = arith.index_cast %get3A_1639 : i32 to index
        %get3A_1641 = arith.constant 112 : index
        %get3A_1642 = tpu.vector_load %arg12[%get3A_1640, %get3A_1641] {strides = array<i32>} : memref<16x128xf32, #tpu.memory_space<vmem>>, vector<16xf32>,
        %mul3A_1643 = arith.mulf %get3A_1642, %gather3A_1575 : vector<16xf32>
        %swap3A_1644 = arith.constant 2 : i32
        %swap3A_1645 = arith.index_cast %swap3A_1644 : i32 to index
        %swap3A_1646 = arith.constant 112 : index
        %swap3A_1647 = tpu.vector_load %arg12[%swap3A_1645, %swap3A_1646] {strides = array<i32>} : memref<16x128xf32, #tpu.memory_space<vmem>>, vector<16xf32>,
        tpu.vector_store %arg12[%swap3A_1645, %swap3A_1646], %mul3A_1643 {strides = array<i32>} : memref<16x128xf32, #tpu.memory_space<vmem>>, vector<16xf32>,
        %add3A_1648 = arith.constant 3 : i32
        %add3A_1649 = vector.broadcast %add3A_1648 : i32 to vector<16xi32>
        %add3A_1650 = arith.addi %mul3A_1381, %add3A_1649 : vector<16xi32>
        %reshape3A_1651 = vector.shape_cast %add3A_1650 : vector<16xi32> to vector<16x1xi32>
        %gather3A_1652 = vector.shape_cast %reshape3A_1651 : vector<16x1xi32> to vector<16xi32>
        %gather3A_1653 = tpu.dynamic_gather %get3A_1413[%gather3A_1652] in [0] : vector<16xf32>, vector<16xi32> -> vector<16xf32>
        %get3A_1654 = arith.constant 3 : i32
        %get3A_1655 = arith.index_cast %get3A_1654 : i32 to index
        %get3A_1656 = arith.constant 0 : index
        %get3A_1657 = tpu.vector_load %arg12[%get3A_1655, %get3A_1656] {strides = array<i32>} : memref<16x128xf32, #tpu.memory_space<vmem>>, vector<16xf32>,
        %mul3A_1658 = arith.mulf %get3A_1657, %gather3A_1653 : vector<16xf32>
        %swap3A_1659 = arith.constant 3 : i32
        %swap3A_1660 = arith.index_cast %swap3A_1659 : i32 to index
        %swap3A_1661 = arith.constant 0 : index
        %swap3A_1662 = tpu.vector_load %arg12[%swap3A_1660, %swap3A_1661] {strides = array<i32>} : memref<16x128xf32, #tpu.memory_space<vmem>>, vector<16xf32>,
        tpu.vector_store %arg12[%swap3A_1660, %swap3A_1661], %mul3A_1658 {strides = array<i32>} : memref<16x128xf32, #tpu.memory_space<vmem>>, vector<16xf32>,
        %get3A_1663 = arith.constant 3 : i32
        %get3A_1664 = arith.index_cast %get3A_1663 : i32 to index
        %get3A_1665 = arith.constant 16 : index
        %get3A_1666 = tpu.vector_load %arg12[%get3A_1664, %get3A_1665] {strides = array<i32>} : memref<16x128xf32, #tpu.memory_space<vmem>>, vector<16xf32>,
        %mul3A_1667 = arith.mulf %get3A_1666, %gather3A_1653 : vector<16xf32>
        %swap3A_1668 = arith.constant 3 : i32
        %swap3A_1669 = arith.index_cast %swap3A_1668 : i32 to index
        %swap3A_1670 = arith.constant 16 : index
        %swap3A_1671 = tpu.vector_load %arg12[%swap3A_1669, %swap3A_1670] {strides = array<i32>} : memref<16x128xf32, #tpu.memory_space<vmem>>, vector<16xf32>,
        tpu.vector_store %arg12[%swap3A_1669, %swap3A_1670], %mul3A_1667 {strides = array<i32>} : memref<16x128xf32, #tpu.memory_space<vmem>>, vector<16xf32>,
        %get3A_1672 = arith.constant 3 : i32
        %get3A_1673 = arith.index_cast %get3A_1672 : i32 to index
        %get3A_1674 = arith.constant 32 : index
        %get3A_1675 = tpu.vector_load %arg12[%get3A_1673, %get3A_1674] {strides = array<i32>} : memref<16x128xf32, #tpu.memory_space<vmem>>, vector<16xf32>,
        %mul3A_1676 = arith.mulf %get3A_1675, %gather3A_1653 : vector<16xf32>
        %swap3A_1677 = arith.constant 3 : i32
        %swap3A_1678 = arith.index_cast %swap3A_1677 : i32 to index
        %swap3A_1679 = arith.constant 32 : index
        %swap3A_1680 = tpu.vector_load %arg12[%swap3A_1678, %swap3A_1679] {strides = array<i32>} : memref<16x128xf32, #tpu.memory_space<vmem>>, vector<16xf32>,
        tpu.vector_store %arg12[%swap3A_1678, %swap3A_1679], %mul3A_1676 {strides = array<i32>} : memref<16x128xf32, #tpu.memory_space<vmem>>, vector<16xf32>,
        %get3A_1681 = arith.constant 3 : i32
        %get3A_1682 = arith.index_cast %get3A_1681 : i32 to index
        %get3A_1683 = arith.constant 48 : index
        %get3A_1684 = tpu.vector_load %arg12[%get3A_1682, %get3A_1683] {strides = array<i32>} : memref<16x128xf32, #tpu.memory_space<vmem>>, vector<16xf32>,
        %mul3A_1685 = arith.mulf %get3A_1684, %gather3A_1653 : vector<16xf32>
        %swap3A_1686 = arith.constant 3 : i32
        %swap3A_1687 = arith.index_cast %swap3A_1686 : i32 to index
        %swap3A_1688 = arith.constant 48 : index
        %swap3A_1689 = tpu.vector_load %arg12[%swap3A_1687, %swap3A_1688] {strides = array<i32>} : memref<16x128xf32, #tpu.memory_space<vmem>>, vector<16xf32>,
        tpu.vector_store %arg12[%swap3A_1687, %swap3A_1688], %mul3A_1685 {strides = array<i32>} : memref<16x128xf32, #tpu.memory_space<vmem>>, vector<16xf32>,
        %get3A_1690 = arith.constant 3 : i32
        %get3A_1691 = arith.index_cast %get3A_1690 : i32 to index
        %get3A_1692 = arith.constant 64 : index
        %get3A_1693 = tpu.vector_load %arg12[%get3A_1691, %get3A_1692] {strides = array<i32>} : memref<16x128xf32, #tpu.memory_space<vmem>>, vector<16xf32>,
        %mul3A_1694 = arith.mulf %get3A_1693, %gather3A_1653 : vector<16xf32>
        %swap3A_1695 = arith.constant 3 : i32
        %swap3A_1696 = arith.index_cast %swap3A_1695 : i32 to index
        %swap3A_1697 = arith.constant 64 : index
        %swap3A_1698 = tpu.vector_load %arg12[%swap3A_1696, %swap3A_1697] {strides = array<i32>} : memref<16x128xf32, #tpu.memory_space<vmem>>, vector<16xf32>,
        tpu.vector_store %arg12[%swap3A_1696, %swap3A_1697], %mul3A_1694 {strides = array<i32>} : memref<16x128xf32, #tpu.memory_space<vmem>>, vector<16xf32>,
        %get3A_1699 = arith.constant 3 : i32
        %get3A_1700 = arith.index_cast %get3A_1699 : i32 to index
        %get3A_1701 = arith.constant 80 : index
        %get3A_1702 = tpu.vector_load %arg12[%get3A_1700, %get3A_1701] {strides = array<i32>} : memref<16x128xf32, #tpu.memory_space<vmem>>, vector<16xf32>,
        %mul3A_1703 = arith.mulf %get3A_1702, %gather3A_1653 : vector<16xf32>
        %swap3A_1704 = arith.constant 3 : i32
        %swap3A_1705 = arith.index_cast %swap3A_1704 : i32 to index
        %swap3A_1706 = arith.constant 80 : index
        %swap3A_1707 = tpu.vector_load %arg12[%swap3A_1705, %swap3A_1706] {strides = array<i32>} : memref<16x128xf32, #tpu.memory_space<vmem>>, vector<16xf32>,
        tpu.vector_store %arg12[%swap3A_1705, %swap3A_1706], %mul3A_1703 {strides = array<i32>} : memref<16x128xf32, #tpu.memory_space<vmem>>, vector<16xf32>,
        %get3A_1708 = arith.constant 3 : i32
        %get3A_1709 = arith.index_cast %get3A_1708 : i32 to index
        %get3A_1710 = arith.constant 96 : index
        %get3A_1711 = tpu.vector_load %arg12[%get3A_1709, %get3A_1710] {strides = array<i32>} : memref<16x128xf32, #tpu.memory_space<vmem>>, vector<16xf32>,
        %mul3A_1712 = arith.mulf %get3A_1711, %gather3A_1653 : vector<16xf32>
        %swap3A_1713 = arith.constant 3 : i32
        %swap3A_1714 = arith.index_cast %swap3A_1713 : i32 to index
        %swap3A_1715 = arith.constant 96 : index
        %swap3A_1716 = tpu.vector_load %arg12[%swap3A_1714, %swap3A_1715] {strides = array<i32>} : memref<16x128xf32, #tpu.memory_space<vmem>>, vector<16xf32>,
        tpu.vector_store %arg12[%swap3A_1714, %swap3A_1715], %mul3A_1712 {strides = array<i32>} : memref<16x128xf32, #tpu.memory_space<vmem>>, vector<16xf32>,
        %get3A_1717 = arith.constant 3 : i32
        %get3A_1718 = arith.index_cast %get3A_1717 : i32 to index
        %get3A_1719 = arith.constant 112 : index
        %get3A_1720 = tpu.vector_load %arg12[%get3A_1718, %get3A_1719] {strides = array<i32>} : memref<16x128xf32, #tpu.memory_space<vmem>>, vector<16xf32>,
        %mul3A_1721 = arith.mulf %get3A_1720, %gather3A_1653 : vector<16xf32>
        %swap3A_1722 = arith.constant 3 : i32
        %swap3A_1723 = arith.index_cast %swap3A_1722 : i32 to index
        %swap3A_1724 = arith.constant 112 : index
        %swap3A_1725 = tpu.vector_load %arg12[%swap3A_1723, %swap3A_1724] {strides = array<i32>} : memref<16x128xf32, #tpu.memory_space<vmem>>, vector<16xf32>,
        tpu.vector_store %arg12[%swap3A_1723, %swap3A_1724], %mul3A_1721 {strides = array<i32>} : memref<16x128xf32, #tpu.memory_space<vmem>>, vector<16xf32>,
        %add3A_1726 = arith.constant 4 : i32
        %add3A_1727 = vector.broadcast %add3A_1726 : i32 to vector<16xi32>
        %add3A_1728 = arith.addi %mul3A_1381, %add3A_1727 : vector<16xi32>
        %reshape3A_1729 = vector.shape_cast %add3A_1728 : vector<16xi32> to vector<16x1xi32>
        %gather3A_1730 = vector.shape_cast %reshape3A_1729 : vector<16x1xi32> to vector<16xi32>
        %gather3A_1731 = tpu.dynamic_gather %get3A_1413[%gather3A_1730] in [0] : vector<16xf32>, vector<16xi32> -> vector<16xf32>
        %get3A_1732 = arith.constant 4 : i32
        %get3A_1733 = arith.index_cast %get3A_1732 : i32 to index
        %get3A_1734 = arith.constant 0 : index
        %get3A_1735 = tpu.vector_load %arg12[%get3A_1733, %get3A_1734] {strides = array<i32>} : memref<16x128xf32, #tpu.memory_space<vmem>>, vector<16xf32>,
        %mul3A_1736 = arith.mulf %get3A_1735, %gather3A_1731 : vector<16xf32>
        %swap3A_1737 = arith.constant 4 : i32
        %swap3A_1738 = arith.index_cast %swap3A_1737 : i32 to index
        %swap3A_1739 = arith.constant 0 : index
        %swap3A_1740 = tpu.vector_load %arg12[%swap3A_1738, %swap3A_1739] {strides = array<i32>} : memref<16x128xf32, #tpu.memory_space<vmem>>, vector<16xf32>,
        tpu.vector_store %arg12[%swap3A_1738, %swap3A_1739], %mul3A_1736 {strides = array<i32>} : memref<16x128xf32, #tpu.memory_space<vmem>>, vector<16xf32>,
        %get3A_1741 = arith.constant 4 : i32
        %get3A_1742 = arith.index_cast %get3A_1741 : i32 to index
        %get3A_1743 = arith.constant 16 : index
        %get3A_1744 = tpu.vector_load %arg12[%get3A_1742, %get3A_1743] {strides = array<i32>} : memref<16x128xf32, #tpu.memory_space<vmem>>, vector<16xf32>,
        %mul3A_1745 = arith.mulf %get3A_1744, %gather3A_1731 : vector<16xf32>
        %swap3A_1746 = arith.constant 4 : i32
        %swap3A_1747 = arith.index_cast %swap3A_1746 : i32 to index
        %swap3A_1748 = arith.constant 16 : index
        %swap3A_1749 = tpu.vector_load %arg12[%swap3A_1747, %swap3A_1748] {strides = array<i32>} : memref<16x128xf32, #tpu.memory_space<vmem>>, vector<16xf32>,
        tpu.vector_store %arg12[%swap3A_1747, %swap3A_1748], %mul3A_1745 {strides = array<i32>} : memref<16x128xf32, #tpu.memory_space<vmem>>, vector<16xf32>,
        %get3A_1750 = arith.constant 4 : i32
        %get3A_1751 = arith.index_cast %get3A_1750 : i32 to index
        %get3A_1752 = arith.constant 32 : index
        %get3A_1753 = tpu.vector_load %arg12[%get3A_1751, %get3A_1752] {strides = array<i32>} : memref<16x128xf32, #tpu.memory_space<vmem>>, vector<16xf32>,
        %mul3A_1754 = arith.mulf %get3A_1753, %gather3A_1731 : vector<16xf32>
        %swap3A_1755 = arith.constant 4 : i32
        %swap3A_1756 = arith.index_cast %swap3A_1755 : i32 to index
        %swap3A_1757 = arith.constant 32 : index
        %swap3A_1758 = tpu.vector_load %arg12[%swap3A_1756, %swap3A_1757] {strides = array<i32>} : memref<16x128xf32, #tpu.memory_space<vmem>>, vector<16xf32>,
        tpu.vector_store %arg12[%swap3A_1756, %swap3A_1757], %mul3A_1754 {strides = array<i32>} : memref<16x128xf32, #tpu.memory_space<vmem>>, vector<16xf32>,
        %get3A_1759 = arith.constant 4 : i32
        %get3A_1760 = arith.index_cast %get3A_1759 : i32 to index
        %get3A_1761 = arith.constant 48 : index
        %get3A_1762 = tpu.vector_load %arg12[%get3A_1760, %get3A_1761] {strides = array<i32>} : memref<16x128xf32, #tpu.memory_space<vmem>>, vector<16xf32>,
        %mul3A_1763 = arith.mulf %get3A_1762, %gather3A_1731 : vector<16xf32>
        %swap3A_1764 = arith.constant 4 : i32
        %swap3A_1765 = arith.index_cast %swap3A_1764 : i32 to index
        %swap3A_1766 = arith.constant 48 : index
        %swap3A_1767 = tpu.vector_load %arg12[%swap3A_1765, %swap3A_1766] {strides = array<i32>} : memref<16x128xf32, #tpu.memory_space<vmem>>, vector<16xf32>,
        tpu.vector_store %arg12[%swap3A_1765, %swap3A_1766], %mul3A_1763 {strides = array<i32>} : memref<16x128xf32, #tpu.memory_space<vmem>>, vector<16xf32>,
        %get3A_1768 = arith.constant 4 : i32
        %get3A_1769 = arith.index_cast %get3A_1768 : i32 to index
        %get3A_1770 = arith.constant 64 : index
        %get3A_1771 = tpu.vector_load %arg12[%get3A_1769, %get3A_1770] {strides = array<i32>} : memref<16x128xf32, #tpu.memory_space<vmem>>, vector<16xf32>,
        %mul3A_1772 = arith.mulf %get3A_1771, %gather3A_1731 : vector<16xf32>
        %swap3A_1773 = arith.constant 4 : i32
        %swap3A_1774 = arith.index_cast %swap3A_1773 : i32 to index
        %swap3A_1775 = arith.constant 64 : index
        %swap3A_1776 = tpu.vector_load %arg12[%swap3A_1774, %swap3A_1775] {strides = array<i32>} : memref<16x128xf32, #tpu.memory_space<vmem>>, vector<16xf32>,
        tpu.vector_store %arg12[%swap3A_1774, %swap3A_1775], %mul3A_1772 {strides = array<i32>} : memref<16x128xf32, #tpu.memory_space<vmem>>, vector<16xf32>,
        %get3A_1777 = arith.constant 4 : i32
        %get3A_1778 = arith.index_cast %get3A_1777 : i32 to index
        %get3A_1779 = arith.constant 80 : index
        %get3A_1780 = tpu.vector_load %arg12[%get3A_1778, %get3A_1779] {strides = array<i32>} : memref<16x128xf32, #tpu.memory_space<vmem>>, vector<16xf32>,
        %mul3A_1781 = arith.mulf %get3A_1780, %gather3A_1731 : vector<16xf32>
        %swap3A_1782 = arith.constant 4 : i32
        %swap3A_1783 = arith.index_cast %swap3A_1782 : i32 to index
        %swap3A_1784 = arith.constant 80 : index
        %swap3A_1785 = tpu.vector_load %arg12[%swap3A_1783, %swap3A_1784] {strides = array<i32>} : memref<16x128xf32, #tpu.memory_space<vmem>>, vector<16xf32>,
        tpu.vector_store %arg12[%swap3A_1783, %swap3A_1784], %mul3A_1781 {strides = array<i32>} : memref<16x128xf32, #tpu.memory_space<vmem>>, vector<16xf32>,
        %get3A_1786 = arith.constant 4 : i32
        %get3A_1787 = arith.index_cast %get3A_1786 : i32 to index
        %get3A_1788 = arith.constant 96 : index
        %get3A_1789 = tpu.vector_load %arg12[%get3A_1787, %get3A_1788] {strides = array<i32>} : memref<16x128xf32, #tpu.memory_space<vmem>>, vector<16xf32>,
        %mul3A_1790 = arith.mulf %get3A_1789, %gather3A_1731 : vector<16xf32>
        %swap3A_1791 = arith.constant 4 : i32
        %swap3A_1792 = arith.index_cast %swap3A_1791 : i32 to index
        %swap3A_1793 = arith.constant 96 : index
        %swap3A_1794 = tpu.vector_load %arg12[%swap3A_1792, %swap3A_1793] {strides = array<i32>} : memref<16x128xf32, #tpu.memory_space<vmem>>, vector<16xf32>,
        tpu.vector_store %arg12[%swap3A_1792, %swap3A_1793], %mul3A_1790 {strides = array<i32>} : memref<16x128xf32, #tpu.memory_space<vmem>>, vector<16xf32>,
        %get3A_1795 = arith.constant 4 : i32
        %get3A_1796 = arith.index_cast %get3A_1795 : i32 to index
        %get3A_1797 = arith.constant 112 : index
        %get3A_1798 = tpu.vector_load %arg12[%get3A_1796, %get3A_1797] {strides = array<i32>} : memref<16x128xf32, #tpu.memory_space<vmem>>, vector<16xf32>,
        %mul3A_1799 = arith.mulf %get3A_1798, %gather3A_1731 : vector<16xf32>
        %swap3A_1800 = arith.constant 4 : i32
        %swap3A_1801 = arith.index_cast %swap3A_1800 : i32 to index
        %swap3A_1802 = arith.constant 112 : index
        %swap3A_1803 = tpu.vector_load %arg12[%swap3A_1801, %swap3A_1802] {strides = array<i32>} : memref<16x128xf32, #tpu.memory_space<vmem>>, vector<16xf32>,
        tpu.vector_store %arg12[%swap3A_1801, %swap3A_1802], %mul3A_1799 {strides = array<i32>} : memref<16x128xf32, #tpu.memory_space<vmem>>, vector<16xf32>,
        %add3A_1804 = arith.constant 5 : i32
        %add3A_1805 = vector.broadcast %add3A_1804 : i32 to vector<16xi32>
        %add3A_1806 = arith.addi %mul3A_1381, %add3A_1805 : vector<16xi32>
        %reshape3A_1807 = vector.shape_cast %add3A_1806 : vector<16xi32> to vector<16x1xi32>
        %gather3A_1808 = vector.shape_cast %reshape3A_1807 : vector<16x1xi32> to vector<16xi32>
        %gather3A_1809 = tpu.dynamic_gather %get3A_1413[%gather3A_1808] in [0] : vector<16xf32>, vector<16xi32> -> vector<16xf32>
        %get3A_1810 = arith.constant 5 : i32
        %get3A_1811 = arith.index_cast %get3A_1810 : i32 to index
        %get3A_1812 = arith.constant 0 : index
        %get3A_1813 = tpu.vector_load %arg12[%get3A_1811, %get3A_1812] {strides = array<i32>} : memref<16x128xf32, #tpu.memory_space<vmem>>, vector<16xf32>,
        %mul3A_1814 = arith.mulf %get3A_1813, %gather3A_1809 : vector<16xf32>
        %swap3A_1815 = arith.constant 5 : i32
        %swap3A_1816 = arith.index_cast %swap3A_1815 : i32 to index
        %swap3A_1817 = arith.constant 0 : index
        %swap3A_1818 = tpu.vector_load %arg12[%swap3A_1816, %swap3A_1817] {strides = array<i32>} : memref<16x128xf32, #tpu.memory_space<vmem>>, vector<16xf32>,
        tpu.vector_store %arg12[%swap3A_1816, %swap3A_1817], %mul3A_1814 {strides = array<i32>} : memref<16x128xf32, #tpu.memory_space<vmem>>, vector<16xf32>,
        %get3A_1819 = arith.constant 5 : i32
        %get3A_1820 = arith.index_cast %get3A_1819 : i32 to index
        %get3A_1821 = arith.constant 16 : index
        %get3A_1822 = tpu.vector_load %arg12[%get3A_1820, %get3A_1821] {strides = array<i32>} : memref<16x128xf32, #tpu.memory_space<vmem>>, vector<16xf32>,
        %mul3A_1823 = arith.mulf %get3A_1822, %gather3A_1809 : vector<16xf32>
        %swap3A_1824 = arith.constant 5 : i32
        %swap3A_1825 = arith.index_cast %swap3A_1824 : i32 to index
        %swap3A_1826 = arith.constant 16 : index
        %swap3A_1827 = tpu.vector_load %arg12[%swap3A_1825, %swap3A_1826] {strides = array<i32>} : memref<16x128xf32, #tpu.memory_space<vmem>>, vector<16xf32>,
        tpu.vector_store %arg12[%swap3A_1825, %swap3A_1826], %mul3A_1823 {strides = array<i32>} : memref<16x128xf32, #tpu.memory_space<vmem>>, vector<16xf32>,
        %get3A_1828 = arith.constant 5 : i32
        %get3A_1829 = arith.index_cast %get3A_1828 : i32 to index
        %get3A_1830 = arith.constant 32 : index
        %get3A_1831 = tpu.vector_load %arg12[%get3A_1829, %get3A_1830] {strides = array<i32>} : memref<16x128xf32, #tpu.memory_space<vmem>>, vector<16xf32>,
        %mul3A_1832 = arith.mulf %get3A_1831, %gather3A_1809 : vector<16xf32>
        %swap3A_1833 = arith.constant 5 : i32
        %swap3A_1834 = arith.index_cast %swap3A_1833 : i32 to index
        %swap3A_1835 = arith.constant 32 : index
        %swap3A_1836 = tpu.vector_load %arg12[%swap3A_1834, %swap3A_1835] {strides = array<i32>} : memref<16x128xf32, #tpu.memory_space<vmem>>, vector<16xf32>,
        tpu.vector_store %arg12[%swap3A_1834, %swap3A_1835], %mul3A_1832 {strides = array<i32>} : memref<16x128xf32, #tpu.memory_space<vmem>>, vector<16xf32>,
        %get3A_1837 = arith.constant 5 : i32
        %get3A_1838 = arith.index_cast %get3A_1837 : i32 to index
        %get3A_1839 = arith.constant 48 : index
        %get3A_1840 = tpu.vector_load %arg12[%get3A_1838, %get3A_1839] {strides = array<i32>} : memref<16x128xf32, #tpu.memory_space<vmem>>, vector<16xf32>,
        %mul3A_1841 = arith.mulf %get3A_1840, %gather3A_1809 : vector<16xf32>
        %swap3A_1842 = arith.constant 5 : i32
        %swap3A_1843 = arith.index_cast %swap3A_1842 : i32 to index
        %swap3A_1844 = arith.constant 48 : index
        %swap3A_1845 = tpu.vector_load %arg12[%swap3A_1843, %swap3A_1844] {strides = array<i32>} : memref<16x128xf32, #tpu.memory_space<vmem>>, vector<16xf32>,
        tpu.vector_store %arg12[%swap3A_1843, %swap3A_1844], %mul3A_1841 {strides = array<i32>} : memref<16x128xf32, #tpu.memory_space<vmem>>, vector<16xf32>,
        %get3A_1846 = arith.constant 5 : i32
        %get3A_1847 = arith.index_cast %get3A_1846 : i32 to index
        %get3A_1848 = arith.constant 64 : index
        %get3A_1849 = tpu.vector_load %arg12[%get3A_1847, %get3A_1848] {strides = array<i32>} : memref<16x128xf32, #tpu.memory_space<vmem>>, vector<16xf32>,
        %mul3A_1850 = arith.mulf %get3A_1849, %gather3A_1809 : vector<16xf32>
        %swap3A_1851 = arith.constant 5 : i32
        %swap3A_1852 = arith.index_cast %swap3A_1851 : i32 to index
        %swap3A_1853 = arith.constant 64 : index
        %swap3A_1854 = tpu.vector_load %arg12[%swap3A_1852, %swap3A_1853] {strides = array<i32>} : memref<16x128xf32, #tpu.memory_space<vmem>>, vector<16xf32>,
        tpu.vector_store %arg12[%swap3A_1852, %swap3A_1853], %mul3A_1850 {strides = array<i32>} : memref<16x128xf32, #tpu.memory_space<vmem>>, vector<16xf32>,
        %get3A_1855 = arith.constant 5 : i32
        %get3A_1856 = arith.index_cast %get3A_1855 : i32 to index
        %get3A_1857 = arith.constant 80 : index
        %get3A_1858 = tpu.vector_load %arg12[%get3A_1856, %get3A_1857] {strides = array<i32>} : memref<16x128xf32, #tpu.memory_space<vmem>>, vector<16xf32>,
        %mul3A_1859 = arith.mulf %get3A_1858, %gather3A_1809 : vector<16xf32>
        %swap3A_1860 = arith.constant 5 : i32
        %swap3A_1861 = arith.index_cast %swap3A_1860 : i32 to index
        %swap3A_1862 = arith.constant 80 : index
        %swap3A_1863 = tpu.vector_load %arg12[%swap3A_1861, %swap3A_1862] {strides = array<i32>} : memref<16x128xf32, #tpu.memory_space<vmem>>, vector<16xf32>,
        tpu.vector_store %arg12[%swap3A_1861, %swap3A_1862], %mul3A_1859 {strides = array<i32>} : memref<16x128xf32, #tpu.memory_space<vmem>>, vector<16xf32>,
        %get3A_1864 = arith.constant 5 : i32
        %get3A_1865 = arith.index_cast %get3A_1864 : i32 to index
        %get3A_1866 = arith.constant 96 : index
        %get3A_1867 = tpu.vector_load %arg12[%get3A_1865, %get3A_1866] {strides = array<i32>} : memref<16x128xf32, #tpu.memory_space<vmem>>, vector<16xf32>,
        %mul3A_1868 = arith.mulf %get3A_1867, %gather3A_1809 : vector<16xf32>
        %swap3A_1869 = arith.constant 5 : i32
        %swap3A_1870 = arith.index_cast %swap3A_1869 : i32 to index
        %swap3A_1871 = arith.constant 96 : index
        %swap3A_1872 = tpu.vector_load %arg12[%swap3A_1870, %swap3A_1871] {strides = array<i32>} : memref<16x128xf32, #tpu.memory_space<vmem>>, vector<16xf32>,
        tpu.vector_store %arg12[%swap3A_1870, %swap3A_1871], %mul3A_1868 {strides = array<i32>} : memref<16x128xf32, #tpu.memory_space<vmem>>, vector<16xf32>,
        %get3A_1873 = arith.constant 5 : i32
        %get3A_1874 = arith.index_cast %get3A_1873 : i32 to index
        %get3A_1875 = arith.constant 112 : index
        %get3A_1876 = tpu.vector_load %arg12[%get3A_1874, %get3A_1875] {strides = array<i32>} : memref<16x128xf32, #tpu.memory_space<vmem>>, vector<16xf32>,
        %mul3A_1877 = arith.mulf %get3A_1876, %gather3A_1809 : vector<16xf32>
        %swap3A_1878 = arith.constant 5 : i32
        %swap3A_1879 = arith.index_cast %swap3A_1878 : i32 to index
        %swap3A_1880 = arith.constant 112 : index
        %swap3A_1881 = tpu.vector_load %arg12[%swap3A_1879, %swap3A_1880] {strides = array<i32>} : memref<16x128xf32, #tpu.memory_space<vmem>>, vector<16xf32>,
        tpu.vector_store %arg12[%swap3A_1879, %swap3A_1880], %mul3A_1877 {strides = array<i32>} : memref<16x128xf32, #tpu.memory_space<vmem>>, vector<16xf32>,
        %add3A_1882 = arith.constant 6 : i32
        %add3A_1883 = vector.broadcast %add3A_1882 : i32 to vector<16xi32>
        %add3A_1884 = arith.addi %mul3A_1381, %add3A_1883 : vector<16xi32>
        %reshape3A_1885 = vector.shape_cast %add3A_1884 : vector<16xi32> to vector<16x1xi32>
        %gather3A_1886 = vector.shape_cast %reshape3A_1885 : vector<16x1xi32> to vector<16xi32>
        %gather3A_1887 = tpu.dynamic_gather %get3A_1413[%gather3A_1886] in [0] : vector<16xf32>, vector<16xi32> -> vector<16xf32>
        %get3A_1888 = arith.constant 6 : i32
        %get3A_1889 = arith.index_cast %get3A_1888 : i32 to index
        %get3A_1890 = arith.constant 0 : index
        %get3A_1891 = tpu.vector_load %arg12[%get3A_1889, %get3A_1890] {strides = array<i32>} : memref<16x128xf32, #tpu.memory_space<vmem>>, vector<16xf32>,
        %mul3A_1892 = arith.mulf %get3A_1891, %gather3A_1887 : vector<16xf32>
        %swap3A_1893 = arith.constant 6 : i32
        %swap3A_1894 = arith.index_cast %swap3A_1893 : i32 to index
        %swap3A_1895 = arith.constant 0 : index
        %swap3A_1896 = tpu.vector_load %arg12[%swap3A_1894, %swap3A_1895] {strides = array<i32>} : memref<16x128xf32, #tpu.memory_space<vmem>>, vector<16xf32>,
        tpu.vector_store %arg12[%swap3A_1894, %swap3A_1895], %mul3A_1892 {strides = array<i32>} : memref<16x128xf32, #tpu.memory_space<vmem>>, vector<16xf32>,
        %get3A_1897 = arith.constant 6 : i32
        %get3A_1898 = arith.index_cast %get3A_1897 : i32 to index
        %get3A_1899 = arith.constant 16 : index
        %get3A_1900 = tpu.vector_load %arg12[%get3A_1898, %get3A_1899] {strides = array<i32>} : memref<16x128xf32, #tpu.memory_space<vmem>>, vector<16xf32>,
        %mul3A_1901 = arith.mulf %get3A_1900, %gather3A_1887 : vector<16xf32>
        %swap3A_1902 = arith.constant 6 : i32
        %swap3A_1903 = arith.index_cast %swap3A_1902 : i32 to index
        %swap3A_1904 = arith.constant 16 : index
        %swap3A_1905 = tpu.vector_load %arg12[%swap3A_1903, %swap3A_1904] {strides = array<i32>} : memref<16x128xf32, #tpu.memory_space<vmem>>, vector<16xf32>,
        tpu.vector_store %arg12[%swap3A_1903, %swap3A_1904], %mul3A_1901 {strides = array<i32>} : memref<16x128xf32, #tpu.memory_space<vmem>>, vector<16xf32>,
        %get3A_1906 = arith.constant 6 : i32
        %get3A_1907 = arith.index_cast %get3A_1906 : i32 to index
        %get3A_1908 = arith.constant 32 : index
        %get3A_1909 = tpu.vector_load %arg12[%get3A_1907, %get3A_1908] {strides = array<i32>} : memref<16x128xf32, #tpu.memory_space<vmem>>, vector<16xf32>,
        %mul3A_1910 = arith.mulf %get3A_1909, %gather3A_1887 : vector<16xf32>
        %swap3A_1911 = arith.constant 6 : i32
        %swap3A_1912 = arith.index_cast %swap3A_1911 : i32 to index
        %swap3A_1913 = arith.constant 32 : index
        %swap3A_1914 = tpu.vector_load %arg12[%swap3A_1912, %swap3A_1913] {strides = array<i32>} : memref<16x128xf32, #tpu.memory_space<vmem>>, vector<16xf32>,
        tpu.vector_store %arg12[%swap3A_1912, %swap3A_1913], %mul3A_1910 {strides = array<i32>} : memref<16x128xf32, #tpu.memory_space<vmem>>, vector<16xf32>,
        %get3A_1915 = arith.constant 6 : i32
        %get3A_1916 = arith.index_cast %get3A_1915 : i32 to index
        %get3A_1917 = arith.constant 48 : index
        %get3A_1918 = tpu.vector_load %arg12[%get3A_1916, %get3A_1917] {strides = array<i32>} : memref<16x128xf32, #tpu.memory_space<vmem>>, vector<16xf32>,
        %mul3A_1919 = arith.mulf %get3A_1918, %gather3A_1887 : vector<16xf32>
        %swap3A_1920 = arith.constant 6 : i32
        %swap3A_1921 = arith.index_cast %swap3A_1920 : i32 to index
        %swap3A_1922 = arith.constant 48 : index
        %swap3A_1923 = tpu.vector_load %arg12[%swap3A_1921, %swap3A_1922] {strides = array<i32>} : memref<16x128xf32, #tpu.memory_space<vmem>>, vector<16xf32>,
        tpu.vector_store %arg12[%swap3A_1921, %swap3A_1922], %mul3A_1919 {strides = array<i32>} : memref<16x128xf32, #tpu.memory_space<vmem>>, vector<16xf32>,
        %get3A_1924 = arith.constant 6 : i32
        %get3A_1925 = arith.index_cast %get3A_1924 : i32 to index
        %get3A_1926 = arith.constant 64 : index
        %get3A_1927 = tpu.vector_load %arg12[%get3A_1925, %get3A_1926] {strides = array<i32>} : memref<16x128xf32, #tpu.memory_space<vmem>>, vector<16xf32>,
        %mul3A_1928 = arith.mulf %get3A_1927, %gather3A_1887 : vector<16xf32>
        %swap3A_1929 = arith.constant 6 : i32
        %swap3A_1930 = arith.index_cast %swap3A_1929 : i32 to index
        %swap3A_1931 = arith.constant 64 : index
        %swap3A_1932 = tpu.vector_load %arg12[%swap3A_1930, %swap3A_1931] {strides = array<i32>} : memref<16x128xf32, #tpu.memory_space<vmem>>, vector<16xf32>,
        tpu.vector_store %arg12[%swap3A_1930, %swap3A_1931], %mul3A_1928 {strides = array<i32>} : memref<16x128xf32, #tpu.memory_space<vmem>>, vector<16xf32>,
        %get3A_1933 = arith.constant 6 : i32
        %get3A_1934 = arith.index_cast %get3A_1933 : i32 to index
        %get3A_1935 = arith.constant 80 : index
        %get3A_1936 = tpu.vector_load %arg12[%get3A_1934, %get3A_1935] {strides = array<i32>} : memref<16x128xf32, #tpu.memory_space<vmem>>, vector<16xf32>,
        %mul3A_1937 = arith.mulf %get3A_1936, %gather3A_1887 : vector<16xf32>
        %swap3A_1938 = arith.constant 6 : i32
        %swap3A_1939 = arith.index_cast %swap3A_1938 : i32 to index
        %swap3A_1940 = arith.constant 80 : index
        %swap3A_1941 = tpu.vector_load %arg12[%swap3A_1939, %swap3A_1940] {strides = array<i32>} : memref<16x128xf32, #tpu.memory_space<vmem>>, vector<16xf32>,
        tpu.vector_store %arg12[%swap3A_1939, %swap3A_1940], %mul3A_1937 {strides = array<i32>} : memref<16x128xf32, #tpu.memory_space<vmem>>, vector<16xf32>,
        %get3A_1942 = arith.constant 6 : i32
        %get3A_1943 = arith.index_cast %get3A_1942 : i32 to index
        %get3A_1944 = arith.constant 96 : index
        %get3A_1945 = tpu.vector_load %arg12[%get3A_1943, %get3A_1944] {strides = array<i32>} : memref<16x128xf32, #tpu.memory_space<vmem>>, vector<16xf32>,
        %mul3A_1946 = arith.mulf %get3A_1945, %gather3A_1887 : vector<16xf32>
        %swap3A_1947 = arith.constant 6 : i32
        %swap3A_1948 = arith.index_cast %swap3A_1947 : i32 to index
        %swap3A_1949 = arith.constant 96 : index
        %swap3A_1950 = tpu.vector_load %arg12[%swap3A_1948, %swap3A_1949] {strides = array<i32>} : memref<16x128xf32, #tpu.memory_space<vmem>>, vector<16xf32>,
        tpu.vector_store %arg12[%swap3A_1948, %swap3A_1949], %mul3A_1946 {strides = array<i32>} : memref<16x128xf32, #tpu.memory_space<vmem>>, vector<16xf32>,
        %get3A_1951 = arith.constant 6 : i32
        %get3A_1952 = arith.index_cast %get3A_1951 : i32 to index
        %get3A_1953 = arith.constant 112 : index
        %get3A_1954 = tpu.vector_load %arg12[%get3A_1952, %get3A_1953] {strides = array<i32>} : memref<16x128xf32, #tpu.memory_space<vmem>>, vector<16xf32>,
        %mul3A_1955 = arith.mulf %get3A_1954, %gather3A_1887 : vector<16xf32>
        %swap3A_1956 = arith.constant 6 : i32
        %swap3A_1957 = arith.index_cast %swap3A_1956 : i32 to index
        %swap3A_1958 = arith.constant 112 : index
        %swap3A_1959 = tpu.vector_load %arg12[%swap3A_1957, %swap3A_1958] {strides = array<i32>} : memref<16x128xf32, #tpu.memory_space<vmem>>, vector<16xf32>,
        tpu.vector_store %arg12[%swap3A_1957, %swap3A_1958], %mul3A_1955 {strides = array<i32>} : memref<16x128xf32, #tpu.memory_space<vmem>>, vector<16xf32>,
        %add3A_1960 = arith.constant 7 : i32
        %add3A_1961 = vector.broadcast %add3A_1960 : i32 to vector<16xi32>
        %add3A_1962 = arith.addi %mul3A_1381, %add3A_1961 : vector<16xi32>
        %reshape3A_1963 = vector.shape_cast %add3A_1962 : vector<16xi32> to vector<16x1xi32>
        %gather3A_1964 = vector.shape_cast %reshape3A_1963 : vector<16x1xi32> to vector<16xi32>
        %gather3A_1965 = tpu.dynamic_gather %get3A_1413[%gather3A_1964] in [0] : vector<16xf32>, vector<16xi32> -> vector<16xf32>
        %get3A_1966 = arith.constant 7 : i32
        %get3A_1967 = arith.index_cast %get3A_1966 : i32 to index
        %get3A_1968 = arith.constant 0 : index
        %get3A_1969 = tpu.vector_load %arg12[%get3A_1967, %get3A_1968] {strides = array<i32>} : memref<16x128xf32, #tpu.memory_space<vmem>>, vector<16xf32>,
        %mul3A_1970 = arith.mulf %get3A_1969, %gather3A_1965 : vector<16xf32>
        %swap3A_1971 = arith.constant 7 : i32
        %swap3A_1972 = arith.index_cast %swap3A_1971 : i32 to index
        %swap3A_1973 = arith.constant 0 : index
        %swap3A_1974 = tpu.vector_load %arg12[%swap3A_1972, %swap3A_1973] {strides = array<i32>} : memref<16x128xf32, #tpu.memory_space<vmem>>, vector<16xf32>,
        tpu.vector_store %arg12[%swap3A_1972, %swap3A_1973], %mul3A_1970 {strides = array<i32>} : memref<16x128xf32, #tpu.memory_space<vmem>>, vector<16xf32>,
        %get3A_1975 = arith.constant 7 : i32
        %get3A_1976 = arith.index_cast %get3A_1975 : i32 to index
        %get3A_1977 = arith.constant 16 : index
        %get3A_1978 = tpu.vector_load %arg12[%get3A_1976, %get3A_1977] {strides = array<i32>} : memref<16x128xf32, #tpu.memory_space<vmem>>, vector<16xf32>,
        %mul3A_1979 = arith.mulf %get3A_1978, %gather3A_1965 : vector<16xf32>
        %swap3A_1980 = arith.constant 7 : i32
        %swap3A_1981 = arith.index_cast %swap3A_1980 : i32 to index
        %swap3A_1982 = arith.constant 16 : index
        %swap3A_1983 = tpu.vector_load %arg12[%swap3A_1981, %swap3A_1982] {strides = array<i32>} : memref<16x128xf32, #tpu.memory_space<vmem>>, vector<16xf32>,
        tpu.vector_store %arg12[%swap3A_1981, %swap3A_1982], %mul3A_1979 {strides = array<i32>} : memref<16x128xf32, #tpu.memory_space<vmem>>, vector<16xf32>,
        %get3A_1984 = arith.constant 7 : i32
        %get3A_1985 = arith.index_cast %get3A_1984 : i32 to index
        %get3A_1986 = arith.constant 32 : index
        %get3A_1987 = tpu.vector_load %arg12[%get3A_1985, %get3A_1986] {strides = array<i32>} : memref<16x128xf32, #tpu.memory_space<vmem>>, vector<16xf32>,
        %mul3A_1988 = arith.mulf %get3A_1987, %gather3A_1965 : vector<16xf32>
        %swap3A_1989 = arith.constant 7 : i32
        %swap3A_1990 = arith.index_cast %swap3A_1989 : i32 to index
        %swap3A_1991 = arith.constant 32 : index
        %swap3A_1992 = tpu.vector_load %arg12[%swap3A_1990, %swap3A_1991] {strides = array<i32>} : memref<16x128xf32, #tpu.memory_space<vmem>>, vector<16xf32>,
        tpu.vector_store %arg12[%swap3A_1990, %swap3A_1991], %mul3A_1988 {strides = array<i32>} : memref<16x128xf32, #tpu.memory_space<vmem>>, vector<16xf32>,
        %get3A_1993 = arith.constant 7 : i32
        %get3A_1994 = arith.index_cast %get3A_1993 : i32 to index
        %get3A_1995 = arith.constant 48 : index
        %get3A_1996 = tpu.vector_load %arg12[%get3A_1994, %get3A_1995] {strides = array<i32>} : memref<16x128xf32, #tpu.memory_space<vmem>>, vector<16xf32>,
        %mul3A_1997 = arith.mulf %get3A_1996, %gather3A_1965 : vector<16xf32>
        %swap3A_1998 = arith.constant 7 : i32
        %swap3A_1999 = arith.index_cast %swap3A_1998 : i32 to index
        %swap3A_2000 = arith.constant 48 : index
        %swap3A_2001 = tpu.vector_load %arg12[%swap3A_1999, %swap3A_2000] {strides = array<i32>} : memref<16x128xf32, #tpu.memory_space<vmem>>, vector<16xf32>,
        tpu.vector_store %arg12[%swap3A_1999, %swap3A_2000], %mul3A_1997 {strides = array<i32>} : memref<16x128xf32, #tpu.memory_space<vmem>>, vector<16xf32>,
        %get3A_2002 = arith.constant 7 : i32
        %get3A_2003 = arith.index_cast %get3A_2002 : i32 to index
        %get3A_2004 = arith.constant 64 : index
        %get3A_2005 = tpu.vector_load %arg12[%get3A_2003, %get3A_2004] {strides = array<i32>} : memref<16x128xf32, #tpu.memory_space<vmem>>, vector<16xf32>,
        %mul3A_2006 = arith.mulf %get3A_2005, %gather3A_1965 : vector<16xf32>
        %swap3A_2007 = arith.constant 7 : i32
        %swap3A_2008 = arith.index_cast %swap3A_2007 : i32 to index
        %swap3A_2009 = arith.constant 64 : index
        %swap3A_2010 = tpu.vector_load %arg12[%swap3A_2008, %swap3A_2009] {strides = array<i32>} : memref<16x128xf32, #tpu.memory_space<vmem>>, vector<16xf32>,
        tpu.vector_store %arg12[%swap3A_2008, %swap3A_2009], %mul3A_2006 {strides = array<i32>} : memref<16x128xf32, #tpu.memory_space<vmem>>, vector<16xf32>,
        %get3A_2011 = arith.constant 7 : i32
        %get3A_2012 = arith.index_cast %get3A_2011 : i32 to index
        %get3A_2013 = arith.constant 80 : index
        %get3A_2014 = tpu.vector_load %arg12[%get3A_2012, %get3A_2013] {strides = array<i32>} : memref<16x128xf32, #tpu.memory_space<vmem>>, vector<16xf32>,
        %mul3A_2015 = arith.mulf %get3A_2014, %gather3A_1965 : vector<16xf32>
        %swap3A_2016 = arith.constant 7 : i32
        %swap3A_2017 = arith.index_cast %swap3A_2016 : i32 to index
        %swap3A_2018 = arith.constant 80 : index
        %swap3A_2019 = tpu.vector_load %arg12[%swap3A_2017, %swap3A_2018] {strides = array<i32>} : memref<16x128xf32, #tpu.memory_space<vmem>>, vector<16xf32>,
        tpu.vector_store %arg12[%swap3A_2017, %swap3A_2018], %mul3A_2015 {strides = array<i32>} : memref<16x128xf32, #tpu.memory_space<vmem>>, vector<16xf32>,
        %get3A_2020 = arith.constant 7 : i32
        %get3A_2021 = arith.index_cast %get3A_2020 : i32 to index
        %get3A_2022 = arith.constant 96 : index
        %get3A_2023 = tpu.vector_load %arg12[%get3A_2021, %get3A_2022] {strides = array<i32>} : memref<16x128xf32, #tpu.memory_space<vmem>>, vector<16xf32>,
        %mul3A_2024 = arith.mulf %get3A_2023, %gather3A_1965 : vector<16xf32>
        %swap3A_2025 = arith.constant 7 : i32
        %swap3A_2026 = arith.index_cast %swap3A_2025 : i32 to index
        %swap3A_2027 = arith.constant 96 : index
        %swap3A_2028 = tpu.vector_load %arg12[%swap3A_2026, %swap3A_2027] {strides = array<i32>} : memref<16x128xf32, #tpu.memory_space<vmem>>, vector<16xf32>,
        tpu.vector_store %arg12[%swap3A_2026, %swap3A_2027], %mul3A_2024 {strides = array<i32>} : memref<16x128xf32, #tpu.memory_space<vmem>>, vector<16xf32>,
        %get3A_2029 = arith.constant 7 : i32
        %get3A_2030 = arith.index_cast %get3A_2029 : i32 to index
        %get3A_2031 = arith.constant 112 : index
        %get3A_2032 = tpu.vector_load %arg12[%get3A_2030, %get3A_2031] {strides = array<i32>} : memref<16x128xf32, #tpu.memory_space<vmem>>, vector<16xf32>,
        %mul3A_2033 = arith.mulf %get3A_2032, %gather3A_1965 : vector<16xf32>
        %swap3A_2034 = arith.constant 7 : i32
        %swap3A_2035 = arith.index_cast %swap3A_2034 : i32 to index
        %swap3A_2036 = arith.constant 112 : index
        %swap3A_2037 = tpu.vector_load %arg12[%swap3A_2035, %swap3A_2036] {strides = array<i32>} : memref<16x128xf32, #tpu.memory_space<vmem>>, vector<16xf32>,
        tpu.vector_store %arg12[%swap3A_2035, %swap3A_2036], %mul3A_2033 {strides = array<i32>} : memref<16x128xf32, #tpu.memory_space<vmem>>, vector<16xf32>,
        %add3A_2038 = arith.constant 8 : i32
        %add3A_2039 = vector.broadcast %add3A_2038 : i32 to vector<16xi32>
        %add3A_2040 = arith.addi %mul3A_1381, %add3A_2039 : vector<16xi32>
        %reshape3A_2041 = vector.shape_cast %add3A_2040 : vector<16xi32> to vector<16x1xi32>
        %gather3A_2042 = vector.shape_cast %reshape3A_2041 : vector<16x1xi32> to vector<16xi32>
        %gather3A_2043 = tpu.dynamic_gather %get3A_1413[%gather3A_2042] in [0] : vector<16xf32>, vector<16xi32> -> vector<16xf32>
        %get3A_2044 = arith.constant 8 : i32
        %get3A_2045 = arith.index_cast %get3A_2044 : i32 to index
        %get3A_2046 = arith.constant 0 : index
        %get3A_2047 = tpu.vector_load %arg12[%get3A_2045, %get3A_2046] {strides = array<i32>} : memref<16x128xf32, #tpu.memory_space<vmem>>, vector<16xf32>,
        %mul3A_2048 = arith.mulf %get3A_2047, %gather3A_2043 : vector<16xf32>
        %swap3A_2049 = arith.constant 8 : i32
        %swap3A_2050 = arith.index_cast %swap3A_2049 : i32 to index
        %swap3A_2051 = arith.constant 0 : index
        %swap3A_2052 = tpu.vector_load %arg12[%swap3A_2050, %swap3A_2051] {strides = array<i32>} : memref<16x128xf32, #tpu.memory_space<vmem>>, vector<16xf32>,
        tpu.vector_store %arg12[%swap3A_2050, %swap3A_2051], %mul3A_2048 {strides = array<i32>} : memref<16x128xf32, #tpu.memory_space<vmem>>, vector<16xf32>,
        %get3A_2053 = arith.constant 8 : i32
        %get3A_2054 = arith.index_cast %get3A_2053 : i32 to index
        %get3A_2055 = arith.constant 16 : index
        %get3A_2056 = tpu.vector_load %arg12[%get3A_2054, %get3A_2055] {strides = array<i32>} : memref<16x128xf32, #tpu.memory_space<vmem>>, vector<16xf32>,
        %mul3A_2057 = arith.mulf %get3A_2056, %gather3A_2043 : vector<16xf32>
        %swap3A_2058 = arith.constant 8 : i32
        %swap3A_2059 = arith.index_cast %swap3A_2058 : i32 to index
        %swap3A_2060 = arith.constant 16 : index
        %swap3A_2061 = tpu.vector_load %arg12[%swap3A_2059, %swap3A_2060] {strides = array<i32>} : memref<16x128xf32, #tpu.memory_space<vmem>>, vector<16xf32>,
        tpu.vector_store %arg12[%swap3A_2059, %swap3A_2060], %mul3A_2057 {strides = array<i32>} : memref<16x128xf32, #tpu.memory_space<vmem>>, vector<16xf32>,
        %get3A_2062 = arith.constant 8 : i32
        %get3A_2063 = arith.index_cast %get3A_2062 : i32 to index
        %get3A_2064 = arith.constant 32 : index
        %get3A_2065 = tpu.vector_load %arg12[%get3A_2063, %get3A_2064] {strides = array<i32>} : memref<16x128xf32, #tpu.memory_space<vmem>>, vector<16xf32>,
        %mul3A_2066 = arith.mulf %get3A_2065, %gather3A_2043 : vector<16xf32>
        %swap3A_2067 = arith.constant 8 : i32
        %swap3A_2068 = arith.index_cast %swap3A_2067 : i32 to index
        %swap3A_2069 = arith.constant 32 : index
        %swap3A_2070 = tpu.vector_load %arg12[%swap3A_2068, %swap3A_2069] {strides = array<i32>} : memref<16x128xf32, #tpu.memory_space<vmem>>, vector<16xf32>,
        tpu.vector_store %arg12[%swap3A_2068, %swap3A_2069], %mul3A_2066 {strides = array<i32>} : memref<16x128xf32, #tpu.memory_space<vmem>>, vector<16xf32>,
        %get3A_2071 = arith.constant 8 : i32
        %get3A_2072 = arith.index_cast %get3A_2071 : i32 to index
        %get3A_2073 = arith.constant 48 : index
        %get3A_2074 = tpu.vector_load %arg12[%get3A_2072, %get3A_2073] {strides = array<i32>} : memref<16x128xf32, #tpu.memory_space<vmem>>, vector<16xf32>,
        %mul3A_2075 = arith.mulf %get3A_2074, %gather3A_2043 : vector<16xf32>
        %swap3A_2076 = arith.constant 8 : i32
        %swap3A_2077 = arith.index_cast %swap3A_2076 : i32 to index
        %swap3A_2078 = arith.constant 48 : index
        %swap3A_2079 = tpu.vector_load %arg12[%swap3A_2077, %swap3A_2078] {strides = array<i32>} : memref<16x128xf32, #tpu.memory_space<vmem>>, vector<16xf32>,
        tpu.vector_store %arg12[%swap3A_2077, %swap3A_2078], %mul3A_2075 {strides = array<i32>} : memref<16x128xf32, #tpu.memory_space<vmem>>, vector<16xf32>,
        %get3A_2080 = arith.constant 8 : i32
        %get3A_2081 = arith.index_cast %get3A_2080 : i32 to index
        %get3A_2082 = arith.constant 64 : index
        %get3A_2083 = tpu.vector_load %arg12[%get3A_2081, %get3A_2082] {strides = array<i32>} : memref<16x128xf32, #tpu.memory_space<vmem>>, vector<16xf32>,
        %mul3A_2084 = arith.mulf %get3A_2083, %gather3A_2043 : vector<16xf32>
        %swap3A_2085 = arith.constant 8 : i32
        %swap3A_2086 = arith.index_cast %swap3A_2085 : i32 to index
        %swap3A_2087 = arith.constant 64 : index
        %swap3A_2088 = tpu.vector_load %arg12[%swap3A_2086, %swap3A_2087] {strides = array<i32>} : memref<16x128xf32, #tpu.memory_space<vmem>>, vector<16xf32>,
        tpu.vector_store %arg12[%swap3A_2086, %swap3A_2087], %mul3A_2084 {strides = array<i32>} : memref<16x128xf32, #tpu.memory_space<vmem>>, vector<16xf32>,
        %get3A_2089 = arith.constant 8 : i32
        %get3A_2090 = arith.index_cast %get3A_2089 : i32 to index
        %get3A_2091 = arith.constant 80 : index
        %get3A_2092 = tpu.vector_load %arg12[%get3A_2090, %get3A_2091] {strides = array<i32>} : memref<16x128xf32, #tpu.memory_space<vmem>>, vector<16xf32>,
        %mul3A_2093 = arith.mulf %get3A_2092, %gather3A_2043 : vector<16xf32>
        %swap3A_2094 = arith.constant 8 : i32
        %swap3A_2095 = arith.index_cast %swap3A_2094 : i32 to index
        %swap3A_2096 = arith.constant 80 : index
        %swap3A_2097 = tpu.vector_load %arg12[%swap3A_2095, %swap3A_2096] {strides = array<i32>} : memref<16x128xf32, #tpu.memory_space<vmem>>, vector<16xf32>,
        tpu.vector_store %arg12[%swap3A_2095, %swap3A_2096], %mul3A_2093 {strides = array<i32>} : memref<16x128xf32, #tpu.memory_space<vmem>>, vector<16xf32>,
        %get3A_2098 = arith.constant 8 : i32
        %get3A_2099 = arith.index_cast %get3A_2098 : i32 to index
        %get3A_2100 = arith.constant 96 : index
        %get3A_2101 = tpu.vector_load %arg12[%get3A_2099, %get3A_2100] {strides = array<i32>} : memref<16x128xf32, #tpu.memory_space<vmem>>, vector<16xf32>,
        %mul3A_2102 = arith.mulf %get3A_2101, %gather3A_2043 : vector<16xf32>
        %swap3A_2103 = arith.constant 8 : i32
        %swap3A_2104 = arith.index_cast %swap3A_2103 : i32 to index
        %swap3A_2105 = arith.constant 96 : index
        %swap3A_2106 = tpu.vector_load %arg12[%swap3A_2104, %swap3A_2105] {strides = array<i32>} : memref<16x128xf32, #tpu.memory_space<vmem>>, vector<16xf32>,
        tpu.vector_store %arg12[%swap3A_2104, %swap3A_2105], %mul3A_2102 {strides = array<i32>} : memref<16x128xf32, #tpu.memory_space<vmem>>, vector<16xf32>,
        %get3A_2107 = arith.constant 8 : i32
        %get3A_2108 = arith.index_cast %get3A_2107 : i32 to index
        %get3A_2109 = arith.constant 112 : index
        %get3A_2110 = tpu.vector_load %arg12[%get3A_2108, %get3A_2109] {strides = array<i32>} : memref<16x128xf32, #tpu.memory_space<vmem>>, vector<16xf32>,
        %mul3A_2111 = arith.mulf %get3A_2110, %gather3A_2043 : vector<16xf32>
        %swap3A_2112 = arith.constant 8 : i32
        %swap3A_2113 = arith.index_cast %swap3A_2112 : i32 to index
        %swap3A_2114 = arith.constant 112 : index
        %swap3A_2115 = tpu.vector_load %arg12[%swap3A_2113, %swap3A_2114] {strides = array<i32>} : memref<16x128xf32, #tpu.memory_space<vmem>>, vector<16xf32>,
        tpu.vector_store %arg12[%swap3A_2113, %swap3A_2114], %mul3A_2111 {strides = array<i32>} : memref<16x128xf32, #tpu.memory_space<vmem>>, vector<16xf32>,
        %add3A_2116 = arith.constant 9 : i32
        %add3A_2117 = vector.broadcast %add3A_2116 : i32 to vector<16xi32>
        %add3A_2118 = arith.addi %mul3A_1381, %add3A_2117 : vector<16xi32>
        %reshape3A_2119 = vector.shape_cast %add3A_2118 : vector<16xi32> to vector<16x1xi32>
        %gather3A_2120 = vector.shape_cast %reshape3A_2119 : vector<16x1xi32> to vector<16xi32>
        %gather3A_2121 = tpu.dynamic_gather %get3A_1413[%gather3A_2120] in [0] : vector<16xf32>, vector<16xi32> -> vector<16xf32>
        %get3A_2122 = arith.constant 9 : i32
        %get3A_2123 = arith.index_cast %get3A_2122 : i32 to index
        %get3A_2124 = arith.constant 0 : index
        %get3A_2125 = tpu.vector_load %arg12[%get3A_2123, %get3A_2124] {strides = array<i32>} : memref<16x128xf32, #tpu.memory_space<vmem>>, vector<16xf32>,
        %mul3A_2126 = arith.mulf %get3A_2125, %gather3A_2121 : vector<16xf32>
        %swap3A_2127 = arith.constant 9 : i32
        %swap3A_2128 = arith.index_cast %swap3A_2127 : i32 to index
        %swap3A_2129 = arith.constant 0 : index
        %swap3A_2130 = tpu.vector_load %arg12[%swap3A_2128, %swap3A_2129] {strides = array<i32>} : memref<16x128xf32, #tpu.memory_space<vmem>>, vector<16xf32>,
        tpu.vector_store %arg12[%swap3A_2128, %swap3A_2129], %mul3A_2126 {strides = array<i32>} : memref<16x128xf32, #tpu.memory_space<vmem>>, vector<16xf32>,
        %get3A_2131 = arith.constant 9 : i32
        %get3A_2132 = arith.index_cast %get3A_2131 : i32 to index
        %get3A_2133 = arith.constant 16 : index
        %get3A_2134 = tpu.vector_load %arg12[%get3A_2132, %get3A_2133] {strides = array<i32>} : memref<16x128xf32, #tpu.memory_space<vmem>>, vector<16xf32>,
        %mul3A_2135 = arith.mulf %get3A_2134, %gather3A_2121 : vector<16xf32>
        %swap3A_2136 = arith.constant 9 : i32
        %swap3A_2137 = arith.index_cast %swap3A_2136 : i32 to index
        %swap3A_2138 = arith.constant 16 : index
        %swap3A_2139 = tpu.vector_load %arg12[%swap3A_2137, %swap3A_2138] {strides = array<i32>} : memref<16x128xf32, #tpu.memory_space<vmem>>, vector<16xf32>,
        tpu.vector_store %arg12[%swap3A_2137, %swap3A_2138], %mul3A_2135 {strides = array<i32>} : memref<16x128xf32, #tpu.memory_space<vmem>>, vector<16xf32>,
        %get3A_2140 = arith.constant 9 : i32
        %get3A_2141 = arith.index_cast %get3A_2140 : i32 to index
        %get3A_2142 = arith.constant 32 : index
        %get3A_2143 = tpu.vector_load %arg12[%get3A_2141, %get3A_2142] {strides = array<i32>} : memref<16x128xf32, #tpu.memory_space<vmem>>, vector<16xf32>,
        %mul3A_2144 = arith.mulf %get3A_2143, %gather3A_2121 : vector<16xf32>
        %swap3A_2145 = arith.constant 9 : i32
        %swap3A_2146 = arith.index_cast %swap3A_2145 : i32 to index
        %swap3A_2147 = arith.constant 32 : index
        %swap3A_2148 = tpu.vector_load %arg12[%swap3A_2146, %swap3A_2147] {strides = array<i32>} : memref<16x128xf32, #tpu.memory_space<vmem>>, vector<16xf32>,
        tpu.vector_store %arg12[%swap3A_2146, %swap3A_2147], %mul3A_2144 {strides = array<i32>} : memref<16x128xf32, #tpu.memory_space<vmem>>, vector<16xf32>,
        %get3A_2149 = arith.constant 9 : i32
        %get3A_2150 = arith.index_cast %get3A_2149 : i32 to index
        %get3A_2151 = arith.constant 48 : index
        %get3A_2152 = tpu.vector_load %arg12[%get3A_2150, %get3A_2151] {strides = array<i32>} : memref<16x128xf32, #tpu.memory_space<vmem>>, vector<16xf32>,
        %mul3A_2153 = arith.mulf %get3A_2152, %gather3A_2121 : vector<16xf32>
        %swap3A_2154 = arith.constant 9 : i32
        %swap3A_2155 = arith.index_cast %swap3A_2154 : i32 to index
        %swap3A_2156 = arith.constant 48 : index
        %swap3A_2157 = tpu.vector_load %arg12[%swap3A_2155, %swap3A_2156] {strides = array<i32>} : memref<16x128xf32, #tpu.memory_space<vmem>>, vector<16xf32>,
        tpu.vector_store %arg12[%swap3A_2155, %swap3A_2156], %mul3A_2153 {strides = array<i32>} : memref<16x128xf32, #tpu.memory_space<vmem>>, vector<16xf32>,
        %get3A_2158 = arith.constant 9 : i32
        %get3A_2159 = arith.index_cast %get3A_2158 : i32 to index
        %get3A_2160 = arith.constant 64 : index
        %get3A_2161 = tpu.vector_load %arg12[%get3A_2159, %get3A_2160] {strides = array<i32>} : memref<16x128xf32, #tpu.memory_space<vmem>>, vector<16xf32>,
        %mul3A_2162 = arith.mulf %get3A_2161, %gather3A_2121 : vector<16xf32>
        %swap3A_2163 = arith.constant 9 : i32
        %swap3A_2164 = arith.index_cast %swap3A_2163 : i32 to index
        %swap3A_2165 = arith.constant 64 : index
        %swap3A_2166 = tpu.vector_load %arg12[%swap3A_2164, %swap3A_2165] {strides = array<i32>} : memref<16x128xf32, #tpu.memory_space<vmem>>, vector<16xf32>,
        tpu.vector_store %arg12[%swap3A_2164, %swap3A_2165], %mul3A_2162 {strides = array<i32>} : memref<16x128xf32, #tpu.memory_space<vmem>>, vector<16xf32>,
        %get3A_2167 = arith.constant 9 : i32
        %get3A_2168 = arith.index_cast %get3A_2167 : i32 to index
        %get3A_2169 = arith.constant 80 : index
        %get3A_2170 = tpu.vector_load %arg12[%get3A_2168, %get3A_2169] {strides = array<i32>} : memref<16x128xf32, #tpu.memory_space<vmem>>, vector<16xf32>,
        %mul3A_2171 = arith.mulf %get3A_2170, %gather3A_2121 : vector<16xf32>
        %swap3A_2172 = arith.constant 9 : i32
        %swap3A_2173 = arith.index_cast %swap3A_2172 : i32 to index
        %swap3A_2174 = arith.constant 80 : index
        %swap3A_2175 = tpu.vector_load %arg12[%swap3A_2173, %swap3A_2174] {strides = array<i32>} : memref<16x128xf32, #tpu.memory_space<vmem>>, vector<16xf32>,
        tpu.vector_store %arg12[%swap3A_2173, %swap3A_2174], %mul3A_2171 {strides = array<i32>} : memref<16x128xf32, #tpu.memory_space<vmem>>, vector<16xf32>,
        %get3A_2176 = arith.constant 9 : i32
        %get3A_2177 = arith.index_cast %get3A_2176 : i32 to index
        %get3A_2178 = arith.constant 96 : index
        %get3A_2179 = tpu.vector_load %arg12[%get3A_2177, %get3A_2178] {strides = array<i32>} : memref<16x128xf32, #tpu.memory_space<vmem>>, vector<16xf32>,
        %mul3A_2180 = arith.mulf %get3A_2179, %gather3A_2121 : vector<16xf32>
        %swap3A_2181 = arith.constant 9 : i32
        %swap3A_2182 = arith.index_cast %swap3A_2181 : i32 to index
        %swap3A_2183 = arith.constant 96 : index
        %swap3A_2184 = tpu.vector_load %arg12[%swap3A_2182, %swap3A_2183] {strides = array<i32>} : memref<16x128xf32, #tpu.memory_space<vmem>>, vector<16xf32>,
        tpu.vector_store %arg12[%swap3A_2182, %swap3A_2183], %mul3A_2180 {strides = array<i32>} : memref<16x128xf32, #tpu.memory_space<vmem>>, vector<16xf32>,
        %get3A_2185 = arith.constant 9 : i32
        %get3A_2186 = arith.index_cast %get3A_2185 : i32 to index
        %get3A_2187 = arith.constant 112 : index
        %get3A_2188 = tpu.vector_load %arg12[%get3A_2186, %get3A_2187] {strides = array<i32>} : memref<16x128xf32, #tpu.memory_space<vmem>>, vector<16xf32>,
        %mul3A_2189 = arith.mulf %get3A_2188, %gather3A_2121 : vector<16xf32>
        %swap3A_2190 = arith.constant 9 : i32
        %swap3A_2191 = arith.index_cast %swap3A_2190 : i32 to index
        %swap3A_2192 = arith.constant 112 : index
        %swap3A_2193 = tpu.vector_load %arg12[%swap3A_2191, %swap3A_2192] {strides = array<i32>} : memref<16x128xf32, #tpu.memory_space<vmem>>, vector<16xf32>,
        tpu.vector_store %arg12[%swap3A_2191, %swap3A_2192], %mul3A_2189 {strides = array<i32>} : memref<16x128xf32, #tpu.memory_space<vmem>>, vector<16xf32>,
        %add3A_2194 = arith.constant 10 : i32
        %add3A_2195 = vector.broadcast %add3A_2194 : i32 to vector<16xi32>
        %add3A_2196 = arith.addi %mul3A_1381, %add3A_2195 : vector<16xi32>
        %reshape3A_2197 = vector.shape_cast %add3A_2196 : vector<16xi32> to vector<16x1xi32>
        %gather3A_2198 = vector.shape_cast %reshape3A_2197 : vector<16x1xi32> to vector<16xi32>
        %gather3A_2199 = tpu.dynamic_gather %get3A_1413[%gather3A_2198] in [0] : vector<16xf32>, vector<16xi32> -> vector<16xf32>
        %get3A_2200 = arith.constant 10 : i32
        %get3A_2201 = arith.index_cast %get3A_2200 : i32 to index
        %get3A_2202 = arith.constant 0 : index
        %get3A_2203 = tpu.vector_load %arg12[%get3A_2201, %get3A_2202] {strides = array<i32>} : memref<16x128xf32, #tpu.memory_space<vmem>>, vector<16xf32>,
        %mul3A_2204 = arith.mulf %get3A_2203, %gather3A_2199 : vector<16xf32>
        %swap3A_2205 = arith.constant 10 : i32
        %swap3A_2206 = arith.index_cast %swap3A_2205 : i32 to index
        %swap3A_2207 = arith.constant 0 : index
        %swap3A_2208 = tpu.vector_load %arg12[%swap3A_2206, %swap3A_2207] {strides = array<i32>} : memref<16x128xf32, #tpu.memory_space<vmem>>, vector<16xf32>,
        tpu.vector_store %arg12[%swap3A_2206, %swap3A_2207], %mul3A_2204 {strides = array<i32>} : memref<16x128xf32, #tpu.memory_space<vmem>>, vector<16xf32>,
        %get3A_2209 = arith.constant 10 : i32
        %get3A_2210 = arith.index_cast %get3A_2209 : i32 to index
        %get3A_2211 = arith.constant 16 : index
        %get3A_2212 = tpu.vector_load %arg12[%get3A_2210, %get3A_2211] {strides = array<i32>} : memref<16x128xf32, #tpu.memory_space<vmem>>, vector<16xf32>,
        %mul3A_2213 = arith.mulf %get3A_2212, %gather3A_2199 : vector<16xf32>
        %swap3A_2214 = arith.constant 10 : i32
        %swap3A_2215 = arith.index_cast %swap3A_2214 : i32 to index
        %swap3A_2216 = arith.constant 16 : index
        %swap3A_2217 = tpu.vector_load %arg12[%swap3A_2215, %swap3A_2216] {strides = array<i32>} : memref<16x128xf32, #tpu.memory_space<vmem>>, vector<16xf32>,
        tpu.vector_store %arg12[%swap3A_2215, %swap3A_2216], %mul3A_2213 {strides = array<i32>} : memref<16x128xf32, #tpu.memory_space<vmem>>, vector<16xf32>,
        %get3A_2218 = arith.constant 10 : i32
        %get3A_2219 = arith.index_cast %get3A_2218 : i32 to index
        %get3A_2220 = arith.constant 32 : index
        %get3A_2221 = tpu.vector_load %arg12[%get3A_2219, %get3A_2220] {strides = array<i32>} : memref<16x128xf32, #tpu.memory_space<vmem>>, vector<16xf32>,
        %mul3A_2222 = arith.mulf %get3A_2221, %gather3A_2199 : vector<16xf32>
        %swap3A_2223 = arith.constant 10 : i32
        %swap3A_2224 = arith.index_cast %swap3A_2223 : i32 to index
        %swap3A_2225 = arith.constant 32 : index
        %swap3A_2226 = tpu.vector_load %arg12[%swap3A_2224, %swap3A_2225] {strides = array<i32>} : memref<16x128xf32, #tpu.memory_space<vmem>>, vector<16xf32>,
        tpu.vector_store %arg12[%swap3A_2224, %swap3A_2225], %mul3A_2222 {strides = array<i32>} : memref<16x128xf32, #tpu.memory_space<vmem>>, vector<16xf32>,
        %get3A_2227 = arith.constant 10 : i32
        %get3A_2228 = arith.index_cast %get3A_2227 : i32 to index
        %get3A_2229 = arith.constant 48 : index
        %get3A_2230 = tpu.vector_load %arg12[%get3A_2228, %get3A_2229] {strides = array<i32>} : memref<16x128xf32, #tpu.memory_space<vmem>>, vector<16xf32>,
        %mul3A_2231 = arith.mulf %get3A_2230, %gather3A_2199 : vector<16xf32>
        %swap3A_2232 = arith.constant 10 : i32
        %swap3A_2233 = arith.index_cast %swap3A_2232 : i32 to index
        %swap3A_2234 = arith.constant 48 : index
        %swap3A_2235 = tpu.vector_load %arg12[%swap3A_2233, %swap3A_2234] {strides = array<i32>} : memref<16x128xf32, #tpu.memory_space<vmem>>, vector<16xf32>,
        tpu.vector_store %arg12[%swap3A_2233, %swap3A_2234], %mul3A_2231 {strides = array<i32>} : memref<16x128xf32, #tpu.memory_space<vmem>>, vector<16xf32>,
        %get3A_2236 = arith.constant 10 : i32
        %get3A_2237 = arith.index_cast %get3A_2236 : i32 to index
        %get3A_2238 = arith.constant 64 : index
        %get3A_2239 = tpu.vector_load %arg12[%get3A_2237, %get3A_2238] {strides = array<i32>} : memref<16x128xf32, #tpu.memory_space<vmem>>, vector<16xf32>,
        %mul3A_2240 = arith.mulf %get3A_2239, %gather3A_2199 : vector<16xf32>
        %swap3A_2241 = arith.constant 10 : i32
        %swap3A_2242 = arith.index_cast %swap3A_2241 : i32 to index
        %swap3A_2243 = arith.constant 64 : index
        %swap3A_2244 = tpu.vector_load %arg12[%swap3A_2242, %swap3A_2243] {strides = array<i32>} : memref<16x128xf32, #tpu.memory_space<vmem>>, vector<16xf32>,
        tpu.vector_store %arg12[%swap3A_2242, %swap3A_2243], %mul3A_2240 {strides = array<i32>} : memref<16x128xf32, #tpu.memory_space<vmem>>, vector<16xf32>,
        %get3A_2245 = arith.constant 10 : i32
        %get3A_2246 = arith.index_cast %get3A_2245 : i32 to index
        %get3A_2247 = arith.constant 80 : index
        %get3A_2248 = tpu.vector_load %arg12[%get3A_2246, %get3A_2247] {strides = array<i32>} : memref<16x128xf32, #tpu.memory_space<vmem>>, vector<16xf32>,
        %mul3A_2249 = arith.mulf %get3A_2248, %gather3A_2199 : vector<16xf32>
        %swap3A_2250 = arith.constant 10 : i32
        %swap3A_2251 = arith.index_cast %swap3A_2250 : i32 to index
        %swap3A_2252 = arith.constant 80 : index
        %swap3A_2253 = tpu.vector_load %arg12[%swap3A_2251, %swap3A_2252] {strides = array<i32>} : memref<16x128xf32, #tpu.memory_space<vmem>>, vector<16xf32>,
        tpu.vector_store %arg12[%swap3A_2251, %swap3A_2252], %mul3A_2249 {strides = array<i32>} : memref<16x128xf32, #tpu.memory_space<vmem>>, vector<16xf32>,
        %get3A_2254 = arith.constant 10 : i32
        %get3A_2255 = arith.index_cast %get3A_2254 : i32 to index
        %get3A_2256 = arith.constant 96 : index
        %get3A_2257 = tpu.vector_load %arg12[%get3A_2255, %get3A_2256] {strides = array<i32>} : memref<16x128xf32, #tpu.memory_space<vmem>>, vector<16xf32>,
        %mul3A_2258 = arith.mulf %get3A_2257, %gather3A_2199 : vector<16xf32>
        %swap3A_2259 = arith.constant 10 : i32
        %swap3A_2260 = arith.index_cast %swap3A_2259 : i32 to index
        %swap3A_2261 = arith.constant 96 : index
        %swap3A_2262 = tpu.vector_load %arg12[%swap3A_2260, %swap3A_2261] {strides = array<i32>} : memref<16x128xf32, #tpu.memory_space<vmem>>, vector<16xf32>,
        tpu.vector_store %arg12[%swap3A_2260, %swap3A_2261], %mul3A_2258 {strides = array<i32>} : memref<16x128xf32, #tpu.memory_space<vmem>>, vector<16xf32>,
        %get3A_2263 = arith.constant 10 : i32
        %get3A_2264 = arith.index_cast %get3A_2263 : i32 to index
        %get3A_2265 = arith.constant 112 : index
        %get3A_2266 = tpu.vector_load %arg12[%get3A_2264, %get3A_2265] {strides = array<i32>} : memref<16x128xf32, #tpu.memory_space<vmem>>, vector<16xf32>,
        %mul3A_2267 = arith.mulf %get3A_2266, %gather3A_2199 : vector<16xf32>
        %swap3A_2268 = arith.constant 10 : i32
        %swap3A_2269 = arith.index_cast %swap3A_2268 : i32 to index
        %swap3A_2270 = arith.constant 112 : index
        %swap3A_2271 = tpu.vector_load %arg12[%swap3A_2269, %swap3A_2270] {strides = array<i32>} : memref<16x128xf32, #tpu.memory_space<vmem>>, vector<16xf32>,
        tpu.vector_store %arg12[%swap3A_2269, %swap3A_2270], %mul3A_2267 {strides = array<i32>} : memref<16x128xf32, #tpu.memory_space<vmem>>, vector<16xf32>,
        %add3A_2272 = arith.constant 11 : i32
        %add3A_2273 = vector.broadcast %add3A_2272 : i32 to vector<16xi32>
        %add3A_2274 = arith.addi %mul3A_1381, %add3A_2273 : vector<16xi32>
        %reshape3A_2275 = vector.shape_cast %add3A_2274 : vector<16xi32> to vector<16x1xi32>
        %gather3A_2276 = vector.shape_cast %reshape3A_2275 : vector<16x1xi32> to vector<16xi32>
        %gather3A_2277 = tpu.dynamic_gather %get3A_1413[%gather3A_2276] in [0] : vector<16xf32>, vector<16xi32> -> vector<16xf32>
        %get3A_2278 = arith.constant 11 : i32
        %get3A_2279 = arith.index_cast %get3A_2278 : i32 to index
        %get3A_2280 = arith.constant 0 : index
        %get3A_2281 = tpu.vector_load %arg12[%get3A_2279, %get3A_2280] {strides = array<i32>} : memref<16x128xf32, #tpu.memory_space<vmem>>, vector<16xf32>,
        %mul3A_2282 = arith.mulf %get3A_2281, %gather3A_2277 : vector<16xf32>
        %swap3A_2283 = arith.constant 11 : i32
        %swap3A_2284 = arith.index_cast %swap3A_2283 : i32 to index
        %swap3A_2285 = arith.constant 0 : index
        %swap3A_2286 = tpu.vector_load %arg12[%swap3A_2284, %swap3A_2285] {strides = array<i32>} : memref<16x128xf32, #tpu.memory_space<vmem>>, vector<16xf32>,
        tpu.vector_store %arg12[%swap3A_2284, %swap3A_2285], %mul3A_2282 {strides = array<i32>} : memref<16x128xf32, #tpu.memory_space<vmem>>, vector<16xf32>,
        %get3A_2287 = arith.constant 11 : i32
        %get3A_2288 = arith.index_cast %get3A_2287 : i32 to index
        %get3A_2289 = arith.constant 16 : index
        %get3A_2290 = tpu.vector_load %arg12[%get3A_2288, %get3A_2289] {strides = array<i32>} : memref<16x128xf32, #tpu.memory_space<vmem>>, vector<16xf32>,
        %mul3A_2291 = arith.mulf %get3A_2290, %gather3A_2277 : vector<16xf32>
        %swap3A_2292 = arith.constant 11 : i32
        %swap3A_2293 = arith.index_cast %swap3A_2292 : i32 to index
        %swap3A_2294 = arith.constant 16 : index
        %swap3A_2295 = tpu.vector_load %arg12[%swap3A_2293, %swap3A_2294] {strides = array<i32>} : memref<16x128xf32, #tpu.memory_space<vmem>>, vector<16xf32>,
        tpu.vector_store %arg12[%swap3A_2293, %swap3A_2294], %mul3A_2291 {strides = array<i32>} : memref<16x128xf32, #tpu.memory_space<vmem>>, vector<16xf32>,
        %get3A_2296 = arith.constant 11 : i32
        %get3A_2297 = arith.index_cast %get3A_2296 : i32 to index
        %get3A_2298 = arith.constant 32 : index
        %get3A_2299 = tpu.vector_load %arg12[%get3A_2297, %get3A_2298] {strides = array<i32>} : memref<16x128xf32, #tpu.memory_space<vmem>>, vector<16xf32>,
        %mul3A_2300 = arith.mulf %get3A_2299, %gather3A_2277 : vector<16xf32>
        %swap3A_2301 = arith.constant 11 : i32
        %swap3A_2302 = arith.index_cast %swap3A_2301 : i32 to index
        %swap3A_2303 = arith.constant 32 : index
        %swap3A_2304 = tpu.vector_load %arg12[%swap3A_2302, %swap3A_2303] {strides = array<i32>} : memref<16x128xf32, #tpu.memory_space<vmem>>, vector<16xf32>,
        tpu.vector_store %arg12[%swap3A_2302, %swap3A_2303], %mul3A_2300 {strides = array<i32>} : memref<16x128xf32, #tpu.memory_space<vmem>>, vector<16xf32>,
        %get3A_2305 = arith.constant 11 : i32
        %get3A_2306 = arith.index_cast %get3A_2305 : i32 to index
        %get3A_2307 = arith.constant 48 : index
        %get3A_2308 = tpu.vector_load %arg12[%get3A_2306, %get3A_2307] {strides = array<i32>} : memref<16x128xf32, #tpu.memory_space<vmem>>, vector<16xf32>,
        %mul3A_2309 = arith.mulf %get3A_2308, %gather3A_2277 : vector<16xf32>
        %swap3A_2310 = arith.constant 11 : i32
        %swap3A_2311 = arith.index_cast %swap3A_2310 : i32 to index
        %swap3A_2312 = arith.constant 48 : index
        %swap3A_2313 = tpu.vector_load %arg12[%swap3A_2311, %swap3A_2312] {strides = array<i32>} : memref<16x128xf32, #tpu.memory_space<vmem>>, vector<16xf32>,
        tpu.vector_store %arg12[%swap3A_2311, %swap3A_2312], %mul3A_2309 {strides = array<i32>} : memref<16x128xf32, #tpu.memory_space<vmem>>, vector<16xf32>,
        %get3A_2314 = arith.constant 11 : i32
        %get3A_2315 = arith.index_cast %get3A_2314 : i32 to index
        %get3A_2316 = arith.constant 64 : index
        %get3A_2317 = tpu.vector_load %arg12[%get3A_2315, %get3A_2316] {strides = array<i32>} : memref<16x128xf32, #tpu.memory_space<vmem>>, vector<16xf32>,
        %mul3A_2318 = arith.mulf %get3A_2317, %gather3A_2277 : vector<16xf32>
        %swap3A_2319 = arith.constant 11 : i32
        %swap3A_2320 = arith.index_cast %swap3A_2319 : i32 to index
        %swap3A_2321 = arith.constant 64 : index
        %swap3A_2322 = tpu.vector_load %arg12[%swap3A_2320, %swap3A_2321] {strides = array<i32>} : memref<16x128xf32, #tpu.memory_space<vmem>>, vector<16xf32>,
        tpu.vector_store %arg12[%swap3A_2320, %swap3A_2321], %mul3A_2318 {strides = array<i32>} : memref<16x128xf32, #tpu.memory_space<vmem>>, vector<16xf32>,
        %get3A_2323 = arith.constant 11 : i32
        %get3A_2324 = arith.index_cast %get3A_2323 : i32 to index
        %get3A_2325 = arith.constant 80 : index
        %get3A_2326 = tpu.vector_load %arg12[%get3A_2324, %get3A_2325] {strides = array<i32>} : memref<16x128xf32, #tpu.memory_space<vmem>>, vector<16xf32>,
        %mul3A_2327 = arith.mulf %get3A_2326, %gather3A_2277 : vector<16xf32>
        %swap3A_2328 = arith.constant 11 : i32
        %swap3A_2329 = arith.index_cast %swap3A_2328 : i32 to index
        %swap3A_2330 = arith.constant 80 : index
        %swap3A_2331 = tpu.vector_load %arg12[%swap3A_2329, %swap3A_2330] {strides = array<i32>} : memref<16x128xf32, #tpu.memory_space<vmem>>, vector<16xf32>,
        tpu.vector_store %arg12[%swap3A_2329, %swap3A_2330], %mul3A_2327 {strides = array<i32>} : memref<16x128xf32, #tpu.memory_space<vmem>>, vector<16xf32>,
        %get3A_2332 = arith.constant 11 : i32
        %get3A_2333 = arith.index_cast %get3A_2332 : i32 to index
        %get3A_2334 = arith.constant 96 : index
        %get3A_2335 = tpu.vector_load %arg12[%get3A_2333, %get3A_2334] {strides = array<i32>} : memref<16x128xf32, #tpu.memory_space<vmem>>, vector<16xf32>,
        %mul3A_2336 = arith.mulf %get3A_2335, %gather3A_2277 : vector<16xf32>
        %swap3A_2337 = arith.constant 11 : i32
        %swap3A_2338 = arith.index_cast %swap3A_2337 : i32 to index
        %swap3A_2339 = arith.constant 96 : index
        %swap3A_2340 = tpu.vector_load %arg12[%swap3A_2338, %swap3A_2339] {strides = array<i32>} : memref<16x128xf32, #tpu.memory_space<vmem>>, vector<16xf32>,
        tpu.vector_store %arg12[%swap3A_2338, %swap3A_2339], %mul3A_2336 {strides = array<i32>} : memref<16x128xf32, #tpu.memory_space<vmem>>, vector<16xf32>,
        %get3A_2341 = arith.constant 11 : i32
        %get3A_2342 = arith.index_cast %get3A_2341 : i32 to index
        %get3A_2343 = arith.constant 112 : index
        %get3A_2344 = tpu.vector_load %arg12[%get3A_2342, %get3A_2343] {strides = array<i32>} : memref<16x128xf32, #tpu.memory_space<vmem>>, vector<16xf32>,
        %mul3A_2345 = arith.mulf %get3A_2344, %gather3A_2277 : vector<16xf32>
        %swap3A_2346 = arith.constant 11 : i32
        %swap3A_2347 = arith.index_cast %swap3A_2346 : i32 to index
        %swap3A_2348 = arith.constant 112 : index
        %swap3A_2349 = tpu.vector_load %arg12[%swap3A_2347, %swap3A_2348] {strides = array<i32>} : memref<16x128xf32, #tpu.memory_space<vmem>>, vector<16xf32>,
        tpu.vector_store %arg12[%swap3A_2347, %swap3A_2348], %mul3A_2345 {strides = array<i32>} : memref<16x128xf32, #tpu.memory_space<vmem>>, vector<16xf32>,
        %add3A_2350 = arith.constant 12 : i32
        %add3A_2351 = vector.broadcast %add3A_2350 : i32 to vector<16xi32>
        %add3A_2352 = arith.addi %mul3A_1381, %add3A_2351 : vector<16xi32>
        %reshape3A_2353 = vector.shape_cast %add3A_2352 : vector<16xi32> to vector<16x1xi32>
        %gather3A_2354 = vector.shape_cast %reshape3A_2353 : vector<16x1xi32> to vector<16xi32>
        %gather3A_2355 = tpu.dynamic_gather %get3A_1413[%gather3A_2354] in [0] : vector<16xf32>, vector<16xi32> -> vector<16xf32>
        %get3A_2356 = arith.constant 12 : i32
        %get3A_2357 = arith.index_cast %get3A_2356 : i32 to index
        %get3A_2358 = arith.constant 0 : index
        %get3A_2359 = tpu.vector_load %arg12[%get3A_2357, %get3A_2358] {strides = array<i32>} : memref<16x128xf32, #tpu.memory_space<vmem>>, vector<16xf32>,
        %mul3A_2360 = arith.mulf %get3A_2359, %gather3A_2355 : vector<16xf32>
        %swap3A_2361 = arith.constant 12 : i32
        %swap3A_2362 = arith.index_cast %swap3A_2361 : i32 to index
        %swap3A_2363 = arith.constant 0 : index
        %swap3A_2364 = tpu.vector_load %arg12[%swap3A_2362, %swap3A_2363] {strides = array<i32>} : memref<16x128xf32, #tpu.memory_space<vmem>>, vector<16xf32>,
        tpu.vector_store %arg12[%swap3A_2362, %swap3A_2363], %mul3A_2360 {strides = array<i32>} : memref<16x128xf32, #tpu.memory_space<vmem>>, vector<16xf32>,
        %get3A_2365 = arith.constant 12 : i32
        %get3A_2366 = arith.index_cast %get3A_2365 : i32 to index
        %get3A_2367 = arith.constant 16 : index
        %get3A_2368 = tpu.vector_load %arg12[%get3A_2366, %get3A_2367] {strides = array<i32>} : memref<16x128xf32, #tpu.memory_space<vmem>>, vector<16xf32>,
        %mul3A_2369 = arith.mulf %get3A_2368, %gather3A_2355 : vector<16xf32>
        %swap3A_2370 = arith.constant 12 : i32
        %swap3A_2371 = arith.index_cast %swap3A_2370 : i32 to index
        %swap3A_2372 = arith.constant 16 : index
        %swap3A_2373 = tpu.vector_load %arg12[%swap3A_2371, %swap3A_2372] {strides = array<i32>} : memref<16x128xf32, #tpu.memory_space<vmem>>, vector<16xf32>,
        tpu.vector_store %arg12[%swap3A_2371, %swap3A_2372], %mul3A_2369 {strides = array<i32>} : memref<16x128xf32, #tpu.memory_space<vmem>>, vector<16xf32>,
        %get3A_2374 = arith.constant 12 : i32
        %get3A_2375 = arith.index_cast %get3A_2374 : i32 to index
        %get3A_2376 = arith.constant 32 : index
        %get3A_2377 = tpu.vector_load %arg12[%get3A_2375, %get3A_2376] {strides = array<i32>} : memref<16x128xf32, #tpu.memory_space<vmem>>, vector<16xf32>,
        %mul3A_2378 = arith.mulf %get3A_2377, %gather3A_2355 : vector<16xf32>
        %swap3A_2379 = arith.constant 12 : i32
        %swap3A_2380 = arith.index_cast %swap3A_2379 : i32 to index
        %swap3A_2381 = arith.constant 32 : index
        %swap3A_2382 = tpu.vector_load %arg12[%swap3A_2380, %swap3A_2381] {strides = array<i32>} : memref<16x128xf32, #tpu.memory_space<vmem>>, vector<16xf32>,
        tpu.vector_store %arg12[%swap3A_2380, %swap3A_2381], %mul3A_2378 {strides = array<i32>} : memref<16x128xf32, #tpu.memory_space<vmem>>, vector<16xf32>,
        %get3A_2383 = arith.constant 12 : i32
        %get3A_2384 = arith.index_cast %get3A_2383 : i32 to index
        %get3A_2385 = arith.constant 48 : index
        %get3A_2386 = tpu.vector_load %arg12[%get3A_2384, %get3A_2385] {strides = array<i32>} : memref<16x128xf32, #tpu.memory_space<vmem>>, vector<16xf32>,
        %mul3A_2387 = arith.mulf %get3A_2386, %gather3A_2355 : vector<16xf32>
        %swap3A_2388 = arith.constant 12 : i32
        %swap3A_2389 = arith.index_cast %swap3A_2388 : i32 to index
        %swap3A_2390 = arith.constant 48 : index
        %swap3A_2391 = tpu.vector_load %arg12[%swap3A_2389, %swap3A_2390] {strides = array<i32>} : memref<16x128xf32, #tpu.memory_space<vmem>>, vector<16xf32>,
        tpu.vector_store %arg12[%swap3A_2389, %swap3A_2390], %mul3A_2387 {strides = array<i32>} : memref<16x128xf32, #tpu.memory_space<vmem>>, vector<16xf32>,
        %get3A_2392 = arith.constant 12 : i32
        %get3A_2393 = arith.index_cast %get3A_2392 : i32 to index
        %get3A_2394 = arith.constant 64 : index
        %get3A_2395 = tpu.vector_load %arg12[%get3A_2393, %get3A_2394] {strides = array<i32>} : memref<16x128xf32, #tpu.memory_space<vmem>>, vector<16xf32>,
        %mul3A_2396 = arith.mulf %get3A_2395, %gather3A_2355 : vector<16xf32>
        %swap3A_2397 = arith.constant 12 : i32
        %swap3A_2398 = arith.index_cast %swap3A_2397 : i32 to index
        %swap3A_2399 = arith.constant 64 : index
        %swap3A_2400 = tpu.vector_load %arg12[%swap3A_2398, %swap3A_2399] {strides = array<i32>} : memref<16x128xf32, #tpu.memory_space<vmem>>, vector<16xf32>,
        tpu.vector_store %arg12[%swap3A_2398, %swap3A_2399], %mul3A_2396 {strides = array<i32>} : memref<16x128xf32, #tpu.memory_space<vmem>>, vector<16xf32>,
        %get3A_2401 = arith.constant 12 : i32
        %get3A_2402 = arith.index_cast %get3A_2401 : i32 to index
        %get3A_2403 = arith.constant 80 : index
        %get3A_2404 = tpu.vector_load %arg12[%get3A_2402, %get3A_2403] {strides = array<i32>} : memref<16x128xf32, #tpu.memory_space<vmem>>, vector<16xf32>,
        %mul3A_2405 = arith.mulf %get3A_2404, %gather3A_2355 : vector<16xf32>
        %swap3A_2406 = arith.constant 12 : i32
        %swap3A_2407 = arith.index_cast %swap3A_2406 : i32 to index
        %swap3A_2408 = arith.constant 80 : index
        %swap3A_2409 = tpu.vector_load %arg12[%swap3A_2407, %swap3A_2408] {strides = array<i32>} : memref<16x128xf32, #tpu.memory_space<vmem>>, vector<16xf32>,
        tpu.vector_store %arg12[%swap3A_2407, %swap3A_2408], %mul3A_2405 {strides = array<i32>} : memref<16x128xf32, #tpu.memory_space<vmem>>, vector<16xf32>,
        %get3A_2410 = arith.constant 12 : i32
        %get3A_2411 = arith.index_cast %get3A_2410 : i32 to index
        %get3A_2412 = arith.constant 96 : index
        %get3A_2413 = tpu.vector_load %arg12[%get3A_2411, %get3A_2412] {strides = array<i32>} : memref<16x128xf32, #tpu.memory_space<vmem>>, vector<16xf32>,
        %mul3A_2414 = arith.mulf %get3A_2413, %gather3A_2355 : vector<16xf32>
        %swap3A_2415 = arith.constant 12 : i32
        %swap3A_2416 = arith.index_cast %swap3A_2415 : i32 to index
        %swap3A_2417 = arith.constant 96 : index
        %swap3A_2418 = tpu.vector_load %arg12[%swap3A_2416, %swap3A_2417] {strides = array<i32>} : memref<16x128xf32, #tpu.memory_space<vmem>>, vector<16xf32>,
        tpu.vector_store %arg12[%swap3A_2416, %swap3A_2417], %mul3A_2414 {strides = array<i32>} : memref<16x128xf32, #tpu.memory_space<vmem>>, vector<16xf32>,
        %get3A_2419 = arith.constant 12 : i32
        %get3A_2420 = arith.index_cast %get3A_2419 : i32 to index
        %get3A_2421 = arith.constant 112 : index
        %get3A_2422 = tpu.vector_load %arg12[%get3A_2420, %get3A_2421] {strides = array<i32>} : memref<16x128xf32, #tpu.memory_space<vmem>>, vector<16xf32>,
        %mul3A_2423 = arith.mulf %get3A_2422, %gather3A_2355 : vector<16xf32>
        %swap3A_2424 = arith.constant 12 : i32
        %swap3A_2425 = arith.index_cast %swap3A_2424 : i32 to index
        %swap3A_2426 = arith.constant 112 : index
        %swap3A_2427 = tpu.vector_load %arg12[%swap3A_2425, %swap3A_2426] {strides = array<i32>} : memref<16x128xf32, #tpu.memory_space<vmem>>, vector<16xf32>,
        tpu.vector_store %arg12[%swap3A_2425, %swap3A_2426], %mul3A_2423 {strides = array<i32>} : memref<16x128xf32, #tpu.memory_space<vmem>>, vector<16xf32>,
        %add3A_2428 = arith.constant 13 : i32
        %add3A_2429 = vector.broadcast %add3A_2428 : i32 to vector<16xi32>
        %add3A_2430 = arith.addi %mul3A_1381, %add3A_2429 : vector<16xi32>
        %reshape3A_2431 = vector.shape_cast %add3A_2430 : vector<16xi32> to vector<16x1xi32>
        %gather3A_2432 = vector.shape_cast %reshape3A_2431 : vector<16x1xi32> to vector<16xi32>
        %gather3A_2433 = tpu.dynamic_gather %get3A_1413[%gather3A_2432] in [0] : vector<16xf32>, vector<16xi32> -> vector<16xf32>
        %get3A_2434 = arith.constant 13 : i32
        %get3A_2435 = arith.index_cast %get3A_2434 : i32 to index
        %get3A_2436 = arith.constant 0 : index
        %get3A_2437 = tpu.vector_load %arg12[%get3A_2435, %get3A_2436] {strides = array<i32>} : memref<16x128xf32, #tpu.memory_space<vmem>>, vector<16xf32>,
        %mul3A_2438 = arith.mulf %get3A_2437, %gather3A_2433 : vector<16xf32>
        %swap3A_2439 = arith.constant 13 : i32
        %swap3A_2440 = arith.index_cast %swap3A_2439 : i32 to index
        %swap3A_2441 = arith.constant 0 : index
        %swap3A_2442 = tpu.vector_load %arg12[%swap3A_2440, %swap3A_2441] {strides = array<i32>} : memref<16x128xf32, #tpu.memory_space<vmem>>, vector<16xf32>,
        tpu.vector_store %arg12[%swap3A_2440, %swap3A_2441], %mul3A_2438 {strides = array<i32>} : memref<16x128xf32, #tpu.memory_space<vmem>>, vector<16xf32>,
        %get3A_2443 = arith.constant 13 : i32
        %get3A_2444 = arith.index_cast %get3A_2443 : i32 to index
        %get3A_2445 = arith.constant 16 : index
        %get3A_2446 = tpu.vector_load %arg12[%get3A_2444, %get3A_2445] {strides = array<i32>} : memref<16x128xf32, #tpu.memory_space<vmem>>, vector<16xf32>,
        %mul3A_2447 = arith.mulf %get3A_2446, %gather3A_2433 : vector<16xf32>
        %swap3A_2448 = arith.constant 13 : i32
        %swap3A_2449 = arith.index_cast %swap3A_2448 : i32 to index
        %swap3A_2450 = arith.constant 16 : index
        %swap3A_2451 = tpu.vector_load %arg12[%swap3A_2449, %swap3A_2450] {strides = array<i32>} : memref<16x128xf32, #tpu.memory_space<vmem>>, vector<16xf32>,
        tpu.vector_store %arg12[%swap3A_2449, %swap3A_2450], %mul3A_2447 {strides = array<i32>} : memref<16x128xf32, #tpu.memory_space<vmem>>, vector<16xf32>,
        %get3A_2452 = arith.constant 13 : i32
        %get3A_2453 = arith.index_cast %get3A_2452 : i32 to index
        %get3A_2454 = arith.constant 32 : index
        %get3A_2455 = tpu.vector_load %arg12[%get3A_2453, %get3A_2454] {strides = array<i32>} : memref<16x128xf32, #tpu.memory_space<vmem>>, vector<16xf32>,
        %mul3A_2456 = arith.mulf %get3A_2455, %gather3A_2433 : vector<16xf32>
        %swap3A_2457 = arith.constant 13 : i32
        %swap3A_2458 = arith.index_cast %swap3A_2457 : i32 to index
        %swap3A_2459 = arith.constant 32 : index
        %swap3A_2460 = tpu.vector_load %arg12[%swap3A_2458, %swap3A_2459] {strides = array<i32>} : memref<16x128xf32, #tpu.memory_space<vmem>>, vector<16xf32>,
        tpu.vector_store %arg12[%swap3A_2458, %swap3A_2459], %mul3A_2456 {strides = array<i32>} : memref<16x128xf32, #tpu.memory_space<vmem>>, vector<16xf32>,
        %get3A_2461 = arith.constant 13 : i32
        %get3A_2462 = arith.index_cast %get3A_2461 : i32 to index
        %get3A_2463 = arith.constant 48 : index
        %get3A_2464 = tpu.vector_load %arg12[%get3A_2462, %get3A_2463] {strides = array<i32>} : memref<16x128xf32, #tpu.memory_space<vmem>>, vector<16xf32>,
        %mul3A_2465 = arith.mulf %get3A_2464, %gather3A_2433 : vector<16xf32>
        %swap3A_2466 = arith.constant 13 : i32
        %swap3A_2467 = arith.index_cast %swap3A_2466 : i32 to index
        %swap3A_2468 = arith.constant 48 : index
        %swap3A_2469 = tpu.vector_load %arg12[%swap3A_2467, %swap3A_2468] {strides = array<i32>} : memref<16x128xf32, #tpu.memory_space<vmem>>, vector<16xf32>,
        tpu.vector_store %arg12[%swap3A_2467, %swap3A_2468], %mul3A_2465 {strides = array<i32>} : memref<16x128xf32, #tpu.memory_space<vmem>>, vector<16xf32>,
        %get3A_2470 = arith.constant 13 : i32
        %get3A_2471 = arith.index_cast %get3A_2470 : i32 to index
        %get3A_2472 = arith.constant 64 : index
        %get3A_2473 = tpu.vector_load %arg12[%get3A_2471, %get3A_2472] {strides = array<i32>} : memref<16x128xf32, #tpu.memory_space<vmem>>, vector<16xf32>,
        %mul3A_2474 = arith.mulf %get3A_2473, %gather3A_2433 : vector<16xf32>
        %swap3A_2475 = arith.constant 13 : i32
        %swap3A_2476 = arith.index_cast %swap3A_2475 : i32 to index
        %swap3A_2477 = arith.constant 64 : index
        %swap3A_2478 = tpu.vector_load %arg12[%swap3A_2476, %swap3A_2477] {strides = array<i32>} : memref<16x128xf32, #tpu.memory_space<vmem>>, vector<16xf32>,
        tpu.vector_store %arg12[%swap3A_2476, %swap3A_2477], %mul3A_2474 {strides = array<i32>} : memref<16x128xf32, #tpu.memory_space<vmem>>, vector<16xf32>,
        %get3A_2479 = arith.constant 13 : i32
        %get3A_2480 = arith.index_cast %get3A_2479 : i32 to index
        %get3A_2481 = arith.constant 80 : index
        %get3A_2482 = tpu.vector_load %arg12[%get3A_2480, %get3A_2481] {strides = array<i32>} : memref<16x128xf32, #tpu.memory_space<vmem>>, vector<16xf32>,
        %mul3A_2483 = arith.mulf %get3A_2482, %gather3A_2433 : vector<16xf32>
        %swap3A_2484 = arith.constant 13 : i32
        %swap3A_2485 = arith.index_cast %swap3A_2484 : i32 to index
        %swap3A_2486 = arith.constant 80 : index
        %swap3A_2487 = tpu.vector_load %arg12[%swap3A_2485, %swap3A_2486] {strides = array<i32>} : memref<16x128xf32, #tpu.memory_space<vmem>>, vector<16xf32>,
        tpu.vector_store %arg12[%swap3A_2485, %swap3A_2486], %mul3A_2483 {strides = array<i32>} : memref<16x128xf32, #tpu.memory_space<vmem>>, vector<16xf32>,
        %get3A_2488 = arith.constant 13 : i32
        %get3A_2489 = arith.index_cast %get3A_2488 : i32 to index
        %get3A_2490 = arith.constant 96 : index
        %get3A_2491 = tpu.vector_load %arg12[%get3A_2489, %get3A_2490] {strides = array<i32>} : memref<16x128xf32, #tpu.memory_space<vmem>>, vector<16xf32>,
        %mul3A_2492 = arith.mulf %get3A_2491, %gather3A_2433 : vector<16xf32>
        %swap3A_2493 = arith.constant 13 : i32
        %swap3A_2494 = arith.index_cast %swap3A_2493 : i32 to index
        %swap3A_2495 = arith.constant 96 : index
        %swap3A_2496 = tpu.vector_load %arg12[%swap3A_2494, %swap3A_2495] {strides = array<i32>} : memref<16x128xf32, #tpu.memory_space<vmem>>, vector<16xf32>,
        tpu.vector_store %arg12[%swap3A_2494, %swap3A_2495], %mul3A_2492 {strides = array<i32>} : memref<16x128xf32, #tpu.memory_space<vmem>>, vector<16xf32>,
        %get3A_2497 = arith.constant 13 : i32
        %get3A_2498 = arith.index_cast %get3A_2497 : i32 to index
        %get3A_2499 = arith.constant 112 : index
        %get3A_2500 = tpu.vector_load %arg12[%get3A_2498, %get3A_2499] {strides = array<i32>} : memref<16x128xf32, #tpu.memory_space<vmem>>, vector<16xf32>,
        %mul3A_2501 = arith.mulf %get3A_2500, %gather3A_2433 : vector<16xf32>
        %swap3A_2502 = arith.constant 13 : i32
        %swap3A_2503 = arith.index_cast %swap3A_2502 : i32 to index
        %swap3A_2504 = arith.constant 112 : index
        %swap3A_2505 = tpu.vector_load %arg12[%swap3A_2503, %swap3A_2504] {strides = array<i32>} : memref<16x128xf32, #tpu.memory_space<vmem>>, vector<16xf32>,
        tpu.vector_store %arg12[%swap3A_2503, %swap3A_2504], %mul3A_2501 {strides = array<i32>} : memref<16x128xf32, #tpu.memory_space<vmem>>, vector<16xf32>,
        %add3A_2506 = arith.constant 14 : i32
        %add3A_2507 = vector.broadcast %add3A_2506 : i32 to vector<16xi32>
        %add3A_2508 = arith.addi %mul3A_1381, %add3A_2507 : vector<16xi32>
        %reshape3A_2509 = vector.shape_cast %add3A_2508 : vector<16xi32> to vector<16x1xi32>
        %gather3A_2510 = vector.shape_cast %reshape3A_2509 : vector<16x1xi32> to vector<16xi32>
        %gather3A_2511 = tpu.dynamic_gather %get3A_1413[%gather3A_2510] in [0] : vector<16xf32>, vector<16xi32> -> vector<16xf32>
        %get3A_2512 = arith.constant 14 : i32
        %get3A_2513 = arith.index_cast %get3A_2512 : i32 to index
        %get3A_2514 = arith.constant 0 : index
        %get3A_2515 = tpu.vector_load %arg12[%get3A_2513, %get3A_2514] {strides = array<i32>} : memref<16x128xf32, #tpu.memory_space<vmem>>, vector<16xf32>,
        %mul3A_2516 = arith.mulf %get3A_2515, %gather3A_2511 : vector<16xf32>
        %swap3A_2517 = arith.constant 14 : i32
        %swap3A_2518 = arith.index_cast %swap3A_2517 : i32 to index
        %swap3A_2519 = arith.constant 0 : index
        %swap3A_2520 = tpu.vector_load %arg12[%swap3A_2518, %swap3A_2519] {strides = array<i32>} : memref<16x128xf32, #tpu.memory_space<vmem>>, vector<16xf32>,
        tpu.vector_store %arg12[%swap3A_2518, %swap3A_2519], %mul3A_2516 {strides = array<i32>} : memref<16x128xf32, #tpu.memory_space<vmem>>, vector<16xf32>,
        %get3A_2521 = arith.constant 14 : i32
        %get3A_2522 = arith.index_cast %get3A_2521 : i32 to index
        %get3A_2523 = arith.constant 16 : index
        %get3A_2524 = tpu.vector_load %arg12[%get3A_2522, %get3A_2523] {strides = array<i32>} : memref<16x128xf32, #tpu.memory_space<vmem>>, vector<16xf32>,
        %mul3A_2525 = arith.mulf %get3A_2524, %gather3A_2511 : vector<16xf32>
        %swap3A_2526 = arith.constant 14 : i32
        %swap3A_2527 = arith.index_cast %swap3A_2526 : i32 to index
        %swap3A_2528 = arith.constant 16 : index
        %swap3A_2529 = tpu.vector_load %arg12[%swap3A_2527, %swap3A_2528] {strides = array<i32>} : memref<16x128xf32, #tpu.memory_space<vmem>>, vector<16xf32>,
        tpu.vector_store %arg12[%swap3A_2527, %swap3A_2528], %mul3A_2525 {strides = array<i32>} : memref<16x128xf32, #tpu.memory_space<vmem>>, vector<16xf32>,
        %get3A_2530 = arith.constant 14 : i32
        %get3A_2531 = arith.index_cast %get3A_2530 : i32 to index
        %get3A_2532 = arith.constant 32 : index
        %get3A_2533 = tpu.vector_load %arg12[%get3A_2531, %get3A_2532] {strides = array<i32>} : memref<16x128xf32, #tpu.memory_space<vmem>>, vector<16xf32>,
        %mul3A_2534 = arith.mulf %get3A_2533, %gather3A_2511 : vector<16xf32>
        %swap3A_2535 = arith.constant 14 : i32
        %swap3A_2536 = arith.index_cast %swap3A_2535 : i32 to index
        %swap3A_2537 = arith.constant 32 : index
        %swap3A_2538 = tpu.vector_load %arg12[%swap3A_2536, %swap3A_2537] {strides = array<i32>} : memref<16x128xf32, #tpu.memory_space<vmem>>, vector<16xf32>,
        tpu.vector_store %arg12[%swap3A_2536, %swap3A_2537], %mul3A_2534 {strides = array<i32>} : memref<16x128xf32, #tpu.memory_space<vmem>>, vector<16xf32>,
        %get3A_2539 = arith.constant 14 : i32
        %get3A_2540 = arith.index_cast %get3A_2539 : i32 to index
        %get3A_2541 = arith.constant 48 : index
        %get3A_2542 = tpu.vector_load %arg12[%get3A_2540, %get3A_2541] {strides = array<i32>} : memref<16x128xf32, #tpu.memory_space<vmem>>, vector<16xf32>,
        %mul3A_2543 = arith.mulf %get3A_2542, %gather3A_2511 : vector<16xf32>
        %swap3A_2544 = arith.constant 14 : i32
        %swap3A_2545 = arith.index_cast %swap3A_2544 : i32 to index
        %swap3A_2546 = arith.constant 48 : index
        %swap3A_2547 = tpu.vector_load %arg12[%swap3A_2545, %swap3A_2546] {strides = array<i32>} : memref<16x128xf32, #tpu.memory_space<vmem>>, vector<16xf32>,
        tpu.vector_store %arg12[%swap3A_2545, %swap3A_2546], %mul3A_2543 {strides = array<i32>} : memref<16x128xf32, #tpu.memory_space<vmem>>, vector<16xf32>,
        %get3A_2548 = arith.constant 14 : i32
        %get3A_2549 = arith.index_cast %get3A_2548 : i32 to index
        %get3A_2550 = arith.constant 64 : index
        %get3A_2551 = tpu.vector_load %arg12[%get3A_2549, %get3A_2550] {strides = array<i32>} : memref<16x128xf32, #tpu.memory_space<vmem>>, vector<16xf32>,
        %mul3A_2552 = arith.mulf %get3A_2551, %gather3A_2511 : vector<16xf32>
        %swap3A_2553 = arith.constant 14 : i32
        %swap3A_2554 = arith.index_cast %swap3A_2553 : i32 to index
        %swap3A_2555 = arith.constant 64 : index
        %swap3A_2556 = tpu.vector_load %arg12[%swap3A_2554, %swap3A_2555] {strides = array<i32>} : memref<16x128xf32, #tpu.memory_space<vmem>>, vector<16xf32>,
        tpu.vector_store %arg12[%swap3A_2554, %swap3A_2555], %mul3A_2552 {strides = array<i32>} : memref<16x128xf32, #tpu.memory_space<vmem>>, vector<16xf32>,
        %get3A_2557 = arith.constant 14 : i32
        %get3A_2558 = arith.index_cast %get3A_2557 : i32 to index
        %get3A_2559 = arith.constant 80 : index
        %get3A_2560 = tpu.vector_load %arg12[%get3A_2558, %get3A_2559] {strides = array<i32>} : memref<16x128xf32, #tpu.memory_space<vmem>>, vector<16xf32>,
        %mul3A_2561 = arith.mulf %get3A_2560, %gather3A_2511 : vector<16xf32>
        %swap3A_2562 = arith.constant 14 : i32
        %swap3A_2563 = arith.index_cast %swap3A_2562 : i32 to index
        %swap3A_2564 = arith.constant 80 : index
        %swap3A_2565 = tpu.vector_load %arg12[%swap3A_2563, %swap3A_2564] {strides = array<i32>} : memref<16x128xf32, #tpu.memory_space<vmem>>, vector<16xf32>,
        tpu.vector_store %arg12[%swap3A_2563, %swap3A_2564], %mul3A_2561 {strides = array<i32>} : memref<16x128xf32, #tpu.memory_space<vmem>>, vector<16xf32>,
        %get3A_2566 = arith.constant 14 : i32
        %get3A_2567 = arith.index_cast %get3A_2566 : i32 to index
        %get3A_2568 = arith.constant 96 : index
        %get3A_2569 = tpu.vector_load %arg12[%get3A_2567, %get3A_2568] {strides = array<i32>} : memref<16x128xf32, #tpu.memory_space<vmem>>, vector<16xf32>,
        %mul3A_2570 = arith.mulf %get3A_2569, %gather3A_2511 : vector<16xf32>
        %swap3A_2571 = arith.constant 14 : i32
        %swap3A_2572 = arith.index_cast %swap3A_2571 : i32 to index
        %swap3A_2573 = arith.constant 96 : index
        %swap3A_2574 = tpu.vector_load %arg12[%swap3A_2572, %swap3A_2573] {strides = array<i32>} : memref<16x128xf32, #tpu.memory_space<vmem>>, vector<16xf32>,
        tpu.vector_store %arg12[%swap3A_2572, %swap3A_2573], %mul3A_2570 {strides = array<i32>} : memref<16x128xf32, #tpu.memory_space<vmem>>, vector<16xf32>,
        %get3A_2575 = arith.constant 14 : i32
        %get3A_2576 = arith.index_cast %get3A_2575 : i32 to index
        %get3A_2577 = arith.constant 112 : index
        %get3A_2578 = tpu.vector_load %arg12[%get3A_2576, %get3A_2577] {strides = array<i32>} : memref<16x128xf32, #tpu.memory_space<vmem>>, vector<16xf32>,
        %mul3A_2579 = arith.mulf %get3A_2578, %gather3A_2511 : vector<16xf32>
        %swap3A_2580 = arith.constant 14 : i32
        %swap3A_2581 = arith.index_cast %swap3A_2580 : i32 to index
        %swap3A_2582 = arith.constant 112 : index
        %swap3A_2583 = tpu.vector_load %arg12[%swap3A_2581, %swap3A_2582] {strides = array<i32>} : memref<16x128xf32, #tpu.memory_space<vmem>>, vector<16xf32>,
        tpu.vector_store %arg12[%swap3A_2581, %swap3A_2582], %mul3A_2579 {strides = array<i32>} : memref<16x128xf32, #tpu.memory_space<vmem>>, vector<16xf32>,
        %add3A_2584 = arith.constant 15 : i32
        %add3A_2585 = vector.broadcast %add3A_2584 : i32 to vector<16xi32>
        %add3A_2586 = arith.addi %mul3A_1381, %add3A_2585 : vector<16xi32>
        %reshape3A_2587 = vector.shape_cast %add3A_2586 : vector<16xi32> to vector<16x1xi32>
        %gather3A_2588 = vector.shape_cast %reshape3A_2587 : vector<16x1xi32> to vector<16xi32>
        %gather3A_2589 = tpu.dynamic_gather %get3A_1413[%gather3A_2588] in [0] : vector<16xf32>, vector<16xi32> -> vector<16xf32>
        %get3A_2590 = arith.constant 15 : i32
        %get3A_2591 = arith.index_cast %get3A_2590 : i32 to index
        %get3A_2592 = arith.constant 0 : index
        %get3A_2593 = tpu.vector_load %arg12[%get3A_2591, %get3A_2592] {strides = array<i32>} : memref<16x128xf32, #tpu.memory_space<vmem>>, vector<16xf32>,
        %mul3A_2594 = arith.mulf %get3A_2593, %gather3A_2589 : vector<16xf32>
        %swap3A_2595 = arith.constant 15 : i32
        %swap3A_2596 = arith.index_cast %swap3A_2595 : i32 to index
        %swap3A_2597 = arith.constant 0 : index
        %swap3A_2598 = tpu.vector_load %arg12[%swap3A_2596, %swap3A_2597] {strides = array<i32>} : memref<16x128xf32, #tpu.memory_space<vmem>>, vector<16xf32>,
        tpu.vector_store %arg12[%swap3A_2596, %swap3A_2597], %mul3A_2594 {strides = array<i32>} : memref<16x128xf32, #tpu.memory_space<vmem>>, vector<16xf32>,
        %get3A_2599 = arith.constant 15 : i32
        %get3A_2600 = arith.index_cast %get3A_2599 : i32 to index
        %get3A_2601 = arith.constant 16 : index
        %get3A_2602 = tpu.vector_load %arg12[%get3A_2600, %get3A_2601] {strides = array<i32>} : memref<16x128xf32, #tpu.memory_space<vmem>>, vector<16xf32>,
        %mul3A_2603 = arith.mulf %get3A_2602, %gather3A_2589 : vector<16xf32>
        %swap3A_2604 = arith.constant 15 : i32
        %swap3A_2605 = arith.index_cast %swap3A_2604 : i32 to index
        %swap3A_2606 = arith.constant 16 : index
        %swap3A_2607 = tpu.vector_load %arg12[%swap3A_2605, %swap3A_2606] {strides = array<i32>} : memref<16x128xf32, #tpu.memory_space<vmem>>, vector<16xf32>,
        tpu.vector_store %arg12[%swap3A_2605, %swap3A_2606], %mul3A_2603 {strides = array<i32>} : memref<16x128xf32, #tpu.memory_space<vmem>>, vector<16xf32>,
        %get3A_2608 = arith.constant 15 : i32
        %get3A_2609 = arith.index_cast %get3A_2608 : i32 to index
        %get3A_2610 = arith.constant 32 : index
        %get3A_2611 = tpu.vector_load %arg12[%get3A_2609, %get3A_2610] {strides = array<i32>} : memref<16x128xf32, #tpu.memory_space<vmem>>, vector<16xf32>,
        %mul3A_2612 = arith.mulf %get3A_2611, %gather3A_2589 : vector<16xf32>
        %swap3A_2613 = arith.constant 15 : i32
        %swap3A_2614 = arith.index_cast %swap3A_2613 : i32 to index
        %swap3A_2615 = arith.constant 32 : index
        %swap3A_2616 = tpu.vector_load %arg12[%swap3A_2614, %swap3A_2615] {strides = array<i32>} : memref<16x128xf32, #tpu.memory_space<vmem>>, vector<16xf32>,
        tpu.vector_store %arg12[%swap3A_2614, %swap3A_2615], %mul3A_2612 {strides = array<i32>} : memref<16x128xf32, #tpu.memory_space<vmem>>, vector<16xf32>,
        %get3A_2617 = arith.constant 15 : i32
        %get3A_2618 = arith.index_cast %get3A_2617 : i32 to index
        %get3A_2619 = arith.constant 48 : index
        %get3A_2620 = tpu.vector_load %arg12[%get3A_2618, %get3A_2619] {strides = array<i32>} : memref<16x128xf32, #tpu.memory_space<vmem>>, vector<16xf32>,
        %mul3A_2621 = arith.mulf %get3A_2620, %gather3A_2589 : vector<16xf32>
        %swap3A_2622 = arith.constant 15 : i32
        %swap3A_2623 = arith.index_cast %swap3A_2622 : i32 to index
        %swap3A_2624 = arith.constant 48 : index
        %swap3A_2625 = tpu.vector_load %arg12[%swap3A_2623, %swap3A_2624] {strides = array<i32>} : memref<16x128xf32, #tpu.memory_space<vmem>>, vector<16xf32>,
        tpu.vector_store %arg12[%swap3A_2623, %swap3A_2624], %mul3A_2621 {strides = array<i32>} : memref<16x128xf32, #tpu.memory_space<vmem>>, vector<16xf32>,
        %get3A_2626 = arith.constant 15 : i32
        %get3A_2627 = arith.index_cast %get3A_2626 : i32 to index
        %get3A_2628 = arith.constant 64 : index
        %get3A_2629 = tpu.vector_load %arg12[%get3A_2627, %get3A_2628] {strides = array<i32>} : memref<16x128xf32, #tpu.memory_space<vmem>>, vector<16xf32>,
        %mul3A_2630 = arith.mulf %get3A_2629, %gather3A_2589 : vector<16xf32>
        %swap3A_2631 = arith.constant 15 : i32
        %swap3A_2632 = arith.index_cast %swap3A_2631 : i32 to index
        %swap3A_2633 = arith.constant 64 : index
        %swap3A_2634 = tpu.vector_load %arg12[%swap3A_2632, %swap3A_2633] {strides = array<i32>} : memref<16x128xf32, #tpu.memory_space<vmem>>, vector<16xf32>,
        tpu.vector_store %arg12[%swap3A_2632, %swap3A_2633], %mul3A_2630 {strides = array<i32>} : memref<16x128xf32, #tpu.memory_space<vmem>>, vector<16xf32>,
        %get3A_2635 = arith.constant 15 : i32
        %get3A_2636 = arith.index_cast %get3A_2635 : i32 to index
        %get3A_2637 = arith.constant 80 : index
        %get3A_2638 = tpu.vector_load %arg12[%get3A_2636, %get3A_2637] {strides = array<i32>} : memref<16x128xf32, #tpu.memory_space<vmem>>, vector<16xf32>,
        %mul3A_2639 = arith.mulf %get3A_2638, %gather3A_2589 : vector<16xf32>
        %swap3A_2640 = arith.constant 15 : i32
        %swap3A_2641 = arith.index_cast %swap3A_2640 : i32 to index
        %swap3A_2642 = arith.constant 80 : index
        %swap3A_2643 = tpu.vector_load %arg12[%swap3A_2641, %swap3A_2642] {strides = array<i32>} : memref<16x128xf32, #tpu.memory_space<vmem>>, vector<16xf32>,
        tpu.vector_store %arg12[%swap3A_2641, %swap3A_2642], %mul3A_2639 {strides = array<i32>} : memref<16x128xf32, #tpu.memory_space<vmem>>, vector<16xf32>,
        %get3A_2644 = arith.constant 15 : i32
        %get3A_2645 = arith.index_cast %get3A_2644 : i32 to index
        %get3A_2646 = arith.constant 96 : index
        %get3A_2647 = tpu.vector_load %arg12[%get3A_2645, %get3A_2646] {strides = array<i32>} : memref<16x128xf32, #tpu.memory_space<vmem>>, vector<16xf32>,
        %mul3A_2648 = arith.mulf %get3A_2647, %gather3A_2589 : vector<16xf32>
        %swap3A_2649 = arith.constant 15 : i32
        %swap3A_2650 = arith.index_cast %swap3A_2649 : i32 to index
        %swap3A_2651 = arith.constant 96 : index
        %swap3A_2652 = tpu.vector_load %arg12[%swap3A_2650, %swap3A_2651] {strides = array<i32>} : memref<16x128xf32, #tpu.memory_space<vmem>>, vector<16xf32>,
        tpu.vector_store %arg12[%swap3A_2650, %swap3A_2651], %mul3A_2648 {strides = array<i32>} : memref<16x128xf32, #tpu.memory_space<vmem>>, vector<16xf32>,
        %get3A_2653 = arith.constant 15 : i32
        %get3A_2654 = arith.index_cast %get3A_2653 : i32 to index
        %get3A_2655 = arith.constant 112 : index
        %get3A_2656 = tpu.vector_load %arg12[%get3A_2654, %get3A_2655] {strides = array<i32>} : memref<16x128xf32, #tpu.memory_space<vmem>>, vector<16xf32>,
        %mul3A_2657 = arith.mulf %get3A_2656, %gather3A_2589 : vector<16xf32>
        %swap3A_2658 = arith.constant 15 : i32
        %swap3A_2659 = arith.index_cast %swap3A_2658 : i32 to index
        %swap3A_2660 = arith.constant 112 : index
        %swap3A_2661 = tpu.vector_load %arg12[%swap3A_2659, %swap3A_2660] {strides = array<i32>} : memref<16x128xf32, #tpu.memory_space<vmem>>, vector<16xf32>,
        tpu.vector_store %arg12[%swap3A_2659, %swap3A_2660], %mul3A_2657 {strides = array<i32>} : memref<16x128xf32, #tpu.memory_space<vmem>>, vector<16xf32>,
        "tpu.region"() ({
          %run_scoped3A = tpu.sem_alloc : memref<!tpu.dma_semaphore, #tpu.memory_space<semaphore_mem>>
          %dma_start3A_2663 = arith.constant 0 : i32
          %dma_start3A_2664 = arith.constant 0 : i32
          %dma_start3A_2665 = tpu.memref_slice %arg15[%dma_start3A_2663, %dma_start3A_2664] : memref<10240x128xf32, #tpu.memory_space<vmem_shared>> -> memref<10240x128xf32, #tpu.memory_space<vmem_shared>>
          tpu.enqueue_indirect_dma source(%arg12 : memref<16x128xf32, #tpu.memory_space<vmem>>) target(%dma_start3A_2665 : memref<10240x128xf32, #tpu.memory_space<vmem_shared>>) offsets(%get3A_1378 : vector<16xi32>) semaphore(%run_scoped3A : memref<!tpu.dma_semaphore, #tpu.memory_space<semaphore_mem>>) {add = true}
          %dma_wait3A_2666 = arith.constant 0 : i32
          %dma_wait3A_2667 = arith.constant 0 : i32
          %dma_wait3A_2668 = tpu.memref_slice %arg15[%dma_wait3A_2666, %dma_wait3A_2667] : memref<10240x128xf32, #tpu.memory_space<vmem_shared>> -> memref<10240x128xf32, #tpu.memory_space<vmem_shared>>
          tpu.wait_indirect_dma semaphore(%run_scoped3A : memref<!tpu.dma_semaphore, #tpu.memory_space<semaphore_mem>>) src(%arg12 : memref<16x128xf32, #tpu.memory_space<vmem>>) dst(%dma_wait3A_2668 : memref<10240x128xf32, #tpu.memory_space<vmem_shared>>)
          tpu.yield
        }) : () -> ()
        %scan3A_2662 = arith.constant 0 : i32
        scf.yield %scan3A_2662 : i32
      }
      %scan3A_76 = arith.constant 81 : i32
      %scan3A_77 = arith.constant 0 : i32
      scf.yield %scan3A_77 : i32
    }
    %scan3A_48 = arith.constant 4 : i32
    %barrier3A_49 = arith.constant 0 : index
    tpu.barrier barrier_id(%barrier3A_49)
    %mul3A_50 = arith.constant 640 : i32
    %mul3A_51 = arith.muli %arg1, %mul3A_50 : i32
    %mul3A_52 = arith.constant 640 : i32
    %mul3A_53 = arith.muli %arg1, %mul3A_52 : i32
    "tpu.region"() ({
      %run_scoped3A = tpu.sem_alloc : memref<!tpu.dma_semaphore, #tpu.memory_space<semaphore_mem>>
      %dma_start3A = arith.constant 0 : i32
      %dma_start3A_54 = tpu.memref_slice %arg7[%arg0, %mul3A_53, %dma_start3A] : memref<2x10240x128xf32, #tpu.memory_space<hbm>> -> memref<1x640x128xf32, #tpu.memory_space<hbm>>
      %dma_start3A_55 = tpu.memref_squeeze %dma_start3A_54 : memref<1x640x128xf32, #tpu.memory_space<hbm>> -> memref<640x128xf32, #tpu.memory_space<hbm>>
      %dma_start3A_56 = arith.constant 0 : i32
      %dma_start3A_57 = tpu.memref_slice %arg15[%mul3A_51, %dma_start3A_56] : memref<10240x128xf32, #tpu.memory_space<vmem_shared>> -> memref<640x128xf32, #tpu.memory_space<vmem_shared>>
      tpu.enqueue_dma source(%dma_start3A_57 : memref<640x128xf32, #tpu.memory_space<vmem_shared>>) target(%dma_start3A_55 : memref<640x128xf32, #tpu.memory_space<hbm>>) target_semaphore(%run_scoped3A : memref<!tpu.dma_semaphore, #tpu.memory_space<semaphore_mem>>)
      %dma_wait3A = arith.constant 0 : i32
      %dma_wait3A_58 = tpu.memref_slice %arg7[%arg0, %mul3A_53, %dma_wait3A] : memref<2x10240x128xf32, #tpu.memory_space<hbm>> -> memref<1x640x128xf32, #tpu.memory_space<hbm>>
      %dma_wait3A_59 = tpu.memref_squeeze %dma_wait3A_58 : memref<1x640x128xf32, #tpu.memory_space<hbm>> -> memref<640x128xf32, #tpu.memory_space<hbm>>
      %dma_wait3A_60 = arith.constant 0 : i32
      %dma_wait3A_61 = tpu.memref_slice %arg15[%mul3A_51, %dma_wait3A_60] : memref<10240x128xf32, #tpu.memory_space<vmem_shared>> -> memref<640x128xf32, #tpu.memory_space<vmem_shared>>
      tpu.wait_dma2 semaphore(%run_scoped3A : memref<!tpu.dma_semaphore, #tpu.memory_space<semaphore_mem>>) src(%dma_wait3A_61 : memref<640x128xf32, #tpu.memory_space<vmem_shared>>) dst(%dma_wait3A_59 : memref<640x128xf32, #tpu.memory_space<hbm>>)
      tpu.yield
    }) : () -> ()
    return
  }
}

module attributes {stable_mosaic.version = 14 : i64} {
  func.func @_proj_body(%arg0: i32, %arg1: memref<1024x128xf32, #tpu.memory_space<vmem>>, %arg2: memref<128x128xf32, #tpu.memory_space<vmem>>, %arg3: memref<1x128xf32, #tpu.memory_space<vmem>>, %arg4: memref<1x128xf32, #tpu.memory_space<vmem>>, %arg5: memref<1024x128xf32, #tpu.memory_space<vmem>>, %arg6: memref<1024x1xf32, #tpu.memory_space<vmem>>, %arg7: memref<1024x1xf32, #tpu.memory_space<vmem>>) attributes {dimension_semantics = [#tpu.dimension_semantics<arbitrary>], iteration_bounds = array<i64: 10>, scalar_prefetch = 0 : i64, scratch_operands = 0 : i64, tpu.core_type = #tpu.core_type<tc>, window_params = [{transform_indices = @transform_0, window_bounds = array<i64: 1024, 128>}, {pipeline_mode = #tpu.pipeline_mode<synchronous>, transform_indices = @transform_1, window_bounds = array<i64: 128, 128>}, {pipeline_mode = #tpu.pipeline_mode<synchronous>, transform_indices = @transform_2, window_bounds = array<i64: 1, 128>}, {pipeline_mode = #tpu.pipeline_mode<synchronous>, transform_indices = @transform_3, window_bounds = array<i64: 1, 128>}, {transform_indices = @transform_4, window_bounds = array<i64: 1024, 128>}, {transform_indices = @transform_5, window_bounds = array<i64: 1024, 1>}, {transform_indices = @transform_6, window_bounds = array<i64: 1024, 1>}]} {
    %get3A = arith.constant 0 : index
    %get3A_0 = arith.constant 0 : index
    %get3A_1 = vector.load %arg1[%get3A, %get3A_0] : memref<1024x128xf32, #tpu.memory_space<vmem>>, vector<1024x128xf32>
    %get3A_2 = arith.constant 0 : index
    %get3A_3 = arith.constant 0 : index
    %get3A_4 = vector.load %arg2[%get3A_2, %get3A_3] : memref<128x128xf32, #tpu.memory_space<vmem>>, vector<128x128xf32>
    %dot_general3A = arith.constant dense<0.000000e+00> : vector<1024x128xf32>
    %dot_general3A_5 = tpu.matmul %get3A_1, %get3A_4, %dot_general3A {dimension_numbers = #tpu.dot_dimension_numbers<[1], [0], [0], [1], [0, 0, 1, 1], [], []>, transpose_lhs_hint = false} : vector<1024x128xf32>, vector<128x128xf32>, vector<1024x128xf32> -> vector<1024x128xf32>
    %swap3A = arith.constant 0 : index
    %swap3A_6 = arith.constant 0 : index
    %swap3A_7 = vector.load %arg5[%swap3A, %swap3A_6] : memref<1024x128xf32, #tpu.memory_space<vmem>>, vector<1024x128xf32>
    tpu.vector_store %arg5[%swap3A, %swap3A_6], %dot_general3A_5 {strides = array<i32>} : memref<1024x128xf32, #tpu.memory_space<vmem>>, vector<1024x128xf32>,
    %get3A_8 = arith.constant 0 : index
    %get3A_9 = arith.constant 0 : index
    %get3A_10 = vector.load %arg3[%get3A_8, %get3A_9] : memref<1x128xf32, #tpu.memory_space<vmem>>, vector<1x128xf32>
    %mul3A = vector.broadcast %get3A_10 : vector<1x128xf32> to vector<1024x128xf32>
    %mul3A_11 = arith.mulf %dot_general3A_5, %mul3A : vector<1024x128xf32>
    %reduce_sum3A = arith.constant dense<0.000000e+00> : vector<1024xf32>
    %reduce_sum3A_12 = vector.multi_reduction <add>, %mul3A_11, %reduce_sum3A [1] : vector<1024x128xf32> to vector<1024xf32>
    %broadcast_in_dim3A = vector.shape_cast %reduce_sum3A_12 : vector<1024xf32> to vector<1024x1xf32>
    %swap3A_13 = arith.constant 0 : index
    %swap3A_14 = arith.constant 0 : index
    %swap3A_15 = vector.load %arg6[%swap3A_13, %swap3A_14] : memref<1024x1xf32, #tpu.memory_space<vmem>>, vector<1024x1xf32>
    tpu.vector_store %arg6[%swap3A_13, %swap3A_14], %broadcast_in_dim3A {strides = array<i32>} : memref<1024x1xf32, #tpu.memory_space<vmem>>, vector<1024x1xf32>,
    %get3A_16 = arith.constant 0 : index
    %get3A_17 = arith.constant 0 : index
    %get3A_18 = vector.load %arg4[%get3A_16, %get3A_17] : memref<1x128xf32, #tpu.memory_space<vmem>>, vector<1x128xf32>
    %mul3A_19 = vector.broadcast %get3A_18 : vector<1x128xf32> to vector<1024x128xf32>
    %mul3A_20 = arith.mulf %dot_general3A_5, %mul3A_19 : vector<1024x128xf32>
    %reduce_sum3A_21 = arith.constant dense<0.000000e+00> : vector<1024xf32>
    %reduce_sum3A_22 = vector.multi_reduction <add>, %mul3A_20, %reduce_sum3A_21 [1] : vector<1024x128xf32> to vector<1024xf32>
    %broadcast_in_dim3A_23 = vector.shape_cast %reduce_sum3A_22 : vector<1024xf32> to vector<1024x1xf32>
    %swap3A_24 = arith.constant 0 : index
    %swap3A_25 = arith.constant 0 : index
    %swap3A_26 = vector.load %arg7[%swap3A_24, %swap3A_25] : memref<1024x1xf32, #tpu.memory_space<vmem>>, vector<1024x1xf32>
    tpu.vector_store %arg7[%swap3A_24, %swap3A_25], %broadcast_in_dim3A_23 {strides = array<i32>} : memref<1024x1xf32, #tpu.memory_space<vmem>>, vector<1024x1xf32>,
    return
  }
  func.func @transform_0(%arg0: i32) -> (i32, i32) {
    %c0_i32 = arith.constant 0 : i32
    %c0_i32_0 = arith.constant 0 : i32
    return %arg0, %c0_i32 : i32, i32
  }
  func.func @transform_1(%arg0: i32) -> (i32, i32) {
    %c0_i32 = arith.constant 0 : i32
    %c0_i32_0 = arith.constant 0 : i32
    %c0_i32_1 = arith.constant 0 : i32
    return %c0_i32, %c0_i32_0 : i32, i32
  }
  func.func @transform_2(%arg0: i32) -> (i32, i32) {
    %c0_i32 = arith.constant 0 : i32
    %c0_i32_0 = arith.constant 0 : i32
    %c0_i32_1 = arith.constant 0 : i32
    return %c0_i32, %c0_i32_0 : i32, i32
  }
  func.func @transform_3(%arg0: i32) -> (i32, i32) {
    %c0_i32 = arith.constant 0 : i32
    %c0_i32_0 = arith.constant 0 : i32
    %c0_i32_1 = arith.constant 0 : i32
    return %c0_i32, %c0_i32_0 : i32, i32
  }
  func.func @transform_4(%arg0: i32) -> (i32, i32) {
    %c0_i32 = arith.constant 0 : i32
    %c0_i32_0 = arith.constant 0 : i32
    return %arg0, %c0_i32 : i32, i32
  }
  func.func @transform_5(%arg0: i32) -> (i32, i32) {
    %c0_i32 = arith.constant 0 : i32
    %c0_i32_0 = arith.constant 0 : i32
    return %arg0, %c0_i32 : i32, i32
  }
  func.func @transform_6(%arg0: i32) -> (i32, i32) {
    %c0_i32 = arith.constant 0 : i32
    %c0_i32_0 = arith.constant 0 : i32
    return %arg0, %c0_i32 : i32, i32
  }
}

module attributes {stable_mosaic.version = 14 : i64} {
  func.func @_invd_body(%arg0: memref<2x80x128xf32, #tpu.memory_space<vmem>>, %arg1: memref<80x128xf32, #tpu.memory_space<vmem>>) attributes {dimension_semantics = [], scalar_prefetch = 0 : i64, scratch_operands = 0 : i64, tpu.core_type = #tpu.core_type<tc>} {
    %get3A = arith.constant 0 : index
    %get3A_0 = arith.constant 0 : index
    %get3A_1 = arith.constant 0 : index
    %get3A_2 = vector.load %arg0[%get3A, %get3A_0, %get3A_1] : memref<2x80x128xf32, #tpu.memory_space<vmem>>, vector<1x80x128xf32>
    %get3A_3 = vector.shape_cast %get3A_2 : vector<1x80x128xf32> to vector<80x128xf32>
    %get3A_4 = arith.constant 1 : index
    %get3A_5 = arith.constant 0 : index
    %get3A_6 = arith.constant 0 : index
    %get3A_7 = vector.load %arg0[%get3A_4, %get3A_5, %get3A_6] : memref<2x80x128xf32, #tpu.memory_space<vmem>>, vector<1x80x128xf32>
    %get3A_8 = vector.shape_cast %get3A_7 : vector<1x80x128xf32> to vector<80x128xf32>
    %add3A = arith.addf %get3A_3, %get3A_8 : vector<80x128xf32>
    %add3A_9 = arith.constant 1.000000e-16 : f32
    %add3A_10 = vector.broadcast %add3A_9 : f32 to vector<80x128xf32>
    %add3A_11 = arith.addf %add3A, %add3A_10 : vector<80x128xf32>
    %div3A = arith.constant 1.000000e+00 : f32
    %div3A_12 = vector.broadcast %div3A : f32 to vector<80x128xf32>
    %div3A_13 = arith.divf %div3A_12, %add3A_11 : vector<80x128xf32>
    %swap3A = arith.constant 0 : index
    %swap3A_14 = arith.constant 0 : index
    %swap3A_15 = vector.load %arg1[%swap3A, %swap3A_14] : memref<80x128xf32, #tpu.memory_space<vmem>>, vector<80x128xf32>
    tpu.vector_store %arg1[%swap3A, %swap3A_14], %div3A_13 {strides = array<i32>} : memref<80x128xf32, #tpu.memory_space<vmem>>, vector<80x128xf32>,
    return
  }
}

module attributes {stable_mosaic.version = 14 : i64} {
  func.func @_combine_body(%arg0: i32, %arg1: memref<1000x128xf32, #tpu.memory_space<vmem>>, %arg2: memref<1000x128xf32, #tpu.memory_space<vmem>>, %arg3: memref<1x128xf32, #tpu.memory_space<vmem>>, %arg4: memref<1000x128xf32, #tpu.memory_space<vmem>>) attributes {dimension_semantics = [#tpu.dimension_semantics<arbitrary>], iteration_bounds = array<i64: 10>, scalar_prefetch = 0 : i64, scratch_operands = 0 : i64, tpu.core_type = #tpu.core_type<tc>, window_params = [{transform_indices = @transform_0, window_bounds = array<i64: 1000, 128>}, {transform_indices = @transform_1, window_bounds = array<i64: 1000, 128>}, {pipeline_mode = #tpu.pipeline_mode<synchronous>, transform_indices = @transform_2, window_bounds = array<i64: 1, 128>}, {transform_indices = @transform_3, window_bounds = array<i64: 1000, 128>}]} {
    %get3A = arith.constant 0 : index
    %get3A_0 = arith.constant 0 : index
    %get3A_1 = vector.load %arg1[%get3A, %get3A_0] : memref<1000x128xf32, #tpu.memory_space<vmem>>, vector<1000x128xf32>
    %get3A_2 = arith.constant 0 : index
    %get3A_3 = arith.constant 0 : index
    %get3A_4 = vector.load %arg2[%get3A_2, %get3A_3] : memref<1000x128xf32, #tpu.memory_space<vmem>>, vector<1000x128xf32>
    %add3A = arith.addf %get3A_1, %get3A_4 : vector<1000x128xf32>
    %get3A_5 = arith.constant 0 : index
    %get3A_6 = arith.constant 0 : index
    %get3A_7 = vector.load %arg3[%get3A_5, %get3A_6] : memref<1x128xf32, #tpu.memory_space<vmem>>, vector<1x128xf32>
    %add3A_8 = vector.broadcast %get3A_7 : vector<1x128xf32> to vector<1000x128xf32>
    %add3A_9 = arith.addf %add3A, %add3A_8 : vector<1000x128xf32>
    %max3A = arith.constant 0.000000e+00 : f32
    %max3A_10 = vector.broadcast %max3A : f32 to vector<1000x128xf32>
    %max3A_11 = arith.maximumf %add3A_9, %max3A_10 : vector<1000x128xf32>
    %swap3A = arith.constant 0 : index
    %swap3A_12 = arith.constant 0 : index
    %swap3A_13 = vector.load %arg4[%swap3A, %swap3A_12] : memref<1000x128xf32, #tpu.memory_space<vmem>>, vector<1000x128xf32>
    tpu.vector_store %arg4[%swap3A, %swap3A_12], %max3A_11 {strides = array<i32>} : memref<1000x128xf32, #tpu.memory_space<vmem>>, vector<1000x128xf32>,
    return
  }
  func.func @transform_0(%arg0: i32) -> (i32, i32) {
    %c0_i32 = arith.constant 0 : i32
    %c0_i32_0 = arith.constant 0 : i32
    return %arg0, %c0_i32 : i32, i32
  }
  func.func @transform_1(%arg0: i32) -> (i32, i32) {
    %c0_i32 = arith.constant 0 : i32
    %c0_i32_0 = arith.constant 0 : i32
    return %arg0, %c0_i32 : i32, i32
  }
  func.func @transform_2(%arg0: i32) -> (i32, i32) {
    %c0_i32 = arith.constant 0 : i32
    %c0_i32_0 = arith.constant 0 : i32
    %c0_i32_1 = arith.constant 0 : i32
    return %c0_i32, %c0_i32_0 : i32, i32
  }
  func.func @transform_3(%arg0: i32) -> (i32, i32) {
    %c0_i32 = arith.constant 0 : i32
    %c0_i32_0 = arith.constant 0 : i32
    return %arg0, %c0_i32 : i32, i32
  }
}

</mosaic_0001>

<sc_bundles>
// kernel: kernel.10.cloned.1.call-start
scs
__scs_entry_jumppad:
0x0: {  	(pc) =	sbr.rel $0x88, $3  }
0x1: {  	(tag) =	ssettag $0x0;
	lr =	simm.s32 $0x1  }
0x2: {  	[smem:$0x3F9B] =	sst lr;
	_ =	strace $0xD0000000  }
0x3: {  	_ = 	snop  }
0x4: {  	_ = 	snop  }
0x5: {  	_ = 	snop  }
0x6: {  	_ = 	snop  }
0x7: {  	_ = 	snop  }
__scs_overlays_trampoline_lowered:
0x8: {  	[smem:$0x3FAA] =	sst s0  }
0x9: {  	[smem:$0x3FAB] =	sst s1  }
0xa: {  	[smem:$0x3FAC] =	sst s2  }
0xb: {  	[smem:$0x3FAD] =	sst s3  }
0xc: {  	[smem:$0x3FAE] =	sst s4  }
0xd: {  	[smem:$0x3FAF] =	sst s5  }
0xe: {  	[smem:$0x3FB0] =	sst s6  }
0xf: {  	[smem:$0x3FB1] =	sst s7  }
0x10: {  	[smem:$0x3FB2] =	sst s8  }
0x11: {  	[smem:$0x3FB3] =	sst s9;
	s0 =	simm.s32 @!p0 $0x0  }
0x12: {  	s1 =	sld [smem:$0x3F99];
	s0 =	simm.s32 @p0 $0x1  }
0x13: {  	[smem:$0x3FB4] =	sst s0;
	s0 =	simm.s32 @!p1 $0x0  }
0x14: {  	s2 =	sld [smem:$0x3F98];
	s0 =	simm.s32 @p1 $0x1  }
0x15: {  	[smem:$0x3FB5] =	sst s0;
	s0 =	simm.s32 @!p2 $0x0  }
0x16: {  	s3 =	sld [smem:$0x3FDB];
	s0 =	simm.s32 @p2 $0x1  }
0x17: {  	s4 =	simm.s32 $0x1BF5;
	[smem:$0x3FB7] =	sst s0  }
0x18: {  	s0 =	sld [smem:$0x3F9A];
	_ =	swait.ge [sflag:s4], $0x0  }
0x19: {  	s7 =	sld [smem:$0x3F9B]  }
0x1a: {  	s8 =	sadd.s32 $0xFFFFE003, lr  }
0x1b: {  	s9 =	sadd.s32 $0xFFFFFEF7, lr;
	s5 =	simm.s32 $0xFFFFFFFF;
	p2 =	slt.u32 s8, $0xFFFFF086  }
0x1c: {  	p1 =	slt.u32 s9, $0xF7A;
	s5 =	simm.s32 @!p2 $0x0  }
0x1d: {  	s5 =	simm.s32 @p1 $0x1;
	p0 =	seq.s32 s7, s2  }
0x1e: {  	s7 =	smul.u32 @!p0 $0xF7A, s2;
	p2 =	seq.s32 @!p0 s5, $0x0  }
0x1f: {  	s9 =	smul.u32 $0xF7A, s1;
	s8 =	simm.s32 @!p0 $0x1BF5;
	p2 =	por !p2, p0  }
0x20: {  	[sflag:s8] =	ssyncset.s32 @!p0 $0xFFFFF086;
	s6 =	sadd.s32 @!p0 s3, s7;
	s7 =	simm.s32 @!p0 $0x108  }
0x21: {  	s3 =	sadd.s32 s3, s9;
	s6 =	sadd.s32 @!p0 $0x88, s6;
	s7 =	simm.s32 @p2 $0x1082  }
0x22: {  	[simem:s7], [sflag:s8] =	dma.local @!p0 [hbm:s6], $0xF7A  }
0x23: {  	s9 =	sor.u32 $0xD0000000, s2;
	s6 =	simm.s32 $0x108;
	_ =	swait.ge @!p0 [sflag:s8], $0x0  }
0x24: {  	s3 =	sadd.s32 $0x88, s3;
	s6 =	simm.s32 @!p1 $0x1082;
	[sflag:s4] =	ssyncset.s32 $0xFFFFF086  }
0x25: {  	[simem:s6], [sflag:s4] =	dma.local [hbm:s3], $0xF7A  }
0x26: {  	[smem:$0x3F9B] =	sst s1;
	(tag) =	ssettag s2;
	_ =	strace s9  }
0x27: {  	s1 =	sld [smem:$0x3FAB]  }
0x28: {  	s2 =	sld [smem:$0x3FAC]  }
0x29: {  	s4 =	sld [smem:$0x3FAE]  }
0x2a: {  	p0 =	seq.s32 s5, $0x0;
	s5 =	sld [smem:$0x3FAF]  }
0x2b: {  	s6 =	sld [smem:$0x3FB0]  }
0x2c: {  	s7 =	sld [smem:$0x3FB1]  }
0x2d: {  	s3 =	simm.s32 $0x108;
	s8 =	sld [smem:$0x3FB2]  }
0x2e: {  	s3 =	simm.s32 @!p0 $0x1082;
	s9 =	sld [smem:$0x3FB3]  }
0x2f: {  	lr =	sadd.s32 s0, s3;
	s0 =	sld [smem:$0x3FAA]  }
0x30: {  	s3 =	sld [smem:$0x3FAD]  }
0x31: {  	[smem:$0x3FB6] =	sst s10  }
0x32: {  	s10 =	sld [smem:$0x3FB4];
	_ =	sdelay $0x3  }
0x33: {  	p0 =	seq.s32 s10, $0x1;
	s10 =	sld [smem:$0x3FB6];
	_ =	sdelay $0x3  }
0x34: {  	[smem:$0x3FB6] =	sst s10  }
0x35: {  	s10 =	sld [smem:$0x3FB5];
	_ =	sdelay $0x3  }
0x36: {  	p1 =	seq.s32 s10, $0x1;
	s10 =	sld [smem:$0x3FB6];
	_ =	sdelay $0x3  }
0x37: {  	[smem:$0x3FB6] =	sst s10  }
0x38: {  	s10 =	sld [smem:$0x3FB7]  }
0x39: {  	_ = 	snop;
	(pc) =	sbr.ind lr, $3  }
0x3a: {  	_ = 	snop  }
0x3b: {  	_ = 	snop  }
0x3c: {  	p2 =	seq.s32 s10, $0x1;
	s10 =	sld [smem:$0x3FB6]  }
0x3d: {  	_ =	shalt  }
0x3e: {  	_ =	shalt  }
0x3f: {  	_ =	shalt  }
0x40: {  	_ =	shalt  }
0x41: {  	_ =	shalt  }
0x42: {  	_ =	shalt  }
0x43: {  	_ =	shalt  }
0x44: {  	_ =	shalt  }
0x45: {  	_ =	shalt  }
0x46: {  	_ =	shalt  }
0x47: {  	_ =	shalt  }
0x48: {  	_ =	shalt  }
0x49: {  	_ =	shalt  }
0x4a: {  	_ =	shalt  }
0x4b: {  	_ =	shalt  }
0x4c: {  	_ =	shalt  }
0x4d: {  	_ =	shalt  }
0x4e: {  	_ =	shalt  }
0x4f: {  	_ =	shalt  }
0x50: {  	_ =	shalt  }
0x51: {  	_ =	shalt  }
0x52: {  	_ =	shalt  }
0x53: {  	_ =	shalt  }
0x54: {  	_ =	shalt  }
0x55: {  	_ =	shalt  }
0x56: {  	_ =	shalt  }
0x57: {  	_ =	shalt  }
0x58: {  	_ =	shalt  }
0x59: {  	_ =	shalt  }
0x5a: {  	_ =	shalt  }
0x5b: {  	_ =	shalt  }
0x5c: {  	_ =	shalt  }
0x5d: {  	_ =	shalt  }
0x5e: {  	_ =	shalt  }
0x5f: {  	_ =	shalt  }
0x60: {  	_ =	shalt  }
0x61: {  	_ =	shalt  }
0x62: {  	_ =	shalt  }
0x63: {  	_ =	shalt  }
0x64: {  	_ =	shalt  }
0x65: {  	_ =	shalt  }
0x66: {  	_ =	shalt  }
0x67: {  	_ =	shalt  }
0x68: {  	_ =	shalt  }
0x69: {  	_ =	shalt  }
0x6a: {  	_ =	shalt  }
0x6b: {  	_ =	shalt  }
0x6c: {  	_ =	shalt  }
0x6d: {  	_ =	shalt  }
0x6e: {  	_ =	shalt  }
0x6f: {  	_ =	shalt  }
0x70: {  	_ =	shalt  }
0x71: {  	_ =	shalt  }
0x72: {  	_ =	shalt  }
0x73: {  	_ =	shalt  }
0x74: {  	_ =	shalt  }
0x75: {  	_ =	shalt  }
0x76: {  	_ =	shalt  }
0x77: {  	_ =	shalt  }
0x78: {  	_ =	shalt  }
0x79: {  	_ =	shalt  }
0x7a: {  	_ =	shalt  }
0x7b: {  	_ =	shalt  }
0x7c: {  	_ =	shalt  }
0x7d: {  	_ =	shalt  }
0x7e: {  	_ =	shalt  }
0x7f: {  	_ =	shalt  }
0x80: {  	_ =	shalt  }
0x81: {  	_ =	shalt  }
0x82: {  	_ =	shalt  }
0x83: {  	_ =	shalt  }
0x84: {  	_ =	shalt  }
0x85: {  	_ =	shalt  }
0x86: {  	_ =	shalt  }
0x87: {  	_ =	shalt  }
.Lfunc_end0:
.L_simem_size_0:
called_computation.1_lowered:
.L_overlay_start_0:
0x88: {  	s2 =	sld [smem:$0x3FD9]  }
0x89: {  	s3 =	sld [smem:$0x3FFE];
	_ =	sdelay $0x1  }
0x8a: {  	s1 =	srdreg.scid  }
0x8b: {  	s0 =	sand.u32 $0x1, s1  }
0x8c: {  	s17 =	sshll.u32 s0, $0xA;
	s2 =	sadd.s32 s3, s2  }
0x8d: {  	s2 =	sadd.s32 s2, s17  }
0x8e: {  	[smem:$0x3FC2] =	sst s2  }
0x8f: {  	_ = 	snop  }
0x90: {  	s2 =	sld [smem:$0x3FD0];
	(tm) =	ssettm $0x1  }
0x91: {  	s18 =	sld [smem:$0x3FFB];
	_ =	sdelay $0x3  }
0x92: {  	_ =	strace s18  }
0x93: {  	s3 =	sld [smem:$0x3FFC];
	_ =	sdelay $0x3  }
0x94: {  	_ =	strace s3  }
0x95: {  	s3 =	sld [smem:$0x3FFD];
	_ =	sdelay $0x3  }
0x96: {  	_ =	strace s3  }
0x97: {  	_ =	strace $0x8FFFFFFF  }
0x98: {  	s19 =	sld [smem:$0x3FDB];
	_ =	sdelay $0x1  }
0x99: {  	s4 =	simm.s32 $_scs_section_size  }
0x9a: {  	s5 =	simm.s32 $_size__tile_overlayer_lowered;
	s6 =	simm.s32 $_tile_overlayer_lowered  }
0x9b: {  	s22 =	simm.s32 $0x1BFF;
	s21 =	sshll.u32 s6, $0x1;
	s3 =	sadd.s32 s4, s19  }
0x9c: {  	s7 =	simm.s32 $0x0;
	s20 =	sshll.u32 s5, $0x1;
	s5 =	sadd.s32 s21, s3  }
0x9d: {  	[timem:s7], [sflag:s22] =	dma.local [hbm:s5], s20  }
0x9e: {  	_ =	swait.ge [sflag:s22], s20  }
0x9f: {  	s4 =	ssub.s32 $0x0, s20;
	[sflag:s22] =	ssyncset.done $0x0  }
0xa0: {  	[sflag:s22] =	ssyncadd.s32 s4;
	_ =	sdelay $0x1  }
0xa1: {  	s23 =	simm.s32 $0x1B8B  }
0xa2: {  	_ =	swait.ge [sflag:s23], $0x1  }
0xa3: {  	[sflag:s23] =	ssyncset.done $0x0  }
0xa4: {  	s25 =	simm.s32 $0x1B8E;
	s24 =	sld [smem:$0x3FFE];
	[sflag:s23] =	ssyncadd.s32 $0xFFFFFFFF  }
0xa5: {  	s26 =	simm.s32 $execute0_lowered;
	[smem:$0x3FD2] =	sst s25  }
0xa6: {  	s5 =	sshll.u32 s26, $0x1;
	_ =	strace $0x80000049;
	[dreg:$0x1] =	wrdreg $0xFFFFFFFF  }
0xa7: {  	s28 =	simm.s32 $_size_execute0_lowered;
	s3 =	sadd.s32 s3, s5;
	[dreg:$0x0] =	wrdreg $0x0  }
0xa8: {  	s5 =	sshll.u32 s28, $0x1;
	[dreg:$0x2] =	wrdreg s3  }
0xa9: {  	[dreg:$0x3] =	wrdreg s5  }
0xaa: {  	[dreg:$0x4] =	wrdreg $0xC0  }
0xab: {  	_ =	task [dreg:s7], $0x5FFFF  }
0xac: {  	[dreg:$0x1] =	wrdreg $0xFFFFFFFF  }
0xad: {  	[dreg:$0x0] =	wrdreg $0x60  }
0xae: {  	[dreg:$0x2] =	wrdreg s24  }
0xaf: {  	[dreg:$0x3] =	wrdreg s2  }
0xb0: {  	[dreg:$0x4] =	wrdreg $0x50800  }
0xb1: {  	[dreg:$0x5] =	wrdreg $0x9  }
0xb2: {  	_ =	task.clear_ibuf [dreg:s7], $0x6FFFF;
	_ =	strace $0x90000049  }
0xb3: {  	s29 =	simm.s32 $0x9;
	_ =	strace $0x8000004B  }
0xb4: {  	_ =	swait.ge [sflag:s29], $0x1  }
0xb5: {  	[sflag:s29] =	ssyncadd.s32 $0xFFFFFFFF  }
0xb6: {  	_ =	strace $0x9000004B  }
0xb7: {  	_ =	sfence  }
0xb8: {  	s30 =	sld [smem:$0x0];
	_ =	sdelay $0x2  }
0xb9: {  	s31 =	sshll.u32 s1, $0xD;
	s1 =	sshrl.u32 s1, $0x2  }
0xba: {  	s3 =	sand.u32 $0x4000, s31;
	s1 =	sadd.s32 s1, s30  }
0xbb: {  	s0 =	sor.u32 s3, s0;
	s1 =	sshll.u32 s1, $0x11  }
0xbc: {  	s0 =	sor.u32 s1, s0  }
0xbd: {  	s0 =	sadd.s32 $0x8F2B, s0  }
0xbe: {  	[sflag:s0] =	ssyncadd.remote.s32 $0x1  }
0xbf: {  	_ =	sfence.sel $0xFFFF  }
0xc0: {  	[dreg:$0x0] =	wrdreg $0xFFFFFFFF;
	(pc) =	sbr.abs _section_cstart, $3  }
0xc1: {  	[dreg:$0x1] =	wrdreg $0xFFFFFFFF  }
0xc2: {  	_ =	task.clear_ibuf [dreg:s7], $0x2FFFF;
	_ =	strace $0x9FFFFFFF  }
0xc3: {  	(tm) =	ssettm $0x7FFFFFFF  }
tec
execute0_lowered:
.L_overlay_start_1:
0x0: {  	(tag) =	ssettag $0x1  }
0x1: {  	s0 =	rddreg [dreg:$0x0]  }
0x2: {  	s2 =	rddreg [dreg:$0x1];
	s1 =	srdreg.scid  }
0x3: {  	s3 =	rddreg [dreg:$0x2];
	s12 =	stileid.u32  }
0x4: {  	s4 =	simm.s32 $0x0;
	s20 =	simm.s32 $0x1F80;
	s21 =	simm.s32 $0x2  }
0x5: {  	s22 =	simm.s32 $0xA80;
	s23 =	simm.s32 $0x1500;
	s24 =	simm.s32 $0x4780  }
0x6: {  	s25 =	simm.s32 $0x1;
	s26 =	simm.s32 $0x0;
	s1 =	sand.u32 $0x1, s1  }
0x7: {  	s7 =	smul.u32 $0x14000, s12;
	[smem:$0x7FF] =	sst s4;
	s5 =	sadd.s32 $0xC00, s0  }
0x8: {  	s10 =	smul.u32 $0x50000, s12;
	s29 =	sadd.s32 $0x33A00, s0;
	s8 =	sadd.s32 $0x29800, s0  }
0x9: {  	s6 =	smul.u32 $0x140000, s1;
	_ =	strace $0x8000004A;
	[dreg:$0x4] =	wrdreg s29  }
0xa: {  	s11 =	ssub.s32 $0x2, s1;
	s1 =	sshll.u32 s1, $0x4;
	s30 =	sshrl.u32 s10, $0x2  }
0xb: {  	v0 =	vimm.f32 $0.0e+00;
	vm0 =	vmmov $0xffff;
	v1 =	vimm.s32 $0x0;
	s31 =	sshrl.u32 s11, $0x1;
	s1 =	sor.u32 s12, s1;
	s7 =	sadd.s32 s7, s6  }
0xc: {  	v2 =	vimm.s32 $0x1;
	v3 =	vimm.s32 $0x2;
	v4 =	vimm.s32 $0x3;
	s6 =	sadd.s32 $0x34400, s0;
	s19 =	ssub.s32 s11, s31;
	s9 =	sshrl.u32 s7, $0x3  }
0xd: {  	v5 =	vimm.s32 $0x4;
	v6 =	vimm.s32 $0x5;
	v7 =	vimm.s32 $0x6;
	s10 =	smul.u32 $0x2880, s1;
	s0 =	sadd.s32 s9, s0;
	s9 =	sadd.s32 s30, s3  }
0xe: {  	v8 =	vimm.s32 $0x7;
	v9 =	vimm.s32 $0x8;
	v10 =	vimm.s32 $0x9;
	s19 =	smax.u32 s19, $0x1;
	s11 =	sadd.s32 $0x2800, s9;
	s12 =	sadd.s32 $0x5000, s9  }
0xf: {  	v11 =	vimm.s32 $0xA;
	v12 =	vimm.s32 $0xB;
	v13 =	vimm.s32 $0xC;
	s13 =	sadd.s32 $0x7800, s9;
	s14 =	sadd.s32 $0xA000, s9;
	s15 =	sadd.s32 $0xC800, s9  }
0x10: {  	v14 =	vimm.s32 $0xD;
	v15 =	vimm.s32 $0xE;
	v16 =	vimm.s32 $0xF;
	s16 =	sadd.s32 $0xF000, s9;
	s17 =	sadd.s32 $0x11800, s9;
	s18 =	sadd.s32 $0x3E600, s0  }
.LBB2_1:
0x11: {  	s0 =	sand.u32 $0xFE00, s4  }
0x12: {  	s1 =	sand.u32 $0x70, s4;
	s28 =	sshrl.u32 s0, $0x2  }
0x13: {  	s0 =	simm.s32 $0x40;
	s28 =	sor.u32 s1, s28;
	s1 =	simm.s32 $0x0  }
.LBB2_2:
0x14: {  	p0 =	sne.s32 s0, $0x9FC0  }
0x15: {  	[tilespmem:s28+$0x1F80] =	vst v0;
	s1 =	sadd.s32 $0x10, s1;
	s28 =	smov.u32 s0;
	s0 =	sadd.s32 $0x40, s0  }
.Ltmp0:
0x16: {  	(pc) =	sbr.rel @p0 .LBB2_2-.Ltmp0, $4  }
0x17: {  	_ = 	snop  }
0x18: {  	s28 =	sand.u32 $0xFE00, s28  }
0x19: {  	s29 =	sand.u32 $0x70, s1;
	s28 =	sshrl.u32 s28, $0x2  }
0x1a: {  	s28 =	sor.u32 s29, s28  }
0x1b: {  	[tilespmem:s28+$0x1F80] =	vst v0  }
0x1c: {  	[spmem:s9] =	stream.linear.scatter [tilespmem:s20], [sflag:$0x2], $0x2800, $0x38;
	[tilespmem:$0x19080] =	vst v63  }
0x1d: {  	_ =	swait.ge [sflag:s21], $0x2800  }
0x1e: {  	[sflag:s21] =	ssyncset.done $0x0  }
0x1f: {  	[sflag:s21] =	ssyncadd.s32 $0xFFFFD800  }
0x20: {  	[spmem:s11] =	stream.linear.scatter [tilespmem:s20], [sflag:$0x2], $0x2800, $0x38;
	[tilespmem:$0x19080] =	vst v63  }
0x21: {  	_ =	swait.ge [sflag:s21], $0x2800  }
0x22: {  	[sflag:s21] =	ssyncset.done $0x0  }
0x23: {  	[sflag:s21] =	ssyncadd.s32 $0xFFFFD800  }
0x24: {  	[spmem:s12] =	stream.linear.scatter [tilespmem:s20], [sflag:$0x2], $0x2800, $0x38;
	[tilespmem:$0x19080] =	vst v63  }
0x25: {  	_ =	swait.ge [sflag:s21], $0x2800  }
0x26: {  	[sflag:s21] =	ssyncset.done $0x0  }
0x27: {  	[sflag:s21] =	ssyncadd.s32 $0xFFFFD800  }
0x28: {  	[spmem:s13] =	stream.linear.scatter [tilespmem:s20], [sflag:$0x2], $0x2800, $0x38;
	[tilespmem:$0x19080] =	vst v63  }
0x29: {  	_ =	swait.ge [sflag:s21], $0x2800  }
0x2a: {  	[sflag:s21] =	ssyncset.done $0x0  }
0x2b: {  	[sflag:s21] =	ssyncadd.s32 $0xFFFFD800  }
0x2c: {  	[spmem:s14] =	stream.linear.scatter [tilespmem:s20], [sflag:$0x2], $0x2800, $0x38;
	[tilespmem:$0x19080] =	vst v63  }
0x2d: {  	_ =	swait.ge [sflag:s21], $0x2800  }
0x2e: {  	[sflag:s21] =	ssyncset.done $0x0  }
0x2f: {  	[sflag:s21] =	ssyncadd.s32 $0xFFFFD800  }
0x30: {  	[spmem:s15] =	stream.linear.scatter [tilespmem:s20], [sflag:$0x2], $0x2800, $0x38;
	[tilespmem:$0x19080] =	vst v63  }
0x31: {  	_ =	swait.ge [sflag:s21], $0x2800  }
0x32: {  	[sflag:s21] =	ssyncset.done $0x0  }
0x33: {  	[sflag:s21] =	ssyncadd.s32 $0xFFFFD800  }
0x34: {  	[spmem:s16] =	stream.linear.scatter [tilespmem:s20], [sflag:$0x2], $0x2800, $0x38;
	[tilespmem:$0x19080] =	vst v63  }
0x35: {  	_ =	swait.ge [sflag:s21], $0x2800  }
0x36: {  	[sflag:s21] =	ssyncset.done $0x0  }
0x37: {  	[sflag:s21] =	ssyncadd.s32 $0xFFFFD800  }
0x38: {  	[spmem:s17] =	stream.linear.scatter [tilespmem:s20], [sflag:$0x2], $0x2800, $0x38;
	[tilespmem:$0x19080] =	vst v63  }
0x39: {  	_ =	swait.ge [sflag:s21], $0x2800  }
0x3a: {  	[sflag:s21] =	ssyncset.done $0x0  }
0x3b: {  	[sflag:s21] =	ssyncadd.s32 $0xFFFFD800  }
0x3c: {  	[bflag:$0x0] =	sbarrier.arrive $0xFFFF  }
0x3d: {  	s28 =	simm.s32 $0x0;
	s0 =	rddreg [dreg:$0x4]  }
0x3e: {  	[tilespmem:s20], [sflag:$0x2] =	stream.linear.gather [hbm4b:s0+s28], $0x2800, $0x38;
	[tilespmem:$0x19080] =	vst v63  }
0x3f: {  	_ =	swait.ge [sflag:s21], $0x2800  }
0x40: {  	[sflag:s21] =	ssyncset.done $0x0  }
0x41: {  	s29 =	simm.s32 $0x0;
	[sflag:s21] =	ssyncadd.s32 $0xFFFFD800  }
.LBB2_4:
0x42: {  	s0 =	smul.u32 $0xA20, s29;
	_ =	sdelay $0x1  }
0x43: {  	s0 =	sadd.s32 s10, s0  }
0x44: {  	s0 =	sshrl.u32 s0, $0x3  }
0x45: {  	s1 =	sadd.s32 s2, s0  }
0x46: {  	[tilespmem:s28], [sflag:$0x2] =	stream.linear.gather [hbm4b:s1+s28], $0xA20, $0x38;
	[tilespmem:$0x19080] =	vst v63  }
0x47: {  	_ =	swait.ge [sflag:s21], $0xA20  }
0x48: {  	[sflag:s21] =	ssyncset.done $0x0  }
0x49: {  	s7 =	sadd.s32 s8, s0;
	[sflag:s21] =	ssyncadd.s32 $0xFFFFF5E0  }
0x4a: {  	[tilespmem:s22], [sflag:$0x2] =	stream.linear.gather [hbm4b:s7+s28], $0xA20, $0x38;
	[tilespmem:$0x19080] =	vst v63  }
0x4b: {  	_ =	swait.ge [sflag:s21], $0xA20  }
0x4c: {  	[sflag:s21] =	ssyncset.done $0x0  }
0x4d: {  	s0 =	sadd.s32 s6, s0;
	[sflag:s21] =	ssyncadd.s32 $0xFFFFF5E0  }
0x4e: {  	[tilespmem:s23], [sflag:$0x2] =	stream.linear.gather [hbm4b:s0+s28], $0xA20, $0x38;
	[tilespmem:$0x19080] =	vst v63  }
0x4f: {  	_ =	swait.ge [sflag:s21], $0xA20  }
0x50: {  	[sflag:s21] =	ssyncset.done $0x0  }
0x51: {  	[sflag:s21] =	ssyncadd.s32 $0xFFFFF5E0  }
0x52: {  	v17 =	vld [tilespmem:$0xA80];
	_ =	sdelay $0x6  }
0x53: {  	v18 =	vld [tilespmem:$0x1500]  }
0x54: {  	v17 =	vld.idx.msk [tilespmem:v17+s20+$0x0], $0xffff;
	_ =	sdelay $0x4  }
0x55: {  	v17 =	vmul.f32 v17, v18  }
0x56: {  	s30 =	simm.s32 $0x1510  }
0x57: {  	s31 =	simm.s32 $0xA90;
	s1 =	simm.s32 $0x0;
	s0 =	simm.s32 $0x10;
	[tilespmem:$0x4F80] =	vst v17  }
.LBB2_5:
0x58: {  	v18 =	vld [tilespmem:s0+$0xFFFFFFF0];
	_ =	sdelay $0x7  }
0x59: {  	v17 =	vld [tilespmem:s31+$0xFFFFFFF0];
	[tilespmem:s24], [sflag:$0x1] =	stream.indirect_vreg.gather [hbm4b:s5+s4], $0x80, v18, vm0, $0xb8  }
0x5a: {  	_ =	swait.ge [sflag:s25], $0x800  }
0x5b: {  	[sflag:s25] =	ssyncset.done $0x0  }
0x5c: {  	[sflag:s25] =	ssyncadd.s32 $0xFFFFF800  }
0x5d: {  	v19 =	vld [tilespmem:s31+$0x0];
	_ =	sdelay $0x5  }
0x5e: {  	v20 =	vld [tilespmem:s30+$0x0]  }
0x5f: {  	v18 =	vld [tilespmem:$0x4F80]  }
0x60: {  	v19 =	vld.idx.msk [tilespmem:v19+s20+$0x0], $0xffff  }
0x61: {  	v21 =	vld [tilespmem:$0x4780]  }
0x62: {  	v22 =	vld [tilespmem:$0x4790]  }
0x63: {  	v23 =	vld [tilespmem:$0x47A0]  }
0x64: {  	v25 =	vld [tilespmem:$0x47B0];
	v24 =	vperm.xlane v18, v1  }
0x65: {  	v46 =	vld [tilespmem:$0x47E0];
	v19 =	vmul.f32 v19, v20  }
0x66: {  	v26 =	vld [tilespmem:$0x47D0];
	v21 =	vmul.f32 v21, v24  }
0x67: {  	v49 =	vld [tilespmem:$0x4800];
	[tilespmem:$0x5000] =	vst v19;
	v19 =	vmul.f32 v22, v24  }
0x68: {  	v48 =	vld [tilespmem:$0x47F0];
	v47 =	vmul.f32 v23, v24;
	[tilespmem:$0x4780] =	vst v21  }
0x69: {  	v51 =	vld [tilespmem:$0x4820];
	[tilespmem:$0x4790] =	vst v19;
	v19 =	vmul.f32 v25, v24  }
0x6a: {  	v50 =	vld [tilespmem:$0x4810];
	v53 =	vperm.xlane v18, v2;
	v52 =	vmul.f32 v46, v24;
	[tilespmem:$0x47A0] =	vst v47  }
0x6b: {  	v54 =	vld [tilespmem:$0x4840];
	[tilespmem:$0x47B0] =	vst v19;
	v19 =	vmul.f32 v26, v24  }
0x6c: {  	v27 =	vld [tilespmem:$0x4830];
	v55 =	vmul.f32 v49, v53;
	[tilespmem:$0x47E0] =	vst v52  }
0x6d: {  	v45 =	vld [tilespmem:$0x47C0];
	[tilespmem:$0x47D0] =	vst v19;
	v19 =	vmul.f32 v48, v24  }
0x6e: {  	v56 =	vld [tilespmem:$0x4850];
	v57 =	vmul.f32 v51, v53;
	[tilespmem:$0x4800] =	vst v55  }
0x6f: {  	[tilespmem:$0x47F0] =	vst v19;
	v19 =	vmul.f32 v50, v53  }
0x70: {  	v58 =	vmul.f32 v54, v53;
	[tilespmem:$0x4820] =	vst v57  }
0x71: {  	[tilespmem:$0x4810] =	vst v19;
	v19 =	vmul.f32 v27, v53  }
0x72: {  	[tilespmem:$0x4840] =	vst v58;
	v20 =	vmul.f32 v45, v24  }
0x73: {  	[tilespmem:$0x4830] =	vst v19;
	v19 =	vmul.f32 v56, v53  }
0x74: {  	[tilespmem:$0x47C0] =	vst v20  }
0x75: {  	[tilespmem:$0x4850] =	vst v19  }
0x76: {  	v19 =	vld [tilespmem:$0x4860]  }
0x77: {  	v59 =	vld [tilespmem:$0x4870]  }
0x78: {  	v60 =	vld [tilespmem:$0x4880]  }
0x79: {  	v61 =	vld [tilespmem:$0x4890]  }
0x7a: {  	v62 =	vld [tilespmem:$0x48A0]  }
0x7b: {  	v63 =	vperm.xlane v18, v3;
	v30 =	vld [tilespmem:$0x48B0];
	v19 =	vmul.f32 v19, v53  }
0x7c: {  	v31 =	vld [tilespmem:$0x48C0];
	v20 =	vmul.f32 v59, v53  }
0x7d: {  	v32 =	vld [tilespmem:$0x48D0];
	[tilespmem:$0x4860] =	vst v19;
	v19 =	vmul.f32 v60, v63  }
0x7e: {  	v34 =	vld [tilespmem:$0x48E0];
	v33 =	vmul.f32 v61, v63;
	[tilespmem:$0x4870] =	vst v20  }
0x7f: {  	v35 =	vld [tilespmem:$0x48F0];
	[tilespmem:$0x4880] =	vst v19;
	v19 =	vmul.f32 v62, v63  }
0x80: {  	v37 =	vld [tilespmem:$0x4900];
	v36 =	vmul.f32 v30, v63;
	[tilespmem:$0x4890] =	vst v33  }
0x81: {  	v38 =	vld [tilespmem:$0x4910];
	[tilespmem:$0x48A0] =	vst v19;
	v19 =	vmul.f32 v31, v63  }
0x82: {  	v40 =	vld [tilespmem:$0x4920];
	v39 =	vmul.f32 v32, v63;
	[tilespmem:$0x48B0] =	vst v36  }
0x83: {  	v41 =	vperm.xlane v18, v4;
	v42 =	vld [tilespmem:$0x4930];
	[tilespmem:$0x48C0] =	vst v19;
	v19 =	vmul.f32 v34, v63  }
0x84: {  	v44 =	vld [tilespmem:$0x4940];
	v43 =	vmul.f32 v35, v63;
	[tilespmem:$0x48D0] =	vst v39  }
0x85: {  	v45 =	vld [tilespmem:$0x4950];
	[tilespmem:$0x48E0] =	vst v19;
	v19 =	vmul.f32 v37, v41  }
0x86: {  	v47 =	vld [tilespmem:$0x4960];
	v46 =	vmul.f32 v38, v41;
	[tilespmem:$0x48F0] =	vst v43  }
0x87: {  	v48 =	vld [tilespmem:$0x4970];
	[tilespmem:$0x4900] =	vst v19;
	v19 =	vmul.f32 v40, v41  }
0x88: {  	v50 =	vld [tilespmem:$0x4980];
	v49 =	vmul.f32 v42, v41;
	[tilespmem:$0x4910] =	vst v46  }
0x89: {  	v51 =	vld [tilespmem:$0x4990];
	[tilespmem:$0x4920] =	vst v19;
	v19 =	vmul.f32 v44, v41  }
0x8a: {  	v52 =	vmul.f32 v45, v41;
	v53 =	vld [tilespmem:$0x49A0];
	[tilespmem:$0x4930] =	vst v49  }
0x8b: {  	v54 =	vperm.xlane v18, v5;
	v55 =	vld [tilespmem:$0x49B0];
	[tilespmem:$0x4940] =	vst v19;
	v19 =	vmul.f32 v47, v41  }
0x8c: {  	v57 =	vld [tilespmem:$0x49C0];
	v56 =	vmul.f32 v48, v41;
	[tilespmem:$0x4950] =	vst v52  }
0x8d: {  	v61 =	vld [tilespmem:$0x49F0];
	[tilespmem:$0x4960] =	vst v19;
	v19 =	vmul.f32 v50, v54  }
0x8e: {  	v59 =	vmul.f32 v51, v54;
	[tilespmem:$0x4970] =	vst v56;
	v60 =	vld [tilespmem:$0x49E0]  }
0x8f: {  	v30 =	vld [tilespmem:$0x4A10];
	[tilespmem:$0x4980] =	vst v19;
	v19 =	vmul.f32 v53, v54  }
0x90: {  	[tilespmem:$0x4990] =	vst v59;
	v62 =	vmul.f32 v55, v54;
	v63 =	vld [tilespmem:$0x4A00]  }
0x91: {  	v58 =	vld [tilespmem:$0x49D0];
	[tilespmem:$0x49A0] =	vst v19;
	v19 =	vmul.f32 v57, v54  }
0x92: {  	v32 =	vld [tilespmem:$0x4A20];
	v33 =	vperm.xlane v18, v6;
	v35 =	vmul.f32 v61, v54;
	[tilespmem:$0x49B0] =	vst v62  }
0x93: {  	v43 =	vld [tilespmem:$0x4A90];
	[tilespmem:$0x49C0] =	vst v19;
	v19 =	vmul.f32 v60, v54  }
0x94: {  	v36 =	vld [tilespmem:$0x4A40];
	v38 =	vmul.f32 v30, v33;
	[tilespmem:$0x49F0] =	vst v35  }
0x95: {  	v56 =	vld [tilespmem:$0x4B10];
	[tilespmem:$0x49E0] =	vst v19;
	v19 =	vmul.f32 v63, v33  }
0x96: {  	v39 =	vld [tilespmem:$0x4A60];
	v46 =	vperm.xlane v18, v7;
	v31 =	vmul.f32 v58, v54;
	[tilespmem:$0x4A10] =	vst v38  }
0x97: {  	v30 =	vld [tilespmem:$0x4B70];
	[tilespmem:$0x4A00] =	vst v19;
	v19 =	vmul.f32 v32, v33  }
0x98: {  	v42 =	vld [tilespmem:$0x4A80];
	v59 =	vperm.xlane v18, v8;
	v51 =	vmul.f32 v43, v46;
	[tilespmem:$0x49D0] =	vst v31  }
0x99: {  	v37 =	vld [tilespmem:$0x4A50];
	[tilespmem:$0x4A20] =	vst v19;
	v19 =	vmul.f32 v36, v33  }
0x9a: {  	v45 =	vld [tilespmem:$0x4AA0];
	v28 =	vmul.f32 v56, v59;
	[tilespmem:$0x4A90] =	vst v51  }
0x9b: {  	v34 =	vld [tilespmem:$0x4A30];
	[tilespmem:$0x4A40] =	vst v19;
	v19 =	vmul.f32 v39, v33  }
0x9c: {  	v49 =	vld [tilespmem:$0x4AC0];
	[tilespmem:$0x4B10] =	vst v28;
	v38 =	vmul.f32 v30, v59  }
0x9d: {  	v40 =	vld [tilespmem:$0x4A70];
	[tilespmem:$0x4A60] =	vst v19;
	v19 =	vmul.f32 v42, v46  }
0x9e: {  	v52 =	vld [tilespmem:$0x4AE0];
	[tilespmem:$0x4B70] =	vst v38;
	v44 =	vmul.f32 v37, v33  }
0x9f: {  	v50 =	vld [tilespmem:$0x4AD0];
	[tilespmem:$0x4A80] =	vst v19;
	v19 =	vmul.f32 v45, v46  }
0xa0: {  	v55 =	vld [tilespmem:$0x4B00];
	v41 =	vmul.f32 v34, v33;
	[tilespmem:$0x4A50] =	vst v44  }
0xa1: {  	v47 =	vld [tilespmem:$0x4AB0];
	[tilespmem:$0x4AA0] =	vst v19;
	v19 =	vmul.f32 v49, v46  }
0xa2: {  	v58 =	vld [tilespmem:$0x4B20];
	v48 =	vmul.f32 v40, v33;
	[tilespmem:$0x4A30] =	vst v41  }
0xa3: {  	v53 =	vld [tilespmem:$0x4AF0];
	[tilespmem:$0x4AC0] =	vst v19;
	v19 =	vmul.f32 v52, v46  }
0xa4: {  	v62 =	vld [tilespmem:$0x4B40];
	[tilespmem:$0x4A70] =	vst v48;
	v57 =	vmul.f32 v50, v46  }
0xa5: {  	v60 =	vld [tilespmem:$0x4B30];
	[tilespmem:$0x4AE0] =	vst v19;
	v19 =	vmul.f32 v55, v59  }
0xa6: {  	v29 =	vld [tilespmem:$0x4B60];
	v54 =	vmul.f32 v47, v46;
	[tilespmem:$0x4AD0] =	vst v57  }
0xa7: {  	v63 =	vld [tilespmem:$0x4B50];
	[tilespmem:$0x4B00] =	vst v19;
	v19 =	vmul.f32 v58, v59  }
0xa8: {  	v61 =	vmul.f32 v53, v46;
	[tilespmem:$0x4AB0] =	vst v54;
	v32 =	vld [tilespmem:$0x4B80]  }
0xa9: {  	v37 =	vld [tilespmem:$0x4BB0];
	[tilespmem:$0x4B20] =	vst v19;
	v19 =	vmul.f32 v62, v59  }
0xaa: {  	v35 =	vld [tilespmem:$0x4BA0];
	[tilespmem:$0x4AF0] =	vst v61;
	v31 =	vmul.f32 v60, v59  }
0xab: {  	v40 =	vld [tilespmem:$0x4BD0];
	v36 =	vperm.xlane v18, v9;
	[tilespmem:$0x4B40] =	vst v19;
	v19 =	vmul.f32 v29, v59  }
0xac: {  	[tilespmem:$0x4B30] =	vst v31;
	v34 =	vmul.f32 v63, v59;
	v39 =	vld [tilespmem:$0x4BC0]  }
0xad: {  	v43 =	vld [tilespmem:$0x4BF0];
	[tilespmem:$0x4B60] =	vst v19;
	v19 =	vmul.f32 v32, v36  }
0xae: {  	v44 =	vmul.f32 v37, v36;
	[tilespmem:$0x4B50] =	vst v34;
	v42 =	vld [tilespmem:$0x4BE0]  }
0xaf: {  	v33 =	vld [tilespmem:$0x4B90];
	[tilespmem:$0x4B80] =	vst v19;
	v19 =	vmul.f32 v35, v36  }
0xb0: {  	v47 =	vmul.f32 v40, v36;
	[tilespmem:$0x4BB0] =	vst v44;
	v45 =	vld [tilespmem:$0x4C00]  }
0xb1: {  	v50 =	vld [tilespmem:$0x4C30];
	[tilespmem:$0x4BA0] =	vst v19;
	v19 =	vmul.f32 v39, v36  }
0xb2: {  	v48 =	vld [tilespmem:$0x4C20];
	v51 =	vmul.f32 v43, v36;
	[tilespmem:$0x4BD0] =	vst v47  }
0xb3: {  	v53 =	vld [tilespmem:$0x4C50];
	v49 =	vperm.xlane v18, v10;
	[tilespmem:$0x4BC0] =	vst v19;
	v19 =	vmul.f32 v42, v36  }
0xb4: {  	[tilespmem:$0x4BF0] =	vst v51;
	v41 =	vmul.f32 v33, v36;
	v52 =	vld [tilespmem:$0x4C40]  }
0xb5: {  	v56 =	vld [tilespmem:$0x4C70];
	[tilespmem:$0x4BE0] =	vst v19;
	v19 =	vmul.f32 v45, v49  }
0xb6: {  	[tilespmem:$0x4B90] =	vst v41;
	v57 =	vmul.f32 v50, v49;
	v55 =	vld [tilespmem:$0x4C60]  }
0xb7: {  	v46 =	vld [tilespmem:$0x4C10];
	[tilespmem:$0x4C00] =	vst v19;
	v19 =	vmul.f32 v48, v49  }
0xb8: {  	v60 =	vmul.f32 v53, v49;
	[tilespmem:$0x4C30] =	vst v57;
	v58 =	vld [tilespmem:$0x4C80]  }
0xb9: {  	v38 =	vld [tilespmem:$0x4D10];
	[tilespmem:$0x4C20] =	vst v19;
	v19 =	vmul.f32 v52, v49  }
0xba: {  	v61 =	vld [tilespmem:$0x4CA0];
	v30 =	vmul.f32 v56, v49;
	[tilespmem:$0x4C50] =	vst v60  }
0xbb: {  	v62 =	vperm.xlane v18, v11;
	v59 =	vld [tilespmem:$0x4C90];
	[tilespmem:$0x4C40] =	vst v19;
	v19 =	vmul.f32 v55, v49  }
0xbc: {  	v31 =	vld [tilespmem:$0x4CC0];
	v41 =	vperm.xlane v18, v12;
	[tilespmem:$0x4C70] =	vst v30;
	v54 =	vmul.f32 v46, v49  }
0xbd: {  	v51 =	vld [tilespmem:$0x4D90];
	[tilespmem:$0x4C60] =	vst v19;
	v19 =	vmul.f32 v58, v62  }
0xbe: {  	v34 =	vld [tilespmem:$0x4CE0];
	v46 =	vmul.f32 v38, v41;
	[tilespmem:$0x4C10] =	vst v54  }
0xbf: {  	v32 =	vld [tilespmem:$0x4CD0];
	[tilespmem:$0x4C80] =	vst v19;
	v19 =	vmul.f32 v61, v62  }
0xc0: {  	v37 =	vld [tilespmem:$0x4D00];
	[tilespmem:$0x4D10] =	vst v46;
	v54 =	vperm.xlane v18, v13;
	v33 =	vmul.f32 v59, v62  }
0xc1: {  	v63 =	vld [tilespmem:$0x4CB0];
	[tilespmem:$0x4CA0] =	vst v19;
	v19 =	vmul.f32 v31, v62  }
0xc2: {  	v40 =	vld [tilespmem:$0x4D20];
	v59 =	vmul.f32 v51, v54;
	[tilespmem:$0x4C90] =	vst v33  }
0xc3: {  	v35 =	vld [tilespmem:$0x4CF0];
	[tilespmem:$0x4CC0] =	vst v19;
	v19 =	vmul.f32 v34, v62  }
0xc4: {  	v44 =	vld [tilespmem:$0x4D40];
	v39 =	vmul.f32 v32, v62;
	[tilespmem:$0x4D90] =	vst v59  }
0xc5: {  	v30 =	vld [tilespmem:$0x4E10];
	[tilespmem:$0x4CE0] =	vst v19;
	v19 =	vmul.f32 v37, v41  }
0xc6: {  	v47 =	vld [tilespmem:$0x4D60];
	v36 =	vmul.f32 v63, v62;
	[tilespmem:$0x4CD0] =	vst v39  }
0xc7: {  	v59 =	vld [tilespmem:$0x4F30];
	[tilespmem:$0x4D00] =	vst v19;
	v19 =	vmul.f32 v40, v41  }
0xc8: {  	v50 =	vld [tilespmem:$0x4D80];
	v33 =	vperm.xlane v18, v14;
	v43 =	vmul.f32 v35, v62;
	[tilespmem:$0x4CB0] =	vst v36  }
0xc9: {  	v46 =	vperm.xlane v18, v15;
	v45 =	vld [tilespmem:$0x4D50];
	[tilespmem:$0x4D20] =	vst v19;
	v19 =	vmul.f32 v44, v41  }
0xca: {  	v53 =	vld [tilespmem:$0x4DA0];
	v18 =	vperm.xlane v18, v16;
	v38 =	vmul.f32 v30, v33;
	[tilespmem:$0x4CF0] =	vst v43  }
0xcb: {  	v42 =	vld [tilespmem:$0x4D30];
	[tilespmem:$0x4D40] =	vst v19;
	v19 =	vmul.f32 v47, v41  }
0xcc: {  	v57 =	vld [tilespmem:$0x4DC0];
	[tilespmem:$0x4E10] =	vst v38;
	v30 =	vmul.f32 v59, v18  }
0xcd: {  	v43 =	vld [tilespmem:$0x4E90];
	[tilespmem:$0x4D60] =	vst v19;
	v19 =	vmul.f32 v50, v54  }
0xce: {  	v60 =	vld [tilespmem:$0x4DE0];
	[tilespmem:$0x4F30] =	vst v30;
	v52 =	vmul.f32 v45, v41  }
0xcf: {  	v48 =	vld [tilespmem:$0x4D70];
	[tilespmem:$0x4D80] =	vst v19;
	v19 =	vmul.f32 v53, v54  }
0xd0: {  	v63 =	vld [tilespmem:$0x4E00];
	v49 =	vmul.f32 v42, v41;
	[tilespmem:$0x4D50] =	vst v52  }
0xd1: {  	v55 =	vld [tilespmem:$0x4DB0];
	[tilespmem:$0x4DA0] =	vst v19;
	v19 =	vmul.f32 v57, v54  }
0xd2: {  	v32 =	vld [tilespmem:$0x4E20];
	v51 =	vmul.f32 v43, v46;
	[tilespmem:$0x4D30] =	vst v49  }
0xd3: {  	v58 =	vld [tilespmem:$0x4DD0];
	[tilespmem:$0x4DC0] =	vst v19;
	v19 =	vmul.f32 v60, v54  }
0xd4: {  	v36 =	vld [tilespmem:$0x4E40];
	v56 =	vmul.f32 v48, v41;
	[tilespmem:$0x4E90] =	vst v51  }
0xd5: {  	v61 =	vld [tilespmem:$0x4DF0];
	[tilespmem:$0x4DE0] =	vst v19;
	v19 =	vmul.f32 v63, v33  }
0xd6: {  	v39 =	vld [tilespmem:$0x4E60];
	[tilespmem:$0x4D70] =	vst v56;
	v62 =	vmul.f32 v55, v54  }
0xd7: {  	v37 =	vld [tilespmem:$0x4E50];
	[tilespmem:$0x4E00] =	vst v19;
	v19 =	vmul.f32 v32, v33  }
0xd8: {  	v42 =	vld [tilespmem:$0x4E80];
	v31 =	vmul.f32 v58, v54;
	[tilespmem:$0x4DB0] =	vst v62  }
0xd9: {  	v62 =	vld [tilespmem:$0x4F50];
	[tilespmem:$0x4E20] =	vst v19;
	v19 =	vmul.f32 v36, v33  }
0xda: {  	v45 =	vld [tilespmem:$0x4EA0];
	[tilespmem:$0x4DD0] =	vst v31;
	v35 =	vmul.f32 v61, v54  }
0xdb: {  	v34 =	vld [tilespmem:$0x4E30];
	[tilespmem:$0x4E40] =	vst v19;
	v19 =	vmul.f32 v39, v33  }
0xdc: {  	v49 =	vld [tilespmem:$0x4EC0];
	[tilespmem:$0x4DF0] =	vst v35;
	v44 =	vmul.f32 v37, v33  }
0xdd: {  	v40 =	vld [tilespmem:$0x4E70];
	[tilespmem:$0x4E60] =	vst v19;
	v19 =	vmul.f32 v42, v46  }
0xde: {  	v52 =	vld [tilespmem:$0x4EE0];
	v31 =	vmul.f32 v62, v18;
	[tilespmem:$0x4E50] =	vst v44  }
0xdf: {  	v50 =	vld [tilespmem:$0x4ED0];
	[tilespmem:$0x4E80] =	vst v19;
	v19 =	vmul.f32 v45, v46  }
0xe0: {  	v55 =	vld [tilespmem:$0x4F00];
	v41 =	vmul.f32 v34, v33;
	[tilespmem:$0x4F50] =	vst v31  }
0xe1: {  	v47 =	vld [tilespmem:$0x4EB0];
	[tilespmem:$0x4EA0] =	vst v19;
	v19 =	vmul.f32 v49, v46  }
0xe2: {  	v58 =	vld [tilespmem:$0x4F20];
	v48 =	vmul.f32 v40, v33;
	[tilespmem:$0x4E30] =	vst v41  }
0xe3: {  	v53 =	vld [tilespmem:$0x4EF0];
	[tilespmem:$0x4EC0] =	vst v19;
	v19 =	vmul.f32 v52, v46  }
0xe4: {  	v61 =	vld [tilespmem:$0x4F40];
	[tilespmem:$0x4E70] =	vst v48;
	v57 =	vmul.f32 v50, v46  }
0xe5: {  	v56 =	vld [tilespmem:$0x4F10];
	[tilespmem:$0x4EE0] =	vst v19;
	v19 =	vmul.f32 v55, v18  }
0xe6: {  	v28 =	vld [tilespmem:$0x4F60];
	v54 =	vmul.f32 v47, v46;
	[tilespmem:$0x4ED0] =	vst v57  }
0xe7: {  	v29 =	vld [tilespmem:$0x4F70];
	[tilespmem:$0x4F00] =	vst v19;
	v19 =	vmul.f32 v58, v18  }
0xe8: {  	v60 =	vmul.f32 v53, v46;
	[tilespmem:$0x4EB0] =	vst v54  }
0xe9: {  	[tilespmem:$0x4F20] =	vst v19;
	v19 =	vmul.f32 v61, v18  }
0xea: {  	v63 =	vmul.f32 v56, v18;
	[tilespmem:$0x4EF0] =	vst v60  }
0xeb: {  	[tilespmem:$0x4F40] =	vst v19;
	v19 =	vmul.f32 v28, v18  }
0xec: {  	[tilespmem:$0x4F10] =	vst v63;
	v18 =	vmul.f32 v29, v18  }
0xed: {  	[tilespmem:$0x4F60] =	vst v19  }
0xee: {  	[tilespmem:$0x4F70] =	vst v18  }
0xef: {  	[spmem:s3] =	stream.indirect_vreg.scatter.add.f32 [tilespmem:s24], [sflag:$0x2], $0x80, v17, vm0, $0xb8;
	[tilespmem:$0x19080] =	vst v63  }
0xf0: {  	_ =	swait.ge [sflag:s21], $0x800  }
0xf1: {  	[sflag:s21] =	ssyncset.done $0x0  }
0xf2: {  	[sflag:s21] =	ssyncadd.s32 $0xFFFFF800  }
0xf3: {  	v18 =	vld [tilespmem:s0+$0x0];
	_ =	sdelay $0x7  }
0xf4: {  	v17 =	vld [tilespmem:s31+$0x0];
	[tilespmem:s24], [sflag:$0x1] =	stream.indirect_vreg.gather [hbm4b:s5+s4], $0x80, v18, vm0, $0xb8  }
0xf5: {  	_ =	swait.ge [sflag:s25], $0x800  }
0xf6: {  	s7 =	smin.u32 s1, $0x9F;
	[sflag:s25] =	ssyncset.done $0x0  }
0xf7: {  	s7 =	sshll.u32 s7, $0x4;
	[sflag:s25] =	ssyncadd.s32 $0xFFFFF800  }
0xf8: {  	v19 =	vld [tilespmem:s7+$0xAA0];
	_ =	sdelay $0x3  }
0xf9: {  	v32 =	vld [tilespmem:s7+$0x1520]  }
0xfa: {  	v18 =	vld [tilespmem:$0x5000]  }
0xfb: {  	v33 =	vld [tilespmem:$0x4780]  }
0xfc: {  	v34 =	vld [tilespmem:$0x4790]  }
0xfd: {  	v19 =	vld.idx.msk [tilespmem:v19+s20+$0x0], $0xffff  }
0xfe: {  	v35 =	vld [tilespmem:$0x47A0]  }
0xff: {  	v37 =	vld [tilespmem:$0x47B0];
	v36 =	vperm.xlane v18, v1  }
0x100: {  	v38 =	vld [tilespmem:$0x47C0]  }
0x101: {  	v39 =	vld [tilespmem:$0x47D0];
	v21 =	vmul.f32 v33, v36  }
0x102: {  	v40 =	vld [tilespmem:$0x47E0];
	v19 =	vmul.f32 v19, v32  }
0x103: {  	v42 =	vld [tilespmem:$0x47F0];
	v41 =	vmul.f32 v35, v36;
	[tilespmem:$0x4780] =	vst v21  }
0x104: {  	v43 =	vld [tilespmem:$0x4800];
	[tilespmem:$0x4F80] =	vst v19;
	v19 =	vmul.f32 v34, v36  }
0x105: {  	v44 =	vld [tilespmem:$0x4810];
	v20 =	vmul.f32 v38, v36;
	[tilespmem:$0x47A0] =	vst v41  }
0x106: {  	v45 =	vld [tilespmem:$0x4820];
	[tilespmem:$0x4790] =	vst v19;
	v19 =	vmul.f32 v37, v36  }
0x107: {  	v48 =	vld [tilespmem:$0x4830];
	v47 =	vperm.xlane v18, v2;
	v46 =	vmul.f32 v40, v36;
	[tilespmem:$0x47C0] =	vst v20  }
0x108: {  	v49 =	vld [tilespmem:$0x4840];
	[tilespmem:$0x47B0] =	vst v19;
	v19 =	vmul.f32 v39, v36  }
0x109: {  	v51 =	vld [tilespmem:$0x4850];
	v50 =	vmul.f32 v43, v47;
	[tilespmem:$0x47E0] =	vst v46  }
0x10a: {  	v52 =	vld [tilespmem:$0x4860];
	[tilespmem:$0x47D0] =	vst v19;
	v19 =	vmul.f32 v42, v36  }
0x10b: {  	v54 =	vld [tilespmem:$0x4870];
	v53 =	vmul.f32 v45, v47;
	[tilespmem:$0x4800] =	vst v50  }
0x10c: {  	v55 =	vld [tilespmem:$0x4880];
	[tilespmem:$0x47F0] =	vst v19;
	v19 =	vmul.f32 v44, v47  }
0x10d: {  	v57 =	vld [tilespmem:$0x4890];
	v56 =	vmul.f32 v49, v47;
	[tilespmem:$0x4820] =	vst v53  }
0x10e: {  	v58 =	vld [tilespmem:$0x48A0];
	[tilespmem:$0x4810] =	vst v19;
	v19 =	vmul.f32 v48, v47  }
0x10f: {  	v61 =	vld [tilespmem:$0x48B0];
	v60 =	vperm.xlane v18, v3;
	v59 =	vmul.f32 v52, v47;
	[tilespmem:$0x4840] =	vst v56  }
0x110: {  	v62 =	vld [tilespmem:$0x48C0];
	[tilespmem:$0x4830] =	vst v19;
	v19 =	vmul.f32 v51, v47  }
0x111: {  	v28 =	vld [tilespmem:$0x48D0];
	v63 =	vmul.f32 v55, v60;
	[tilespmem:$0x4860] =	vst v59  }
0x112: {  	v45 =	vld [tilespmem:$0x4980];
	[tilespmem:$0x4850] =	vst v19;
	v19 =	vmul.f32 v54, v47  }
0x113: {  	v29 =	vld [tilespmem:$0x48E0];
	v30 =	vmul.f32 v58, v60;
	[tilespmem:$0x4880] =	vst v63  }
0x114: {  	v52 =	vld [tilespmem:$0x49C0];
	[tilespmem:$0x4870] =	vst v19;
	v19 =	vmul.f32 v57, v60  }
0x115: {  	v31 =	vld [tilespmem:$0x48F0];
	v33 =	vmul.f32 v62, v60;
	[tilespmem:$0x48A0] =	vst v30;
	v50 =	vperm.xlane v18, v5  }
0x116: {  	v55 =	vld [tilespmem:$0x49E0];
	[tilespmem:$0x4890] =	vst v19;
	v19 =	vmul.f32 v61, v60  }
0x117: {  	[tilespmem:$0x48C0] =	vst v33;
	v53 =	vmul.f32 v45, v50;
	v34 =	vld [tilespmem:$0x4910]  }
0x118: {  	v32 =	vld [tilespmem:$0x4900];
	[tilespmem:$0x48B0] =	vst v19;
	v19 =	vmul.f32 v28, v60  }
0x119: {  	v38 =	vld [tilespmem:$0x4930];
	v59 =	vmul.f32 v52, v50;
	[tilespmem:$0x4980] =	vst v53  }
0x11a: {  	v35 =	vld [tilespmem:$0x4920];
	v37 =	vperm.xlane v18, v4;
	[tilespmem:$0x48D0] =	vst v19;
	v19 =	vmul.f32 v31, v60  }
0x11b: {  	v41 =	vld [tilespmem:$0x4950];
	v62 =	vmul.f32 v55, v50;
	[tilespmem:$0x49C0] =	vst v59  }
0x11c: {  	v58 =	vld [tilespmem:$0x4A00];
	[tilespmem:$0x48F0] =	vst v19;
	v19 =	vmul.f32 v34, v37  }
0x11d: {  	[tilespmem:$0x49E0] =	vst v62;
	v40 =	vmul.f32 v32, v37;
	v44 =	vld [tilespmem:$0x4970]  }
0x11e: {  	v30 =	vld [tilespmem:$0x4A30];
	[tilespmem:$0x4910] =	vst v19;
	v19 =	vmul.f32 v38, v37  }
0x11f: {  	v63 =	vperm.xlane v18, v6;
	v43 =	vmul.f32 v35, v37;
	[tilespmem:$0x4900] =	vst v40;
	v47 =	vld [tilespmem:$0x4990]  }
0x120: {  	v39 =	vld [tilespmem:$0x4940];
	[tilespmem:$0x4930] =	vst v19;
	v19 =	vmul.f32 v41, v37  }
0x121: {  	v32 =	vmul.f32 v58, v63;
	[tilespmem:$0x4920] =	vst v43;
	v51 =	vld [tilespmem:$0x49B0]  }
0x122: {  	v42 =	vld [tilespmem:$0x4960];
	[tilespmem:$0x4950] =	vst v19;
	v19 =	vmul.f32 v44, v37  }
0x123: {  	v36 =	vmul.f32 v29, v60;
	[tilespmem:$0x4A00] =	vst v32;
	v54 =	vld [tilespmem:$0x49D0]  }
0x124: {  	v48 =	vld [tilespmem:$0x49A0];
	[tilespmem:$0x4970] =	vst v19;
	v19 =	vmul.f32 v47, v50  }
0x125: {  	[tilespmem:$0x48E0] =	vst v36;
	v46 =	vmul.f32 v39, v37;
	v57 =	vld [tilespmem:$0x49F0]  }
0x126: {  	v40 =	vld [tilespmem:$0x4AA0];
	[tilespmem:$0x4990] =	vst v19;
	v19 =	vmul.f32 v51, v50  }
0x127: {  	[tilespmem:$0x4940] =	vst v46;
	v49 =	vmul.f32 v42, v37;
	v60 =	vld [tilespmem:$0x4A10]  }
0x128: {  	v61 =	vld [tilespmem:$0x4A20];
	[tilespmem:$0x49B0] =	vst v19;
	v19 =	vmul.f32 v54, v50  }
0x129: {  	v33 =	vld [tilespmem:$0x4A50];
	v42 =	vperm.xlane v18, v7;
	[tilespmem:$0x4960] =	vst v49;
	v56 =	vmul.f32 v48, v50  }
0x12a: {  	v53 =	vld [tilespmem:$0x4B20];
	[tilespmem:$0x49D0] =	vst v19;
	v19 =	vmul.f32 v57, v50  }
0x12b: {  	v52 =	vld [tilespmem:$0x4B10];
	v48 =	vmul.f32 v40, v42;
	[tilespmem:$0x49A0] =	vst v56  }
0x12c: {  	v31 =	vld [tilespmem:$0x4A40];
	[tilespmem:$0x49F0] =	vst v19;
	v19 =	vmul.f32 v60, v63  }
0x12d: {  	v55 =	vperm.xlane v18, v8;
	v36 =	vld [tilespmem:$0x4A70];
	[tilespmem:$0x4AA0] =	vst v48;
	v35 =	vmul.f32 v61, v63  }
0x12e: {  	v34 =	vld [tilespmem:$0x4A60];
	[tilespmem:$0x4A10] =	vst v19;
	v19 =	vmul.f32 v30, v63  }
0x12f: {  	v39 =	vld [tilespmem:$0x4A90];
	v61 =	vmul.f32 v53, v55;
	[tilespmem:$0x4A20] =	vst v35  }
0x130: {  	v32 =	vld [tilespmem:$0x4BA0];
	[tilespmem:$0x4A30] =	vst v19;
	v19 =	vmul.f32 v33, v63  }
0x131: {  	v43 =	vld [tilespmem:$0x4AB0];
	[tilespmem:$0x4B20] =	vst v61;
	v38 =	vmul.f32 v31, v63  }
0x132: {  	v37 =	vld [tilespmem:$0x4A80];
	[tilespmem:$0x4A50] =	vst v19;
	v19 =	vmul.f32 v36, v63  }
0x133: {  	v46 =	vld [tilespmem:$0x4AD0];
	[tilespmem:$0x4A40] =	vst v38;
	v41 =	vmul.f32 v34, v63;
	v34 =	vperm.xlane v18, v9  }
0x134: {  	v44 =	vld [tilespmem:$0x4AC0];
	[tilespmem:$0x4A70] =	vst v19;
	v19 =	vmul.f32 v39, v42  }
0x135: {  	v49 =	vld [tilespmem:$0x4AF0];
	[tilespmem:$0x4A60] =	vst v41;
	v40 =	vmul.f32 v32, v34  }
0x136: {  	v47 =	vld [tilespmem:$0x4AE0];
	[tilespmem:$0x4A90] =	vst v19;
	v19 =	vmul.f32 v43, v42  }
0x137: {  	v59 =	vld [tilespmem:$0x4B50];
	[tilespmem:$0x4BA0] =	vst v40;
	v45 =	vmul.f32 v37, v42  }
0x138: {  	v50 =	vld [tilespmem:$0x4B00];
	[tilespmem:$0x4AB0] =	vst v19;
	v19 =	vmul.f32 v46, v42  }
0x139: {  	v56 =	vld [tilespmem:$0x4B30];
	v51 =	vmul.f32 v44, v42;
	[tilespmem:$0x4A80] =	vst v45  }
0x13a: {  	v45 =	vld [tilespmem:$0x4C20];
	[tilespmem:$0x4AD0] =	vst v19;
	v19 =	vmul.f32 v49, v42  }
0x13b: {  	v62 =	vld [tilespmem:$0x4B70];
	[tilespmem:$0x4AC0] =	vst v51;
	v54 =	vmul.f32 v47, v42  }
0x13c: {  	v57 =	vld [tilespmem:$0x4B40];
	[tilespmem:$0x4AF0] =	vst v19;
	v19 =	vmul.f32 v52, v55  }
0x13d: {  	v29 =	vld [tilespmem:$0x4CE0];
	v47 =	vperm.xlane v18, v10;
	[tilespmem:$0x4AE0] =	vst v54;
	v58 =	vmul.f32 v50, v55  }
0x13e: {  	v60 =	vld [tilespmem:$0x4B60];
	[tilespmem:$0x4B10] =	vst v19;
	v19 =	vmul.f32 v56, v55  }
0x13f: {  	v31 =	vld [tilespmem:$0x4B90];
	v53 =	vmul.f32 v45, v47;
	[tilespmem:$0x4B00] =	vst v58  }
0x140: {  	v58 =	vld [tilespmem:$0x4CA0];
	[tilespmem:$0x4B30] =	vst v19;
	v19 =	vmul.f32 v59, v55  }
0x141: {  	v35 =	vld [tilespmem:$0x4BB0];
	v30 =	vmul.f32 v57, v55;
	[tilespmem:$0x4C20] =	vst v53  }
0x142: {  	v63 =	vld [tilespmem:$0x4B80];
	[tilespmem:$0x4B50] =	vst v19;
	v19 =	vmul.f32 v62, v55  }
0x143: {  	v38 =	vld [tilespmem:$0x4BD0];
	[tilespmem:$0x4B40] =	vst v30;
	v33 =	vmul.f32 v60, v55;
	v60 =	vperm.xlane v18, v11  }
0x144: {  	v36 =	vld [tilespmem:$0x4BC0];
	[tilespmem:$0x4B70] =	vst v19;
	v19 =	vmul.f32 v31, v34  }
0x145: {  	v41 =	vld [tilespmem:$0x4BF0];
	[tilespmem:$0x4B60] =	vst v33;
	v30 =	vmul.f32 v58, v60  }
0x146: {  	v44 =	vld [tilespmem:$0x4C10];
	[tilespmem:$0x4B90] =	vst v19;
	v19 =	vmul.f32 v35, v34  }
0x147: {  	v39 =	vld [tilespmem:$0x4BE0];
	v37 =	vmul.f32 v63, v34;
	[tilespmem:$0x4CA0] =	vst v30  }
0x148: {  	[tilespmem:$0x4BB0] =	vst v19;
	v19 =	vmul.f32 v38, v34  }
0x149: {  	v48 =	vld [tilespmem:$0x4C30];
	v43 =	vmul.f32 v36, v34;
	[tilespmem:$0x4B80] =	vst v37  }
0x14a: {  	v32 =	vld [tilespmem:$0x4D00];
	[tilespmem:$0x4BD0] =	vst v19;
	v19 =	vmul.f32 v41, v34  }
0x14b: {  	v51 =	vld [tilespmem:$0x4C50];
	v36 =	vmul.f32 v29, v60;
	[tilespmem:$0x4BC0] =	vst v43  }
0x14c: {  	v46 =	vmul.f32 v39, v34;
	v39 =	vld [tilespmem:$0x4D40];
	[tilespmem:$0x4BF0] =	vst v19;
	v19 =	vmul.f32 v44, v47  }
0x14d: {  	v54 =	vld [tilespmem:$0x4C70];
	v37 =	vperm.xlane v18, v12;
	[tilespmem:$0x4CE0] =	vst v36  }
0x14e: {  	v42 =	vld [tilespmem:$0x4C00];
	[tilespmem:$0x4C10] =	vst v19;
	v19 =	vmul.f32 v48, v47  }
0x14f: {  	v57 =	vld [tilespmem:$0x4C90];
	[tilespmem:$0x4BE0] =	vst v46;
	v40 =	vmul.f32 v32, v37  }
0x150: {  	v49 =	vld [tilespmem:$0x4C40];
	[tilespmem:$0x4C30] =	vst v19;
	v19 =	vmul.f32 v51, v47  }
0x151: {  	v61 =	vld [tilespmem:$0x4CB0];
	[tilespmem:$0x4D00] =	vst v40;
	v46 =	vmul.f32 v39, v37  }
0x152: {  	v52 =	vld [tilespmem:$0x4C60];
	[tilespmem:$0x4C50] =	vst v19;
	v19 =	vmul.f32 v54, v47  }
0x153: {  	v28 =	vld [tilespmem:$0x4CD0];
	v50 =	vmul.f32 v42, v47;
	[tilespmem:$0x4D40] =	vst v46  }
0x154: {  	v45 =	vld [tilespmem:$0x4D80];
	[tilespmem:$0x4C70] =	vst v19;
	v19 =	vmul.f32 v57, v60  }
0x155: {  	v56 =	vmul.f32 v49, v47;
	[tilespmem:$0x4C00] =	vst v50;
	v31 =	vld [tilespmem:$0x4CF0]  }
0x156: {  	v42 =	vld [tilespmem:$0x4D60];
	[tilespmem:$0x4C90] =	vst v19;
	v19 =	vmul.f32 v61, v60  }
0x157: {  	[tilespmem:$0x4C40] =	vst v56;
	v59 =	vmul.f32 v52, v47;
	v50 =	vperm.xlane v18, v13;
	v34 =	vld [tilespmem:$0x4D10]  }
0x158: {  	v52 =	vld [tilespmem:$0x4DC0];
	[tilespmem:$0x4CB0] =	vst v19;
	v19 =	vmul.f32 v28, v60  }
0x159: {  	[tilespmem:$0x4C60] =	vst v59;
	v53 =	vmul.f32 v45, v50;
	v38 =	vld [tilespmem:$0x4D30]  }
0x15a: {  	v55 =	vld [tilespmem:$0x4C80];
	[tilespmem:$0x4CD0] =	vst v19;
	v19 =	vmul.f32 v31, v60  }
0x15b: {  	v49 =	vmul.f32 v42, v37;
	[tilespmem:$0x4D80] =	vst v53;
	v41 =	vld [tilespmem:$0x4D50]  }
0x15c: {  	v62 =	vld [tilespmem:$0x4CC0];
	[tilespmem:$0x4CF0] =	vst v19;
	v19 =	vmul.f32 v34, v37  }
0x15d: {  	[tilespmem:$0x4D60] =	vst v49;
	v59 =	vmul.f32 v52, v50;
	v44 =	vld [tilespmem:$0x4D70]  }
0x15e: {  	v35 =	vld [tilespmem:$0x4D20];
	[tilespmem:$0x4D10] =	vst v19;
	v19 =	vmul.f32 v38, v37  }
0x15f: {  	v63 =	vmul.f32 v55, v60;
	[tilespmem:$0x4DC0] =	vst v59;
	v47 =	vld [tilespmem:$0x4D90]  }
0x160: {  	v48 =	vld [tilespmem:$0x4DA0];
	[tilespmem:$0x4D30] =	vst v19;
	v19 =	vmul.f32 v41, v37  }
0x161: {  	v33 =	vmul.f32 v62, v60;
	[tilespmem:$0x4C80] =	vst v63;
	v51 =	vld [tilespmem:$0x4DB0]  }
0x162: {  	v58 =	vld [tilespmem:$0x4E00];
	[tilespmem:$0x4D50] =	vst v19;
	v19 =	vmul.f32 v44, v37  }
0x163: {  	[tilespmem:$0x4CC0] =	vst v33;
	v43 =	vmul.f32 v35, v37;
	v54 =	vld [tilespmem:$0x4DD0]  }
0x164: {  	v55 =	vld [tilespmem:$0x4DE0];
	[tilespmem:$0x4D70] =	vst v19;
	v19 =	vmul.f32 v47, v50  }
0x165: {  	v63 =	vperm.xlane v18, v14;
	[tilespmem:$0x4D20] =	vst v43;
	v56 =	vmul.f32 v48, v50;
	v57 =	vld [tilespmem:$0x4DF0]  }
0x166: {  	v40 =	vld [tilespmem:$0x4EA0];
	[tilespmem:$0x4D90] =	vst v19;
	v19 =	vmul.f32 v51, v50  }
0x167: {  	v32 =	vmul.f32 v58, v63;
	[tilespmem:$0x4DA0] =	vst v56;
	v60 =	vld [tilespmem:$0x4E10]  }
0x168: {  	v56 =	vld [tilespmem:$0x4F40];
	[tilespmem:$0x4DB0] =	vst v19;
	v19 =	vmul.f32 v54, v50  }
0x169: {  	v30 =	vld [tilespmem:$0x4E30];
	v42 =	vperm.xlane v18, v15;
	v62 =	vmul.f32 v55, v50;
	[tilespmem:$0x4E00] =	vst v32  }
0x16a: {  	v61 =	vld [tilespmem:$0x4E20];
	[tilespmem:$0x4DD0] =	vst v19;
	v19 =	vmul.f32 v57, v50  }
0x16b: {  	v33 =	vld [tilespmem:$0x4E50];
	v18 =	vperm.xlane v18, v16;
	[tilespmem:$0x4DE0] =	vst v62;
	v48 =	vmul.f32 v40, v42  }
0x16c: {  	v31 =	vld [tilespmem:$0x4E40];
	[tilespmem:$0x4DF0] =	vst v19;
	v19 =	vmul.f32 v60, v63  }
0x16d: {  	v36 =	vld [tilespmem:$0x4E70];
	[tilespmem:$0x4EA0] =	vst v48;
	v62 =	vmul.f32 v56, v18  }
0x16e: {  	v34 =	vld [tilespmem:$0x4E60];
	[tilespmem:$0x4E10] =	vst v19;
	v19 =	vmul.f32 v30, v63  }
0x16f: {  	v39 =	vld [tilespmem:$0x4E90];
	v35 =	vmul.f32 v61, v63;
	[tilespmem:$0x4F40] =	vst v62  }
0x170: {  	v37 =	vld [tilespmem:$0x4E80];
	[tilespmem:$0x4E30] =	vst v19;
	v19 =	vmul.f32 v33, v63  }
0x171: {  	v43 =	vld [tilespmem:$0x4EB0];
	[tilespmem:$0x4E20] =	vst v35;
	v38 =	vmul.f32 v31, v63  }
0x172: {  	v44 =	vld [tilespmem:$0x4EC0];
	[tilespmem:$0x4E50] =	vst v19;
	v19 =	vmul.f32 v36, v63  }
0x173: {  	v46 =	vld [tilespmem:$0x4ED0];
	[tilespmem:$0x4E40] =	vst v38;
	v41 =	vmul.f32 v34, v63  }
0x174: {  	v47 =	vld [tilespmem:$0x4EE0];
	[tilespmem:$0x4E70] =	vst v19;
	v19 =	vmul.f32 v39, v42  }
0x175: {  	v49 =	vld [tilespmem:$0x4EF0];
	[tilespmem:$0x4E60] =	vst v41;
	v45 =	vmul.f32 v37, v42  }
0x176: {  	v53 =	vld [tilespmem:$0x4F20];
	[tilespmem:$0x4E90] =	vst v19;
	v19 =	vmul.f32 v43, v42  }
0x177: {  	v52 =	vld [tilespmem:$0x4F10];
	v51 =	vmul.f32 v44, v42;
	[tilespmem:$0x4E80] =	vst v45  }
0x178: {  	v50 =	vld [tilespmem:$0x4F00];
	[tilespmem:$0x4EB0] =	vst v19;
	v19 =	vmul.f32 v46, v42  }
0x179: {  	v55 =	vld [tilespmem:$0x4F30];
	[tilespmem:$0x4EC0] =	vst v51;
	v54 =	vmul.f32 v47, v42  }
0x17a: {  	v59 =	vld [tilespmem:$0x4F60];
	[tilespmem:$0x4ED0] =	vst v19;
	v19 =	vmul.f32 v49, v42  }
0x17b: {  	v58 =	vld [tilespmem:$0x4F50];
	[tilespmem:$0x4EE0] =	vst v54;
	v60 =	vmul.f32 v53, v18  }
0x17c: {  	v61 =	vld [tilespmem:$0x4F70];
	[tilespmem:$0x4EF0] =	vst v19;
	v19 =	vmul.f32 v52, v18  }
0x17d: {  	[tilespmem:$0x4F20] =	vst v60;
	v57 =	vmul.f32 v50, v18  }
0x17e: {  	[tilespmem:$0x4F10] =	vst v19;
	v19 =	vmul.f32 v55, v18  }
0x17f: {  	[tilespmem:$0x4F00] =	vst v57;
	v63 =	vmul.f32 v59, v18  }
0x180: {  	[tilespmem:$0x4F30] =	vst v19;
	v19 =	vmul.f32 v58, v18  }
0x181: {  	[tilespmem:$0x4F60] =	vst v63;
	v18 =	vmul.f32 v61, v18  }
0x182: {  	p0 =	sne.s32 s1, $0xA0;
	[tilespmem:$0x4F50] =	vst v19  }
.Ltmp1:
0x183: {  	[tilespmem:$0x4F70] =	vst v18;
	(pc) =	sbr.rel @p0 .LBB2_5-.Ltmp1, $4  }
0x184: {  	[spmem:s3] =	stream.indirect_vreg.scatter.add.f32 [tilespmem:s24], [sflag:$0x2], $0x80, v17, vm0, $0xb8;
	[tilespmem:$0x19080] =	vst v63  }
0x185: {  	_ =	swait.ge [sflag:s21], $0x800  }
0x186: {  	s1 =	sadd.s32 $0x2, s1;
	s30 =	sadd.s32 $0x20, s30;
	[sflag:s21] =	ssyncset.done $0x0  }
0x187: {  	s31 =	sadd.s32 $0x20, s31;
	s0 =	sadd.s32 $0x20, s0;
	[sflag:s21] =	ssyncadd.s32 $0xFFFFF800  }
0x188: {  	s29 =	sadd.s32 $0x1, s29  }
0x189: {  	p0 =	sne.s32 s29, $0x4  }
.Ltmp2:
0x18a: {  	_ = 	snop;
	(pc) =	sbr.rel @p0 .LBB2_4-.Ltmp2, $1  }
0x18b: {  	_ =	sdelay $0x3  }
0x18c: {  	s0 =	stileid.u32;
	s26 =	sadd.s32 $0x1, s26  }
0x18d: {  	[bflag:$0x0] =	sbarrier.arrive $0xFFFF;
	s0 =	sshll.u32 s0, $0x6;
	p0 =	sne.s32 s26, s19  }
.Ltmp3:
0x18e: {  	s1 =	sshrl.u32 s9, $0x3;
	s0 =	sor.u32 $0x1C02, s0;
	(pc) =	sbr.rel @p0 .LBB2_1-.Ltmp3, $4  }
0x18f: {  	[hbm:s18], [sflag:s0] =	dma.local [spmem:s1], $0x2800  }
0x190: {  	_ =	swait.ge [sflag:s21], $0x2800  }
0x191: {  	[sflag:s21] =	ssyncset.done $0x0  }
0x192: {  	[sflag:s21] =	ssyncadd.s32 $0xFFFFD800  }
0x193: {  	_ =	sfence.sel $0x180000  }
0x194: {  	[bflag:$0x0] =	sbarrier.arrive $0xFFFF  }
0x195: {  	_ =	strace $0x9000004A  }
0x196: {  	s0 =	stileid.u32;
	[bflag:$0x2] =	sbarrier.arrive $0xFFFF  }
0x197: {  	p0 =	sne.s32 s0, $0x0;
	s0 =	rddreg [dreg:$0x3]  }
0x198: {  	s0 =	sadd.s32 @!p0 $0x100000, s0  }
0x199: {  	[sflag:s0] =	ssyncadd.tile.s32 @!p0 $0x1;
	_ =	shalt  }
.Lfunc_end2:
_tile_overlayer_lowered:
.L_overlay_start_2:
0x19a: {  	(tag) =	ssettag $0x2  }
0x19b: {  	s0 =	rddreg [dreg:$0x0];
	s2 =	stileid.u32  }
0x19c: {  	s1 =	rddreg [dreg:$0x1];
	p0 =	sne.s32 s2, $0x0  }
0x19d: {  	s3 =	rddreg [dreg:$0x2];
	[bflag:$0x3] =	sbarrier.arrive $0xFFFF;
	s2 =	simm.s32 @!p0 $0x1C02  }
0x19e: {  	[timem:s3], [sflag:s2] =	dma.local @!p0 [hbm:s0], s1  }
0x19f: {  	s0 =	simm.s32 @!p0 $0x2  }
0x1a0: {  	_ =	swait.ge @!p0 [sflag:s0], s1  }
0x1a1: {  	s1 =	ssub.s32 @!p0 $0x0, s1;
	[sflag:s0] =	ssyncset.done @!p0 $0x0  }
0x1a2: {  	[sflag:s0] =	ssyncadd.s32 @!p0 s1  }
0x1a3: {  	[bflag:$0x3] =	sbarrier.arrive $0xFFFF  }
0x1a4: {  	_ =	shalt  }

// kernel: kernel.7.cloned.1.call-start
scs
__scs_entry_jumppad:
0x0: {  	(pc) =	sbr.rel $0x88, $3  }
0x1: {  	(tag) =	ssettag $0x0;
	lr =	simm.s32 $0x1  }
0x2: {  	[smem:$0x3F9B] =	sst lr;
	_ =	strace $0xD0000000  }
0x3: {  	_ = 	snop  }
0x4: {  	_ = 	snop  }
0x5: {  	_ = 	snop  }
0x6: {  	_ = 	snop  }
0x7: {  	_ = 	snop  }
__scs_overlays_trampoline_lowered:
0x8: {  	[smem:$0x3FAA] =	sst s0  }
0x9: {  	[smem:$0x3FAB] =	sst s1  }
0xa: {  	[smem:$0x3FAC] =	sst s2  }
0xb: {  	[smem:$0x3FAD] =	sst s3  }
0xc: {  	[smem:$0x3FAE] =	sst s4  }
0xd: {  	[smem:$0x3FAF] =	sst s5  }
0xe: {  	[smem:$0x3FB0] =	sst s6  }
0xf: {  	[smem:$0x3FB1] =	sst s7  }
0x10: {  	[smem:$0x3FB2] =	sst s8  }
0x11: {  	[smem:$0x3FB3] =	sst s9;
	s0 =	simm.s32 @!p0 $0x0  }
0x12: {  	s1 =	sld [smem:$0x3F99];
	s0 =	simm.s32 @p0 $0x1  }
0x13: {  	[smem:$0x3FB4] =	sst s0;
	s0 =	simm.s32 @!p1 $0x0  }
0x14: {  	s2 =	sld [smem:$0x3F98];
	s0 =	simm.s32 @p1 $0x1  }
0x15: {  	[smem:$0x3FB5] =	sst s0;
	s0 =	simm.s32 @!p2 $0x0  }
0x16: {  	s3 =	sld [smem:$0x3FDB];
	s0 =	simm.s32 @p2 $0x1  }
0x17: {  	s4 =	simm.s32 $0x1BF5;
	[smem:$0x3FB7] =	sst s0  }
0x18: {  	s0 =	sld [smem:$0x3F9A];
	_ =	swait.ge [sflag:s4], $0x0  }
0x19: {  	s7 =	sld [smem:$0x3F9B]  }
0x1a: {  	s8 =	sadd.s32 $0xFFFFE003, lr  }
0x1b: {  	s9 =	sadd.s32 $0xFFFFFEF7, lr;
	s5 =	simm.s32 $0xFFFFFFFF;
	p2 =	slt.u32 s8, $0xFFFFF086  }
0x1c: {  	p1 =	slt.u32 s9, $0xF7A;
	s5 =	simm.s32 @!p2 $0x0  }
0x1d: {  	s5 =	simm.s32 @p1 $0x1;
	p0 =	seq.s32 s7, s2  }
0x1e: {  	s7 =	smul.u32 @!p0 $0xF7A, s2;
	p2 =	seq.s32 @!p0 s5, $0x0  }
0x1f: {  	s9 =	smul.u32 $0xF7A, s1;
	s8 =	simm.s32 @!p0 $0x1BF5;
	p2 =	por !p2, p0  }
0x20: {  	[sflag:s8] =	ssyncset.s32 @!p0 $0xFFFFF086;
	s6 =	sadd.s32 @!p0 s3, s7;
	s7 =	simm.s32 @!p0 $0x108  }
0x21: {  	s3 =	sadd.s32 s3, s9;
	s6 =	sadd.s32 @!p0 $0x88, s6;
	s7 =	simm.s32 @p2 $0x1082  }
0x22: {  	[simem:s7], [sflag:s8] =	dma.local @!p0 [hbm:s6], $0xF7A  }
0x23: {  	s9 =	sor.u32 $0xD0000000, s2;
	s6 =	simm.s32 $0x108;
	_ =	swait.ge @!p0 [sflag:s8], $0x0  }
0x24: {  	s3 =	sadd.s32 $0x88, s3;
	s6 =	simm.s32 @!p1 $0x1082;
	[sflag:s4] =	ssyncset.s32 $0xFFFFF086  }
0x25: {  	[simem:s6], [sflag:s4] =	dma.local [hbm:s3], $0xF7A  }
0x26: {  	[smem:$0x3F9B] =	sst s1;
	(tag) =	ssettag s2;
	_ =	strace s9  }
0x27: {  	s1 =	sld [smem:$0x3FAB]  }
0x28: {  	s2 =	sld [smem:$0x3FAC]  }
0x29: {  	s4 =	sld [smem:$0x3FAE]  }
0x2a: {  	p0 =	seq.s32 s5, $0x0;
	s5 =	sld [smem:$0x3FAF]  }
0x2b: {  	s6 =	sld [smem:$0x3FB0]  }
0x2c: {  	s7 =	sld [smem:$0x3FB1]  }
0x2d: {  	s3 =	simm.s32 $0x108;
	s8 =	sld [smem:$0x3FB2]  }
0x2e: {  	s3 =	simm.s32 @!p0 $0x1082;
	s9 =	sld [smem:$0x3FB3]  }
0x2f: {  	lr =	sadd.s32 s0, s3;
	s0 =	sld [smem:$0x3FAA]  }
0x30: {  	s3 =	sld [smem:$0x3FAD]  }
0x31: {  	[smem:$0x3FB6] =	sst s10  }
0x32: {  	s10 =	sld [smem:$0x3FB4];
	_ =	sdelay $0x3  }
0x33: {  	p0 =	seq.s32 s10, $0x1;
	s10 =	sld [smem:$0x3FB6];
	_ =	sdelay $0x3  }
0x34: {  	[smem:$0x3FB6] =	sst s10  }
0x35: {  	s10 =	sld [smem:$0x3FB5];
	_ =	sdelay $0x3  }
0x36: {  	p1 =	seq.s32 s10, $0x1;
	s10 =	sld [smem:$0x3FB6];
	_ =	sdelay $0x3  }
0x37: {  	[smem:$0x3FB6] =	sst s10  }
0x38: {  	s10 =	sld [smem:$0x3FB7]  }
0x39: {  	_ = 	snop;
	(pc) =	sbr.ind lr, $3  }
0x3a: {  	_ = 	snop  }
0x3b: {  	_ = 	snop  }
0x3c: {  	p2 =	seq.s32 s10, $0x1;
	s10 =	sld [smem:$0x3FB6]  }
0x3d: {  	_ =	shalt  }
0x3e: {  	_ =	shalt  }
0x3f: {  	_ =	shalt  }
0x40: {  	_ =	shalt  }
0x41: {  	_ =	shalt  }
0x42: {  	_ =	shalt  }
0x43: {  	_ =	shalt  }
0x44: {  	_ =	shalt  }
0x45: {  	_ =	shalt  }
0x46: {  	_ =	shalt  }
0x47: {  	_ =	shalt  }
0x48: {  	_ =	shalt  }
0x49: {  	_ =	shalt  }
0x4a: {  	_ =	shalt  }
0x4b: {  	_ =	shalt  }
0x4c: {  	_ =	shalt  }
0x4d: {  	_ =	shalt  }
0x4e: {  	_ =	shalt  }
0x4f: {  	_ =	shalt  }
0x50: {  	_ =	shalt  }
0x51: {  	_ =	shalt  }
0x52: {  	_ =	shalt  }
0x53: {  	_ =	shalt  }
0x54: {  	_ =	shalt  }
0x55: {  	_ =	shalt  }
0x56: {  	_ =	shalt  }
0x57: {  	_ =	shalt  }
0x58: {  	_ =	shalt  }
0x59: {  	_ =	shalt  }
0x5a: {  	_ =	shalt  }
0x5b: {  	_ =	shalt  }
0x5c: {  	_ =	shalt  }
0x5d: {  	_ =	shalt  }
0x5e: {  	_ =	shalt  }
0x5f: {  	_ =	shalt  }
0x60: {  	_ =	shalt  }
0x61: {  	_ =	shalt  }
0x62: {  	_ =	shalt  }
0x63: {  	_ =	shalt  }
0x64: {  	_ =	shalt  }
0x65: {  	_ =	shalt  }
0x66: {  	_ =	shalt  }
0x67: {  	_ =	shalt  }
0x68: {  	_ =	shalt  }
0x69: {  	_ =	shalt  }
0x6a: {  	_ =	shalt  }
0x6b: {  	_ =	shalt  }
0x6c: {  	_ =	shalt  }
0x6d: {  	_ =	shalt  }
0x6e: {  	_ =	shalt  }
0x6f: {  	_ =	shalt  }
0x70: {  	_ =	shalt  }
0x71: {  	_ =	shalt  }
0x72: {  	_ =	shalt  }
0x73: {  	_ =	shalt  }
0x74: {  	_ =	shalt  }
0x75: {  	_ =	shalt  }
0x76: {  	_ =	shalt  }
0x77: {  	_ =	shalt  }
0x78: {  	_ =	shalt  }
0x79: {  	_ =	shalt  }
0x7a: {  	_ =	shalt  }
0x7b: {  	_ =	shalt  }
0x7c: {  	_ =	shalt  }
0x7d: {  	_ =	shalt  }
0x7e: {  	_ =	shalt  }
0x7f: {  	_ =	shalt  }
0x80: {  	_ =	shalt  }
0x81: {  	_ =	shalt  }
0x82: {  	_ =	shalt  }
0x83: {  	_ =	shalt  }
0x84: {  	_ =	shalt  }
0x85: {  	_ =	shalt  }
0x86: {  	_ =	shalt  }
0x87: {  	_ =	shalt  }
.Lfunc_end0:
.L_simem_size_0:
called_computation_lowered:
.L_overlay_start_0:
0x88: {  	s2 =	sld [smem:$0x3FD9]  }
0x89: {  	s3 =	sld [smem:$0x3FFE];
	_ =	sdelay $0x1  }
0x8a: {  	s1 =	srdreg.scid  }
0x8b: {  	s0 =	sand.u32 $0x1, s1  }
0x8c: {  	s17 =	sshll.u32 s0, $0xA;
	s2 =	sadd.s32 s3, s2  }
0x8d: {  	s2 =	sadd.s32 s2, s17  }
0x8e: {  	[smem:$0x3FC2] =	sst s2  }
0x8f: {  	_ = 	snop  }
0x90: {  	s2 =	sld [smem:$0x3FD0];
	(tm) =	ssettm $0x1  }
0x91: {  	s18 =	sld [smem:$0x3FFB];
	_ =	sdelay $0x3  }
0x92: {  	_ =	strace s18  }
0x93: {  	s3 =	sld [smem:$0x3FFC];
	_ =	sdelay $0x3  }
0x94: {  	_ =	strace s3  }
0x95: {  	s3 =	sld [smem:$0x3FFD];
	_ =	sdelay $0x3  }
0x96: {  	_ =	strace s3  }
0x97: {  	_ =	strace $0x8FFFFFFF  }
0x98: {  	s19 =	sld [smem:$0x3FDB];
	_ =	sdelay $0x1  }
0x99: {  	s4 =	simm.s32 $_scs_section_size  }
0x9a: {  	s5 =	simm.s32 $_size__tile_overlayer_lowered;
	s6 =	simm.s32 $_tile_overlayer_lowered  }
0x9b: {  	s22 =	simm.s32 $0x1BFF;
	s21 =	sshll.u32 s6, $0x1;
	s3 =	sadd.s32 s4, s19  }
0x9c: {  	s7 =	simm.s32 $0x0;
	s20 =	sshll.u32 s5, $0x1;
	s5 =	sadd.s32 s21, s3  }
0x9d: {  	[timem:s7], [sflag:s22] =	dma.local [hbm:s5], s20  }
0x9e: {  	_ =	swait.ge [sflag:s22], s20  }
0x9f: {  	s4 =	ssub.s32 $0x0, s20;
	[sflag:s22] =	ssyncset.done $0x0  }
0xa0: {  	[sflag:s22] =	ssyncadd.s32 s4;
	_ =	sdelay $0x1  }
0xa1: {  	s23 =	simm.s32 $0x1B8B  }
0xa2: {  	_ =	swait.ge [sflag:s23], $0x1  }
0xa3: {  	[sflag:s23] =	ssyncset.done $0x0  }
0xa4: {  	s25 =	simm.s32 $0x1B8E;
	s24 =	sld [smem:$0x3FFE];
	[sflag:s23] =	ssyncadd.s32 $0xFFFFFFFF  }
0xa5: {  	s26 =	simm.s32 $execute0_lowered;
	[smem:$0x3FD2] =	sst s25  }
0xa6: {  	s5 =	sshll.u32 s26, $0x1;
	_ =	strace $0x80000046;
	[dreg:$0x1] =	wrdreg $0xFFFFFFFF  }
0xa7: {  	s28 =	simm.s32 $_size_execute0_lowered;
	s3 =	sadd.s32 s3, s5;
	[dreg:$0x0] =	wrdreg $0x0  }
0xa8: {  	s5 =	sshll.u32 s28, $0x1;
	[dreg:$0x2] =	wrdreg s3  }
0xa9: {  	[dreg:$0x3] =	wrdreg s5  }
0xaa: {  	[dreg:$0x4] =	wrdreg $0xC0  }
0xab: {  	_ =	task [dreg:s7], $0x5FFFF  }
0xac: {  	[dreg:$0x1] =	wrdreg $0xFFFFFFFF  }
0xad: {  	[dreg:$0x0] =	wrdreg $0x60  }
0xae: {  	[dreg:$0x2] =	wrdreg s24  }
0xaf: {  	[dreg:$0x3] =	wrdreg s2  }
0xb0: {  	[dreg:$0x4] =	wrdreg $0xF6000  }
0xb1: {  	[dreg:$0x5] =	wrdreg $0x9  }
0xb2: {  	_ =	task.clear_ibuf [dreg:s7], $0x6FFFF;
	_ =	strace $0x90000046  }
0xb3: {  	s29 =	simm.s32 $0x9;
	_ =	strace $0x80000048  }
0xb4: {  	_ =	swait.ge [sflag:s29], $0x1  }
0xb5: {  	[sflag:s29] =	ssyncadd.s32 $0xFFFFFFFF  }
0xb6: {  	_ =	strace $0x90000048  }
0xb7: {  	_ =	sfence  }
0xb8: {  	s30 =	sld [smem:$0x0];
	_ =	sdelay $0x2  }
0xb9: {  	s31 =	sshll.u32 s1, $0xD;
	s1 =	sshrl.u32 s1, $0x2  }
0xba: {  	s3 =	sand.u32 $0x4000, s31;
	s1 =	sadd.s32 s1, s30  }
0xbb: {  	s0 =	sor.u32 s3, s0;
	s1 =	sshll.u32 s1, $0x11  }
0xbc: {  	s0 =	sor.u32 s1, s0  }
0xbd: {  	s0 =	sadd.s32 $0x8F2B, s0  }
0xbe: {  	[sflag:s0] =	ssyncadd.remote.s32 $0x1  }
0xbf: {  	_ =	sfence.sel $0xFFFF  }
0xc0: {  	[dreg:$0x0] =	wrdreg $0xFFFFFFFF;
	(pc) =	sbr.abs _section_cstart, $3  }
0xc1: {  	[dreg:$0x1] =	wrdreg $0xFFFFFFFF  }
0xc2: {  	_ =	task.clear_ibuf [dreg:s7], $0x2FFFF;
	_ =	strace $0x9FFFFFFF  }
0xc3: {  	(tm) =	ssettm $0x7FFFFFFF  }
tec
execute0_lowered:
.L_overlay_start_1:
0x0: {  	(tag) =	ssettag $0x1  }
0x1: {  	s5 =	rddreg [dreg:$0x0]  }
0x2: {  	s6 =	rddreg [dreg:$0x1]  }
0x3: {  	s1 =	rddreg [dreg:$0x2]  }
0x4: {  	s0 =	rddreg [dreg:$0x3];
	s2 =	simm.s32 $0x0  }
0x5: {  	s3 =	srdreg.scid;
	s16 =	stileid.u32;
	s13 =	simm.s32 $0x5000  }
0x6: {  	s14 =	simm.s32 $0x7880;
	s15 =	simm.s32 $0xC980;
	s17 =	simm.s32 $0x50  }
0x7: {  	s18 =	simm.s32 $0xF180;
	s19 =	simm.s32 $0x0;
	[smem:$0x7FF] =	sst s2  }
0x8: {  	s7 =	sand.u32 $0x1, s3;
	s9 =	sshll.u32 s16, $0xA;
	p0 =	sne.s32 s16, $0x0  }
0x9: {  	p1 =	sgt.u32 s16, $0x9;
	s3 =	sshll.u32 s7, $0x4;
	s4 =	smul.u32 $0x2800, s7  }
0xa: {  	_ =	strace $0x80000047;
	s7 =	ssub.s32 $0x2, s7;
	s8 =	sor.u32 s16, s3  }
0xb: {  	s3 =	sadd.s32 $0x28C00, s5;
	s31 =	sshrl.u32 s7, $0x1;
	s8 =	smul.u32 $0x510, s8  }
0xc: {  	s16 =	simm.s32 $0xA100;
	s10 =	sadd.s32 s9, s4;
	s4 =	sadd.s32 $0x29200, s5  }
0xd: {  	s12 =	ssub.s32 s7, s31;
	s10 =	sshrl.u32 s10, $0x3;
	s11 =	sadd.s32 s8, s5  }
0xe: {  	v0 =	vlaneseq.u32;
	s10 =	sadd.s32 s10, s5;
	s5 =	sadd.s32 s6, s8;
	s8 =	sadd.s32 s9, s1  }
0xf: {  	v1 =	vimm.f32 $0.0e+00;
	v2 =	vor.u32 $0x10, v0;
	s6 =	sadd.s32 $0x29800, s11;
	s7 =	sadd.s32 $0x34400, s11;
	s9 =	sadd.s32 $0x33A00, s10  }
0x10: {  	v3 =	vor.u32 $0x20, v0;
	v4 =	vor.u32 $0x30, v0;
	v5 =	vor.u32 $0x40, v0;
	s10 =	smax.u32 s12, $0x1;
	s11 =	simm.s32 $0x1;
	s12 =	simm.s32 $0x2800  }
.LBB2_1:
0x11: {  	[tilespmem:s2], [sflag:$0x1] =	stream.linear.gather [hbm4b:s3+s2], $0x2800, $0x38;
	[tilespmem:$0xF880] =	vst v63  }
0x12: {  	_ =	swait.ge [sflag:s11], $0x2800  }
0x13: {  	[sflag:s11] =	ssyncset.done $0x0  }
0x14: {  	[sflag:s11] =	ssyncadd.s32 $0xFFFFD800  }
0x15: {  	[tilespmem:s12], [sflag:$0x1] =	stream.linear.gather [hbm4b:s4+s2], $0x2800, $0x38;
	[tilespmem:$0xF880] =	vst v63  }
0x16: {  	_ =	swait.ge [sflag:s11], $0x2800  }
0x17: {  	[sflag:s11] =	ssyncset.done $0x0  }
0x18: {  	[sflag:s11] =	ssyncadd.s32 $0xFFFFD800  }
0x19: {  	[tilespmem:s13], [sflag:$0x1] =	stream.linear.gather [hbm4b:s5+s2], $0x2880, $0x38;
	[tilespmem:$0xF880] =	vst v63  }
0x1a: {  	_ =	swait.ge [sflag:s11], $0x2880  }
0x1b: {  	[sflag:s11] =	ssyncset.done $0x0  }
0x1c: {  	[sflag:s11] =	ssyncadd.s32 $0xFFFFD780  }
0x1d: {  	[tilespmem:s14], [sflag:$0x1] =	stream.linear.gather [hbm4b:s6+s2], $0x2880, $0x38;
	[tilespmem:$0xF880] =	vst v63  }
0x1e: {  	s20 =	sand.u32 $0xFE00, s2;
	s21 =	sand.u32 $0x70, s2;
	_ =	swait.ge [sflag:s11], $0x2880  }
0x1f: {  	s22 =	sshrl.u32 s20, $0x2;
	s20 =	simm.s32 $0x40;
	[sflag:s11] =	ssyncset.done $0x0  }
0x20: {  	s22 =	sor.u32 s21, s22;
	s21 =	simm.s32 $0x0;
	[sflag:s11] =	ssyncadd.s32 $0xFFFFD780  }
.LBB2_2:
0x21: {  	p2 =	sne.s32 s20, $0x9FC0  }
0x22: {  	[tilespmem:s22+$0xC980] =	vst v1;
	s21 =	sadd.s32 $0x10, s21;
	s22 =	smov.u32 s20;
	s20 =	sadd.s32 $0x40, s20  }
.Ltmp0:
0x23: {  	(pc) =	sbr.rel @p2 .LBB2_2-.Ltmp0, $4  }
0x24: {  	_ = 	snop  }
0x25: {  	s22 =	sand.u32 $0xFE00, s22  }
0x26: {  	s23 =	sand.u32 $0x70, s21;
	s22 =	sshrl.u32 s22, $0x2  }
0x27: {  	s22 =	sor.u32 s23, s22  }
0x28: {  	[tilespmem:s22+$0xC980] =	vst v1;
	s20 =	simm.s32 @!p0 $0xC980  }
0x29: {  	[spmem:s1] =	stream.linear.scatter @!p0 [tilespmem:s20], [sflag:$0x1], $0x2800, $0x38;
	[tilespmem:$0xF880] =	vst v63  }
0x2a: {  	s20 =	simm.s32 @!p0 $0x1  }
0x2b: {  	_ =	swait.ge @!p0 [sflag:s20], $0x2800  }
0x2c: {  	[sflag:s20] =	ssyncset.done @!p0 $0x0  }
0x2d: {  	[sflag:s20] =	ssyncadd.s32 @!p0 $0xFFFFD800  }
0x2e: {  	[tilespmem:$0xF180] =	vst v0  }
0x2f: {  	[tilespmem:$0xF190] =	vst v2  }
0x30: {  	[tilespmem:$0xF1A0] =	vst v3  }
0x31: {  	[tilespmem:$0xF1B0] =	vst v4  }
0x32: {  	[tilespmem:$0xF1C0] =	vst v5  }
0x33: {  	s20 =	simm.s32 $0x0;
	[bflag:$0x0] =	sbarrier.arrive $0xFFFF  }
0x34: {  	v6 =	vld [tilespmem:s20+$0x7880]  }
0x35: {  	s21 =	simm.s32 $0x40;
	v7 =	vld [tilespmem:s20+$0x5000]  }
.LBB2_4:
0x36: {  	p2 =	sne.s32 s21, $0xA1C0;
	_ =	sdelay $0x5  }
0x37: {  	v8 =	vld.idx.msk [tilespmem:v6+s12+$0x0], $0xffff  }
0x38: {  	v7 =	vld.idx.msk [tilespmem:v7+s2+$0x0], $0xffff;
	_ =	sdelay $0x5  }
0x39: {  	v7 =	vadd.f32 v8, v7;
	_ =	sdelay $0x1  }
0x3a: {  	v8 =	vmul.f32 $2.000000030e-01, v7  }
0x3b: {  	vm0 =	vge.f32 v7, $0.0e+00  }
0x3c: {  	v7 =	vsel vm0, v7, v8  }
0x3d: {  	v7 =	vmul.f32 $1.442695020e+00, v7;
	_ =	sdelay $0x1  }
0x3e: {  	(erf) = vpow2.f32 v7;
	_ =	sdelay $0x8  }
.Ltmp1:
0x3f: {  	v7 =	vpop (erf);
	(pc) =	sbr.rel @p2 .LBB2_4-.Ltmp1, $4  }
0x40: {  	[tilespmem:s20+$0xA100] =	vst v7  }
0x41: {  	s20 =	sshra.s32 s21, $0x2;
	[tilespmem:v6+s15+$0x0] =	vst.idx.add.f32.msk $0xffff, v7  }
0x42: {  	v6 =	vld [tilespmem:s20+$0x7880]  }
0x43: {  	s21 =	sadd.s32 $0x40, s21;
	v7 =	vld [tilespmem:s20+$0x5000]  }
0x44: {  	_ =	sdelay $0x6  }
0x45: {  	v8 =	vld.idx.msk [tilespmem:v6+s12+$0x0], $0xffff  }
0x46: {  	v7 =	vld.idx.msk [tilespmem:v7+s2+$0x0], $0xffff;
	_ =	sdelay $0x4  }
0x47: {  	v7 =	vadd.f32 v8, v7;
	_ =	sdelay $0x1  }
0x48: {  	v8 =	vmul.f32 $2.000000030e-01, v7  }
0x49: {  	vm0 =	vge.f32 v7, $0.0e+00  }
0x4a: {  	v7 =	vsel vm0, v7, v8  }
0x4b: {  	v7 =	vmul.f32 $1.442695020e+00, v7;
	_ =	sdelay $0x1  }
0x4c: {  	(erf) = vpow2.f32 v7;
	_ =	sdelay $0x8  }
0x4d: {  	v7 =	vpop (erf)  }
0x4e: {  	[tilespmem:s20+$0xA100] =	vst v7  }
0x4f: {  	[tilespmem:v6+s15+$0x0] =	vst.idx.add.f32.msk $0xffff, v7  }
0x50: {  	[hbm4b:s7+s2] =	stream.linear.scatter [tilespmem:s16], [sflag:$0x1], $0x2880, $0x38;
	[tilespmem:$0xF880] =	vst v63  }
0x51: {  	_ =	swait.ge [sflag:s11], $0x2880  }
0x52: {  	[sflag:s11] =	ssyncset.done $0x0  }
0x53: {  	[sflag:s11] =	ssyncadd.s32 $0xFFFFD780  }
0x54: {  	[spmem:s1] =	stream.indirect.scatter.add.f32 [tilespmem:s15], [sflag:$0x1], $0x80, s18, s17, $0xb8;
	[tilespmem:$0xF880] =	vst v63  }
0x55: {  	_ =	swait.ge [sflag:s11], $0x2800  }
0x56: {  	[sflag:s11] =	ssyncset.done $0x0  }
0x57: {  	[sflag:s11] =	ssyncadd.s32 $0xFFFFD800  }
0x58: {  	s21 =	simm.s32 @!p1 $0x1;
	s20 =	simm.s32 @!p1 $0xF200;
	[bflag:$0x0] =	sbarrier.arrive $0xFFFF  }
0x59: {  	[tilespmem:s20], [sflag:$0x1] =	stream.linear.gather @!p1 [spmem:s8], $0x400, $0x38;
	[tilespmem:$0xF880] =	vst v63  }
0x5a: {  	s19 =	sadd.s32 $0x1, s19;
	_ =	swait.ge @!p1 [sflag:s21], $0x400  }
0x5b: {  	p2 =	sne.s32 s19, s10;
	[sflag:s21] =	ssyncset.done @!p1 $0x0  }
.Ltmp2:
0x5c: {  	s22 =	simm.s32 @!p1 $0x0;
	[sflag:s21] =	ssyncadd.s32 @!p1 $0xFFFFFC00;
	(pc) =	sbr.rel @p2 .LBB2_1-.Ltmp2, $4  }
0x5d: {  	[hbm4b:s9+s22] =	stream.linear.scatter @!p1 [tilespmem:s20], [sflag:$0x1], $0x400, $0x38;
	[tilespmem:$0xF880] =	vst v63  }
0x5e: {  	_ =	swait.ge @!p1 [sflag:s21], $0x400  }
0x5f: {  	[sflag:s21] =	ssyncset.done @!p1 $0x0  }
0x60: {  	[sflag:s21] =	ssyncadd.s32 @!p1 $0xFFFFFC00  }
0x61: {  	_ =	sfence.sel $0x180000  }
0x62: {  	[bflag:$0x0] =	sbarrier.arrive $0xFFFF  }
0x63: {  	_ =	strace $0x90000047  }
0x64: {  	s0 =	sadd.s32 @!p0 $0x100000, s0;
	[bflag:$0x2] =	sbarrier.arrive $0xFFFF  }
0x65: {  	[sflag:s0] =	ssyncadd.tile.s32 @!p0 $0x1;
	_ =	shalt  }
.Lfunc_end2:
_tile_overlayer_lowered:
.L_overlay_start_2:
0x66: {  	(tag) =	ssettag $0x2  }
0x67: {  	s0 =	rddreg [dreg:$0x0];
	s2 =	stileid.u32  }
0x68: {  	s1 =	rddreg [dreg:$0x1];
	p0 =	sne.s32 s2, $0x0  }
0x69: {  	s3 =	rddreg [dreg:$0x2];
	[bflag:$0x3] =	sbarrier.arrive $0xFFFF;
	s2 =	simm.s32 @!p0 $0x1C01  }
0x6a: {  	[timem:s3], [sflag:s2] =	dma.local @!p0 [hbm:s0], s1  }
0x6b: {  	s0 =	simm.s32 @!p0 $0x1  }
0x6c: {  	_ =	swait.ge @!p0 [sflag:s0], s1  }
0x6d: {  	s1 =	ssub.s32 @!p0 $0x0, s1;
	[sflag:s0] =	ssyncset.done @!p0 $0x0  }
0x6e: {  	[sflag:s0] =	ssyncadd.s32 @!p0 s1  }
0x6f: {  	[bflag:$0x3] =	sbarrier.arrive $0xFFFF  }
0x70: {  	_ =	shalt  }

</sc_bundles>
